<compile_context>
chip_gen: v7x
topology: tpu7x:2x2x1
jax: 0.10.2.dev20260603
libtpu: 0.0.44.dev20260713+nightly
codegen_flags: <defaults>
</compile_context>

<pallas_src>
import functools

import jax
import jax.numpy as jnp
from jax import lax
from jax.experimental import pallas as pl
from jax.experimental.pallas import tpu as pltpu
from jax.experimental.pallas import tpu_sc as plsc

N = 10000
E = 320000
DH = 128
DHH = DH // 2
DC = 3
DE = 16
XW = 16
NC = 2
NS = 16
NW = NC * NS
NCH = 2
EC = E // NCH
EW = EC // NW
KB = 200
SKB = 40
NZ = N // NS
ZCH = 25
BE = 3200
BN = 2000

_f32 = jnp.float32
_bf16 = jnp.bfloat16
_i32 = jnp.int32


def _sc_gather(thp, tx, src, dst):
    mesh = plsc.VectorSubcoreMesh(core_axis_name="c", subcore_axis_name="s")
    nblk = EW // KB
    half = nblk // 2
    tail = nblk % 2 == 1

    @functools.partial(
        pl.kernel,
        out_type=(jax.ShapeDtypeStruct((EC, DH), _f32),
                  jax.ShapeDtypeStruct((EC, DH), _f32)),
        mesh=mesh,
        compiler_params=pltpu.CompilerParams(use_tc_tiling_on_sc=False),
        scratch_types=(
            [pltpu.VMEM((KB,), _i32) for _ in range(4)]
            + [pltpu.VMEM((KB, DHH), _f32) for _ in range(4)]
            + [pltpu.VMEM((KB, XW), _f32) for _ in range(4)]
            + [pltpu.SemaphoreType.DMA for _ in range(4)]
        ),
    )
    def k(thp_hbm, tx_hbm, src_hbm, dst_hbm, ghh_hbm, gx_hbm,
          si0, di0, si1, di1,
          hs0, hd0, hs1, hd1,
          xs0, xd0, xs1, xd1,
          semg0, semg1, sems0, sems1):
        wid = lax.axis_index("s") * NC + lax.axis_index("c")
        base = wid * EW
        bufs = ((si0, di0, hs0, hd0, xs0, xd0, semg0, sems0),
                (si1, di1, hs1, hd1, xs1, xd1, semg1, sems1))

        def issue(i, b):
            si, di, hs, hd, xs, xd, semg, _ = bufs[b]
            off = base + i * KB
            pltpu.sync_copy(src_hbm.at[pl.ds(off, KB)], si)
            pltpu.sync_copy(dst_hbm.at[pl.ds(off, KB)], di)
            pltpu.async_copy(thp_hbm.at[si], hs, semg)
            pltpu.async_copy(thp_hbm.at[di], hd, semg)
            pltpu.async_copy(tx_hbm.at[si], xs, semg)
            pltpu.async_copy(tx_hbm.at[di], xd, semg)

        def finish(i, b):
            si, di, hs, hd, xs, xd, semg, sems = bufs[b]
            off = base + i * KB
            pltpu.make_async_copy(thp_hbm.at[si], hs, semg).wait()
            pltpu.make_async_copy(thp_hbm.at[di], hd, semg).wait()
            pltpu.make_async_copy(tx_hbm.at[si], xs, semg).wait()
            pltpu.make_async_copy(tx_hbm.at[di], xd, semg).wait()
            pltpu.async_copy(
                hs, ghh_hbm.at[pl.ds(off, KB), pl.ds(0, DHH)], sems)
            pltpu.async_copy(
                hd, ghh_hbm.at[pl.ds(off, KB), pl.ds(DHH, DHH)], sems)
            pltpu.async_copy(
                xs, gx_hbm.at[pl.ds(off, KB), pl.ds(0, XW)], sems)
            pltpu.async_copy(
                xd, gx_hbm.at[pl.ds(off, KB), pl.ds(XW, XW)], sems)

        def wait_stores(i, b):
            si, di, hs, hd, xs, xd, _, sems = bufs[b]
            off = base + i * KB
            pltpu.make_async_copy(
                hs, ghh_hbm.at[pl.ds(off, KB), pl.ds(0, DHH)], sems).wait()
            pltpu.make_async_copy(
                hd, ghh_hbm.at[pl.ds(off, KB), pl.ds(DHH, DHH)], sems).wait()
            pltpu.make_async_copy(
                xs, gx_hbm.at[pl.ds(off, KB), pl.ds(0, XW)], sems).wait()
            pltpu.make_async_copy(
                xd, gx_hbm.at[pl.ds(off, KB), pl.ds(XW, XW)], sems).wait()

        issue(0, 0)

        @pl.loop(0, half)
        def _(kk):
            i0 = 2 * kk
            issue(i0 + 1, 1)
            finish(i0, 0)

            if tail:
                wait_stores(i0, 0)
                issue(i0 + 2, 0)
            else:
                @pl.when(kk < half - 1)
                def _():
                    wait_stores(i0, 0)
                    issue(i0 + 2, 0)

            finish(i0 + 1, 1)
            wait_stores(i0 + 1, 1)

        if tail:
            finish(nblk - 1, 0)
            wait_stores(nblk - 1, 0)
        else:
            wait_stores(nblk - 2, 0)

    return k(thp, tx, src, dst)


def _sc_scatter(msg_h, msg_x, dst):
    mesh = plsc.VectorSubcoreMesh(core_axis_name="c", subcore_axis_name="s")
    nblk = EW // SKB
    half = nblk // 2
    tail = nblk % 2 == 1

    @functools.partial(
        pl.kernel,
        out_type=(jax.ShapeDtypeStruct((NC * N, DH), _f32),
                  jax.ShapeDtypeStruct((NC * N, DH), _f32)),
        mesh=mesh,
        compiler_params=pltpu.CompilerParams(use_tc_tiling_on_sc=False),
        scratch_types=[
            pltpu.VMEM((SKB,), _i32),
            pltpu.VMEM((SKB,), _i32),
            pltpu.VMEM((SKB, DH), _f32),
            pltpu.VMEM((SKB, DH), _f32),
            pltpu.VMEM((SKB, XW), _f32),
            pltpu.VMEM((SKB, XW), _f32),
            pltpu.VMEM((ZCH, DH), _f32),
            pltpu.VMEM((ZCH, XW), _f32),
            pltpu.VMEM_SHARED((N, DH), _f32),
            pltpu.VMEM_SHARED((N, XW), _f32),
            pltpu.SemaphoreType.DMA,
            pltpu.SemaphoreType.DMA,
            pltpu.SemaphoreType.DMA,
            pltpu.SemaphoreType.DMA,
        ],
    )
    def k(msgh_hbm, msgx_hbm, dst_hbm, outh_hbm, outx_hbm,
          di0, di1, rh0, rh1, rx0, rx1, zh_v, zx_v, acch_sh, accx_sh,
          seml0, seml1, sema0, sema1):
        c = lax.axis_index("c")
        s = lax.axis_index("s")
        wid = s * NC + c
        bufs = ((di0, rh0, rx0, seml0, sema0), (di1, rh1, rx1, seml1, sema1))

        @pl.loop(0, ZCH)
        def _(i):
            @pl.loop(0, DH, step=16)
            def _(j):
                zh_v[i, pl.ds(j, 16)] = jnp.zeros((16,), _f32)
            zx_v[i, pl.ds(0, 16)] = jnp.zeros((16,), _f32)

        @pl.loop(0, NZ, step=ZCH)
        def _(r):
            pltpu.sync_copy(zh_v, acch_sh.at[pl.ds(s * NZ + r, ZCH)])
            pltpu.sync_copy(zx_v, accx_sh.at[pl.ds(s * NZ + r, ZCH)])

        plsc.subcore_barrier()

        base = wid * EW

        def issue(i, b):
            di, rh, rx, seml, _ = bufs[b]
            off = base + i * SKB
            pltpu.sync_copy(dst_hbm.at[pl.ds(off, SKB)], di)
            pltpu.async_copy(msgh_hbm.at[pl.ds(off, SKB)], rh, seml)
            pltpu.async_copy(
                msgx_hbm.at[pl.ds(off, SKB), pl.ds(0, XW)], rx, seml)

        def apply(i, b):
            di, rh, rx, seml, sema = bufs[b]
            off = base + i * SKB
            pltpu.make_async_copy(msgh_hbm.at[pl.ds(off, SKB)], rh,
                                  seml).wait()
            pltpu.make_async_copy(
                msgx_hbm.at[pl.ds(off, SKB), pl.ds(0, XW)], rx, seml).wait()
            pltpu.async_copy(rh, acch_sh.at[di], sema, add=True)
            pltpu.async_copy(rx, accx_sh.at[di], sema, add=True)

        def wait_add(b):
            di, rh, rx, _, sema = bufs[b]
            pltpu.make_async_copy(rh, acch_sh.at[di], sema).wait()
            pltpu.make_async_copy(rx, accx_sh.at[di], sema).wait()

        issue(0, 0)

        @pl.loop(0, half)
        def _(kk):
            i0 = 2 * kk
            issue(i0 + 1, 1)
            apply(i0, 0)

            if tail:
                wait_add(0)
                issue(i0 + 2, 0)
            else:
                @pl.when(kk < half - 1)
                def _():
                    wait_add(0)
                    issue(i0 + 2, 0)

            apply(i0 + 1, 1)
            wait_add(1)

        if tail:
            apply(nblk - 1, 0)
        wait_add(0)

        plsc.subcore_barrier()
        pltpu.sync_copy(acch_sh.at[pl.ds(s * NZ, NZ)],
                        outh_hbm.at[pl.ds(c * N + s * NZ, NZ)])
        pltpu.sync_copy(accx_sh.at[pl.ds(s * NZ, NZ)],
                        outx_hbm.at[pl.ds(c * N + s * NZ, NZ), pl.ds(0, XW)])

    return k(msg_h, msg_x, dst)


def _unpack_pair(words_f32):
    w = lax.bitcast_convert_type(words_f32, _i32)
    lo = lax.bitcast_convert_type(w << 16, _f32)
    hi = lax.bitcast_convert_type((w >> 16) << 16, _f32)
    return lo.astype(_bf16), hi.astype(_bf16)


def _edge_compute(ghh, gx, a, ci, w1s, w1r, w1a, b1, we2, be2, wc2,
                  bc2, wabd, ba2):
    def body(ghh_ref, gx_ref, a_ref,
             w1s_ref, w1r_ref, w1a_ref, b1_ref,
             we2_ref, be2_ref, wc2_ref, bc2_ref, wabd_ref, ba2_ref,
             msgh_ref, msgx_ref):
        hs_lo, hs_hi = _unpack_pair(ghh_ref[:, :DHH])
        hd_lo, hd_hi = _unpack_pair(ghh_ref[:, DHH:])
        hsd = jnp.concatenate([hs_lo, hs_hi, hd_lo, hd_hi], axis=1)
        gx_b = gx_ref[...]
        x0 = gx_b[:, 0:1] - gx_b[:, XW:XW + 1]
        x1 = gx_b[:, 1:2] - gx_b[:, XW + 1:XW + 2]
        x2 = gx_b[:, 2:3] - gx_b[:, XW + 2:XW + 3]
        radial = jnp.sqrt(x0 * x0 + x1 * x1 + x2 * x2)
        xdiff = jnp.concatenate([x0, x1, x2], axis=1)
        xdn = xdiff / (radial + 1.0)
        ab = a_ref[...].astype(_bf16)

        p = jnp.dot(hsd, w1s_ref[...], preferred_element_type=_f32)
        p = p + jnp.dot(ab, w1a_ref[...], preferred_element_type=_f32)
        p = p + radial * w1r_ref[...] + b1_ref[...]
        pre = jax.nn.silu(p)
        mh = pre[:, :DH]
        ch = pre[:, DH:]
        mh = jax.nn.silu(jnp.dot(mh.astype(_bf16), we2_ref[...],
                                 preferred_element_type=_f32) + be2_ref[...])
        ch = jax.nn.silu(jnp.dot(ch.astype(_bf16), wc2_ref[...],
                                 preferred_element_type=_f32) + bc2_ref[...])
        cat = jnp.concatenate([mh, ch], axis=1).astype(_bf16)
        res = jnp.dot(cat, wabd_ref[...], preferred_element_type=_f32)
        att = jax.nn.sigmoid(res[:, 0:1] + ba2_ref[...])
        coef = res[:, 1:2]
        msgh_ref[...] = att * mh
        msgx_ref[...] = jnp.concatenate(
            [coef * xdn, jnp.zeros((BE, DH - DC), _f32)], axis=1)

    full = lambda arr: pl.BlockSpec(arr.shape, lambda i: (0,) * arr.ndim)
    boff = ci * (EC // BE)
    return pl.pallas_call(
        body,
        grid=(EC // BE,),
        in_specs=[
            pl.BlockSpec((BE, DH), lambda i: (i, 0)),
            pl.BlockSpec((BE, DH), lambda i: (i, 0)),
            pl.BlockSpec((BE, DE), lambda i: (i + boff, 0)),
            full(w1s), full(w1r), full(w1a), full(b1),
            full(we2), full(be2), full(wc2), full(bc2),
            full(wabd), full(ba2),
        ],
        out_specs=[
            pl.BlockSpec((BE, DH), lambda i: (i, 0)),
            pl.BlockSpec((BE, DH), lambda i: (i, 0)),
        ],
        out_shape=[
            jax.ShapeDtypeStruct((EC, DH), _f32),
            jax.ShapeDtypeStruct((EC, DH), _f32),
        ],
    )(ghh, gx, a, w1s, w1r, w1a, b1, we2, be2, wc2, bc2, wabd, ba2)


def _node_compute(h, x, phs, pxs, wn1h, wn1n, bn1, wn2, bn2):
    nparts = len(phs)

    def body(h_ref, x_ref, *rest):
        ph_refs = rest[:nparts]
        px_refs = rest[nparts:2 * nparts]
        (wn1h_ref, wn1n_ref, bn1_ref, wn2_ref, bn2_ref,
         ho_ref, xo_ref) = rest[2 * nparts:]
        hn = ph_refs[0][...]
        xn = px_refs[0][:, :DC]
        for p in range(1, nparts):
            hn = hn + ph_refs[p][...]
            xn = xn + px_refs[p][:, :DC]
        h_b = h_ref[...]
        pre = (jnp.dot(h_b.astype(_bf16), wn1h_ref[...],
                       preferred_element_type=_f32)
               + jnp.dot(hn.astype(_bf16), wn1n_ref[...],
                         preferred_element_type=_f32)
               + bn1_ref[...])
        nh = jax.nn.silu(pre)
        nh = jnp.dot(nh.astype(_bf16), wn2_ref[...],
                     preferred_element_type=_f32) + bn2_ref[...]
        ho_ref[...] = h_b + nh
        xo_ref[...] = x_ref[...] + xn

    full = lambda arr: pl.BlockSpec(arr.shape, lambda i: (0,) * arr.ndim)
    return pl.pallas_call(
        body,
        grid=(N // BN,),
        in_specs=[
            pl.BlockSpec((BN, DH), lambda i: (i, 0)),
            pl.BlockSpec((BN, DC), lambda i: (i, 0)),
        ] + [pl.BlockSpec((BN, DH), lambda i: (i, 0))
             for _ in range(2 * nparts)] + [
            full(wn1h), full(wn1n), full(bn1), full(wn2), full(bn2),
        ],
        out_specs=[
            pl.BlockSpec((BN, DH), lambda i: (i, 0)),
            pl.BlockSpec((BN, DC), lambda i: (i, 0)),
        ],
        out_shape=[
            jax.ShapeDtypeStruct((N, DH), _f32),
            jax.ShapeDtypeStruct((N, DC), _f32),
        ],
    )(h, x, *phs, *pxs, wn1h, wn1n, bn1, wn2, bn2)


def kernel(h, x, a, edge_index, We1, be1, We2, be2, Wa, ba, Wn1, bn1, Wn2,
           bn2, Wc1, bc1, Wc2, bc2, Wc3):
    src = edge_index[0]
    dst = edge_index[1]
    lo = lax.bitcast_convert_type(
        h[:, :DHH].astype(_bf16), jnp.uint16).astype(jnp.uint32)
    hi = lax.bitcast_convert_type(
        h[:, DHH:].astype(_bf16), jnp.uint16).astype(jnp.uint32)
    thp = lax.bitcast_convert_type((hi << 16) | lo, _f32)
    tx = jnp.concatenate([x, jnp.zeros((N, XW - DC), _f32)], axis=1)

    bf = lambda w: w.astype(_bf16)
    row = lambda b: b.reshape(1, -1)
    cat1 = lambda we, wc: jnp.concatenate([we, wc], axis=1)
    z1 = jnp.zeros((DH, 1), _f32)
    wabd = bf(jnp.concatenate(
        [jnp.concatenate([Wa, z1], axis=1),
         jnp.concatenate([z1, Wc3], axis=1)], axis=0))
    ew = (bf(cat1(We1[:2 * DH], Wc1[:2 * DH])),
          cat1(We1[2 * DH:2 * DH + 1], Wc1[2 * DH:2 * DH + 1]),
          bf(cat1(We1[2 * DH + 1:], Wc1[2 * DH + 1:])),
          cat1(row(be1), row(bc1)),
          bf(We2), row(be2), bf(Wc2), row(bc2), wabd, row(ba))

    phs, pxs = [], []
    for ci in range(NCH):
        e0 = ci * EC
        src_c = lax.dynamic_slice_in_dim(src, e0, EC)
        dst_c = lax.dynamic_slice_in_dim(dst, e0, EC)
        ghh, gx = _sc_gather(thp, tx, src_c, dst_c)
        msg_h, msg_x = _edge_compute(ghh, gx, a, ci, *ew)
        parts_h, parts_x = _sc_scatter(msg_h, msg_x, dst_c)
        phs += [parts_h[:N], parts_h[N:]]
        pxs += [parts_x[:N], parts_x[N:]]

    h_out, x_out = _node_compute(
        h, x, phs, pxs,
        bf(Wn1[:DH]), bf(Wn1[DH:]), row(bn1), bf(Wn2), row(bn2))
    return (h_out, x_out)

# --- scband reference (transcript-rebuilt; emitter-appended) ---
"""Pipeline reference for scband-equivariant-block-26542897889348 (READ-ONLY COPY).

The authoritative reference and input builder live on the scoring server;
editing this copy changes nothing except your own understanding.
"""

import jax, jax.numpy as jnp
import numpy as np

N = 10000
E = 320000
DH = 128
DC = 3
DE = 16
DMSG = 2 * DH + DE + 1  # e3: radial only


def _glorot(k, shape, gain=1.0):
    fan_in, fan_out = shape[0], shape[1]
    lim = gain * (6.0 / (fan_in + fan_out)) ** 0.5
    return jax.random.uniform(k, shape, jnp.float32, -lim, lim)


def setup_inputs(seed: int = 0) -> dict:
    key = jax.random.key(seed)
    ks = jax.random.split(key, 24)
    inp = {}
    inp["h"] = jax.random.normal(ks[0], (N, DH), jnp.float32)
    inp["x"] = jax.random.normal(ks[1], (N, DC), jnp.float32)
    inp["a"] = jax.random.normal(ks[2], (E, DE), jnp.float32)
    inp["edge_index"] = jax.random.randint(ks[3], (2, E), 0, N, jnp.int32)
    # edge_mlp
    inp["We1"] = _glorot(ks[4], (DMSG, DH)); inp["be1"] = jnp.zeros((DH,), jnp.float32)
    inp["We2"] = _glorot(ks[5], (DH, DH)); inp["be2"] = jnp.zeros((DH,), jnp.float32)
    # att_mlp
    inp["Wa"] = _glorot(ks[6], (DH, 1)); inp["ba"] = jnp.zeros((1,), jnp.float32)
    # node_mlp
    inp["Wn1"] = _glorot(ks[7], (2 * DH, DH)); inp["bn1"] = jnp.zeros((DH,), jnp.float32)
    inp["Wn2"] = _glorot(ks[8], (DH, DH)); inp["bn2"] = jnp.zeros((DH,), jnp.float32)
    # coord_mlp
    inp["Wc1"] = _glorot(ks[9], (DMSG, DH)); inp["bc1"] = jnp.zeros((DH,), jnp.float32)
    inp["Wc2"] = _glorot(ks[10], (DH, DH)); inp["bc2"] = jnp.zeros((DH,), jnp.float32)
    inp["Wc3"] = _glorot(ks[11], (DH, 1), gain=0.001)  # xavier with gain 0.001, no bias
    return inp


def reference(h, x, a, edge_index, We1, be1, We2, be2, Wa, ba, Wn1, bn1, Wn2, bn2, Wc1, bc1, Wc2, bc2, Wc3):
    src = edge_index[0]
    dst = edge_index[1]
    # u_sub_v: x_diff = x[src] - x[dst]
    x_diff = jnp.take(x, src, axis=0) - jnp.take(x, dst, axis=0)
    radial = jnp.linalg.norm(x_diff, ord=2, axis=-1, keepdims=True)
    x_diff = x_diff / (radial + 1.0)
    f = jnp.concatenate([jnp.take(h, src, axis=0), jnp.take(h, dst, axis=0), radial, a], axis=-1)
    # coord_mlp
    ch = jax.nn.silu(f @ Wc1 + bc1)
    ch = jax.nn.silu(ch @ Wc2 + bc2)
    msg_x = (ch @ Wc3) * x_diff
    x_neigh = jax.ops.segment_sum(msg_x, dst, num_segments=N)
    x_out = x + x_neigh
    # edge_mlp + attention
    mh = jax.nn.silu(f @ We1 + be1)
    mh = jax.nn.silu(mh @ We2 + be2)
    att = jax.nn.sigmoid(mh @ Wa + ba)
    msg_h = att * mh
    h_neigh = jax.ops.segment_sum(msg_h, dst, num_segments=N)
    nh = jax.nn.silu(jnp.concatenate([h, h_neigh], axis=-1) @ Wn1 + bn1)
    nh = nh @ Wn2 + bn2
    h_out = h + nh
    return (h_out, x_out)

if __name__ == "__main__":
    import jax
    _d = setup_inputs()
    print(jax.jit(kernel)(*tuple(_d.values())))

</pallas_src>

<mosaic_0001>
#map = affine_map<(d0, d1) -> (0, 0)>
#map1 = affine_map<(d0, d1) -> (0)>
module attributes {stable_mosaic.version = 14 : i64} {
  func.func @k(%arg0: i32, %arg1: i32, %arg2: memref<160000x128xf32, #tpu.memory_space<hbm>>, %arg3: memref<160000x128xf32, #tpu.memory_space<hbm>>, %arg4: memref<160000xi32, #tpu.memory_space<hbm>>, %arg5: memref<20000x128xf32, #tpu.memory_space<hbm>>, %arg6: memref<20000x128xf32, #tpu.memory_space<hbm>>, %arg7: memref<40xi32, #tpu.memory_space<vmem>>, %arg8: memref<40xi32, #tpu.memory_space<vmem>>, %arg9: memref<40x128xf32, #tpu.memory_space<vmem>>, %arg10: memref<40x128xf32, #tpu.memory_space<vmem>>, %arg11: memref<40x16xf32, #tpu.memory_space<vmem>>, %arg12: memref<40x16xf32, #tpu.memory_space<vmem>>, %arg13: memref<25x128xf32, #tpu.memory_space<vmem>>, %arg14: memref<25x16xf32, #tpu.memory_space<vmem>>, %arg15: memref<10000x128xf32, #tpu.memory_space<vmem_shared>>, %arg16: memref<10000x16xf32, #tpu.memory_space<vmem_shared>>, %arg17: memref<!tpu.dma_semaphore, #tpu.memory_space<semaphore_mem>>, %arg18: memref<!tpu.dma_semaphore, #tpu.memory_space<semaphore_mem>>, %arg19: memref<!tpu.dma_semaphore, #tpu.memory_space<semaphore_mem>>, %arg20: memref<!tpu.dma_semaphore, #tpu.memory_space<semaphore_mem>>) attributes {dimension_semantics = [#tpu.dimension_semantics<core_parallel>, #tpu.dimension_semantics<subcore_parallel>], iteration_bounds = array<i64: 2, 16>, scalar_prefetch = 0 : i64, scratch_operands = 14 : i64, tpu.core_type = #tpu.core_type<sc_vector_subcore>, window_params = [{transform_indices = #map}, {transform_indices = #map}, {transform_indices = #map1}, {transform_indices = #map}, {transform_indices = #map}]} {
    %mul3A = arith.constant 2 : i32
    %mul3A_0 = arith.muli %arg1, %mul3A : i32
    %add3A = arith.addi %mul3A_0, %arg0 : i32
    %scan3A = arith.constant 0 : i32
    %scan3A_1 = arith.constant 25 : i32
    %scan3A_2 = arith.addi %scan3A, %scan3A_1 : i32
    %scan3A_3 = arith.constant 1 : i32
    scf.for %scan3A_62 = %scan3A to %scan3A_2 step %scan3A_3  : i32 {
      %mul3A_63 = arith.constant 1 : i32
      %mul3A_64 = arith.muli %scan3A_62, %mul3A_63 : i32
      %add3A_65 = arith.constant 0 : i32
      %add3A_66 = arith.addi %add3A_65, %mul3A_64 : i32
      %scan3A_67 = arith.constant 0 : i32
      %scan3A_68 = arith.constant 8 : i32
      %scan3A_69 = arith.addi %scan3A_67, %scan3A_68 : i32
      %scan3A_70 = arith.constant 1 : i32
      scf.for %scan3A_77 = %scan3A_67 to %scan3A_69 step %scan3A_70  : i32 {
        %mul3A_78 = arith.constant 16 : i32
        %mul3A_79 = arith.muli %scan3A_77, %mul3A_78 : i32
        %add3A_80 = arith.constant 0 : i32
        %add3A_81 = arith.addi %add3A_80, %mul3A_79 : i32
        %broadcast_in_dim3A_82 = arith.constant 0.000000e+00 : f32
        %broadcast_in_dim3A_83 = vector.broadcast %broadcast_in_dim3A_82 : f32 to vector<16xf32>
        %swap3A_84 = arith.index_cast %add3A_66 : i32 to index
        %swap3A_85 = arith.index_cast %add3A_81 : i32 to index
        %swap3A_86 = tpu.vector_load %arg13[%swap3A_84, %swap3A_85] {strides = array<i32>} : memref<25x128xf32, #tpu.memory_space<vmem>>, vector<1x16xf32>,
        %swap3A_87 = vector.shape_cast %swap3A_86 : vector<1x16xf32> to vector<16xf32>
        %swap3A_88 = vector.shape_cast %broadcast_in_dim3A_83 : vector<16xf32> to vector<1x16xf32>
        tpu.vector_store %arg13[%swap3A_84, %swap3A_85], %swap3A_88 {strides = array<i32>} : memref<25x128xf32, #tpu.memory_space<vmem>>, vector<1x16xf32>,
      }
      %scan3A_71 = arith.constant 8 : i32
      %broadcast_in_dim3A = arith.constant 0.000000e+00 : f32
      %broadcast_in_dim3A_72 = vector.broadcast %broadcast_in_dim3A : f32 to vector<16xf32>
      %swap3A = arith.index_cast %add3A_66 : i32 to index
      %swap3A_73 = arith.constant 0 : index
      %swap3A_74 = tpu.vector_load %arg14[%swap3A, %swap3A_73] {strides = array<i32>} : memref<25x16xf32, #tpu.memory_space<vmem>>, vector<1x16xf32>,
      %swap3A_75 = vector.shape_cast %swap3A_74 : vector<1x16xf32> to vector<16xf32>
      %swap3A_76 = vector.shape_cast %broadcast_in_dim3A_72 : vector<16xf32> to vector<1x16xf32>
      tpu.vector_store %arg14[%swap3A, %swap3A_73], %swap3A_76 {strides = array<i32>} : memref<25x16xf32, #tpu.memory_space<vmem>>, vector<1x16xf32>,
    }
    %scan3A_4 = arith.constant 25 : i32
    %scan3A_5 = arith.constant 0 : i32
    %scan3A_6 = arith.constant 25 : i32
    %scan3A_7 = arith.addi %scan3A_5, %scan3A_6 : i32
    %scan3A_8 = arith.constant 1 : i32
    scf.for %scan3A_62 = %scan3A_5 to %scan3A_7 step %scan3A_8  : i32 {
      %mul3A_63 = arith.constant 25 : i32
      %mul3A_64 = arith.muli %scan3A_62, %mul3A_63 : i32
      %add3A_65 = arith.constant 0 : i32
      %add3A_66 = arith.addi %add3A_65, %mul3A_64 : i32
      %mul3A_67 = arith.constant 625 : i32
      %mul3A_68 = arith.muli %arg1, %mul3A_67 : i32
      %add3A_69 = arith.addi %mul3A_68, %add3A_66 : i32
      "tpu.region"() ({
        %run_scoped3A = tpu.sem_alloc : memref<!tpu.dma_semaphore, #tpu.memory_space<semaphore_mem>>
        %dma_start3A_73 = arith.constant 0 : i32
        %dma_start3A_74 = tpu.memref_slice %arg15[%add3A_69, %dma_start3A_73] : memref<10000x128xf32, #tpu.memory_space<vmem_shared>> -> memref<25x128xf32, #tpu.memory_space<vmem_shared>>
        %dma_start3A_75 = arith.constant 0 : i32
        %dma_start3A_76 = tpu.memref_slice %arg15[%add3A_69, %dma_start3A_75] : memref<10000x128xf32, #tpu.memory_space<vmem_shared>> -> memref<25x128xf32, #tpu.memory_space<vmem_shared>>
        tpu.enqueue_dma source(%arg13 : memref<25x128xf32, #tpu.memory_space<vmem>>) target(%dma_start3A_76 : memref<25x128xf32, #tpu.memory_space<vmem_shared>>) target_semaphore(%run_scoped3A : memref<!tpu.dma_semaphore, #tpu.memory_space<semaphore_mem>>)
        %dma_wait3A_77 = arith.constant 0 : i32
        %dma_wait3A_78 = tpu.memref_slice %arg15[%add3A_69, %dma_wait3A_77] : memref<10000x128xf32, #tpu.memory_space<vmem_shared>> -> memref<25x128xf32, #tpu.memory_space<vmem_shared>>
        %dma_wait3A_79 = arith.constant 0 : i32
        %dma_wait3A_80 = tpu.memref_slice %arg15[%add3A_69, %dma_wait3A_79] : memref<10000x128xf32, #tpu.memory_space<vmem_shared>> -> memref<25x128xf32, #tpu.memory_space<vmem_shared>>
        tpu.wait_dma2 semaphore(%run_scoped3A : memref<!tpu.dma_semaphore, #tpu.memory_space<semaphore_mem>>) src(%arg13 : memref<25x128xf32, #tpu.memory_space<vmem>>) dst(%dma_wait3A_80 : memref<25x128xf32, #tpu.memory_space<vmem_shared>>)
        tpu.yield
      }) : () -> ()
      %mul3A_70 = arith.constant 625 : i32
      %mul3A_71 = arith.muli %arg1, %mul3A_70 : i32
      %add3A_72 = arith.addi %mul3A_71, %add3A_66 : i32
      "tpu.region"() ({
        %run_scoped3A = tpu.sem_alloc : memref<!tpu.dma_semaphore, #tpu.memory_space<semaphore_mem>>
        %dma_start3A_73 = arith.constant 0 : i32
        %dma_start3A_74 = tpu.memref_slice %arg16[%add3A_72, %dma_start3A_73] : memref<10000x16xf32, #tpu.memory_space<vmem_shared>> -> memref<25x16xf32, #tpu.memory_space<vmem_shared>>
        %dma_start3A_75 = arith.constant 0 : i32
        %dma_start3A_76 = tpu.memref_slice %arg16[%add3A_72, %dma_start3A_75] : memref<10000x16xf32, #tpu.memory_space<vmem_shared>> -> memref<25x16xf32, #tpu.memory_space<vmem_shared>>
        tpu.enqueue_dma source(%arg14 : memref<25x16xf32, #tpu.memory_space<vmem>>) target(%dma_start3A_76 : memref<25x16xf32, #tpu.memory_space<vmem_shared>>) target_semaphore(%run_scoped3A : memref<!tpu.dma_semaphore, #tpu.memory_space<semaphore_mem>>)
        %dma_wait3A_77 = arith.constant 0 : i32
        %dma_wait3A_78 = tpu.memref_slice %arg16[%add3A_72, %dma_wait3A_77] : memref<10000x16xf32, #tpu.memory_space<vmem_shared>> -> memref<25x16xf32, #tpu.memory_space<vmem_shared>>
        %dma_wait3A_79 = arith.constant 0 : i32
        %dma_wait3A_80 = tpu.memref_slice %arg16[%add3A_72, %dma_wait3A_79] : memref<10000x16xf32, #tpu.memory_space<vmem_shared>> -> memref<25x16xf32, #tpu.memory_space<vmem_shared>>
        tpu.wait_dma2 semaphore(%run_scoped3A : memref<!tpu.dma_semaphore, #tpu.memory_space<semaphore_mem>>) src(%arg14 : memref<25x16xf32, #tpu.memory_space<vmem>>) dst(%dma_wait3A_80 : memref<25x16xf32, #tpu.memory_space<vmem_shared>>)
        tpu.yield
      }) : () -> ()
    }
    %scan3A_9 = arith.constant 25 : i32
    %barrier3A = arith.constant 0 : index
    tpu.barrier barrier_id(%barrier3A)
    %mul3A_10 = arith.constant 5000 : i32
    %mul3A_11 = arith.muli %add3A, %mul3A_10 : i32
    %add3A_12 = arith.constant 0 : i32
    %add3A_13 = arith.addi %mul3A_11, %add3A_12 : i32
    "tpu.region"() ({
      %run_scoped3A = tpu.sem_alloc : memref<!tpu.dma_semaphore, #tpu.memory_space<semaphore_mem>>
      %dma_start3A_62 = tpu.memref_slice %arg4[%add3A_13] : memref<160000xi32, #tpu.memory_space<hbm>> -> memref<40xi32, #tpu.memory_space<hbm>>
      %dma_start3A_63 = tpu.memref_slice %arg4[%add3A_13] : memref<160000xi32, #tpu.memory_space<hbm>> -> memref<40xi32, #tpu.memory_space<hbm>>
      tpu.enqueue_dma source(%dma_start3A_63 : memref<40xi32, #tpu.memory_space<hbm>>) target(%arg7 : memref<40xi32, #tpu.memory_space<vmem>>) target_semaphore(%run_scoped3A : memref<!tpu.dma_semaphore, #tpu.memory_space<semaphore_mem>>)
      %dma_wait3A_64 = tpu.memref_slice %arg4[%add3A_13] : memref<160000xi32, #tpu.memory_space<hbm>> -> memref<40xi32, #tpu.memory_space<hbm>>
      %dma_wait3A_65 = tpu.memref_slice %arg4[%add3A_13] : memref<160000xi32, #tpu.memory_space<hbm>> -> memref<40xi32, #tpu.memory_space<hbm>>
      tpu.wait_dma2 semaphore(%run_scoped3A : memref<!tpu.dma_semaphore, #tpu.memory_space<semaphore_mem>>) src(%dma_wait3A_65 : memref<40xi32, #tpu.memory_space<hbm>>) dst(%arg7 : memref<40xi32, #tpu.memory_space<vmem>>)
      tpu.yield
    }) : () -> ()
    %dma_start3A = arith.constant 0 : i32
    %dma_start3A_14 = tpu.memref_slice %arg2[%add3A_13, %dma_start3A] : memref<160000x128xf32, #tpu.memory_space<hbm>> -> memref<40x128xf32, #tpu.memory_space<hbm>>
    %dma_start3A_15 = arith.constant 0 : i32
    %dma_start3A_16 = tpu.memref_slice %arg2[%add3A_13, %dma_start3A_15] : memref<160000x128xf32, #tpu.memory_space<hbm>> -> memref<40x128xf32, #tpu.memory_space<hbm>>
    tpu.enqueue_dma source(%dma_start3A_16 : memref<40x128xf32, #tpu.memory_space<hbm>>) target(%arg9 : memref<40x128xf32, #tpu.memory_space<vmem>>) target_semaphore(%arg17 : memref<!tpu.dma_semaphore, #tpu.memory_space<semaphore_mem>>)
    %dma_start3A_17 = arith.constant 0 : i32
    %dma_start3A_18 = tpu.memref_slice %arg3[%add3A_13, %dma_start3A_17] : memref<160000x128xf32, #tpu.memory_space<hbm>> -> memref<40x16xf32, #tpu.memory_space<hbm>>
    %dma_start3A_19 = arith.constant 0 : i32
    %dma_start3A_20 = tpu.memref_slice %arg3[%add3A_13, %dma_start3A_19] : memref<160000x128xf32, #tpu.memory_space<hbm>> -> memref<40x16xf32, #tpu.memory_space<hbm>>
    tpu.enqueue_dma source(%dma_start3A_20 : memref<40x16xf32, #tpu.memory_space<hbm>>) target(%arg11 : memref<40x16xf32, #tpu.memory_space<vmem>>) target_semaphore(%arg17 : memref<!tpu.dma_semaphore, #tpu.memory_space<semaphore_mem>>)
    %scan3A_21 = arith.constant 0 : i32
    %scan3A_22 = arith.constant 62 : i32
    %scan3A_23 = arith.addi %scan3A_21, %scan3A_22 : i32
    %scan3A_24 = arith.constant 1 : i32
    scf.for %scan3A_62 = %scan3A_21 to %scan3A_23 step %scan3A_24  : i32 {
      %mul3A_63 = arith.constant 1 : i32
      %mul3A_64 = arith.muli %scan3A_62, %mul3A_63 : i32
      %add3A_65 = arith.constant 0 : i32
      %add3A_66 = arith.addi %add3A_65, %mul3A_64 : i32
      %mul3A_67 = arith.constant 2 : i32
      %mul3A_68 = arith.muli %mul3A_67, %add3A_66 : i32
      %add3A_69 = arith.constant 1 : i32
      %add3A_70 = arith.addi %mul3A_68, %add3A_69 : i32
      %mul3A_71 = arith.constant 40 : i32
      %mul3A_72 = arith.muli %add3A_70, %mul3A_71 : i32
      %add3A_73 = arith.addi %mul3A_11, %mul3A_72 : i32
      "tpu.region"() ({
        %run_scoped3A = tpu.sem_alloc : memref<!tpu.dma_semaphore, #tpu.memory_space<semaphore_mem>>
        %dma_start3A_143 = tpu.memref_slice %arg4[%add3A_73] : memref<160000xi32, #tpu.memory_space<hbm>> -> memref<40xi32, #tpu.memory_space<hbm>>
        %dma_start3A_144 = tpu.memref_slice %arg4[%add3A_73] : memref<160000xi32, #tpu.memory_space<hbm>> -> memref<40xi32, #tpu.memory_space<hbm>>
        tpu.enqueue_dma source(%dma_start3A_144 : memref<40xi32, #tpu.memory_space<hbm>>) target(%arg8 : memref<40xi32, #tpu.memory_space<vmem>>) target_semaphore(%run_scoped3A : memref<!tpu.dma_semaphore, #tpu.memory_space<semaphore_mem>>)
        %dma_wait3A_145 = tpu.memref_slice %arg4[%add3A_73] : memref<160000xi32, #tpu.memory_space<hbm>> -> memref<40xi32, #tpu.memory_space<hbm>>
        %dma_wait3A_146 = tpu.memref_slice %arg4[%add3A_73] : memref<160000xi32, #tpu.memory_space<hbm>> -> memref<40xi32, #tpu.memory_space<hbm>>
        tpu.wait_dma2 semaphore(%run_scoped3A : memref<!tpu.dma_semaphore, #tpu.memory_space<semaphore_mem>>) src(%dma_wait3A_146 : memref<40xi32, #tpu.memory_space<hbm>>) dst(%arg8 : memref<40xi32, #tpu.memory_space<vmem>>)
        tpu.yield
      }) : () -> ()
      %dma_start3A_74 = arith.constant 0 : i32
      %dma_start3A_75 = tpu.memref_slice %arg2[%add3A_73, %dma_start3A_74] : memref<160000x128xf32, #tpu.memory_space<hbm>> -> memref<40x128xf32, #tpu.memory_space<hbm>>
      %dma_start3A_76 = arith.constant 0 : i32
      %dma_start3A_77 = tpu.memref_slice %arg2[%add3A_73, %dma_start3A_76] : memref<160000x128xf32, #tpu.memory_space<hbm>> -> memref<40x128xf32, #tpu.memory_space<hbm>>
      tpu.enqueue_dma source(%dma_start3A_77 : memref<40x128xf32, #tpu.memory_space<hbm>>) target(%arg10 : memref<40x128xf32, #tpu.memory_space<vmem>>) target_semaphore(%arg18 : memref<!tpu.dma_semaphore, #tpu.memory_space<semaphore_mem>>)
      %dma_start3A_78 = arith.constant 0 : i32
      %dma_start3A_79 = tpu.memref_slice %arg3[%add3A_73, %dma_start3A_78] : memref<160000x128xf32, #tpu.memory_space<hbm>> -> memref<40x16xf32, #tpu.memory_space<hbm>>
      %dma_start3A_80 = arith.constant 0 : i32
      %dma_start3A_81 = tpu.memref_slice %arg3[%add3A_73, %dma_start3A_80] : memref<160000x128xf32, #tpu.memory_space<hbm>> -> memref<40x16xf32, #tpu.memory_space<hbm>>
      tpu.enqueue_dma source(%dma_start3A_81 : memref<40x16xf32, #tpu.memory_space<hbm>>) target(%arg12 : memref<40x16xf32, #tpu.memory_space<vmem>>) target_semaphore(%arg18 : memref<!tpu.dma_semaphore, #tpu.memory_space<semaphore_mem>>)
      %mul3A_82 = arith.constant 40 : i32
      %mul3A_83 = arith.muli %mul3A_68, %mul3A_82 : i32
      %add3A_84 = arith.addi %mul3A_11, %mul3A_83 : i32
      %dma_wait3A_85 = arith.constant 0 : i32
      %dma_wait3A_86 = tpu.memref_slice %arg2[%add3A_84, %dma_wait3A_85] : memref<160000x128xf32, #tpu.memory_space<hbm>> -> memref<40x128xf32, #tpu.memory_space<hbm>>
      %dma_wait3A_87 = arith.constant 0 : i32
      %dma_wait3A_88 = tpu.memref_slice %arg2[%add3A_84, %dma_wait3A_87] : memref<160000x128xf32, #tpu.memory_space<hbm>> -> memref<40x128xf32, #tpu.memory_space<hbm>>
      tpu.wait_dma2 semaphore(%arg17 : memref<!tpu.dma_semaphore, #tpu.memory_space<semaphore_mem>>) src(%dma_wait3A_88 : memref<40x128xf32, #tpu.memory_space<hbm>>) dst(%arg9 : memref<40x128xf32, #tpu.memory_space<vmem>>)
      %dma_wait3A_89 = arith.constant 0 : i32
      %dma_wait3A_90 = tpu.memref_slice %arg3[%add3A_84, %dma_wait3A_89] : memref<160000x128xf32, #tpu.memory_space<hbm>> -> memref<40x16xf32, #tpu.memory_space<hbm>>
      %dma_wait3A_91 = arith.constant 0 : i32
      %dma_wait3A_92 = tpu.memref_slice %arg3[%add3A_84, %dma_wait3A_91] : memref<160000x128xf32, #tpu.memory_space<hbm>> -> memref<40x16xf32, #tpu.memory_space<hbm>>
      tpu.wait_dma2 semaphore(%arg17 : memref<!tpu.dma_semaphore, #tpu.memory_space<semaphore_mem>>) src(%dma_wait3A_92 : memref<40x16xf32, #tpu.memory_space<hbm>>) dst(%arg11 : memref<40x16xf32, #tpu.memory_space<vmem>>)
      %dma_start3A_93 = arith.constant 0 : i32
      %dma_start3A_94 = arith.constant 0 : i32
      %dma_start3A_95 = tpu.memref_slice %arg15[%dma_start3A_93, %dma_start3A_94] : memref<10000x128xf32, #tpu.memory_space<vmem_shared>> -> memref<10000x128xf32, #tpu.memory_space<vmem_shared>>
      tpu.enqueue_indirect_dma source(%arg9 : memref<40x128xf32, #tpu.memory_space<vmem>>) target(%dma_start3A_95 : memref<10000x128xf32, #tpu.memory_space<vmem_shared>>) offsets(%arg7 : memref<40xi32, #tpu.memory_space<vmem>>) semaphore(%arg19 : memref<!tpu.dma_semaphore, #tpu.memory_space<semaphore_mem>>) {add = true}
      %dma_start3A_96 = arith.constant 0 : i32
      %dma_start3A_97 = arith.constant 0 : i32
      %dma_start3A_98 = tpu.memref_slice %arg16[%dma_start3A_96, %dma_start3A_97] : memref<10000x16xf32, #tpu.memory_space<vmem_shared>> -> memref<10000x16xf32, #tpu.memory_space<vmem_shared>>
      tpu.enqueue_indirect_dma source(%arg11 : memref<40x16xf32, #tpu.memory_space<vmem>>) target(%dma_start3A_98 : memref<10000x16xf32, #tpu.memory_space<vmem_shared>>) offsets(%arg7 : memref<40xi32, #tpu.memory_space<vmem>>) semaphore(%arg19 : memref<!tpu.dma_semaphore, #tpu.memory_space<semaphore_mem>>) {add = true}
      %dma_wait3A_99 = arith.constant 0 : i32
      %dma_wait3A_100 = arith.constant 0 : i32
      %dma_wait3A_101 = tpu.memref_slice %arg15[%dma_wait3A_99, %dma_wait3A_100] : memref<10000x128xf32, #tpu.memory_space<vmem_shared>> -> memref<10000x128xf32, #tpu.memory_space<vmem_shared>>
      tpu.wait_indirect_dma semaphore(%arg19 : memref<!tpu.dma_semaphore, #tpu.memory_space<semaphore_mem>>) src(%arg9 : memref<40x128xf32, #tpu.memory_space<vmem>>) dst(%dma_wait3A_101 : memref<10000x128xf32, #tpu.memory_space<vmem_shared>>)
      %dma_wait3A_102 = arith.constant 0 : i32
      %dma_wait3A_103 = arith.constant 0 : i32
      %dma_wait3A_104 = tpu.memref_slice %arg16[%dma_wait3A_102, %dma_wait3A_103] : memref<10000x16xf32, #tpu.memory_space<vmem_shared>> -> memref<10000x16xf32, #tpu.memory_space<vmem_shared>>
      tpu.wait_indirect_dma semaphore(%arg19 : memref<!tpu.dma_semaphore, #tpu.memory_space<semaphore_mem>>) src(%arg11 : memref<40x16xf32, #tpu.memory_space<vmem>>) dst(%dma_wait3A_104 : memref<10000x16xf32, #tpu.memory_space<vmem_shared>>)
      %add3A_105 = arith.constant 2 : i32
      %add3A_106 = arith.addi %mul3A_68, %add3A_105 : i32
      %mul3A_107 = arith.constant 40 : i32
      %mul3A_108 = arith.muli %add3A_106, %mul3A_107 : i32
      %add3A_109 = arith.addi %mul3A_11, %mul3A_108 : i32
      "tpu.region"() ({
        %run_scoped3A = tpu.sem_alloc : memref<!tpu.dma_semaphore, #tpu.memory_space<semaphore_mem>>
        %dma_start3A_143 = tpu.memref_slice %arg4[%add3A_109] : memref<160000xi32, #tpu.memory_space<hbm>> -> memref<40xi32, #tpu.memory_space<hbm>>
        %dma_start3A_144 = tpu.memref_slice %arg4[%add3A_109] : memref<160000xi32, #tpu.memory_space<hbm>> -> memref<40xi32, #tpu.memory_space<hbm>>
        tpu.enqueue_dma source(%dma_start3A_144 : memref<40xi32, #tpu.memory_space<hbm>>) target(%arg7 : memref<40xi32, #tpu.memory_space<vmem>>) target_semaphore(%run_scoped3A : memref<!tpu.dma_semaphore, #tpu.memory_space<semaphore_mem>>)
        %dma_wait3A_145 = tpu.memref_slice %arg4[%add3A_109] : memref<160000xi32, #tpu.memory_space<hbm>> -> memref<40xi32, #tpu.memory_space<hbm>>
        %dma_wait3A_146 = tpu.memref_slice %arg4[%add3A_109] : memref<160000xi32, #tpu.memory_space<hbm>> -> memref<40xi32, #tpu.memory_space<hbm>>
        tpu.wait_dma2 semaphore(%run_scoped3A : memref<!tpu.dma_semaphore, #tpu.memory_space<semaphore_mem>>) src(%dma_wait3A_146 : memref<40xi32, #tpu.memory_space<hbm>>) dst(%arg7 : memref<40xi32, #tpu.memory_space<vmem>>)
        tpu.yield
      }) : () -> ()
      %dma_start3A_110 = arith.constant 0 : i32
      %dma_start3A_111 = tpu.memref_slice %arg2[%add3A_109, %dma_start3A_110] : memref<160000x128xf32, #tpu.memory_space<hbm>> -> memref<40x128xf32, #tpu.memory_space<hbm>>
      %dma_start3A_112 = arith.constant 0 : i32
      %dma_start3A_113 = tpu.memref_slice %arg2[%add3A_109, %dma_start3A_112] : memref<160000x128xf32, #tpu.memory_space<hbm>> -> memref<40x128xf32, #tpu.memory_space<hbm>>
      tpu.enqueue_dma source(%dma_start3A_113 : memref<40x128xf32, #tpu.memory_space<hbm>>) target(%arg9 : memref<40x128xf32, #tpu.memory_space<vmem>>) target_semaphore(%arg17 : memref<!tpu.dma_semaphore, #tpu.memory_space<semaphore_mem>>)
      %dma_start3A_114 = arith.constant 0 : i32
      %dma_start3A_115 = tpu.memref_slice %arg3[%add3A_109, %dma_start3A_114] : memref<160000x128xf32, #tpu.memory_space<hbm>> -> memref<40x16xf32, #tpu.memory_space<hbm>>
      %dma_start3A_116 = arith.constant 0 : i32
      %dma_start3A_117 = tpu.memref_slice %arg3[%add3A_109, %dma_start3A_116] : memref<160000x128xf32, #tpu.memory_space<hbm>> -> memref<40x16xf32, #tpu.memory_space<hbm>>
      tpu.enqueue_dma source(%dma_start3A_117 : memref<40x16xf32, #tpu.memory_space<hbm>>) target(%arg11 : memref<40x16xf32, #tpu.memory_space<vmem>>) target_semaphore(%arg17 : memref<!tpu.dma_semaphore, #tpu.memory_space<semaphore_mem>>)
      %add3A_118 = arith.constant 1 : i32
      %add3A_119 = arith.addi %mul3A_68, %add3A_118 : i32
      %mul3A_120 = arith.constant 40 : i32
      %mul3A_121 = arith.muli %add3A_119, %mul3A_120 : i32
      %add3A_122 = arith.addi %mul3A_11, %mul3A_121 : i32
      %dma_wait3A_123 = arith.constant 0 : i32
      %dma_wait3A_124 = tpu.memref_slice %arg2[%add3A_122, %dma_wait3A_123] : memref<160000x128xf32, #tpu.memory_space<hbm>> -> memref<40x128xf32, #tpu.memory_space<hbm>>
      %dma_wait3A_125 = arith.constant 0 : i32
      %dma_wait3A_126 = tpu.memref_slice %arg2[%add3A_122, %dma_wait3A_125] : memref<160000x128xf32, #tpu.memory_space<hbm>> -> memref<40x128xf32, #tpu.memory_space<hbm>>
      tpu.wait_dma2 semaphore(%arg18 : memref<!tpu.dma_semaphore, #tpu.memory_space<semaphore_mem>>) src(%dma_wait3A_126 : memref<40x128xf32, #tpu.memory_space<hbm>>) dst(%arg10 : memref<40x128xf32, #tpu.memory_space<vmem>>)
      %dma_wait3A_127 = arith.constant 0 : i32
      %dma_wait3A_128 = tpu.memref_slice %arg3[%add3A_122, %dma_wait3A_127] : memref<160000x128xf32, #tpu.memory_space<hbm>> -> memref<40x16xf32, #tpu.memory_space<hbm>>
      %dma_wait3A_129 = arith.constant 0 : i32
      %dma_wait3A_130 = tpu.memref_slice %arg3[%add3A_122, %dma_wait3A_129] : memref<160000x128xf32, #tpu.memory_space<hbm>> -> memref<40x16xf32, #tpu.memory_space<hbm>>
      tpu.wait_dma2 semaphore(%arg18 : memref<!tpu.dma_semaphore, #tpu.memory_space<semaphore_mem>>) src(%dma_wait3A_130 : memref<40x16xf32, #tpu.memory_space<hbm>>) dst(%arg12 : memref<40x16xf32, #tpu.memory_space<vmem>>)
      %dma_start3A_131 = arith.constant 0 : i32
      %dma_start3A_132 = arith.constant 0 : i32
      %dma_start3A_133 = tpu.memref_slice %arg15[%dma_start3A_131, %dma_start3A_132] : memref<10000x128xf32, #tpu.memory_space<vmem_shared>> -> memref<10000x128xf32, #tpu.memory_space<vmem_shared>>
      tpu.enqueue_indirect_dma source(%arg10 : memref<40x128xf32, #tpu.memory_space<vmem>>) target(%dma_start3A_133 : memref<10000x128xf32, #tpu.memory_space<vmem_shared>>) offsets(%arg8 : memref<40xi32, #tpu.memory_space<vmem>>) semaphore(%arg20 : memref<!tpu.dma_semaphore, #tpu.memory_space<semaphore_mem>>) {add = true}
      %dma_start3A_134 = arith.constant 0 : i32
      %dma_start3A_135 = arith.constant 0 : i32
      %dma_start3A_136 = tpu.memref_slice %arg16[%dma_start3A_134, %dma_start3A_135] : memref<10000x16xf32, #tpu.memory_space<vmem_shared>> -> memref<10000x16xf32, #tpu.memory_space<vmem_shared>>
      tpu.enqueue_indirect_dma source(%arg12 : memref<40x16xf32, #tpu.memory_space<vmem>>) target(%dma_start3A_136 : memref<10000x16xf32, #tpu.memory_space<vmem_shared>>) offsets(%arg8 : memref<40xi32, #tpu.memory_space<vmem>>) semaphore(%arg20 : memref<!tpu.dma_semaphore, #tpu.memory_space<semaphore_mem>>) {add = true}
      %dma_wait3A_137 = arith.constant 0 : i32
      %dma_wait3A_138 = arith.constant 0 : i32
      %dma_wait3A_139 = tpu.memref_slice %arg15[%dma_wait3A_137, %dma_wait3A_138] : memref<10000x128xf32, #tpu.memory_space<vmem_shared>> -> memref<10000x128xf32, #tpu.memory_space<vmem_shared>>
      tpu.wait_indirect_dma semaphore(%arg20 : memref<!tpu.dma_semaphore, #tpu.memory_space<semaphore_mem>>) src(%arg10 : memref<40x128xf32, #tpu.memory_space<vmem>>) dst(%dma_wait3A_139 : memref<10000x128xf32, #tpu.memory_space<vmem_shared>>)
      %dma_wait3A_140 = arith.constant 0 : i32
      %dma_wait3A_141 = arith.constant 0 : i32
      %dma_wait3A_142 = tpu.memref_slice %arg16[%dma_wait3A_140, %dma_wait3A_141] : memref<10000x16xf32, #tpu.memory_space<vmem_shared>> -> memref<10000x16xf32, #tpu.memory_space<vmem_shared>>
      tpu.wait_indirect_dma semaphore(%arg20 : memref<!tpu.dma_semaphore, #tpu.memory_space<semaphore_mem>>) src(%arg12 : memref<40x16xf32, #tpu.memory_space<vmem>>) dst(%dma_wait3A_142 : memref<10000x16xf32, #tpu.memory_space<vmem_shared>>)
    }
    %scan3A_25 = arith.constant 62 : i32
    %add3A_26 = arith.constant 4960 : i32
    %add3A_27 = arith.addi %mul3A_11, %add3A_26 : i32
    %dma_wait3A = arith.constant 0 : i32
    %dma_wait3A_28 = tpu.memref_slice %arg2[%add3A_27, %dma_wait3A] : memref<160000x128xf32, #tpu.memory_space<hbm>> -> memref<40x128xf32, #tpu.memory_space<hbm>>
    %dma_wait3A_29 = arith.constant 0 : i32
    %dma_wait3A_30 = tpu.memref_slice %arg2[%add3A_27, %dma_wait3A_29] : memref<160000x128xf32, #tpu.memory_space<hbm>> -> memref<40x128xf32, #tpu.memory_space<hbm>>
    tpu.wait_dma2 semaphore(%arg17 : memref<!tpu.dma_semaphore, #tpu.memory_space<semaphore_mem>>) src(%dma_wait3A_30 : memref<40x128xf32, #tpu.memory_space<hbm>>) dst(%arg9 : memref<40x128xf32, #tpu.memory_space<vmem>>)
    %dma_wait3A_31 = arith.constant 0 : i32
    %dma_wait3A_32 = tpu.memref_slice %arg3[%add3A_27, %dma_wait3A_31] : memref<160000x128xf32, #tpu.memory_space<hbm>> -> memref<40x16xf32, #tpu.memory_space<hbm>>
    %dma_wait3A_33 = arith.constant 0 : i32
    %dma_wait3A_34 = tpu.memref_slice %arg3[%add3A_27, %dma_wait3A_33] : memref<160000x128xf32, #tpu.memory_space<hbm>> -> memref<40x16xf32, #tpu.memory_space<hbm>>
    tpu.wait_dma2 semaphore(%arg17 : memref<!tpu.dma_semaphore, #tpu.memory_space<semaphore_mem>>) src(%dma_wait3A_34 : memref<40x16xf32, #tpu.memory_space<hbm>>) dst(%arg11 : memref<40x16xf32, #tpu.memory_space<vmem>>)
    %dma_start3A_35 = arith.constant 0 : i32
    %dma_start3A_36 = arith.constant 0 : i32
    %dma_start3A_37 = tpu.memref_slice %arg15[%dma_start3A_35, %dma_start3A_36] : memref<10000x128xf32, #tpu.memory_space<vmem_shared>> -> memref<10000x128xf32, #tpu.memory_space<vmem_shared>>
    tpu.enqueue_indirect_dma source(%arg9 : memref<40x128xf32, #tpu.memory_space<vmem>>) target(%dma_start3A_37 : memref<10000x128xf32, #tpu.memory_space<vmem_shared>>) offsets(%arg7 : memref<40xi32, #tpu.memory_space<vmem>>) semaphore(%arg19 : memref<!tpu.dma_semaphore, #tpu.memory_space<semaphore_mem>>) {add = true}
    %dma_start3A_38 = arith.constant 0 : i32
    %dma_start3A_39 = arith.constant 0 : i32
    %dma_start3A_40 = tpu.memref_slice %arg16[%dma_start3A_38, %dma_start3A_39] : memref<10000x16xf32, #tpu.memory_space<vmem_shared>> -> memref<10000x16xf32, #tpu.memory_space<vmem_shared>>
    tpu.enqueue_indirect_dma source(%arg11 : memref<40x16xf32, #tpu.memory_space<vmem>>) target(%dma_start3A_40 : memref<10000x16xf32, #tpu.memory_space<vmem_shared>>) offsets(%arg7 : memref<40xi32, #tpu.memory_space<vmem>>) semaphore(%arg19 : memref<!tpu.dma_semaphore, #tpu.memory_space<semaphore_mem>>) {add = true}
    %dma_wait3A_41 = arith.constant 0 : i32
    %dma_wait3A_42 = arith.constant 0 : i32
    %dma_wait3A_43 = tpu.memref_slice %arg15[%dma_wait3A_41, %dma_wait3A_42] : memref<10000x128xf32, #tpu.memory_space<vmem_shared>> -> memref<10000x128xf32, #tpu.memory_space<vmem_shared>>
    tpu.wait_indirect_dma semaphore(%arg19 : memref<!tpu.dma_semaphore, #tpu.memory_space<semaphore_mem>>) src(%arg9 : memref<40x128xf32, #tpu.memory_space<vmem>>) dst(%dma_wait3A_43 : memref<10000x128xf32, #tpu.memory_space<vmem_shared>>)
    %dma_wait3A_44 = arith.constant 0 : i32
    %dma_wait3A_45 = arith.constant 0 : i32
    %dma_wait3A_46 = tpu.memref_slice %arg16[%dma_wait3A_44, %dma_wait3A_45] : memref<10000x16xf32, #tpu.memory_space<vmem_shared>> -> memref<10000x16xf32, #tpu.memory_space<vmem_shared>>
    tpu.wait_indirect_dma semaphore(%arg19 : memref<!tpu.dma_semaphore, #tpu.memory_space<semaphore_mem>>) src(%arg11 : memref<40x16xf32, #tpu.memory_space<vmem>>) dst(%dma_wait3A_46 : memref<10000x16xf32, #tpu.memory_space<vmem_shared>>)
    %barrier3A_47 = arith.constant 0 : index
    tpu.barrier barrier_id(%barrier3A_47)
    %mul3A_48 = arith.constant 625 : i32
    %mul3A_49 = arith.muli %arg1, %mul3A_48 : i32
    %mul3A_50 = arith.constant 10000 : i32
    %mul3A_51 = arith.muli %arg0, %mul3A_50 : i32
    %mul3A_52 = arith.constant 625 : i32
    %mul3A_53 = arith.muli %arg1, %mul3A_52 : i32
    %add3A_54 = arith.addi %mul3A_51, %mul3A_53 : i32
    "tpu.region"() ({
      %run_scoped3A = tpu.sem_alloc : memref<!tpu.dma_semaphore, #tpu.memory_space<semaphore_mem>>
      %dma_start3A_62 = arith.constant 0 : i32
      %dma_start3A_63 = tpu.memref_slice %arg5[%add3A_54, %dma_start3A_62] : memref<20000x128xf32, #tpu.memory_space<hbm>> -> memref<625x128xf32, #tpu.memory_space<hbm>>
      %dma_start3A_64 = arith.constant 0 : i32
      %dma_start3A_65 = tpu.memref_slice %arg15[%mul3A_49, %dma_start3A_64] : memref<10000x128xf32, #tpu.memory_space<vmem_shared>> -> memref<625x128xf32, #tpu.memory_space<vmem_shared>>
      tpu.enqueue_dma source(%dma_start3A_65 : memref<625x128xf32, #tpu.memory_space<vmem_shared>>) target(%dma_start3A_63 : memref<625x128xf32, #tpu.memory_space<hbm>>) target_semaphore(%run_scoped3A : memref<!tpu.dma_semaphore, #tpu.memory_space<semaphore_mem>>)
      %dma_wait3A_66 = arith.constant 0 : i32
      %dma_wait3A_67 = tpu.memref_slice %arg5[%add3A_54, %dma_wait3A_66] : memref<20000x128xf32, #tpu.memory_space<hbm>> -> memref<625x128xf32, #tpu.memory_space<hbm>>
      %dma_wait3A_68 = arith.constant 0 : i32
      %dma_wait3A_69 = tpu.memref_slice %arg15[%mul3A_49, %dma_wait3A_68] : memref<10000x128xf32, #tpu.memory_space<vmem_shared>> -> memref<625x128xf32, #tpu.memory_space<vmem_shared>>
      tpu.wait_dma2 semaphore(%run_scoped3A : memref<!tpu.dma_semaphore, #tpu.memory_space<semaphore_mem>>) src(%dma_wait3A_69 : memref<625x128xf32, #tpu.memory_space<vmem_shared>>) dst(%dma_wait3A_67 : memref<625x128xf32, #tpu.memory_space<hbm>>)
      tpu.yield
    }) : () -> ()
    %mul3A_55 = arith.constant 625 : i32
    %mul3A_56 = arith.muli %arg1, %mul3A_55 : i32
    %mul3A_57 = arith.constant 10000 : i32
    %mul3A_58 = arith.muli %arg0, %mul3A_57 : i32
    %mul3A_59 = arith.constant 625 : i32
    %mul3A_60 = arith.muli %arg1, %mul3A_59 : i32
    %add3A_61 = arith.addi %mul3A_58, %mul3A_60 : i32
    "tpu.region"() ({
      %run_scoped3A = tpu.sem_alloc : memref<!tpu.dma_semaphore, #tpu.memory_space<semaphore_mem>>
      %dma_start3A_62 = arith.constant 0 : i32
      %dma_start3A_63 = tpu.memref_slice %arg6[%add3A_61, %dma_start3A_62] : memref<20000x128xf32, #tpu.memory_space<hbm>> -> memref<625x16xf32, #tpu.memory_space<hbm>>
      %dma_start3A_64 = arith.constant 0 : i32
      %dma_start3A_65 = tpu.memref_slice %arg16[%mul3A_56, %dma_start3A_64] : memref<10000x16xf32, #tpu.memory_space<vmem_shared>> -> memref<625x16xf32, #tpu.memory_space<vmem_shared>>
      tpu.enqueue_dma source(%dma_start3A_65 : memref<625x16xf32, #tpu.memory_space<vmem_shared>>) target(%dma_start3A_63 : memref<625x16xf32, #tpu.memory_space<hbm>>) target_semaphore(%run_scoped3A : memref<!tpu.dma_semaphore, #tpu.memory_space<semaphore_mem>>)
      %dma_wait3A_66 = arith.constant 0 : i32
      %dma_wait3A_67 = tpu.memref_slice %arg6[%add3A_61, %dma_wait3A_66] : memref<20000x128xf32, #tpu.memory_space<hbm>> -> memref<625x16xf32, #tpu.memory_space<hbm>>
      %dma_wait3A_68 = arith.constant 0 : i32
      %dma_wait3A_69 = tpu.memref_slice %arg16[%mul3A_56, %dma_wait3A_68] : memref<10000x16xf32, #tpu.memory_space<vmem_shared>> -> memref<625x16xf32, #tpu.memory_space<vmem_shared>>
      tpu.wait_dma2 semaphore(%run_scoped3A : memref<!tpu.dma_semaphore, #tpu.memory_space<semaphore_mem>>) src(%dma_wait3A_69 : memref<625x16xf32, #tpu.memory_space<vmem_shared>>) dst(%dma_wait3A_67 : memref<625x16xf32, #tpu.memory_space<hbm>>)
      tpu.yield
    }) : () -> ()
    return
  }
}

#map = affine_map<(d0, d1) -> (0, 0)>
#map1 = affine_map<(d0, d1) -> (0)>
module attributes {stable_mosaic.version = 14 : i64} {
  func.func @k(%arg0: i32, %arg1: i32, %arg2: memref<10000x64xf32, #tpu.memory_space<hbm>>, %arg3: memref<10000x16xf32, #tpu.memory_space<hbm>>, %arg4: memref<160000xi32, #tpu.memory_space<hbm>>, %arg5: memref<160000xi32, #tpu.memory_space<hbm>>, %arg6: memref<160000x128xf32, #tpu.memory_space<hbm>>, %arg7: memref<160000x128xf32, #tpu.memory_space<hbm>>, %arg8: memref<200xi32, #tpu.memory_space<vmem>>, %arg9: memref<200xi32, #tpu.memory_space<vmem>>, %arg10: memref<200xi32, #tpu.memory_space<vmem>>, %arg11: memref<200xi32, #tpu.memory_space<vmem>>, %arg12: memref<200x64xf32, #tpu.memory_space<vmem>>, %arg13: memref<200x64xf32, #tpu.memory_space<vmem>>, %arg14: memref<200x64xf32, #tpu.memory_space<vmem>>, %arg15: memref<200x64xf32, #tpu.memory_space<vmem>>, %arg16: memref<200x16xf32, #tpu.memory_space<vmem>>, %arg17: memref<200x16xf32, #tpu.memory_space<vmem>>, %arg18: memref<200x16xf32, #tpu.memory_space<vmem>>, %arg19: memref<200x16xf32, #tpu.memory_space<vmem>>, %arg20: memref<!tpu.dma_semaphore, #tpu.memory_space<semaphore_mem>>, %arg21: memref<!tpu.dma_semaphore, #tpu.memory_space<semaphore_mem>>, %arg22: memref<!tpu.dma_semaphore, #tpu.memory_space<semaphore_mem>>, %arg23: memref<!tpu.dma_semaphore, #tpu.memory_space<semaphore_mem>>) attributes {dimension_semantics = [#tpu.dimension_semantics<core_parallel>, #tpu.dimension_semantics<subcore_parallel>], iteration_bounds = array<i64: 2, 16>, scalar_prefetch = 0 : i64, scratch_operands = 16 : i64, tpu.core_type = #tpu.core_type<sc_vector_subcore>, window_params = [{transform_indices = #map}, {transform_indices = #map}, {transform_indices = #map1}, {transform_indices = #map1}, {transform_indices = #map}, {transform_indices = #map}]} {
    %mul3A = arith.constant 2 : i32
    %mul3A_0 = arith.muli %arg1, %mul3A : i32
    %add3A = arith.addi %mul3A_0, %arg0 : i32
    %mul3A_1 = arith.constant 5000 : i32
    %mul3A_2 = arith.muli %add3A, %mul3A_1 : i32
    %add3A_3 = arith.constant 0 : i32
    %add3A_4 = arith.addi %mul3A_2, %add3A_3 : i32
    "tpu.region"() ({
      %run_scoped3A = tpu.sem_alloc : memref<!tpu.dma_semaphore, #tpu.memory_space<semaphore_mem>>
      %dma_start3A_67 = tpu.memref_slice %arg4[%add3A_4] : memref<160000xi32, #tpu.memory_space<hbm>> -> memref<200xi32, #tpu.memory_space<hbm>>
      %dma_start3A_68 = tpu.memref_slice %arg4[%add3A_4] : memref<160000xi32, #tpu.memory_space<hbm>> -> memref<200xi32, #tpu.memory_space<hbm>>
      tpu.enqueue_dma source(%dma_start3A_68 : memref<200xi32, #tpu.memory_space<hbm>>) target(%arg8 : memref<200xi32, #tpu.memory_space<vmem>>) target_semaphore(%run_scoped3A : memref<!tpu.dma_semaphore, #tpu.memory_space<semaphore_mem>>)
      %dma_wait3A_69 = tpu.memref_slice %arg4[%add3A_4] : memref<160000xi32, #tpu.memory_space<hbm>> -> memref<200xi32, #tpu.memory_space<hbm>>
      %dma_wait3A_70 = tpu.memref_slice %arg4[%add3A_4] : memref<160000xi32, #tpu.memory_space<hbm>> -> memref<200xi32, #tpu.memory_space<hbm>>
      tpu.wait_dma2 semaphore(%run_scoped3A : memref<!tpu.dma_semaphore, #tpu.memory_space<semaphore_mem>>) src(%dma_wait3A_70 : memref<200xi32, #tpu.memory_space<hbm>>) dst(%arg8 : memref<200xi32, #tpu.memory_space<vmem>>)
      tpu.yield
    }) : () -> ()
    "tpu.region"() ({
      %run_scoped3A = tpu.sem_alloc : memref<!tpu.dma_semaphore, #tpu.memory_space<semaphore_mem>>
      %dma_start3A_67 = tpu.memref_slice %arg5[%add3A_4] : memref<160000xi32, #tpu.memory_space<hbm>> -> memref<200xi32, #tpu.memory_space<hbm>>
      %dma_start3A_68 = tpu.memref_slice %arg5[%add3A_4] : memref<160000xi32, #tpu.memory_space<hbm>> -> memref<200xi32, #tpu.memory_space<hbm>>
      tpu.enqueue_dma source(%dma_start3A_68 : memref<200xi32, #tpu.memory_space<hbm>>) target(%arg9 : memref<200xi32, #tpu.memory_space<vmem>>) target_semaphore(%run_scoped3A : memref<!tpu.dma_semaphore, #tpu.memory_space<semaphore_mem>>)
      %dma_wait3A_69 = tpu.memref_slice %arg5[%add3A_4] : memref<160000xi32, #tpu.memory_space<hbm>> -> memref<200xi32, #tpu.memory_space<hbm>>
      %dma_wait3A_70 = tpu.memref_slice %arg5[%add3A_4] : memref<160000xi32, #tpu.memory_space<hbm>> -> memref<200xi32, #tpu.memory_space<hbm>>
      tpu.wait_dma2 semaphore(%run_scoped3A : memref<!tpu.dma_semaphore, #tpu.memory_space<semaphore_mem>>) src(%dma_wait3A_70 : memref<200xi32, #tpu.memory_space<hbm>>) dst(%arg9 : memref<200xi32, #tpu.memory_space<vmem>>)
      tpu.yield
    }) : () -> ()
    %dma_start3A = arith.constant 0 : i32
    %dma_start3A_5 = arith.constant 0 : i32
    %dma_start3A_6 = tpu.memref_slice %arg2[%dma_start3A, %dma_start3A_5] : memref<10000x64xf32, #tpu.memory_space<hbm>> -> memref<10000x64xf32, #tpu.memory_space<hbm>>
    tpu.enqueue_indirect_dma source(%dma_start3A_6 : memref<10000x64xf32, #tpu.memory_space<hbm>>) target(%arg12 : memref<200x64xf32, #tpu.memory_space<vmem>>) offsets(%arg8 : memref<200xi32, #tpu.memory_space<vmem>>) semaphore(%arg20 : memref<!tpu.dma_semaphore, #tpu.memory_space<semaphore_mem>>)
    %dma_start3A_7 = arith.constant 0 : i32
    %dma_start3A_8 = arith.constant 0 : i32
    %dma_start3A_9 = tpu.memref_slice %arg2[%dma_start3A_7, %dma_start3A_8] : memref<10000x64xf32, #tpu.memory_space<hbm>> -> memref<10000x64xf32, #tpu.memory_space<hbm>>
    tpu.enqueue_indirect_dma source(%dma_start3A_9 : memref<10000x64xf32, #tpu.memory_space<hbm>>) target(%arg13 : memref<200x64xf32, #tpu.memory_space<vmem>>) offsets(%arg9 : memref<200xi32, #tpu.memory_space<vmem>>) semaphore(%arg20 : memref<!tpu.dma_semaphore, #tpu.memory_space<semaphore_mem>>)
    %dma_start3A_10 = arith.constant 0 : i32
    %dma_start3A_11 = arith.constant 0 : i32
    %dma_start3A_12 = tpu.memref_slice %arg3[%dma_start3A_10, %dma_start3A_11] : memref<10000x16xf32, #tpu.memory_space<hbm>> -> memref<10000x16xf32, #tpu.memory_space<hbm>>
    tpu.enqueue_indirect_dma source(%dma_start3A_12 : memref<10000x16xf32, #tpu.memory_space<hbm>>) target(%arg16 : memref<200x16xf32, #tpu.memory_space<vmem>>) offsets(%arg8 : memref<200xi32, #tpu.memory_space<vmem>>) semaphore(%arg20 : memref<!tpu.dma_semaphore, #tpu.memory_space<semaphore_mem>>)
    %dma_start3A_13 = arith.constant 0 : i32
    %dma_start3A_14 = arith.constant 0 : i32
    %dma_start3A_15 = tpu.memref_slice %arg3[%dma_start3A_13, %dma_start3A_14] : memref<10000x16xf32, #tpu.memory_space<hbm>> -> memref<10000x16xf32, #tpu.memory_space<hbm>>
    tpu.enqueue_indirect_dma source(%dma_start3A_15 : memref<10000x16xf32, #tpu.memory_space<hbm>>) target(%arg17 : memref<200x16xf32, #tpu.memory_space<vmem>>) offsets(%arg9 : memref<200xi32, #tpu.memory_space<vmem>>) semaphore(%arg20 : memref<!tpu.dma_semaphore, #tpu.memory_space<semaphore_mem>>)
    %scan3A = arith.constant 0 : i32
    %scan3A_16 = arith.constant 12 : i32
    %scan3A_17 = arith.addi %scan3A, %scan3A_16 : i32
    %scan3A_18 = arith.constant 1 : i32
    scf.for %scan3A_67 = %scan3A to %scan3A_17 step %scan3A_18  : i32 {
      %mul3A_68 = arith.constant 1 : i32
      %mul3A_69 = arith.muli %scan3A_67, %mul3A_68 : i32
      %add3A_70 = arith.constant 0 : i32
      %add3A_71 = arith.addi %add3A_70, %mul3A_69 : i32
      %mul3A_72 = arith.constant 2 : i32
      %mul3A_73 = arith.muli %mul3A_72, %add3A_71 : i32
      %add3A_74 = arith.constant 1 : i32
      %add3A_75 = arith.addi %mul3A_73, %add3A_74 : i32
      %mul3A_76 = arith.constant 200 : i32
      %mul3A_77 = arith.muli %add3A_75, %mul3A_76 : i32
      %add3A_78 = arith.addi %mul3A_2, %mul3A_77 : i32
      "tpu.region"() ({
        %run_scoped3A = tpu.sem_alloc : memref<!tpu.dma_semaphore, #tpu.memory_space<semaphore_mem>>
        %dma_start3A_212 = tpu.memref_slice %arg4[%add3A_78] : memref<160000xi32, #tpu.memory_space<hbm>> -> memref<200xi32, #tpu.memory_space<hbm>>
        %dma_start3A_213 = tpu.memref_slice %arg4[%add3A_78] : memref<160000xi32, #tpu.memory_space<hbm>> -> memref<200xi32, #tpu.memory_space<hbm>>
        tpu.enqueue_dma source(%dma_start3A_213 : memref<200xi32, #tpu.memory_space<hbm>>) target(%arg10 : memref<200xi32, #tpu.memory_space<vmem>>) target_semaphore(%run_scoped3A : memref<!tpu.dma_semaphore, #tpu.memory_space<semaphore_mem>>)
        %dma_wait3A_214 = tpu.memref_slice %arg4[%add3A_78] : memref<160000xi32, #tpu.memory_space<hbm>> -> memref<200xi32, #tpu.memory_space<hbm>>
        %dma_wait3A_215 = tpu.memref_slice %arg4[%add3A_78] : memref<160000xi32, #tpu.memory_space<hbm>> -> memref<200xi32, #tpu.memory_space<hbm>>
        tpu.wait_dma2 semaphore(%run_scoped3A : memref<!tpu.dma_semaphore, #tpu.memory_space<semaphore_mem>>) src(%dma_wait3A_215 : memref<200xi32, #tpu.memory_space<hbm>>) dst(%arg10 : memref<200xi32, #tpu.memory_space<vmem>>)
        tpu.yield
      }) : () -> ()
      "tpu.region"() ({
        %run_scoped3A = tpu.sem_alloc : memref<!tpu.dma_semaphore, #tpu.memory_space<semaphore_mem>>
        %dma_start3A_212 = tpu.memref_slice %arg5[%add3A_78] : memref<160000xi32, #tpu.memory_space<hbm>> -> memref<200xi32, #tpu.memory_space<hbm>>
        %dma_start3A_213 = tpu.memref_slice %arg5[%add3A_78] : memref<160000xi32, #tpu.memory_space<hbm>> -> memref<200xi32, #tpu.memory_space<hbm>>
        tpu.enqueue_dma source(%dma_start3A_213 : memref<200xi32, #tpu.memory_space<hbm>>) target(%arg11 : memref<200xi32, #tpu.memory_space<vmem>>) target_semaphore(%run_scoped3A : memref<!tpu.dma_semaphore, #tpu.memory_space<semaphore_mem>>)
        %dma_wait3A_214 = tpu.memref_slice %arg5[%add3A_78] : memref<160000xi32, #tpu.memory_space<hbm>> -> memref<200xi32, #tpu.memory_space<hbm>>
        %dma_wait3A_215 = tpu.memref_slice %arg5[%add3A_78] : memref<160000xi32, #tpu.memory_space<hbm>> -> memref<200xi32, #tpu.memory_space<hbm>>
        tpu.wait_dma2 semaphore(%run_scoped3A : memref<!tpu.dma_semaphore, #tpu.memory_space<semaphore_mem>>) src(%dma_wait3A_215 : memref<200xi32, #tpu.memory_space<hbm>>) dst(%arg11 : memref<200xi32, #tpu.memory_space<vmem>>)
        tpu.yield
      }) : () -> ()
      %dma_start3A_79 = arith.constant 0 : i32
      %dma_start3A_80 = arith.constant 0 : i32
      %dma_start3A_81 = tpu.memref_slice %arg2[%dma_start3A_79, %dma_start3A_80] : memref<10000x64xf32, #tpu.memory_space<hbm>> -> memref<10000x64xf32, #tpu.memory_space<hbm>>
      tpu.enqueue_indirect_dma source(%dma_start3A_81 : memref<10000x64xf32, #tpu.memory_space<hbm>>) target(%arg14 : memref<200x64xf32, #tpu.memory_space<vmem>>) offsets(%arg10 : memref<200xi32, #tpu.memory_space<vmem>>) semaphore(%arg21 : memref<!tpu.dma_semaphore, #tpu.memory_space<semaphore_mem>>)
      %dma_start3A_82 = arith.constant 0 : i32
      %dma_start3A_83 = arith.constant 0 : i32
      %dma_start3A_84 = tpu.memref_slice %arg2[%dma_start3A_82, %dma_start3A_83] : memref<10000x64xf32, #tpu.memory_space<hbm>> -> memref<10000x64xf32, #tpu.memory_space<hbm>>
      tpu.enqueue_indirect_dma source(%dma_start3A_84 : memref<10000x64xf32, #tpu.memory_space<hbm>>) target(%arg15 : memref<200x64xf32, #tpu.memory_space<vmem>>) offsets(%arg11 : memref<200xi32, #tpu.memory_space<vmem>>) semaphore(%arg21 : memref<!tpu.dma_semaphore, #tpu.memory_space<semaphore_mem>>)
      %dma_start3A_85 = arith.constant 0 : i32
      %dma_start3A_86 = arith.constant 0 : i32
      %dma_start3A_87 = tpu.memref_slice %arg3[%dma_start3A_85, %dma_start3A_86] : memref<10000x16xf32, #tpu.memory_space<hbm>> -> memref<10000x16xf32, #tpu.memory_space<hbm>>
      tpu.enqueue_indirect_dma source(%dma_start3A_87 : memref<10000x16xf32, #tpu.memory_space<hbm>>) target(%arg18 : memref<200x16xf32, #tpu.memory_space<vmem>>) offsets(%arg10 : memref<200xi32, #tpu.memory_space<vmem>>) semaphore(%arg21 : memref<!tpu.dma_semaphore, #tpu.memory_space<semaphore_mem>>)
      %dma_start3A_88 = arith.constant 0 : i32
      %dma_start3A_89 = arith.constant 0 : i32
      %dma_start3A_90 = tpu.memref_slice %arg3[%dma_start3A_88, %dma_start3A_89] : memref<10000x16xf32, #tpu.memory_space<hbm>> -> memref<10000x16xf32, #tpu.memory_space<hbm>>
      tpu.enqueue_indirect_dma source(%dma_start3A_90 : memref<10000x16xf32, #tpu.memory_space<hbm>>) target(%arg19 : memref<200x16xf32, #tpu.memory_space<vmem>>) offsets(%arg11 : memref<200xi32, #tpu.memory_space<vmem>>) semaphore(%arg21 : memref<!tpu.dma_semaphore, #tpu.memory_space<semaphore_mem>>)
      %mul3A_91 = arith.constant 200 : i32
      %mul3A_92 = arith.muli %mul3A_73, %mul3A_91 : i32
      %add3A_93 = arith.addi %mul3A_2, %mul3A_92 : i32
      %dma_wait3A_94 = arith.constant 0 : i32
      %dma_wait3A_95 = arith.constant 0 : i32
      %dma_wait3A_96 = tpu.memref_slice %arg2[%dma_wait3A_94, %dma_wait3A_95] : memref<10000x64xf32, #tpu.memory_space<hbm>> -> memref<10000x64xf32, #tpu.memory_space<hbm>>
      tpu.wait_indirect_dma semaphore(%arg20 : memref<!tpu.dma_semaphore, #tpu.memory_space<semaphore_mem>>) src(%dma_wait3A_96 : memref<10000x64xf32, #tpu.memory_space<hbm>>) dst(%arg12 : memref<200x64xf32, #tpu.memory_space<vmem>>)
      %dma_wait3A_97 = arith.constant 0 : i32
      %dma_wait3A_98 = arith.constant 0 : i32
      %dma_wait3A_99 = tpu.memref_slice %arg2[%dma_wait3A_97, %dma_wait3A_98] : memref<10000x64xf32, #tpu.memory_space<hbm>> -> memref<10000x64xf32, #tpu.memory_space<hbm>>
      tpu.wait_indirect_dma semaphore(%arg20 : memref<!tpu.dma_semaphore, #tpu.memory_space<semaphore_mem>>) src(%dma_wait3A_99 : memref<10000x64xf32, #tpu.memory_space<hbm>>) dst(%arg13 : memref<200x64xf32, #tpu.memory_space<vmem>>)
      %dma_wait3A_100 = arith.constant 0 : i32
      %dma_wait3A_101 = arith.constant 0 : i32
      %dma_wait3A_102 = tpu.memref_slice %arg3[%dma_wait3A_100, %dma_wait3A_101] : memref<10000x16xf32, #tpu.memory_space<hbm>> -> memref<10000x16xf32, #tpu.memory_space<hbm>>
      tpu.wait_indirect_dma semaphore(%arg20 : memref<!tpu.dma_semaphore, #tpu.memory_space<semaphore_mem>>) src(%dma_wait3A_102 : memref<10000x16xf32, #tpu.memory_space<hbm>>) dst(%arg16 : memref<200x16xf32, #tpu.memory_space<vmem>>)
      %dma_wait3A_103 = arith.constant 0 : i32
      %dma_wait3A_104 = arith.constant 0 : i32
      %dma_wait3A_105 = tpu.memref_slice %arg3[%dma_wait3A_103, %dma_wait3A_104] : memref<10000x16xf32, #tpu.memory_space<hbm>> -> memref<10000x16xf32, #tpu.memory_space<hbm>>
      tpu.wait_indirect_dma semaphore(%arg20 : memref<!tpu.dma_semaphore, #tpu.memory_space<semaphore_mem>>) src(%dma_wait3A_105 : memref<10000x16xf32, #tpu.memory_space<hbm>>) dst(%arg17 : memref<200x16xf32, #tpu.memory_space<vmem>>)
      %dma_start3A_106 = arith.constant 0 : i32
      %dma_start3A_107 = tpu.memref_slice %arg6[%add3A_93, %dma_start3A_106] : memref<160000x128xf32, #tpu.memory_space<hbm>> -> memref<200x64xf32, #tpu.memory_space<hbm>>
      %dma_start3A_108 = arith.constant 0 : i32
      %dma_start3A_109 = tpu.memref_slice %arg6[%add3A_93, %dma_start3A_108] : memref<160000x128xf32, #tpu.memory_space<hbm>> -> memref<200x64xf32, #tpu.memory_space<hbm>>
      tpu.enqueue_dma source(%arg12 : memref<200x64xf32, #tpu.memory_space<vmem>>) target(%dma_start3A_109 : memref<200x64xf32, #tpu.memory_space<hbm>>) target_semaphore(%arg22 : memref<!tpu.dma_semaphore, #tpu.memory_space<semaphore_mem>>)
      %dma_start3A_110 = arith.constant 64 : i32
      %dma_start3A_111 = tpu.memref_slice %arg6[%add3A_93, %dma_start3A_110] : memref<160000x128xf32, #tpu.memory_space<hbm>> -> memref<200x64xf32, #tpu.memory_space<hbm>>
      %dma_start3A_112 = arith.constant 64 : i32
      %dma_start3A_113 = tpu.memref_slice %arg6[%add3A_93, %dma_start3A_112] : memref<160000x128xf32, #tpu.memory_space<hbm>> -> memref<200x64xf32, #tpu.memory_space<hbm>>
      tpu.enqueue_dma source(%arg13 : memref<200x64xf32, #tpu.memory_space<vmem>>) target(%dma_start3A_113 : memref<200x64xf32, #tpu.memory_space<hbm>>) target_semaphore(%arg22 : memref<!tpu.dma_semaphore, #tpu.memory_space<semaphore_mem>>)
      %dma_start3A_114 = arith.constant 0 : i32
      %dma_start3A_115 = tpu.memref_slice %arg7[%add3A_93, %dma_start3A_114] : memref<160000x128xf32, #tpu.memory_space<hbm>> -> memref<200x16xf32, #tpu.memory_space<hbm>>
      %dma_start3A_116 = arith.constant 0 : i32
      %dma_start3A_117 = tpu.memref_slice %arg7[%add3A_93, %dma_start3A_116] : memref<160000x128xf32, #tpu.memory_space<hbm>> -> memref<200x16xf32, #tpu.memory_space<hbm>>
      tpu.enqueue_dma source(%arg16 : memref<200x16xf32, #tpu.memory_space<vmem>>) target(%dma_start3A_117 : memref<200x16xf32, #tpu.memory_space<hbm>>) target_semaphore(%arg22 : memref<!tpu.dma_semaphore, #tpu.memory_space<semaphore_mem>>)
      %dma_start3A_118 = arith.constant 16 : i32
      %dma_start3A_119 = tpu.memref_slice %arg7[%add3A_93, %dma_start3A_118] : memref<160000x128xf32, #tpu.memory_space<hbm>> -> memref<200x16xf32, #tpu.memory_space<hbm>>
      %dma_start3A_120 = arith.constant 16 : i32
      %dma_start3A_121 = tpu.memref_slice %arg7[%add3A_93, %dma_start3A_120] : memref<160000x128xf32, #tpu.memory_space<hbm>> -> memref<200x16xf32, #tpu.memory_space<hbm>>
      tpu.enqueue_dma source(%arg17 : memref<200x16xf32, #tpu.memory_space<vmem>>) target(%dma_start3A_121 : memref<200x16xf32, #tpu.memory_space<hbm>>) target_semaphore(%arg22 : memref<!tpu.dma_semaphore, #tpu.memory_space<semaphore_mem>>)
      %mul3A_122 = arith.constant 200 : i32
      %mul3A_123 = arith.muli %mul3A_73, %mul3A_122 : i32
      %add3A_124 = arith.addi %mul3A_2, %mul3A_123 : i32
      %dma_wait3A_125 = arith.constant 0 : i32
      %dma_wait3A_126 = tpu.memref_slice %arg6[%add3A_124, %dma_wait3A_125] : memref<160000x128xf32, #tpu.memory_space<hbm>> -> memref<200x64xf32, #tpu.memory_space<hbm>>
      %dma_wait3A_127 = arith.constant 0 : i32
      %dma_wait3A_128 = tpu.memref_slice %arg6[%add3A_124, %dma_wait3A_127] : memref<160000x128xf32, #tpu.memory_space<hbm>> -> memref<200x64xf32, #tpu.memory_space<hbm>>
      tpu.wait_dma2 semaphore(%arg22 : memref<!tpu.dma_semaphore, #tpu.memory_space<semaphore_mem>>) src(%arg12 : memref<200x64xf32, #tpu.memory_space<vmem>>) dst(%dma_wait3A_128 : memref<200x64xf32, #tpu.memory_space<hbm>>)
      %dma_wait3A_129 = arith.constant 64 : i32
      %dma_wait3A_130 = tpu.memref_slice %arg6[%add3A_124, %dma_wait3A_129] : memref<160000x128xf32, #tpu.memory_space<hbm>> -> memref<200x64xf32, #tpu.memory_space<hbm>>
      %dma_wait3A_131 = arith.constant 64 : i32
      %dma_wait3A_132 = tpu.memref_slice %arg6[%add3A_124, %dma_wait3A_131] : memref<160000x128xf32, #tpu.memory_space<hbm>> -> memref<200x64xf32, #tpu.memory_space<hbm>>
      tpu.wait_dma2 semaphore(%arg22 : memref<!tpu.dma_semaphore, #tpu.memory_space<semaphore_mem>>) src(%arg13 : memref<200x64xf32, #tpu.memory_space<vmem>>) dst(%dma_wait3A_132 : memref<200x64xf32, #tpu.memory_space<hbm>>)
      %dma_wait3A_133 = arith.constant 0 : i32
      %dma_wait3A_134 = tpu.memref_slice %arg7[%add3A_124, %dma_wait3A_133] : memref<160000x128xf32, #tpu.memory_space<hbm>> -> memref<200x16xf32, #tpu.memory_space<hbm>>
      %dma_wait3A_135 = arith.constant 0 : i32
      %dma_wait3A_136 = tpu.memref_slice %arg7[%add3A_124, %dma_wait3A_135] : memref<160000x128xf32, #tpu.memory_space<hbm>> -> memref<200x16xf32, #tpu.memory_space<hbm>>
      tpu.wait_dma2 semaphore(%arg22 : memref<!tpu.dma_semaphore, #tpu.memory_space<semaphore_mem>>) src(%arg16 : memref<200x16xf32, #tpu.memory_space<vmem>>) dst(%dma_wait3A_136 : memref<200x16xf32, #tpu.memory_space<hbm>>)
      %dma_wait3A_137 = arith.constant 16 : i32
      %dma_wait3A_138 = tpu.memref_slice %arg7[%add3A_124, %dma_wait3A_137] : memref<160000x128xf32, #tpu.memory_space<hbm>> -> memref<200x16xf32, #tpu.memory_space<hbm>>
      %dma_wait3A_139 = arith.constant 16 : i32
      %dma_wait3A_140 = tpu.memref_slice %arg7[%add3A_124, %dma_wait3A_139] : memref<160000x128xf32, #tpu.memory_space<hbm>> -> memref<200x16xf32, #tpu.memory_space<hbm>>
      tpu.wait_dma2 semaphore(%arg22 : memref<!tpu.dma_semaphore, #tpu.memory_space<semaphore_mem>>) src(%arg17 : memref<200x16xf32, #tpu.memory_space<vmem>>) dst(%dma_wait3A_140 : memref<200x16xf32, #tpu.memory_space<hbm>>)
      %add3A_141 = arith.constant 2 : i32
      %add3A_142 = arith.addi %mul3A_73, %add3A_141 : i32
      %mul3A_143 = arith.constant 200 : i32
      %mul3A_144 = arith.muli %add3A_142, %mul3A_143 : i32
      %add3A_145 = arith.addi %mul3A_2, %mul3A_144 : i32
      "tpu.region"() ({
        %run_scoped3A = tpu.sem_alloc : memref<!tpu.dma_semaphore, #tpu.memory_space<semaphore_mem>>
        %dma_start3A_212 = tpu.memref_slice %arg4[%add3A_145] : memref<160000xi32, #tpu.memory_space<hbm>> -> memref<200xi32, #tpu.memory_space<hbm>>
        %dma_start3A_213 = tpu.memref_slice %arg4[%add3A_145] : memref<160000xi32, #tpu.memory_space<hbm>> -> memref<200xi32, #tpu.memory_space<hbm>>
        tpu.enqueue_dma source(%dma_start3A_213 : memref<200xi32, #tpu.memory_space<hbm>>) target(%arg8 : memref<200xi32, #tpu.memory_space<vmem>>) target_semaphore(%run_scoped3A : memref<!tpu.dma_semaphore, #tpu.memory_space<semaphore_mem>>)
        %dma_wait3A_214 = tpu.memref_slice %arg4[%add3A_145] : memref<160000xi32, #tpu.memory_space<hbm>> -> memref<200xi32, #tpu.memory_space<hbm>>
        %dma_wait3A_215 = tpu.memref_slice %arg4[%add3A_145] : memref<160000xi32, #tpu.memory_space<hbm>> -> memref<200xi32, #tpu.memory_space<hbm>>
        tpu.wait_dma2 semaphore(%run_scoped3A : memref<!tpu.dma_semaphore, #tpu.memory_space<semaphore_mem>>) src(%dma_wait3A_215 : memref<200xi32, #tpu.memory_space<hbm>>) dst(%arg8 : memref<200xi32, #tpu.memory_space<vmem>>)
        tpu.yield
      }) : () -> ()
      "tpu.region"() ({
        %run_scoped3A = tpu.sem_alloc : memref<!tpu.dma_semaphore, #tpu.memory_space<semaphore_mem>>
        %dma_start3A_212 = tpu.memref_slice %arg5[%add3A_145] : memref<160000xi32, #tpu.memory_space<hbm>> -> memref<200xi32, #tpu.memory_space<hbm>>
        %dma_start3A_213 = tpu.memref_slice %arg5[%add3A_145] : memref<160000xi32, #tpu.memory_space<hbm>> -> memref<200xi32, #tpu.memory_space<hbm>>
        tpu.enqueue_dma source(%dma_start3A_213 : memref<200xi32, #tpu.memory_space<hbm>>) target(%arg9 : memref<200xi32, #tpu.memory_space<vmem>>) target_semaphore(%run_scoped3A : memref<!tpu.dma_semaphore, #tpu.memory_space<semaphore_mem>>)
        %dma_wait3A_214 = tpu.memref_slice %arg5[%add3A_145] : memref<160000xi32, #tpu.memory_space<hbm>> -> memref<200xi32, #tpu.memory_space<hbm>>
        %dma_wait3A_215 = tpu.memref_slice %arg5[%add3A_145] : memref<160000xi32, #tpu.memory_space<hbm>> -> memref<200xi32, #tpu.memory_space<hbm>>
        tpu.wait_dma2 semaphore(%run_scoped3A : memref<!tpu.dma_semaphore, #tpu.memory_space<semaphore_mem>>) src(%dma_wait3A_215 : memref<200xi32, #tpu.memory_space<hbm>>) dst(%arg9 : memref<200xi32, #tpu.memory_space<vmem>>)
        tpu.yield
      }) : () -> ()
      %dma_start3A_146 = arith.constant 0 : i32
      %dma_start3A_147 = arith.constant 0 : i32
      %dma_start3A_148 = tpu.memref_slice %arg2[%dma_start3A_146, %dma_start3A_147] : memref<10000x64xf32, #tpu.memory_space<hbm>> -> memref<10000x64xf32, #tpu.memory_space<hbm>>
      tpu.enqueue_indirect_dma source(%dma_start3A_148 : memref<10000x64xf32, #tpu.memory_space<hbm>>) target(%arg12 : memref<200x64xf32, #tpu.memory_space<vmem>>) offsets(%arg8 : memref<200xi32, #tpu.memory_space<vmem>>) semaphore(%arg20 : memref<!tpu.dma_semaphore, #tpu.memory_space<semaphore_mem>>)
      %dma_start3A_149 = arith.constant 0 : i32
      %dma_start3A_150 = arith.constant 0 : i32
      %dma_start3A_151 = tpu.memref_slice %arg2[%dma_start3A_149, %dma_start3A_150] : memref<10000x64xf32, #tpu.memory_space<hbm>> -> memref<10000x64xf32, #tpu.memory_space<hbm>>
      tpu.enqueue_indirect_dma source(%dma_start3A_151 : memref<10000x64xf32, #tpu.memory_space<hbm>>) target(%arg13 : memref<200x64xf32, #tpu.memory_space<vmem>>) offsets(%arg9 : memref<200xi32, #tpu.memory_space<vmem>>) semaphore(%arg20 : memref<!tpu.dma_semaphore, #tpu.memory_space<semaphore_mem>>)
      %dma_start3A_152 = arith.constant 0 : i32
      %dma_start3A_153 = arith.constant 0 : i32
      %dma_start3A_154 = tpu.memref_slice %arg3[%dma_start3A_152, %dma_start3A_153] : memref<10000x16xf32, #tpu.memory_space<hbm>> -> memref<10000x16xf32, #tpu.memory_space<hbm>>
      tpu.enqueue_indirect_dma source(%dma_start3A_154 : memref<10000x16xf32, #tpu.memory_space<hbm>>) target(%arg16 : memref<200x16xf32, #tpu.memory_space<vmem>>) offsets(%arg8 : memref<200xi32, #tpu.memory_space<vmem>>) semaphore(%arg20 : memref<!tpu.dma_semaphore, #tpu.memory_space<semaphore_mem>>)
      %dma_start3A_155 = arith.constant 0 : i32
      %dma_start3A_156 = arith.constant 0 : i32
      %dma_start3A_157 = tpu.memref_slice %arg3[%dma_start3A_155, %dma_start3A_156] : memref<10000x16xf32, #tpu.memory_space<hbm>> -> memref<10000x16xf32, #tpu.memory_space<hbm>>
      tpu.enqueue_indirect_dma source(%dma_start3A_157 : memref<10000x16xf32, #tpu.memory_space<hbm>>) target(%arg17 : memref<200x16xf32, #tpu.memory_space<vmem>>) offsets(%arg9 : memref<200xi32, #tpu.memory_space<vmem>>) semaphore(%arg20 : memref<!tpu.dma_semaphore, #tpu.memory_space<semaphore_mem>>)
      %add3A_158 = arith.constant 1 : i32
      %add3A_159 = arith.addi %mul3A_73, %add3A_158 : i32
      %mul3A_160 = arith.constant 200 : i32
      %mul3A_161 = arith.muli %add3A_159, %mul3A_160 : i32
      %add3A_162 = arith.addi %mul3A_2, %mul3A_161 : i32
      %dma_wait3A_163 = arith.constant 0 : i32
      %dma_wait3A_164 = arith.constant 0 : i32
      %dma_wait3A_165 = tpu.memref_slice %arg2[%dma_wait3A_163, %dma_wait3A_164] : memref<10000x64xf32, #tpu.memory_space<hbm>> -> memref<10000x64xf32, #tpu.memory_space<hbm>>
      tpu.wait_indirect_dma semaphore(%arg21 : memref<!tpu.dma_semaphore, #tpu.memory_space<semaphore_mem>>) src(%dma_wait3A_165 : memref<10000x64xf32, #tpu.memory_space<hbm>>) dst(%arg14 : memref<200x64xf32, #tpu.memory_space<vmem>>)
      %dma_wait3A_166 = arith.constant 0 : i32
      %dma_wait3A_167 = arith.constant 0 : i32
      %dma_wait3A_168 = tpu.memref_slice %arg2[%dma_wait3A_166, %dma_wait3A_167] : memref<10000x64xf32, #tpu.memory_space<hbm>> -> memref<10000x64xf32, #tpu.memory_space<hbm>>
      tpu.wait_indirect_dma semaphore(%arg21 : memref<!tpu.dma_semaphore, #tpu.memory_space<semaphore_mem>>) src(%dma_wait3A_168 : memref<10000x64xf32, #tpu.memory_space<hbm>>) dst(%arg15 : memref<200x64xf32, #tpu.memory_space<vmem>>)
      %dma_wait3A_169 = arith.constant 0 : i32
      %dma_wait3A_170 = arith.constant 0 : i32
      %dma_wait3A_171 = tpu.memref_slice %arg3[%dma_wait3A_169, %dma_wait3A_170] : memref<10000x16xf32, #tpu.memory_space<hbm>> -> memref<10000x16xf32, #tpu.memory_space<hbm>>
      tpu.wait_indirect_dma semaphore(%arg21 : memref<!tpu.dma_semaphore, #tpu.memory_space<semaphore_mem>>) src(%dma_wait3A_171 : memref<10000x16xf32, #tpu.memory_space<hbm>>) dst(%arg18 : memref<200x16xf32, #tpu.memory_space<vmem>>)
      %dma_wait3A_172 = arith.constant 0 : i32
      %dma_wait3A_173 = arith.constant 0 : i32
      %dma_wait3A_174 = tpu.memref_slice %arg3[%dma_wait3A_172, %dma_wait3A_173] : memref<10000x16xf32, #tpu.memory_space<hbm>> -> memref<10000x16xf32, #tpu.memory_space<hbm>>
      tpu.wait_indirect_dma semaphore(%arg21 : memref<!tpu.dma_semaphore, #tpu.memory_space<semaphore_mem>>) src(%dma_wait3A_174 : memref<10000x16xf32, #tpu.memory_space<hbm>>) dst(%arg19 : memref<200x16xf32, #tpu.memory_space<vmem>>)
      %dma_start3A_175 = arith.constant 0 : i32
      %dma_start3A_176 = tpu.memref_slice %arg6[%add3A_162, %dma_start3A_175] : memref<160000x128xf32, #tpu.memory_space<hbm>> -> memref<200x64xf32, #tpu.memory_space<hbm>>
      %dma_start3A_177 = arith.constant 0 : i32
      %dma_start3A_178 = tpu.memref_slice %arg6[%add3A_162, %dma_start3A_177] : memref<160000x128xf32, #tpu.memory_space<hbm>> -> memref<200x64xf32, #tpu.memory_space<hbm>>
      tpu.enqueue_dma source(%arg14 : memref<200x64xf32, #tpu.memory_space<vmem>>) target(%dma_start3A_178 : memref<200x64xf32, #tpu.memory_space<hbm>>) target_semaphore(%arg23 : memref<!tpu.dma_semaphore, #tpu.memory_space<semaphore_mem>>)
      %dma_start3A_179 = arith.constant 64 : i32
      %dma_start3A_180 = tpu.memref_slice %arg6[%add3A_162, %dma_start3A_179] : memref<160000x128xf32, #tpu.memory_space<hbm>> -> memref<200x64xf32, #tpu.memory_space<hbm>>
      %dma_start3A_181 = arith.constant 64 : i32
      %dma_start3A_182 = tpu.memref_slice %arg6[%add3A_162, %dma_start3A_181] : memref<160000x128xf32, #tpu.memory_space<hbm>> -> memref<200x64xf32, #tpu.memory_space<hbm>>
      tpu.enqueue_dma source(%arg15 : memref<200x64xf32, #tpu.memory_space<vmem>>) target(%dma_start3A_182 : memref<200x64xf32, #tpu.memory_space<hbm>>) target_semaphore(%arg23 : memref<!tpu.dma_semaphore, #tpu.memory_space<semaphore_mem>>)
      %dma_start3A_183 = arith.constant 0 : i32
      %dma_start3A_184 = tpu.memref_slice %arg7[%add3A_162, %dma_start3A_183] : memref<160000x128xf32, #tpu.memory_space<hbm>> -> memref<200x16xf32, #tpu.memory_space<hbm>>
      %dma_start3A_185 = arith.constant 0 : i32
      %dma_start3A_186 = tpu.memref_slice %arg7[%add3A_162, %dma_start3A_185] : memref<160000x128xf32, #tpu.memory_space<hbm>> -> memref<200x16xf32, #tpu.memory_space<hbm>>
      tpu.enqueue_dma source(%arg18 : memref<200x16xf32, #tpu.memory_space<vmem>>) target(%dma_start3A_186 : memref<200x16xf32, #tpu.memory_space<hbm>>) target_semaphore(%arg23 : memref<!tpu.dma_semaphore, #tpu.memory_space<semaphore_mem>>)
      %dma_start3A_187 = arith.constant 16 : i32
      %dma_start3A_188 = tpu.memref_slice %arg7[%add3A_162, %dma_start3A_187] : memref<160000x128xf32, #tpu.memory_space<hbm>> -> memref<200x16xf32, #tpu.memory_space<hbm>>
      %dma_start3A_189 = arith.constant 16 : i32
      %dma_start3A_190 = tpu.memref_slice %arg7[%add3A_162, %dma_start3A_189] : memref<160000x128xf32, #tpu.memory_space<hbm>> -> memref<200x16xf32, #tpu.memory_space<hbm>>
      tpu.enqueue_dma source(%arg19 : memref<200x16xf32, #tpu.memory_space<vmem>>) target(%dma_start3A_190 : memref<200x16xf32, #tpu.memory_space<hbm>>) target_semaphore(%arg23 : memref<!tpu.dma_semaphore, #tpu.memory_space<semaphore_mem>>)
      %add3A_191 = arith.constant 1 : i32
      %add3A_192 = arith.addi %mul3A_73, %add3A_191 : i32
      %mul3A_193 = arith.constant 200 : i32
      %mul3A_194 = arith.muli %add3A_192, %mul3A_193 : i32
      %add3A_195 = arith.addi %mul3A_2, %mul3A_194 : i32
      %dma_wait3A_196 = arith.constant 0 : i32
      %dma_wait3A_197 = tpu.memref_slice %arg6[%add3A_195, %dma_wait3A_196] : memref<160000x128xf32, #tpu.memory_space<hbm>> -> memref<200x64xf32, #tpu.memory_space<hbm>>
      %dma_wait3A_198 = arith.constant 0 : i32
      %dma_wait3A_199 = tpu.memref_slice %arg6[%add3A_195, %dma_wait3A_198] : memref<160000x128xf32, #tpu.memory_space<hbm>> -> memref<200x64xf32, #tpu.memory_space<hbm>>
      tpu.wait_dma2 semaphore(%arg23 : memref<!tpu.dma_semaphore, #tpu.memory_space<semaphore_mem>>) src(%arg14 : memref<200x64xf32, #tpu.memory_space<vmem>>) dst(%dma_wait3A_199 : memref<200x64xf32, #tpu.memory_space<hbm>>)
      %dma_wait3A_200 = arith.constant 64 : i32
      %dma_wait3A_201 = tpu.memref_slice %arg6[%add3A_195, %dma_wait3A_200] : memref<160000x128xf32, #tpu.memory_space<hbm>> -> memref<200x64xf32, #tpu.memory_space<hbm>>
      %dma_wait3A_202 = arith.constant 64 : i32
      %dma_wait3A_203 = tpu.memref_slice %arg6[%add3A_195, %dma_wait3A_202] : memref<160000x128xf32, #tpu.memory_space<hbm>> -> memref<200x64xf32, #tpu.memory_space<hbm>>
      tpu.wait_dma2 semaphore(%arg23 : memref<!tpu.dma_semaphore, #tpu.memory_space<semaphore_mem>>) src(%arg15 : memref<200x64xf32, #tpu.memory_space<vmem>>) dst(%dma_wait3A_203 : memref<200x64xf32, #tpu.memory_space<hbm>>)
      %dma_wait3A_204 = arith.constant 0 : i32
      %dma_wait3A_205 = tpu.memref_slice %arg7[%add3A_195, %dma_wait3A_204] : memref<160000x128xf32, #tpu.memory_space<hbm>> -> memref<200x16xf32, #tpu.memory_space<hbm>>
      %dma_wait3A_206 = arith.constant 0 : i32
      %dma_wait3A_207 = tpu.memref_slice %arg7[%add3A_195, %dma_wait3A_206] : memref<160000x128xf32, #tpu.memory_space<hbm>> -> memref<200x16xf32, #tpu.memory_space<hbm>>
      tpu.wait_dma2 semaphore(%arg23 : memref<!tpu.dma_semaphore, #tpu.memory_space<semaphore_mem>>) src(%arg18 : memref<200x16xf32, #tpu.memory_space<vmem>>) dst(%dma_wait3A_207 : memref<200x16xf32, #tpu.memory_space<hbm>>)
      %dma_wait3A_208 = arith.constant 16 : i32
      %dma_wait3A_209 = tpu.memref_slice %arg7[%add3A_195, %dma_wait3A_208] : memref<160000x128xf32, #tpu.memory_space<hbm>> -> memref<200x16xf32, #tpu.memory_space<hbm>>
      %dma_wait3A_210 = arith.constant 16 : i32
      %dma_wait3A_211 = tpu.memref_slice %arg7[%add3A_195, %dma_wait3A_210] : memref<160000x128xf32, #tpu.memory_space<hbm>> -> memref<200x16xf32, #tpu.memory_space<hbm>>
      tpu.wait_dma2 semaphore(%arg23 : memref<!tpu.dma_semaphore, #tpu.memory_space<semaphore_mem>>) src(%arg19 : memref<200x16xf32, #tpu.memory_space<vmem>>) dst(%dma_wait3A_211 : memref<200x16xf32, #tpu.memory_space<hbm>>)
    }
    %scan3A_19 = arith.constant 12 : i32
    %add3A_20 = arith.constant 4800 : i32
    %add3A_21 = arith.addi %mul3A_2, %add3A_20 : i32
    %dma_wait3A = arith.constant 0 : i32
    %dma_wait3A_22 = arith.constant 0 : i32
    %dma_wait3A_23 = tpu.memref_slice %arg2[%dma_wait3A, %dma_wait3A_22] : memref<10000x64xf32, #tpu.memory_space<hbm>> -> memref<10000x64xf32, #tpu.memory_space<hbm>>
    tpu.wait_indirect_dma semaphore(%arg20 : memref<!tpu.dma_semaphore, #tpu.memory_space<semaphore_mem>>) src(%dma_wait3A_23 : memref<10000x64xf32, #tpu.memory_space<hbm>>) dst(%arg12 : memref<200x64xf32, #tpu.memory_space<vmem>>)
    %dma_wait3A_24 = arith.constant 0 : i32
    %dma_wait3A_25 = arith.constant 0 : i32
    %dma_wait3A_26 = tpu.memref_slice %arg2[%dma_wait3A_24, %dma_wait3A_25] : memref<10000x64xf32, #tpu.memory_space<hbm>> -> memref<10000x64xf32, #tpu.memory_space<hbm>>
    tpu.wait_indirect_dma semaphore(%arg20 : memref<!tpu.dma_semaphore, #tpu.memory_space<semaphore_mem>>) src(%dma_wait3A_26 : memref<10000x64xf32, #tpu.memory_space<hbm>>) dst(%arg13 : memref<200x64xf32, #tpu.memory_space<vmem>>)
    %dma_wait3A_27 = arith.constant 0 : i32
    %dma_wait3A_28 = arith.constant 0 : i32
    %dma_wait3A_29 = tpu.memref_slice %arg3[%dma_wait3A_27, %dma_wait3A_28] : memref<10000x16xf32, #tpu.memory_space<hbm>> -> memref<10000x16xf32, #tpu.memory_space<hbm>>
    tpu.wait_indirect_dma semaphore(%arg20 : memref<!tpu.dma_semaphore, #tpu.memory_space<semaphore_mem>>) src(%dma_wait3A_29 : memref<10000x16xf32, #tpu.memory_space<hbm>>) dst(%arg16 : memref<200x16xf32, #tpu.memory_space<vmem>>)
    %dma_wait3A_30 = arith.constant 0 : i32
    %dma_wait3A_31 = arith.constant 0 : i32
    %dma_wait3A_32 = tpu.memref_slice %arg3[%dma_wait3A_30, %dma_wait3A_31] : memref<10000x16xf32, #tpu.memory_space<hbm>> -> memref<10000x16xf32, #tpu.memory_space<hbm>>
    tpu.wait_indirect_dma semaphore(%arg20 : memref<!tpu.dma_semaphore, #tpu.memory_space<semaphore_mem>>) src(%dma_wait3A_32 : memref<10000x16xf32, #tpu.memory_space<hbm>>) dst(%arg17 : memref<200x16xf32, #tpu.memory_space<vmem>>)
    %dma_start3A_33 = arith.constant 0 : i32
    %dma_start3A_34 = tpu.memref_slice %arg6[%add3A_21, %dma_start3A_33] : memref<160000x128xf32, #tpu.memory_space<hbm>> -> memref<200x64xf32, #tpu.memory_space<hbm>>
    %dma_start3A_35 = arith.constant 0 : i32
    %dma_start3A_36 = tpu.memref_slice %arg6[%add3A_21, %dma_start3A_35] : memref<160000x128xf32, #tpu.memory_space<hbm>> -> memref<200x64xf32, #tpu.memory_space<hbm>>
    tpu.enqueue_dma source(%arg12 : memref<200x64xf32, #tpu.memory_space<vmem>>) target(%dma_start3A_36 : memref<200x64xf32, #tpu.memory_space<hbm>>) target_semaphore(%arg22 : memref<!tpu.dma_semaphore, #tpu.memory_space<semaphore_mem>>)
    %dma_start3A_37 = arith.constant 64 : i32
    %dma_start3A_38 = tpu.memref_slice %arg6[%add3A_21, %dma_start3A_37] : memref<160000x128xf32, #tpu.memory_space<hbm>> -> memref<200x64xf32, #tpu.memory_space<hbm>>
    %dma_start3A_39 = arith.constant 64 : i32
    %dma_start3A_40 = tpu.memref_slice %arg6[%add3A_21, %dma_start3A_39] : memref<160000x128xf32, #tpu.memory_space<hbm>> -> memref<200x64xf32, #tpu.memory_space<hbm>>
    tpu.enqueue_dma source(%arg13 : memref<200x64xf32, #tpu.memory_space<vmem>>) target(%dma_start3A_40 : memref<200x64xf32, #tpu.memory_space<hbm>>) target_semaphore(%arg22 : memref<!tpu.dma_semaphore, #tpu.memory_space<semaphore_mem>>)
    %dma_start3A_41 = arith.constant 0 : i32
    %dma_start3A_42 = tpu.memref_slice %arg7[%add3A_21, %dma_start3A_41] : memref<160000x128xf32, #tpu.memory_space<hbm>> -> memref<200x16xf32, #tpu.memory_space<hbm>>
    %dma_start3A_43 = arith.constant 0 : i32
    %dma_start3A_44 = tpu.memref_slice %arg7[%add3A_21, %dma_start3A_43] : memref<160000x128xf32, #tpu.memory_space<hbm>> -> memref<200x16xf32, #tpu.memory_space<hbm>>
    tpu.enqueue_dma source(%arg16 : memref<200x16xf32, #tpu.memory_space<vmem>>) target(%dma_start3A_44 : memref<200x16xf32, #tpu.memory_space<hbm>>) target_semaphore(%arg22 : memref<!tpu.dma_semaphore, #tpu.memory_space<semaphore_mem>>)
    %dma_start3A_45 = arith.constant 16 : i32
    %dma_start3A_46 = tpu.memref_slice %arg7[%add3A_21, %dma_start3A_45] : memref<160000x128xf32, #tpu.memory_space<hbm>> -> memref<200x16xf32, #tpu.memory_space<hbm>>
    %dma_start3A_47 = arith.constant 16 : i32
    %dma_start3A_48 = tpu.memref_slice %arg7[%add3A_21, %dma_start3A_47] : memref<160000x128xf32, #tpu.memory_space<hbm>> -> memref<200x16xf32, #tpu.memory_space<hbm>>
    tpu.enqueue_dma source(%arg17 : memref<200x16xf32, #tpu.memory_space<vmem>>) target(%dma_start3A_48 : memref<200x16xf32, #tpu.memory_space<hbm>>) target_semaphore(%arg22 : memref<!tpu.dma_semaphore, #tpu.memory_space<semaphore_mem>>)
    %add3A_49 = arith.constant 4800 : i32
    %add3A_50 = arith.addi %mul3A_2, %add3A_49 : i32
    %dma_wait3A_51 = arith.constant 0 : i32
    %dma_wait3A_52 = tpu.memref_slice %arg6[%add3A_50, %dma_wait3A_51] : memref<160000x128xf32, #tpu.memory_space<hbm>> -> memref<200x64xf32, #tpu.memory_space<hbm>>
    %dma_wait3A_53 = arith.constant 0 : i32
    %dma_wait3A_54 = tpu.memref_slice %arg6[%add3A_50, %dma_wait3A_53] : memref<160000x128xf32, #tpu.memory_space<hbm>> -> memref<200x64xf32, #tpu.memory_space<hbm>>
    tpu.wait_dma2 semaphore(%arg22 : memref<!tpu.dma_semaphore, #tpu.memory_space<semaphore_mem>>) src(%arg12 : memref<200x64xf32, #tpu.memory_space<vmem>>) dst(%dma_wait3A_54 : memref<200x64xf32, #tpu.memory_space<hbm>>)
    %dma_wait3A_55 = arith.constant 64 : i32
    %dma_wait3A_56 = tpu.memref_slice %arg6[%add3A_50, %dma_wait3A_55] : memref<160000x128xf32, #tpu.memory_space<hbm>> -> memref<200x64xf32, #tpu.memory_space<hbm>>
    %dma_wait3A_57 = arith.constant 64 : i32
    %dma_wait3A_58 = tpu.memref_slice %arg6[%add3A_50, %dma_wait3A_57] : memref<160000x128xf32, #tpu.memory_space<hbm>> -> memref<200x64xf32, #tpu.memory_space<hbm>>
    tpu.wait_dma2 semaphore(%arg22 : memref<!tpu.dma_semaphore, #tpu.memory_space<semaphore_mem>>) src(%arg13 : memref<200x64xf32, #tpu.memory_space<vmem>>) dst(%dma_wait3A_58 : memref<200x64xf32, #tpu.memory_space<hbm>>)
    %dma_wait3A_59 = arith.constant 0 : i32
    %dma_wait3A_60 = tpu.memref_slice %arg7[%add3A_50, %dma_wait3A_59] : memref<160000x128xf32, #tpu.memory_space<hbm>> -> memref<200x16xf32, #tpu.memory_space<hbm>>
    %dma_wait3A_61 = arith.constant 0 : i32
    %dma_wait3A_62 = tpu.memref_slice %arg7[%add3A_50, %dma_wait3A_61] : memref<160000x128xf32, #tpu.memory_space<hbm>> -> memref<200x16xf32, #tpu.memory_space<hbm>>
    tpu.wait_dma2 semaphore(%arg22 : memref<!tpu.dma_semaphore, #tpu.memory_space<semaphore_mem>>) src(%arg16 : memref<200x16xf32, #tpu.memory_space<vmem>>) dst(%dma_wait3A_62 : memref<200x16xf32, #tpu.memory_space<hbm>>)
    %dma_wait3A_63 = arith.constant 16 : i32
    %dma_wait3A_64 = tpu.memref_slice %arg7[%add3A_50, %dma_wait3A_63] : memref<160000x128xf32, #tpu.memory_space<hbm>> -> memref<200x16xf32, #tpu.memory_space<hbm>>
    %dma_wait3A_65 = arith.constant 16 : i32
    %dma_wait3A_66 = tpu.memref_slice %arg7[%add3A_50, %dma_wait3A_65] : memref<160000x128xf32, #tpu.memory_space<hbm>> -> memref<200x16xf32, #tpu.memory_space<hbm>>
    tpu.wait_dma2 semaphore(%arg22 : memref<!tpu.dma_semaphore, #tpu.memory_space<semaphore_mem>>) src(%arg17 : memref<200x16xf32, #tpu.memory_space<vmem>>) dst(%dma_wait3A_66 : memref<200x16xf32, #tpu.memory_space<hbm>>)
    return
  }
}

#map = affine_map<(d0, d1) -> (0, 0)>
#map1 = affine_map<(d0, d1) -> (0)>
module attributes {stable_mosaic.version = 14 : i64} {
  func.func @k(%arg0: i32, %arg1: i32, %arg2: memref<10000x64xf32, #tpu.memory_space<hbm>>, %arg3: memref<10000x16xf32, #tpu.memory_space<hbm>>, %arg4: memref<160000xi32, #tpu.memory_space<hbm>>, %arg5: memref<160000xi32, #tpu.memory_space<hbm>>, %arg6: memref<160000x128xf32, #tpu.memory_space<hbm>>, %arg7: memref<160000x128xf32, #tpu.memory_space<hbm>>, %arg8: memref<200xi32, #tpu.memory_space<vmem>>, %arg9: memref<200xi32, #tpu.memory_space<vmem>>, %arg10: memref<200xi32, #tpu.memory_space<vmem>>, %arg11: memref<200xi32, #tpu.memory_space<vmem>>, %arg12: memref<200x64xf32, #tpu.memory_space<vmem>>, %arg13: memref<200x64xf32, #tpu.memory_space<vmem>>, %arg14: memref<200x64xf32, #tpu.memory_space<vmem>>, %arg15: memref<200x64xf32, #tpu.memory_space<vmem>>, %arg16: memref<200x16xf32, #tpu.memory_space<vmem>>, %arg17: memref<200x16xf32, #tpu.memory_space<vmem>>, %arg18: memref<200x16xf32, #tpu.memory_space<vmem>>, %arg19: memref<200x16xf32, #tpu.memory_space<vmem>>, %arg20: memref<!tpu.dma_semaphore, #tpu.memory_space<semaphore_mem>>, %arg21: memref<!tpu.dma_semaphore, #tpu.memory_space<semaphore_mem>>, %arg22: memref<!tpu.dma_semaphore, #tpu.memory_space<semaphore_mem>>, %arg23: memref<!tpu.dma_semaphore, #tpu.memory_space<semaphore_mem>>) attributes {dimension_semantics = [#tpu.dimension_semantics<core_parallel>, #tpu.dimension_semantics<subcore_parallel>], iteration_bounds = array<i64: 2, 16>, scalar_prefetch = 0 : i64, scratch_operands = 16 : i64, tpu.core_type = #tpu.core_type<sc_vector_subcore>, window_params = [{transform_indices = #map}, {transform_indices = #map}, {transform_indices = #map1}, {transform_indices = #map1}, {transform_indices = #map}, {transform_indices = #map}]} {
    %mul3A = arith.constant 2 : i32
    %mul3A_0 = arith.muli %arg1, %mul3A : i32
    %add3A = arith.addi %mul3A_0, %arg0 : i32
    %mul3A_1 = arith.constant 5000 : i32
    %mul3A_2 = arith.muli %add3A, %mul3A_1 : i32
    %add3A_3 = arith.constant 0 : i32
    %add3A_4 = arith.addi %mul3A_2, %add3A_3 : i32
    "tpu.region"() ({
      %run_scoped3A = tpu.sem_alloc : memref<!tpu.dma_semaphore, #tpu.memory_space<semaphore_mem>>
      %dma_start3A_67 = tpu.memref_slice %arg4[%add3A_4] : memref<160000xi32, #tpu.memory_space<hbm>> -> memref<200xi32, #tpu.memory_space<hbm>>
      %dma_start3A_68 = tpu.memref_slice %arg4[%add3A_4] : memref<160000xi32, #tpu.memory_space<hbm>> -> memref<200xi32, #tpu.memory_space<hbm>>
      tpu.enqueue_dma source(%dma_start3A_68 : memref<200xi32, #tpu.memory_space<hbm>>) target(%arg8 : memref<200xi32, #tpu.memory_space<vmem>>) target_semaphore(%run_scoped3A : memref<!tpu.dma_semaphore, #tpu.memory_space<semaphore_mem>>)
      %dma_wait3A_69 = tpu.memref_slice %arg4[%add3A_4] : memref<160000xi32, #tpu.memory_space<hbm>> -> memref<200xi32, #tpu.memory_space<hbm>>
      %dma_wait3A_70 = tpu.memref_slice %arg4[%add3A_4] : memref<160000xi32, #tpu.memory_space<hbm>> -> memref<200xi32, #tpu.memory_space<hbm>>
      tpu.wait_dma2 semaphore(%run_scoped3A : memref<!tpu.dma_semaphore, #tpu.memory_space<semaphore_mem>>) src(%dma_wait3A_70 : memref<200xi32, #tpu.memory_space<hbm>>) dst(%arg8 : memref<200xi32, #tpu.memory_space<vmem>>)
      tpu.yield
    }) : () -> ()
    "tpu.region"() ({
      %run_scoped3A = tpu.sem_alloc : memref<!tpu.dma_semaphore, #tpu.memory_space<semaphore_mem>>
      %dma_start3A_67 = tpu.memref_slice %arg5[%add3A_4] : memref<160000xi32, #tpu.memory_space<hbm>> -> memref<200xi32, #tpu.memory_space<hbm>>
      %dma_start3A_68 = tpu.memref_slice %arg5[%add3A_4] : memref<160000xi32, #tpu.memory_space<hbm>> -> memref<200xi32, #tpu.memory_space<hbm>>
      tpu.enqueue_dma source(%dma_start3A_68 : memref<200xi32, #tpu.memory_space<hbm>>) target(%arg9 : memref<200xi32, #tpu.memory_space<vmem>>) target_semaphore(%run_scoped3A : memref<!tpu.dma_semaphore, #tpu.memory_space<semaphore_mem>>)
      %dma_wait3A_69 = tpu.memref_slice %arg5[%add3A_4] : memref<160000xi32, #tpu.memory_space<hbm>> -> memref<200xi32, #tpu.memory_space<hbm>>
      %dma_wait3A_70 = tpu.memref_slice %arg5[%add3A_4] : memref<160000xi32, #tpu.memory_space<hbm>> -> memref<200xi32, #tpu.memory_space<hbm>>
      tpu.wait_dma2 semaphore(%run_scoped3A : memref<!tpu.dma_semaphore, #tpu.memory_space<semaphore_mem>>) src(%dma_wait3A_70 : memref<200xi32, #tpu.memory_space<hbm>>) dst(%arg9 : memref<200xi32, #tpu.memory_space<vmem>>)
      tpu.yield
    }) : () -> ()
    %dma_start3A = arith.constant 0 : i32
    %dma_start3A_5 = arith.constant 0 : i32
    %dma_start3A_6 = tpu.memref_slice %arg2[%dma_start3A, %dma_start3A_5] : memref<10000x64xf32, #tpu.memory_space<hbm>> -> memref<10000x64xf32, #tpu.memory_space<hbm>>
    tpu.enqueue_indirect_dma source(%dma_start3A_6 : memref<10000x64xf32, #tpu.memory_space<hbm>>) target(%arg12 : memref<200x64xf32, #tpu.memory_space<vmem>>) offsets(%arg8 : memref<200xi32, #tpu.memory_space<vmem>>) semaphore(%arg20 : memref<!tpu.dma_semaphore, #tpu.memory_space<semaphore_mem>>)
    %dma_start3A_7 = arith.constant 0 : i32
    %dma_start3A_8 = arith.constant 0 : i32
    %dma_start3A_9 = tpu.memref_slice %arg2[%dma_start3A_7, %dma_start3A_8] : memref<10000x64xf32, #tpu.memory_space<hbm>> -> memref<10000x64xf32, #tpu.memory_space<hbm>>
    tpu.enqueue_indirect_dma source(%dma_start3A_9 : memref<10000x64xf32, #tpu.memory_space<hbm>>) target(%arg13 : memref<200x64xf32, #tpu.memory_space<vmem>>) offsets(%arg9 : memref<200xi32, #tpu.memory_space<vmem>>) semaphore(%arg20 : memref<!tpu.dma_semaphore, #tpu.memory_space<semaphore_mem>>)
    %dma_start3A_10 = arith.constant 0 : i32
    %dma_start3A_11 = arith.constant 0 : i32
    %dma_start3A_12 = tpu.memref_slice %arg3[%dma_start3A_10, %dma_start3A_11] : memref<10000x16xf32, #tpu.memory_space<hbm>> -> memref<10000x16xf32, #tpu.memory_space<hbm>>
    tpu.enqueue_indirect_dma source(%dma_start3A_12 : memref<10000x16xf32, #tpu.memory_space<hbm>>) target(%arg16 : memref<200x16xf32, #tpu.memory_space<vmem>>) offsets(%arg8 : memref<200xi32, #tpu.memory_space<vmem>>) semaphore(%arg20 : memref<!tpu.dma_semaphore, #tpu.memory_space<semaphore_mem>>)
    %dma_start3A_13 = arith.constant 0 : i32
    %dma_start3A_14 = arith.constant 0 : i32
    %dma_start3A_15 = tpu.memref_slice %arg3[%dma_start3A_13, %dma_start3A_14] : memref<10000x16xf32, #tpu.memory_space<hbm>> -> memref<10000x16xf32, #tpu.memory_space<hbm>>
    tpu.enqueue_indirect_dma source(%dma_start3A_15 : memref<10000x16xf32, #tpu.memory_space<hbm>>) target(%arg17 : memref<200x16xf32, #tpu.memory_space<vmem>>) offsets(%arg9 : memref<200xi32, #tpu.memory_space<vmem>>) semaphore(%arg20 : memref<!tpu.dma_semaphore, #tpu.memory_space<semaphore_mem>>)
    %scan3A = arith.constant 0 : i32
    %scan3A_16 = arith.constant 12 : i32
    %scan3A_17 = arith.addi %scan3A, %scan3A_16 : i32
    %scan3A_18 = arith.constant 1 : i32
    scf.for %scan3A_67 = %scan3A to %scan3A_17 step %scan3A_18  : i32 {
      %mul3A_68 = arith.constant 1 : i32
      %mul3A_69 = arith.muli %scan3A_67, %mul3A_68 : i32
      %add3A_70 = arith.constant 0 : i32
      %add3A_71 = arith.addi %add3A_70, %mul3A_69 : i32
      %mul3A_72 = arith.constant 2 : i32
      %mul3A_73 = arith.muli %mul3A_72, %add3A_71 : i32
      %add3A_74 = arith.constant 1 : i32
      %add3A_75 = arith.addi %mul3A_73, %add3A_74 : i32
      %mul3A_76 = arith.constant 200 : i32
      %mul3A_77 = arith.muli %add3A_75, %mul3A_76 : i32
      %add3A_78 = arith.addi %mul3A_2, %mul3A_77 : i32
      "tpu.region"() ({
        %run_scoped3A = tpu.sem_alloc : memref<!tpu.dma_semaphore, #tpu.memory_space<semaphore_mem>>
        %dma_start3A_212 = tpu.memref_slice %arg4[%add3A_78] : memref<160000xi32, #tpu.memory_space<hbm>> -> memref<200xi32, #tpu.memory_space<hbm>>
        %dma_start3A_213 = tpu.memref_slice %arg4[%add3A_78] : memref<160000xi32, #tpu.memory_space<hbm>> -> memref<200xi32, #tpu.memory_space<hbm>>
        tpu.enqueue_dma source(%dma_start3A_213 : memref<200xi32, #tpu.memory_space<hbm>>) target(%arg10 : memref<200xi32, #tpu.memory_space<vmem>>) target_semaphore(%run_scoped3A : memref<!tpu.dma_semaphore, #tpu.memory_space<semaphore_mem>>)
        %dma_wait3A_214 = tpu.memref_slice %arg4[%add3A_78] : memref<160000xi32, #tpu.memory_space<hbm>> -> memref<200xi32, #tpu.memory_space<hbm>>
        %dma_wait3A_215 = tpu.memref_slice %arg4[%add3A_78] : memref<160000xi32, #tpu.memory_space<hbm>> -> memref<200xi32, #tpu.memory_space<hbm>>
        tpu.wait_dma2 semaphore(%run_scoped3A : memref<!tpu.dma_semaphore, #tpu.memory_space<semaphore_mem>>) src(%dma_wait3A_215 : memref<200xi32, #tpu.memory_space<hbm>>) dst(%arg10 : memref<200xi32, #tpu.memory_space<vmem>>)
        tpu.yield
      }) : () -> ()
      "tpu.region"() ({
        %run_scoped3A = tpu.sem_alloc : memref<!tpu.dma_semaphore, #tpu.memory_space<semaphore_mem>>
        %dma_start3A_212 = tpu.memref_slice %arg5[%add3A_78] : memref<160000xi32, #tpu.memory_space<hbm>> -> memref<200xi32, #tpu.memory_space<hbm>>
        %dma_start3A_213 = tpu.memref_slice %arg5[%add3A_78] : memref<160000xi32, #tpu.memory_space<hbm>> -> memref<200xi32, #tpu.memory_space<hbm>>
        tpu.enqueue_dma source(%dma_start3A_213 : memref<200xi32, #tpu.memory_space<hbm>>) target(%arg11 : memref<200xi32, #tpu.memory_space<vmem>>) target_semaphore(%run_scoped3A : memref<!tpu.dma_semaphore, #tpu.memory_space<semaphore_mem>>)
        %dma_wait3A_214 = tpu.memref_slice %arg5[%add3A_78] : memref<160000xi32, #tpu.memory_space<hbm>> -> memref<200xi32, #tpu.memory_space<hbm>>
        %dma_wait3A_215 = tpu.memref_slice %arg5[%add3A_78] : memref<160000xi32, #tpu.memory_space<hbm>> -> memref<200xi32, #tpu.memory_space<hbm>>
        tpu.wait_dma2 semaphore(%run_scoped3A : memref<!tpu.dma_semaphore, #tpu.memory_space<semaphore_mem>>) src(%dma_wait3A_215 : memref<200xi32, #tpu.memory_space<hbm>>) dst(%arg11 : memref<200xi32, #tpu.memory_space<vmem>>)
        tpu.yield
      }) : () -> ()
      %dma_start3A_79 = arith.constant 0 : i32
      %dma_start3A_80 = arith.constant 0 : i32
      %dma_start3A_81 = tpu.memref_slice %arg2[%dma_start3A_79, %dma_start3A_80] : memref<10000x64xf32, #tpu.memory_space<hbm>> -> memref<10000x64xf32, #tpu.memory_space<hbm>>
      tpu.enqueue_indirect_dma source(%dma_start3A_81 : memref<10000x64xf32, #tpu.memory_space<hbm>>) target(%arg14 : memref<200x64xf32, #tpu.memory_space<vmem>>) offsets(%arg10 : memref<200xi32, #tpu.memory_space<vmem>>) semaphore(%arg21 : memref<!tpu.dma_semaphore, #tpu.memory_space<semaphore_mem>>)
      %dma_start3A_82 = arith.constant 0 : i32
      %dma_start3A_83 = arith.constant 0 : i32
      %dma_start3A_84 = tpu.memref_slice %arg2[%dma_start3A_82, %dma_start3A_83] : memref<10000x64xf32, #tpu.memory_space<hbm>> -> memref<10000x64xf32, #tpu.memory_space<hbm>>
      tpu.enqueue_indirect_dma source(%dma_start3A_84 : memref<10000x64xf32, #tpu.memory_space<hbm>>) target(%arg15 : memref<200x64xf32, #tpu.memory_space<vmem>>) offsets(%arg11 : memref<200xi32, #tpu.memory_space<vmem>>) semaphore(%arg21 : memref<!tpu.dma_semaphore, #tpu.memory_space<semaphore_mem>>)
      %dma_start3A_85 = arith.constant 0 : i32
      %dma_start3A_86 = arith.constant 0 : i32
      %dma_start3A_87 = tpu.memref_slice %arg3[%dma_start3A_85, %dma_start3A_86] : memref<10000x16xf32, #tpu.memory_space<hbm>> -> memref<10000x16xf32, #tpu.memory_space<hbm>>
      tpu.enqueue_indirect_dma source(%dma_start3A_87 : memref<10000x16xf32, #tpu.memory_space<hbm>>) target(%arg18 : memref<200x16xf32, #tpu.memory_space<vmem>>) offsets(%arg10 : memref<200xi32, #tpu.memory_space<vmem>>) semaphore(%arg21 : memref<!tpu.dma_semaphore, #tpu.memory_space<semaphore_mem>>)
      %dma_start3A_88 = arith.constant 0 : i32
      %dma_start3A_89 = arith.constant 0 : i32
      %dma_start3A_90 = tpu.memref_slice %arg3[%dma_start3A_88, %dma_start3A_89] : memref<10000x16xf32, #tpu.memory_space<hbm>> -> memref<10000x16xf32, #tpu.memory_space<hbm>>
      tpu.enqueue_indirect_dma source(%dma_start3A_90 : memref<10000x16xf32, #tpu.memory_space<hbm>>) target(%arg19 : memref<200x16xf32, #tpu.memory_space<vmem>>) offsets(%arg11 : memref<200xi32, #tpu.memory_space<vmem>>) semaphore(%arg21 : memref<!tpu.dma_semaphore, #tpu.memory_space<semaphore_mem>>)
      %mul3A_91 = arith.constant 200 : i32
      %mul3A_92 = arith.muli %mul3A_73, %mul3A_91 : i32
      %add3A_93 = arith.addi %mul3A_2, %mul3A_92 : i32
      %dma_wait3A_94 = arith.constant 0 : i32
      %dma_wait3A_95 = arith.constant 0 : i32
      %dma_wait3A_96 = tpu.memref_slice %arg2[%dma_wait3A_94, %dma_wait3A_95] : memref<10000x64xf32, #tpu.memory_space<hbm>> -> memref<10000x64xf32, #tpu.memory_space<hbm>>
      tpu.wait_indirect_dma semaphore(%arg20 : memref<!tpu.dma_semaphore, #tpu.memory_space<semaphore_mem>>) src(%dma_wait3A_96 : memref<10000x64xf32, #tpu.memory_space<hbm>>) dst(%arg12 : memref<200x64xf32, #tpu.memory_space<vmem>>)
      %dma_wait3A_97 = arith.constant 0 : i32
      %dma_wait3A_98 = arith.constant 0 : i32
      %dma_wait3A_99 = tpu.memref_slice %arg2[%dma_wait3A_97, %dma_wait3A_98] : memref<10000x64xf32, #tpu.memory_space<hbm>> -> memref<10000x64xf32, #tpu.memory_space<hbm>>
      tpu.wait_indirect_dma semaphore(%arg20 : memref<!tpu.dma_semaphore, #tpu.memory_space<semaphore_mem>>) src(%dma_wait3A_99 : memref<10000x64xf32, #tpu.memory_space<hbm>>) dst(%arg13 : memref<200x64xf32, #tpu.memory_space<vmem>>)
      %dma_wait3A_100 = arith.constant 0 : i32
      %dma_wait3A_101 = arith.constant 0 : i32
      %dma_wait3A_102 = tpu.memref_slice %arg3[%dma_wait3A_100, %dma_wait3A_101] : memref<10000x16xf32, #tpu.memory_space<hbm>> -> memref<10000x16xf32, #tpu.memory_space<hbm>>
      tpu.wait_indirect_dma semaphore(%arg20 : memref<!tpu.dma_semaphore, #tpu.memory_space<semaphore_mem>>) src(%dma_wait3A_102 : memref<10000x16xf32, #tpu.memory_space<hbm>>) dst(%arg16 : memref<200x16xf32, #tpu.memory_space<vmem>>)
      %dma_wait3A_103 = arith.constant 0 : i32
      %dma_wait3A_104 = arith.constant 0 : i32
      %dma_wait3A_105 = tpu.memref_slice %arg3[%dma_wait3A_103, %dma_wait3A_104] : memref<10000x16xf32, #tpu.memory_space<hbm>> -> memref<10000x16xf32, #tpu.memory_space<hbm>>
      tpu.wait_indirect_dma semaphore(%arg20 : memref<!tpu.dma_semaphore, #tpu.memory_space<semaphore_mem>>) src(%dma_wait3A_105 : memref<10000x16xf32, #tpu.memory_space<hbm>>) dst(%arg17 : memref<200x16xf32, #tpu.memory_space<vmem>>)
      %dma_start3A_106 = arith.constant 0 : i32
      %dma_start3A_107 = tpu.memref_slice %arg6[%add3A_93, %dma_start3A_106] : memref<160000x128xf32, #tpu.memory_space<hbm>> -> memref<200x64xf32, #tpu.memory_space<hbm>>
      %dma_start3A_108 = arith.constant 0 : i32
      %dma_start3A_109 = tpu.memref_slice %arg6[%add3A_93, %dma_start3A_108] : memref<160000x128xf32, #tpu.memory_space<hbm>> -> memref<200x64xf32, #tpu.memory_space<hbm>>
      tpu.enqueue_dma source(%arg12 : memref<200x64xf32, #tpu.memory_space<vmem>>) target(%dma_start3A_109 : memref<200x64xf32, #tpu.memory_space<hbm>>) target_semaphore(%arg22 : memref<!tpu.dma_semaphore, #tpu.memory_space<semaphore_mem>>)
      %dma_start3A_110 = arith.constant 64 : i32
      %dma_start3A_111 = tpu.memref_slice %arg6[%add3A_93, %dma_start3A_110] : memref<160000x128xf32, #tpu.memory_space<hbm>> -> memref<200x64xf32, #tpu.memory_space<hbm>>
      %dma_start3A_112 = arith.constant 64 : i32
      %dma_start3A_113 = tpu.memref_slice %arg6[%add3A_93, %dma_start3A_112] : memref<160000x128xf32, #tpu.memory_space<hbm>> -> memref<200x64xf32, #tpu.memory_space<hbm>>
      tpu.enqueue_dma source(%arg13 : memref<200x64xf32, #tpu.memory_space<vmem>>) target(%dma_start3A_113 : memref<200x64xf32, #tpu.memory_space<hbm>>) target_semaphore(%arg22 : memref<!tpu.dma_semaphore, #tpu.memory_space<semaphore_mem>>)
      %dma_start3A_114 = arith.constant 0 : i32
      %dma_start3A_115 = tpu.memref_slice %arg7[%add3A_93, %dma_start3A_114] : memref<160000x128xf32, #tpu.memory_space<hbm>> -> memref<200x16xf32, #tpu.memory_space<hbm>>
      %dma_start3A_116 = arith.constant 0 : i32
      %dma_start3A_117 = tpu.memref_slice %arg7[%add3A_93, %dma_start3A_116] : memref<160000x128xf32, #tpu.memory_space<hbm>> -> memref<200x16xf32, #tpu.memory_space<hbm>>
      tpu.enqueue_dma source(%arg16 : memref<200x16xf32, #tpu.memory_space<vmem>>) target(%dma_start3A_117 : memref<200x16xf32, #tpu.memory_space<hbm>>) target_semaphore(%arg22 : memref<!tpu.dma_semaphore, #tpu.memory_space<semaphore_mem>>)
      %dma_start3A_118 = arith.constant 16 : i32
      %dma_start3A_119 = tpu.memref_slice %arg7[%add3A_93, %dma_start3A_118] : memref<160000x128xf32, #tpu.memory_space<hbm>> -> memref<200x16xf32, #tpu.memory_space<hbm>>
      %dma_start3A_120 = arith.constant 16 : i32
      %dma_start3A_121 = tpu.memref_slice %arg7[%add3A_93, %dma_start3A_120] : memref<160000x128xf32, #tpu.memory_space<hbm>> -> memref<200x16xf32, #tpu.memory_space<hbm>>
      tpu.enqueue_dma source(%arg17 : memref<200x16xf32, #tpu.memory_space<vmem>>) target(%dma_start3A_121 : memref<200x16xf32, #tpu.memory_space<hbm>>) target_semaphore(%arg22 : memref<!tpu.dma_semaphore, #tpu.memory_space<semaphore_mem>>)
      %mul3A_122 = arith.constant 200 : i32
      %mul3A_123 = arith.muli %mul3A_73, %mul3A_122 : i32
      %add3A_124 = arith.addi %mul3A_2, %mul3A_123 : i32
      %dma_wait3A_125 = arith.constant 0 : i32
      %dma_wait3A_126 = tpu.memref_slice %arg6[%add3A_124, %dma_wait3A_125] : memref<160000x128xf32, #tpu.memory_space<hbm>> -> memref<200x64xf32, #tpu.memory_space<hbm>>
      %dma_wait3A_127 = arith.constant 0 : i32
      %dma_wait3A_128 = tpu.memref_slice %arg6[%add3A_124, %dma_wait3A_127] : memref<160000x128xf32, #tpu.memory_space<hbm>> -> memref<200x64xf32, #tpu.memory_space<hbm>>
      tpu.wait_dma2 semaphore(%arg22 : memref<!tpu.dma_semaphore, #tpu.memory_space<semaphore_mem>>) src(%arg12 : memref<200x64xf32, #tpu.memory_space<vmem>>) dst(%dma_wait3A_128 : memref<200x64xf32, #tpu.memory_space<hbm>>)
      %dma_wait3A_129 = arith.constant 64 : i32
      %dma_wait3A_130 = tpu.memref_slice %arg6[%add3A_124, %dma_wait3A_129] : memref<160000x128xf32, #tpu.memory_space<hbm>> -> memref<200x64xf32, #tpu.memory_space<hbm>>
      %dma_wait3A_131 = arith.constant 64 : i32
      %dma_wait3A_132 = tpu.memref_slice %arg6[%add3A_124, %dma_wait3A_131] : memref<160000x128xf32, #tpu.memory_space<hbm>> -> memref<200x64xf32, #tpu.memory_space<hbm>>
      tpu.wait_dma2 semaphore(%arg22 : memref<!tpu.dma_semaphore, #tpu.memory_space<semaphore_mem>>) src(%arg13 : memref<200x64xf32, #tpu.memory_space<vmem>>) dst(%dma_wait3A_132 : memref<200x64xf32, #tpu.memory_space<hbm>>)
      %dma_wait3A_133 = arith.constant 0 : i32
      %dma_wait3A_134 = tpu.memref_slice %arg7[%add3A_124, %dma_wait3A_133] : memref<160000x128xf32, #tpu.memory_space<hbm>> -> memref<200x16xf32, #tpu.memory_space<hbm>>
      %dma_wait3A_135 = arith.constant 0 : i32
      %dma_wait3A_136 = tpu.memref_slice %arg7[%add3A_124, %dma_wait3A_135] : memref<160000x128xf32, #tpu.memory_space<hbm>> -> memref<200x16xf32, #tpu.memory_space<hbm>>
      tpu.wait_dma2 semaphore(%arg22 : memref<!tpu.dma_semaphore, #tpu.memory_space<semaphore_mem>>) src(%arg16 : memref<200x16xf32, #tpu.memory_space<vmem>>) dst(%dma_wait3A_136 : memref<200x16xf32, #tpu.memory_space<hbm>>)
      %dma_wait3A_137 = arith.constant 16 : i32
      %dma_wait3A_138 = tpu.memref_slice %arg7[%add3A_124, %dma_wait3A_137] : memref<160000x128xf32, #tpu.memory_space<hbm>> -> memref<200x16xf32, #tpu.memory_space<hbm>>
      %dma_wait3A_139 = arith.constant 16 : i32
      %dma_wait3A_140 = tpu.memref_slice %arg7[%add3A_124, %dma_wait3A_139] : memref<160000x128xf32, #tpu.memory_space<hbm>> -> memref<200x16xf32, #tpu.memory_space<hbm>>
      tpu.wait_dma2 semaphore(%arg22 : memref<!tpu.dma_semaphore, #tpu.memory_space<semaphore_mem>>) src(%arg17 : memref<200x16xf32, #tpu.memory_space<vmem>>) dst(%dma_wait3A_140 : memref<200x16xf32, #tpu.memory_space<hbm>>)
      %add3A_141 = arith.constant 2 : i32
      %add3A_142 = arith.addi %mul3A_73, %add3A_141 : i32
      %mul3A_143 = arith.constant 200 : i32
      %mul3A_144 = arith.muli %add3A_142, %mul3A_143 : i32
      %add3A_145 = arith.addi %mul3A_2, %mul3A_144 : i32
      "tpu.region"() ({
        %run_scoped3A = tpu.sem_alloc : memref<!tpu.dma_semaphore, #tpu.memory_space<semaphore_mem>>
        %dma_start3A_212 = tpu.memref_slice %arg4[%add3A_145] : memref<160000xi32, #tpu.memory_space<hbm>> -> memref<200xi32, #tpu.memory_space<hbm>>
        %dma_start3A_213 = tpu.memref_slice %arg4[%add3A_145] : memref<160000xi32, #tpu.memory_space<hbm>> -> memref<200xi32, #tpu.memory_space<hbm>>
        tpu.enqueue_dma source(%dma_start3A_213 : memref<200xi32, #tpu.memory_space<hbm>>) target(%arg8 : memref<200xi32, #tpu.memory_space<vmem>>) target_semaphore(%run_scoped3A : memref<!tpu.dma_semaphore, #tpu.memory_space<semaphore_mem>>)
        %dma_wait3A_214 = tpu.memref_slice %arg4[%add3A_145] : memref<160000xi32, #tpu.memory_space<hbm>> -> memref<200xi32, #tpu.memory_space<hbm>>
        %dma_wait3A_215 = tpu.memref_slice %arg4[%add3A_145] : memref<160000xi32, #tpu.memory_space<hbm>> -> memref<200xi32, #tpu.memory_space<hbm>>
        tpu.wait_dma2 semaphore(%run_scoped3A : memref<!tpu.dma_semaphore, #tpu.memory_space<semaphore_mem>>) src(%dma_wait3A_215 : memref<200xi32, #tpu.memory_space<hbm>>) dst(%arg8 : memref<200xi32, #tpu.memory_space<vmem>>)
        tpu.yield
      }) : () -> ()
      "tpu.region"() ({
        %run_scoped3A = tpu.sem_alloc : memref<!tpu.dma_semaphore, #tpu.memory_space<semaphore_mem>>
        %dma_start3A_212 = tpu.memref_slice %arg5[%add3A_145] : memref<160000xi32, #tpu.memory_space<hbm>> -> memref<200xi32, #tpu.memory_space<hbm>>
        %dma_start3A_213 = tpu.memref_slice %arg5[%add3A_145] : memref<160000xi32, #tpu.memory_space<hbm>> -> memref<200xi32, #tpu.memory_space<hbm>>
        tpu.enqueue_dma source(%dma_start3A_213 : memref<200xi32, #tpu.memory_space<hbm>>) target(%arg9 : memref<200xi32, #tpu.memory_space<vmem>>) target_semaphore(%run_scoped3A : memref<!tpu.dma_semaphore, #tpu.memory_space<semaphore_mem>>)
        %dma_wait3A_214 = tpu.memref_slice %arg5[%add3A_145] : memref<160000xi32, #tpu.memory_space<hbm>> -> memref<200xi32, #tpu.memory_space<hbm>>
        %dma_wait3A_215 = tpu.memref_slice %arg5[%add3A_145] : memref<160000xi32, #tpu.memory_space<hbm>> -> memref<200xi32, #tpu.memory_space<hbm>>
        tpu.wait_dma2 semaphore(%run_scoped3A : memref<!tpu.dma_semaphore, #tpu.memory_space<semaphore_mem>>) src(%dma_wait3A_215 : memref<200xi32, #tpu.memory_space<hbm>>) dst(%arg9 : memref<200xi32, #tpu.memory_space<vmem>>)
        tpu.yield
      }) : () -> ()
      %dma_start3A_146 = arith.constant 0 : i32
      %dma_start3A_147 = arith.constant 0 : i32
      %dma_start3A_148 = tpu.memref_slice %arg2[%dma_start3A_146, %dma_start3A_147] : memref<10000x64xf32, #tpu.memory_space<hbm>> -> memref<10000x64xf32, #tpu.memory_space<hbm>>
      tpu.enqueue_indirect_dma source(%dma_start3A_148 : memref<10000x64xf32, #tpu.memory_space<hbm>>) target(%arg12 : memref<200x64xf32, #tpu.memory_space<vmem>>) offsets(%arg8 : memref<200xi32, #tpu.memory_space<vmem>>) semaphore(%arg20 : memref<!tpu.dma_semaphore, #tpu.memory_space<semaphore_mem>>)
      %dma_start3A_149 = arith.constant 0 : i32
      %dma_start3A_150 = arith.constant 0 : i32
      %dma_start3A_151 = tpu.memref_slice %arg2[%dma_start3A_149, %dma_start3A_150] : memref<10000x64xf32, #tpu.memory_space<hbm>> -> memref<10000x64xf32, #tpu.memory_space<hbm>>
      tpu.enqueue_indirect_dma source(%dma_start3A_151 : memref<10000x64xf32, #tpu.memory_space<hbm>>) target(%arg13 : memref<200x64xf32, #tpu.memory_space<vmem>>) offsets(%arg9 : memref<200xi32, #tpu.memory_space<vmem>>) semaphore(%arg20 : memref<!tpu.dma_semaphore, #tpu.memory_space<semaphore_mem>>)
      %dma_start3A_152 = arith.constant 0 : i32
      %dma_start3A_153 = arith.constant 0 : i32
      %dma_start3A_154 = tpu.memref_slice %arg3[%dma_start3A_152, %dma_start3A_153] : memref<10000x16xf32, #tpu.memory_space<hbm>> -> memref<10000x16xf32, #tpu.memory_space<hbm>>
      tpu.enqueue_indirect_dma source(%dma_start3A_154 : memref<10000x16xf32, #tpu.memory_space<hbm>>) target(%arg16 : memref<200x16xf32, #tpu.memory_space<vmem>>) offsets(%arg8 : memref<200xi32, #tpu.memory_space<vmem>>) semaphore(%arg20 : memref<!tpu.dma_semaphore, #tpu.memory_space<semaphore_mem>>)
      %dma_start3A_155 = arith.constant 0 : i32
      %dma_start3A_156 = arith.constant 0 : i32
      %dma_start3A_157 = tpu.memref_slice %arg3[%dma_start3A_155, %dma_start3A_156] : memref<10000x16xf32, #tpu.memory_space<hbm>> -> memref<10000x16xf32, #tpu.memory_space<hbm>>
      tpu.enqueue_indirect_dma source(%dma_start3A_157 : memref<10000x16xf32, #tpu.memory_space<hbm>>) target(%arg17 : memref<200x16xf32, #tpu.memory_space<vmem>>) offsets(%arg9 : memref<200xi32, #tpu.memory_space<vmem>>) semaphore(%arg20 : memref<!tpu.dma_semaphore, #tpu.memory_space<semaphore_mem>>)
      %add3A_158 = arith.constant 1 : i32
      %add3A_159 = arith.addi %mul3A_73, %add3A_158 : i32
      %mul3A_160 = arith.constant 200 : i32
      %mul3A_161 = arith.muli %add3A_159, %mul3A_160 : i32
      %add3A_162 = arith.addi %mul3A_2, %mul3A_161 : i32
      %dma_wait3A_163 = arith.constant 0 : i32
      %dma_wait3A_164 = arith.constant 0 : i32
      %dma_wait3A_165 = tpu.memref_slice %arg2[%dma_wait3A_163, %dma_wait3A_164] : memref<10000x64xf32, #tpu.memory_space<hbm>> -> memref<10000x64xf32, #tpu.memory_space<hbm>>
      tpu.wait_indirect_dma semaphore(%arg21 : memref<!tpu.dma_semaphore, #tpu.memory_space<semaphore_mem>>) src(%dma_wait3A_165 : memref<10000x64xf32, #tpu.memory_space<hbm>>) dst(%arg14 : memref<200x64xf32, #tpu.memory_space<vmem>>)
      %dma_wait3A_166 = arith.constant 0 : i32
      %dma_wait3A_167 = arith.constant 0 : i32
      %dma_wait3A_168 = tpu.memref_slice %arg2[%dma_wait3A_166, %dma_wait3A_167] : memref<10000x64xf32, #tpu.memory_space<hbm>> -> memref<10000x64xf32, #tpu.memory_space<hbm>>
      tpu.wait_indirect_dma semaphore(%arg21 : memref<!tpu.dma_semaphore, #tpu.memory_space<semaphore_mem>>) src(%dma_wait3A_168 : memref<10000x64xf32, #tpu.memory_space<hbm>>) dst(%arg15 : memref<200x64xf32, #tpu.memory_space<vmem>>)
      %dma_wait3A_169 = arith.constant 0 : i32
      %dma_wait3A_170 = arith.constant 0 : i32
      %dma_wait3A_171 = tpu.memref_slice %arg3[%dma_wait3A_169, %dma_wait3A_170] : memref<10000x16xf32, #tpu.memory_space<hbm>> -> memref<10000x16xf32, #tpu.memory_space<hbm>>
      tpu.wait_indirect_dma semaphore(%arg21 : memref<!tpu.dma_semaphore, #tpu.memory_space<semaphore_mem>>) src(%dma_wait3A_171 : memref<10000x16xf32, #tpu.memory_space<hbm>>) dst(%arg18 : memref<200x16xf32, #tpu.memory_space<vmem>>)
      %dma_wait3A_172 = arith.constant 0 : i32
      %dma_wait3A_173 = arith.constant 0 : i32
      %dma_wait3A_174 = tpu.memref_slice %arg3[%dma_wait3A_172, %dma_wait3A_173] : memref<10000x16xf32, #tpu.memory_space<hbm>> -> memref<10000x16xf32, #tpu.memory_space<hbm>>
      tpu.wait_indirect_dma semaphore(%arg21 : memref<!tpu.dma_semaphore, #tpu.memory_space<semaphore_mem>>) src(%dma_wait3A_174 : memref<10000x16xf32, #tpu.memory_space<hbm>>) dst(%arg19 : memref<200x16xf32, #tpu.memory_space<vmem>>)
      %dma_start3A_175 = arith.constant 0 : i32
      %dma_start3A_176 = tpu.memref_slice %arg6[%add3A_162, %dma_start3A_175] : memref<160000x128xf32, #tpu.memory_space<hbm>> -> memref<200x64xf32, #tpu.memory_space<hbm>>
      %dma_start3A_177 = arith.constant 0 : i32
      %dma_start3A_178 = tpu.memref_slice %arg6[%add3A_162, %dma_start3A_177] : memref<160000x128xf32, #tpu.memory_space<hbm>> -> memref<200x64xf32, #tpu.memory_space<hbm>>
      tpu.enqueue_dma source(%arg14 : memref<200x64xf32, #tpu.memory_space<vmem>>) target(%dma_start3A_178 : memref<200x64xf32, #tpu.memory_space<hbm>>) target_semaphore(%arg23 : memref<!tpu.dma_semaphore, #tpu.memory_space<semaphore_mem>>)
      %dma_start3A_179 = arith.constant 64 : i32
      %dma_start3A_180 = tpu.memref_slice %arg6[%add3A_162, %dma_start3A_179] : memref<160000x128xf32, #tpu.memory_space<hbm>> -> memref<200x64xf32, #tpu.memory_space<hbm>>
      %dma_start3A_181 = arith.constant 64 : i32
      %dma_start3A_182 = tpu.memref_slice %arg6[%add3A_162, %dma_start3A_181] : memref<160000x128xf32, #tpu.memory_space<hbm>> -> memref<200x64xf32, #tpu.memory_space<hbm>>
      tpu.enqueue_dma source(%arg15 : memref<200x64xf32, #tpu.memory_space<vmem>>) target(%dma_start3A_182 : memref<200x64xf32, #tpu.memory_space<hbm>>) target_semaphore(%arg23 : memref<!tpu.dma_semaphore, #tpu.memory_space<semaphore_mem>>)
      %dma_start3A_183 = arith.constant 0 : i32
      %dma_start3A_184 = tpu.memref_slice %arg7[%add3A_162, %dma_start3A_183] : memref<160000x128xf32, #tpu.memory_space<hbm>> -> memref<200x16xf32, #tpu.memory_space<hbm>>
      %dma_start3A_185 = arith.constant 0 : i32
      %dma_start3A_186 = tpu.memref_slice %arg7[%add3A_162, %dma_start3A_185] : memref<160000x128xf32, #tpu.memory_space<hbm>> -> memref<200x16xf32, #tpu.memory_space<hbm>>
      tpu.enqueue_dma source(%arg18 : memref<200x16xf32, #tpu.memory_space<vmem>>) target(%dma_start3A_186 : memref<200x16xf32, #tpu.memory_space<hbm>>) target_semaphore(%arg23 : memref<!tpu.dma_semaphore, #tpu.memory_space<semaphore_mem>>)
      %dma_start3A_187 = arith.constant 16 : i32
      %dma_start3A_188 = tpu.memref_slice %arg7[%add3A_162, %dma_start3A_187] : memref<160000x128xf32, #tpu.memory_space<hbm>> -> memref<200x16xf32, #tpu.memory_space<hbm>>
      %dma_start3A_189 = arith.constant 16 : i32
      %dma_start3A_190 = tpu.memref_slice %arg7[%add3A_162, %dma_start3A_189] : memref<160000x128xf32, #tpu.memory_space<hbm>> -> memref<200x16xf32, #tpu.memory_space<hbm>>
      tpu.enqueue_dma source(%arg19 : memref<200x16xf32, #tpu.memory_space<vmem>>) target(%dma_start3A_190 : memref<200x16xf32, #tpu.memory_space<hbm>>) target_semaphore(%arg23 : memref<!tpu.dma_semaphore, #tpu.memory_space<semaphore_mem>>)
      %add3A_191 = arith.constant 1 : i32
      %add3A_192 = arith.addi %mul3A_73, %add3A_191 : i32
      %mul3A_193 = arith.constant 200 : i32
      %mul3A_194 = arith.muli %add3A_192, %mul3A_193 : i32
      %add3A_195 = arith.addi %mul3A_2, %mul3A_194 : i32
      %dma_wait3A_196 = arith.constant 0 : i32
      %dma_wait3A_197 = tpu.memref_slice %arg6[%add3A_195, %dma_wait3A_196] : memref<160000x128xf32, #tpu.memory_space<hbm>> -> memref<200x64xf32, #tpu.memory_space<hbm>>
      %dma_wait3A_198 = arith.constant 0 : i32
      %dma_wait3A_199 = tpu.memref_slice %arg6[%add3A_195, %dma_wait3A_198] : memref<160000x128xf32, #tpu.memory_space<hbm>> -> memref<200x64xf32, #tpu.memory_space<hbm>>
      tpu.wait_dma2 semaphore(%arg23 : memref<!tpu.dma_semaphore, #tpu.memory_space<semaphore_mem>>) src(%arg14 : memref<200x64xf32, #tpu.memory_space<vmem>>) dst(%dma_wait3A_199 : memref<200x64xf32, #tpu.memory_space<hbm>>)
      %dma_wait3A_200 = arith.constant 64 : i32
      %dma_wait3A_201 = tpu.memref_slice %arg6[%add3A_195, %dma_wait3A_200] : memref<160000x128xf32, #tpu.memory_space<hbm>> -> memref<200x64xf32, #tpu.memory_space<hbm>>
      %dma_wait3A_202 = arith.constant 64 : i32
      %dma_wait3A_203 = tpu.memref_slice %arg6[%add3A_195, %dma_wait3A_202] : memref<160000x128xf32, #tpu.memory_space<hbm>> -> memref<200x64xf32, #tpu.memory_space<hbm>>
      tpu.wait_dma2 semaphore(%arg23 : memref<!tpu.dma_semaphore, #tpu.memory_space<semaphore_mem>>) src(%arg15 : memref<200x64xf32, #tpu.memory_space<vmem>>) dst(%dma_wait3A_203 : memref<200x64xf32, #tpu.memory_space<hbm>>)
      %dma_wait3A_204 = arith.constant 0 : i32
      %dma_wait3A_205 = tpu.memref_slice %arg7[%add3A_195, %dma_wait3A_204] : memref<160000x128xf32, #tpu.memory_space<hbm>> -> memref<200x16xf32, #tpu.memory_space<hbm>>
      %dma_wait3A_206 = arith.constant 0 : i32
      %dma_wait3A_207 = tpu.memref_slice %arg7[%add3A_195, %dma_wait3A_206] : memref<160000x128xf32, #tpu.memory_space<hbm>> -> memref<200x16xf32, #tpu.memory_space<hbm>>
      tpu.wait_dma2 semaphore(%arg23 : memref<!tpu.dma_semaphore, #tpu.memory_space<semaphore_mem>>) src(%arg18 : memref<200x16xf32, #tpu.memory_space<vmem>>) dst(%dma_wait3A_207 : memref<200x16xf32, #tpu.memory_space<hbm>>)
      %dma_wait3A_208 = arith.constant 16 : i32
      %dma_wait3A_209 = tpu.memref_slice %arg7[%add3A_195, %dma_wait3A_208] : memref<160000x128xf32, #tpu.memory_space<hbm>> -> memref<200x16xf32, #tpu.memory_space<hbm>>
      %dma_wait3A_210 = arith.constant 16 : i32
      %dma_wait3A_211 = tpu.memref_slice %arg7[%add3A_195, %dma_wait3A_210] : memref<160000x128xf32, #tpu.memory_space<hbm>> -> memref<200x16xf32, #tpu.memory_space<hbm>>
      tpu.wait_dma2 semaphore(%arg23 : memref<!tpu.dma_semaphore, #tpu.memory_space<semaphore_mem>>) src(%arg19 : memref<200x16xf32, #tpu.memory_space<vmem>>) dst(%dma_wait3A_211 : memref<200x16xf32, #tpu.memory_space<hbm>>)
    }
    %scan3A_19 = arith.constant 12 : i32
    %add3A_20 = arith.constant 4800 : i32
    %add3A_21 = arith.addi %mul3A_2, %add3A_20 : i32
    %dma_wait3A = arith.constant 0 : i32
    %dma_wait3A_22 = arith.constant 0 : i32
    %dma_wait3A_23 = tpu.memref_slice %arg2[%dma_wait3A, %dma_wait3A_22] : memref<10000x64xf32, #tpu.memory_space<hbm>> -> memref<10000x64xf32, #tpu.memory_space<hbm>>
    tpu.wait_indirect_dma semaphore(%arg20 : memref<!tpu.dma_semaphore, #tpu.memory_space<semaphore_mem>>) src(%dma_wait3A_23 : memref<10000x64xf32, #tpu.memory_space<hbm>>) dst(%arg12 : memref<200x64xf32, #tpu.memory_space<vmem>>)
    %dma_wait3A_24 = arith.constant 0 : i32
    %dma_wait3A_25 = arith.constant 0 : i32
    %dma_wait3A_26 = tpu.memref_slice %arg2[%dma_wait3A_24, %dma_wait3A_25] : memref<10000x64xf32, #tpu.memory_space<hbm>> -> memref<10000x64xf32, #tpu.memory_space<hbm>>
    tpu.wait_indirect_dma semaphore(%arg20 : memref<!tpu.dma_semaphore, #tpu.memory_space<semaphore_mem>>) src(%dma_wait3A_26 : memref<10000x64xf32, #tpu.memory_space<hbm>>) dst(%arg13 : memref<200x64xf32, #tpu.memory_space<vmem>>)
    %dma_wait3A_27 = arith.constant 0 : i32
    %dma_wait3A_28 = arith.constant 0 : i32
    %dma_wait3A_29 = tpu.memref_slice %arg3[%dma_wait3A_27, %dma_wait3A_28] : memref<10000x16xf32, #tpu.memory_space<hbm>> -> memref<10000x16xf32, #tpu.memory_space<hbm>>
    tpu.wait_indirect_dma semaphore(%arg20 : memref<!tpu.dma_semaphore, #tpu.memory_space<semaphore_mem>>) src(%dma_wait3A_29 : memref<10000x16xf32, #tpu.memory_space<hbm>>) dst(%arg16 : memref<200x16xf32, #tpu.memory_space<vmem>>)
    %dma_wait3A_30 = arith.constant 0 : i32
    %dma_wait3A_31 = arith.constant 0 : i32
    %dma_wait3A_32 = tpu.memref_slice %arg3[%dma_wait3A_30, %dma_wait3A_31] : memref<10000x16xf32, #tpu.memory_space<hbm>> -> memref<10000x16xf32, #tpu.memory_space<hbm>>
    tpu.wait_indirect_dma semaphore(%arg20 : memref<!tpu.dma_semaphore, #tpu.memory_space<semaphore_mem>>) src(%dma_wait3A_32 : memref<10000x16xf32, #tpu.memory_space<hbm>>) dst(%arg17 : memref<200x16xf32, #tpu.memory_space<vmem>>)
    %dma_start3A_33 = arith.constant 0 : i32
    %dma_start3A_34 = tpu.memref_slice %arg6[%add3A_21, %dma_start3A_33] : memref<160000x128xf32, #tpu.memory_space<hbm>> -> memref<200x64xf32, #tpu.memory_space<hbm>>
    %dma_start3A_35 = arith.constant 0 : i32
    %dma_start3A_36 = tpu.memref_slice %arg6[%add3A_21, %dma_start3A_35] : memref<160000x128xf32, #tpu.memory_space<hbm>> -> memref<200x64xf32, #tpu.memory_space<hbm>>
    tpu.enqueue_dma source(%arg12 : memref<200x64xf32, #tpu.memory_space<vmem>>) target(%dma_start3A_36 : memref<200x64xf32, #tpu.memory_space<hbm>>) target_semaphore(%arg22 : memref<!tpu.dma_semaphore, #tpu.memory_space<semaphore_mem>>)
    %dma_start3A_37 = arith.constant 64 : i32
    %dma_start3A_38 = tpu.memref_slice %arg6[%add3A_21, %dma_start3A_37] : memref<160000x128xf32, #tpu.memory_space<hbm>> -> memref<200x64xf32, #tpu.memory_space<hbm>>
    %dma_start3A_39 = arith.constant 64 : i32
    %dma_start3A_40 = tpu.memref_slice %arg6[%add3A_21, %dma_start3A_39] : memref<160000x128xf32, #tpu.memory_space<hbm>> -> memref<200x64xf32, #tpu.memory_space<hbm>>
    tpu.enqueue_dma source(%arg13 : memref<200x64xf32, #tpu.memory_space<vmem>>) target(%dma_start3A_40 : memref<200x64xf32, #tpu.memory_space<hbm>>) target_semaphore(%arg22 : memref<!tpu.dma_semaphore, #tpu.memory_space<semaphore_mem>>)
    %dma_start3A_41 = arith.constant 0 : i32
    %dma_start3A_42 = tpu.memref_slice %arg7[%add3A_21, %dma_start3A_41] : memref<160000x128xf32, #tpu.memory_space<hbm>> -> memref<200x16xf32, #tpu.memory_space<hbm>>
    %dma_start3A_43 = arith.constant 0 : i32
    %dma_start3A_44 = tpu.memref_slice %arg7[%add3A_21, %dma_start3A_43] : memref<160000x128xf32, #tpu.memory_space<hbm>> -> memref<200x16xf32, #tpu.memory_space<hbm>>
    tpu.enqueue_dma source(%arg16 : memref<200x16xf32, #tpu.memory_space<vmem>>) target(%dma_start3A_44 : memref<200x16xf32, #tpu.memory_space<hbm>>) target_semaphore(%arg22 : memref<!tpu.dma_semaphore, #tpu.memory_space<semaphore_mem>>)
    %dma_start3A_45 = arith.constant 16 : i32
    %dma_start3A_46 = tpu.memref_slice %arg7[%add3A_21, %dma_start3A_45] : memref<160000x128xf32, #tpu.memory_space<hbm>> -> memref<200x16xf32, #tpu.memory_space<hbm>>
    %dma_start3A_47 = arith.constant 16 : i32
    %dma_start3A_48 = tpu.memref_slice %arg7[%add3A_21, %dma_start3A_47] : memref<160000x128xf32, #tpu.memory_space<hbm>> -> memref<200x16xf32, #tpu.memory_space<hbm>>
    tpu.enqueue_dma source(%arg17 : memref<200x16xf32, #tpu.memory_space<vmem>>) target(%dma_start3A_48 : memref<200x16xf32, #tpu.memory_space<hbm>>) target_semaphore(%arg22 : memref<!tpu.dma_semaphore, #tpu.memory_space<semaphore_mem>>)
    %add3A_49 = arith.constant 4800 : i32
    %add3A_50 = arith.addi %mul3A_2, %add3A_49 : i32
    %dma_wait3A_51 = arith.constant 0 : i32
    %dma_wait3A_52 = tpu.memref_slice %arg6[%add3A_50, %dma_wait3A_51] : memref<160000x128xf32, #tpu.memory_space<hbm>> -> memref<200x64xf32, #tpu.memory_space<hbm>>
    %dma_wait3A_53 = arith.constant 0 : i32
    %dma_wait3A_54 = tpu.memref_slice %arg6[%add3A_50, %dma_wait3A_53] : memref<160000x128xf32, #tpu.memory_space<hbm>> -> memref<200x64xf32, #tpu.memory_space<hbm>>
    tpu.wait_dma2 semaphore(%arg22 : memref<!tpu.dma_semaphore, #tpu.memory_space<semaphore_mem>>) src(%arg12 : memref<200x64xf32, #tpu.memory_space<vmem>>) dst(%dma_wait3A_54 : memref<200x64xf32, #tpu.memory_space<hbm>>)
    %dma_wait3A_55 = arith.constant 64 : i32
    %dma_wait3A_56 = tpu.memref_slice %arg6[%add3A_50, %dma_wait3A_55] : memref<160000x128xf32, #tpu.memory_space<hbm>> -> memref<200x64xf32, #tpu.memory_space<hbm>>
    %dma_wait3A_57 = arith.constant 64 : i32
    %dma_wait3A_58 = tpu.memref_slice %arg6[%add3A_50, %dma_wait3A_57] : memref<160000x128xf32, #tpu.memory_space<hbm>> -> memref<200x64xf32, #tpu.memory_space<hbm>>
    tpu.wait_dma2 semaphore(%arg22 : memref<!tpu.dma_semaphore, #tpu.memory_space<semaphore_mem>>) src(%arg13 : memref<200x64xf32, #tpu.memory_space<vmem>>) dst(%dma_wait3A_58 : memref<200x64xf32, #tpu.memory_space<hbm>>)
    %dma_wait3A_59 = arith.constant 0 : i32
    %dma_wait3A_60 = tpu.memref_slice %arg7[%add3A_50, %dma_wait3A_59] : memref<160000x128xf32, #tpu.memory_space<hbm>> -> memref<200x16xf32, #tpu.memory_space<hbm>>
    %dma_wait3A_61 = arith.constant 0 : i32
    %dma_wait3A_62 = tpu.memref_slice %arg7[%add3A_50, %dma_wait3A_61] : memref<160000x128xf32, #tpu.memory_space<hbm>> -> memref<200x16xf32, #tpu.memory_space<hbm>>
    tpu.wait_dma2 semaphore(%arg22 : memref<!tpu.dma_semaphore, #tpu.memory_space<semaphore_mem>>) src(%arg16 : memref<200x16xf32, #tpu.memory_space<vmem>>) dst(%dma_wait3A_62 : memref<200x16xf32, #tpu.memory_space<hbm>>)
    %dma_wait3A_63 = arith.constant 16 : i32
    %dma_wait3A_64 = tpu.memref_slice %arg7[%add3A_50, %dma_wait3A_63] : memref<160000x128xf32, #tpu.memory_space<hbm>> -> memref<200x16xf32, #tpu.memory_space<hbm>>
    %dma_wait3A_65 = arith.constant 16 : i32
    %dma_wait3A_66 = tpu.memref_slice %arg7[%add3A_50, %dma_wait3A_65] : memref<160000x128xf32, #tpu.memory_space<hbm>> -> memref<200x16xf32, #tpu.memory_space<hbm>>
    tpu.wait_dma2 semaphore(%arg22 : memref<!tpu.dma_semaphore, #tpu.memory_space<semaphore_mem>>) src(%arg17 : memref<200x16xf32, #tpu.memory_space<vmem>>) dst(%dma_wait3A_66 : memref<200x16xf32, #tpu.memory_space<hbm>>)
    return
  }
}

#map = affine_map<(d0, d1) -> (0, 0)>
#map1 = affine_map<(d0, d1) -> (0)>
module attributes {stable_mosaic.version = 14 : i64} {
  func.func @k(%arg0: i32, %arg1: i32, %arg2: memref<160000x128xf32, #tpu.memory_space<hbm>>, %arg3: memref<160000x128xf32, #tpu.memory_space<hbm>>, %arg4: memref<160000xi32, #tpu.memory_space<hbm>>, %arg5: memref<20000x128xf32, #tpu.memory_space<hbm>>, %arg6: memref<20000x128xf32, #tpu.memory_space<hbm>>, %arg7: memref<40xi32, #tpu.memory_space<vmem>>, %arg8: memref<40xi32, #tpu.memory_space<vmem>>, %arg9: memref<40x128xf32, #tpu.memory_space<vmem>>, %arg10: memref<40x128xf32, #tpu.memory_space<vmem>>, %arg11: memref<40x16xf32, #tpu.memory_space<vmem>>, %arg12: memref<40x16xf32, #tpu.memory_space<vmem>>, %arg13: memref<25x128xf32, #tpu.memory_space<vmem>>, %arg14: memref<25x16xf32, #tpu.memory_space<vmem>>, %arg15: memref<10000x128xf32, #tpu.memory_space<vmem_shared>>, %arg16: memref<10000x16xf32, #tpu.memory_space<vmem_shared>>, %arg17: memref<!tpu.dma_semaphore, #tpu.memory_space<semaphore_mem>>, %arg18: memref<!tpu.dma_semaphore, #tpu.memory_space<semaphore_mem>>, %arg19: memref<!tpu.dma_semaphore, #tpu.memory_space<semaphore_mem>>, %arg20: memref<!tpu.dma_semaphore, #tpu.memory_space<semaphore_mem>>) attributes {dimension_semantics = [#tpu.dimension_semantics<core_parallel>, #tpu.dimension_semantics<subcore_parallel>], iteration_bounds = array<i64: 2, 16>, scalar_prefetch = 0 : i64, scratch_operands = 14 : i64, tpu.core_type = #tpu.core_type<sc_vector_subcore>, window_params = [{transform_indices = #map}, {transform_indices = #map}, {transform_indices = #map1}, {transform_indices = #map}, {transform_indices = #map}]} {
    %mul3A = arith.constant 2 : i32
    %mul3A_0 = arith.muli %arg1, %mul3A : i32
    %add3A = arith.addi %mul3A_0, %arg0 : i32
    %scan3A = arith.constant 0 : i32
    %scan3A_1 = arith.constant 25 : i32
    %scan3A_2 = arith.addi %scan3A, %scan3A_1 : i32
    %scan3A_3 = arith.constant 1 : i32
    scf.for %scan3A_62 = %scan3A to %scan3A_2 step %scan3A_3  : i32 {
      %mul3A_63 = arith.constant 1 : i32
      %mul3A_64 = arith.muli %scan3A_62, %mul3A_63 : i32
      %add3A_65 = arith.constant 0 : i32
      %add3A_66 = arith.addi %add3A_65, %mul3A_64 : i32
      %scan3A_67 = arith.constant 0 : i32
      %scan3A_68 = arith.constant 8 : i32
      %scan3A_69 = arith.addi %scan3A_67, %scan3A_68 : i32
      %scan3A_70 = arith.constant 1 : i32
      scf.for %scan3A_77 = %scan3A_67 to %scan3A_69 step %scan3A_70  : i32 {
        %mul3A_78 = arith.constant 16 : i32
        %mul3A_79 = arith.muli %scan3A_77, %mul3A_78 : i32
        %add3A_80 = arith.constant 0 : i32
        %add3A_81 = arith.addi %add3A_80, %mul3A_79 : i32
        %broadcast_in_dim3A_82 = arith.constant 0.000000e+00 : f32
        %broadcast_in_dim3A_83 = vector.broadcast %broadcast_in_dim3A_82 : f32 to vector<16xf32>
        %swap3A_84 = arith.index_cast %add3A_66 : i32 to index
        %swap3A_85 = arith.index_cast %add3A_81 : i32 to index
        %swap3A_86 = tpu.vector_load %arg13[%swap3A_84, %swap3A_85] {strides = array<i32>} : memref<25x128xf32, #tpu.memory_space<vmem>>, vector<1x16xf32>,
        %swap3A_87 = vector.shape_cast %swap3A_86 : vector<1x16xf32> to vector<16xf32>
        %swap3A_88 = vector.shape_cast %broadcast_in_dim3A_83 : vector<16xf32> to vector<1x16xf32>
        tpu.vector_store %arg13[%swap3A_84, %swap3A_85], %swap3A_88 {strides = array<i32>} : memref<25x128xf32, #tpu.memory_space<vmem>>, vector<1x16xf32>,
      }
      %scan3A_71 = arith.constant 8 : i32
      %broadcast_in_dim3A = arith.constant 0.000000e+00 : f32
      %broadcast_in_dim3A_72 = vector.broadcast %broadcast_in_dim3A : f32 to vector<16xf32>
      %swap3A = arith.index_cast %add3A_66 : i32 to index
      %swap3A_73 = arith.constant 0 : index
      %swap3A_74 = tpu.vector_load %arg14[%swap3A, %swap3A_73] {strides = array<i32>} : memref<25x16xf32, #tpu.memory_space<vmem>>, vector<1x16xf32>,
      %swap3A_75 = vector.shape_cast %swap3A_74 : vector<1x16xf32> to vector<16xf32>
      %swap3A_76 = vector.shape_cast %broadcast_in_dim3A_72 : vector<16xf32> to vector<1x16xf32>
      tpu.vector_store %arg14[%swap3A, %swap3A_73], %swap3A_76 {strides = array<i32>} : memref<25x16xf32, #tpu.memory_space<vmem>>, vector<1x16xf32>,
    }
    %scan3A_4 = arith.constant 25 : i32
    %scan3A_5 = arith.constant 0 : i32
    %scan3A_6 = arith.constant 25 : i32
    %scan3A_7 = arith.addi %scan3A_5, %scan3A_6 : i32
    %scan3A_8 = arith.constant 1 : i32
    scf.for %scan3A_62 = %scan3A_5 to %scan3A_7 step %scan3A_8  : i32 {
      %mul3A_63 = arith.constant 25 : i32
      %mul3A_64 = arith.muli %scan3A_62, %mul3A_63 : i32
      %add3A_65 = arith.constant 0 : i32
      %add3A_66 = arith.addi %add3A_65, %mul3A_64 : i32
      %mul3A_67 = arith.constant 625 : i32
      %mul3A_68 = arith.muli %arg1, %mul3A_67 : i32
      %add3A_69 = arith.addi %mul3A_68, %add3A_66 : i32
      "tpu.region"() ({
        %run_scoped3A = tpu.sem_alloc : memref<!tpu.dma_semaphore, #tpu.memory_space<semaphore_mem>>
        %dma_start3A_73 = arith.constant 0 : i32
        %dma_start3A_74 = tpu.memref_slice %arg15[%add3A_69, %dma_start3A_73] : memref<10000x128xf32, #tpu.memory_space<vmem_shared>> -> memref<25x128xf32, #tpu.memory_space<vmem_shared>>
        %dma_start3A_75 = arith.constant 0 : i32
        %dma_start3A_76 = tpu.memref_slice %arg15[%add3A_69, %dma_start3A_75] : memref<10000x128xf32, #tpu.memory_space<vmem_shared>> -> memref<25x128xf32, #tpu.memory_space<vmem_shared>>
        tpu.enqueue_dma source(%arg13 : memref<25x128xf32, #tpu.memory_space<vmem>>) target(%dma_start3A_76 : memref<25x128xf32, #tpu.memory_space<vmem_shared>>) target_semaphore(%run_scoped3A : memref<!tpu.dma_semaphore, #tpu.memory_space<semaphore_mem>>)
        %dma_wait3A_77 = arith.constant 0 : i32
        %dma_wait3A_78 = tpu.memref_slice %arg15[%add3A_69, %dma_wait3A_77] : memref<10000x128xf32, #tpu.memory_space<vmem_shared>> -> memref<25x128xf32, #tpu.memory_space<vmem_shared>>
        %dma_wait3A_79 = arith.constant 0 : i32
        %dma_wait3A_80 = tpu.memref_slice %arg15[%add3A_69, %dma_wait3A_79] : memref<10000x128xf32, #tpu.memory_space<vmem_shared>> -> memref<25x128xf32, #tpu.memory_space<vmem_shared>>
        tpu.wait_dma2 semaphore(%run_scoped3A : memref<!tpu.dma_semaphore, #tpu.memory_space<semaphore_mem>>) src(%arg13 : memref<25x128xf32, #tpu.memory_space<vmem>>) dst(%dma_wait3A_80 : memref<25x128xf32, #tpu.memory_space<vmem_shared>>)
        tpu.yield
      }) : () -> ()
      %mul3A_70 = arith.constant 625 : i32
      %mul3A_71 = arith.muli %arg1, %mul3A_70 : i32
      %add3A_72 = arith.addi %mul3A_71, %add3A_66 : i32
      "tpu.region"() ({
        %run_scoped3A = tpu.sem_alloc : memref<!tpu.dma_semaphore, #tpu.memory_space<semaphore_mem>>
        %dma_start3A_73 = arith.constant 0 : i32
        %dma_start3A_74 = tpu.memref_slice %arg16[%add3A_72, %dma_start3A_73] : memref<10000x16xf32, #tpu.memory_space<vmem_shared>> -> memref<25x16xf32, #tpu.memory_space<vmem_shared>>
        %dma_start3A_75 = arith.constant 0 : i32
        %dma_start3A_76 = tpu.memref_slice %arg16[%add3A_72, %dma_start3A_75] : memref<10000x16xf32, #tpu.memory_space<vmem_shared>> -> memref<25x16xf32, #tpu.memory_space<vmem_shared>>
        tpu.enqueue_dma source(%arg14 : memref<25x16xf32, #tpu.memory_space<vmem>>) target(%dma_start3A_76 : memref<25x16xf32, #tpu.memory_space<vmem_shared>>) target_semaphore(%run_scoped3A : memref<!tpu.dma_semaphore, #tpu.memory_space<semaphore_mem>>)
        %dma_wait3A_77 = arith.constant 0 : i32
        %dma_wait3A_78 = tpu.memref_slice %arg16[%add3A_72, %dma_wait3A_77] : memref<10000x16xf32, #tpu.memory_space<vmem_shared>> -> memref<25x16xf32, #tpu.memory_space<vmem_shared>>
        %dma_wait3A_79 = arith.constant 0 : i32
        %dma_wait3A_80 = tpu.memref_slice %arg16[%add3A_72, %dma_wait3A_79] : memref<10000x16xf32, #tpu.memory_space<vmem_shared>> -> memref<25x16xf32, #tpu.memory_space<vmem_shared>>
        tpu.wait_dma2 semaphore(%run_scoped3A : memref<!tpu.dma_semaphore, #tpu.memory_space<semaphore_mem>>) src(%arg14 : memref<25x16xf32, #tpu.memory_space<vmem>>) dst(%dma_wait3A_80 : memref<25x16xf32, #tpu.memory_space<vmem_shared>>)
        tpu.yield
      }) : () -> ()
    }
    %scan3A_9 = arith.constant 25 : i32
    %barrier3A = arith.constant 0 : index
    tpu.barrier barrier_id(%barrier3A)
    %mul3A_10 = arith.constant 5000 : i32
    %mul3A_11 = arith.muli %add3A, %mul3A_10 : i32
    %add3A_12 = arith.constant 0 : i32
    %add3A_13 = arith.addi %mul3A_11, %add3A_12 : i32
    "tpu.region"() ({
      %run_scoped3A = tpu.sem_alloc : memref<!tpu.dma_semaphore, #tpu.memory_space<semaphore_mem>>
      %dma_start3A_62 = tpu.memref_slice %arg4[%add3A_13] : memref<160000xi32, #tpu.memory_space<hbm>> -> memref<40xi32, #tpu.memory_space<hbm>>
      %dma_start3A_63 = tpu.memref_slice %arg4[%add3A_13] : memref<160000xi32, #tpu.memory_space<hbm>> -> memref<40xi32, #tpu.memory_space<hbm>>
      tpu.enqueue_dma source(%dma_start3A_63 : memref<40xi32, #tpu.memory_space<hbm>>) target(%arg7 : memref<40xi32, #tpu.memory_space<vmem>>) target_semaphore(%run_scoped3A : memref<!tpu.dma_semaphore, #tpu.memory_space<semaphore_mem>>)
      %dma_wait3A_64 = tpu.memref_slice %arg4[%add3A_13] : memref<160000xi32, #tpu.memory_space<hbm>> -> memref<40xi32, #tpu.memory_space<hbm>>
      %dma_wait3A_65 = tpu.memref_slice %arg4[%add3A_13] : memref<160000xi32, #tpu.memory_space<hbm>> -> memref<40xi32, #tpu.memory_space<hbm>>
      tpu.wait_dma2 semaphore(%run_scoped3A : memref<!tpu.dma_semaphore, #tpu.memory_space<semaphore_mem>>) src(%dma_wait3A_65 : memref<40xi32, #tpu.memory_space<hbm>>) dst(%arg7 : memref<40xi32, #tpu.memory_space<vmem>>)
      tpu.yield
    }) : () -> ()
    %dma_start3A = arith.constant 0 : i32
    %dma_start3A_14 = tpu.memref_slice %arg2[%add3A_13, %dma_start3A] : memref<160000x128xf32, #tpu.memory_space<hbm>> -> memref<40x128xf32, #tpu.memory_space<hbm>>
    %dma_start3A_15 = arith.constant 0 : i32
    %dma_start3A_16 = tpu.memref_slice %arg2[%add3A_13, %dma_start3A_15] : memref<160000x128xf32, #tpu.memory_space<hbm>> -> memref<40x128xf32, #tpu.memory_space<hbm>>
    tpu.enqueue_dma source(%dma_start3A_16 : memref<40x128xf32, #tpu.memory_space<hbm>>) target(%arg9 : memref<40x128xf32, #tpu.memory_space<vmem>>) target_semaphore(%arg17 : memref<!tpu.dma_semaphore, #tpu.memory_space<semaphore_mem>>)
    %dma_start3A_17 = arith.constant 0 : i32
    %dma_start3A_18 = tpu.memref_slice %arg3[%add3A_13, %dma_start3A_17] : memref<160000x128xf32, #tpu.memory_space<hbm>> -> memref<40x16xf32, #tpu.memory_space<hbm>>
    %dma_start3A_19 = arith.constant 0 : i32
    %dma_start3A_20 = tpu.memref_slice %arg3[%add3A_13, %dma_start3A_19] : memref<160000x128xf32, #tpu.memory_space<hbm>> -> memref<40x16xf32, #tpu.memory_space<hbm>>
    tpu.enqueue_dma source(%dma_start3A_20 : memref<40x16xf32, #tpu.memory_space<hbm>>) target(%arg11 : memref<40x16xf32, #tpu.memory_space<vmem>>) target_semaphore(%arg17 : memref<!tpu.dma_semaphore, #tpu.memory_space<semaphore_mem>>)
    %scan3A_21 = arith.constant 0 : i32
    %scan3A_22 = arith.constant 62 : i32
    %scan3A_23 = arith.addi %scan3A_21, %scan3A_22 : i32
    %scan3A_24 = arith.constant 1 : i32
    scf.for %scan3A_62 = %scan3A_21 to %scan3A_23 step %scan3A_24  : i32 {
      %mul3A_63 = arith.constant 1 : i32
      %mul3A_64 = arith.muli %scan3A_62, %mul3A_63 : i32
      %add3A_65 = arith.constant 0 : i32
      %add3A_66 = arith.addi %add3A_65, %mul3A_64 : i32
      %mul3A_67 = arith.constant 2 : i32
      %mul3A_68 = arith.muli %mul3A_67, %add3A_66 : i32
      %add3A_69 = arith.constant 1 : i32
      %add3A_70 = arith.addi %mul3A_68, %add3A_69 : i32
      %mul3A_71 = arith.constant 40 : i32
      %mul3A_72 = arith.muli %add3A_70, %mul3A_71 : i32
      %add3A_73 = arith.addi %mul3A_11, %mul3A_72 : i32
      "tpu.region"() ({
        %run_scoped3A = tpu.sem_alloc : memref<!tpu.dma_semaphore, #tpu.memory_space<semaphore_mem>>
        %dma_start3A_143 = tpu.memref_slice %arg4[%add3A_73] : memref<160000xi32, #tpu.memory_space<hbm>> -> memref<40xi32, #tpu.memory_space<hbm>>
        %dma_start3A_144 = tpu.memref_slice %arg4[%add3A_73] : memref<160000xi32, #tpu.memory_space<hbm>> -> memref<40xi32, #tpu.memory_space<hbm>>
        tpu.enqueue_dma source(%dma_start3A_144 : memref<40xi32, #tpu.memory_space<hbm>>) target(%arg8 : memref<40xi32, #tpu.memory_space<vmem>>) target_semaphore(%run_scoped3A : memref<!tpu.dma_semaphore, #tpu.memory_space<semaphore_mem>>)
        %dma_wait3A_145 = tpu.memref_slice %arg4[%add3A_73] : memref<160000xi32, #tpu.memory_space<hbm>> -> memref<40xi32, #tpu.memory_space<hbm>>
        %dma_wait3A_146 = tpu.memref_slice %arg4[%add3A_73] : memref<160000xi32, #tpu.memory_space<hbm>> -> memref<40xi32, #tpu.memory_space<hbm>>
        tpu.wait_dma2 semaphore(%run_scoped3A : memref<!tpu.dma_semaphore, #tpu.memory_space<semaphore_mem>>) src(%dma_wait3A_146 : memref<40xi32, #tpu.memory_space<hbm>>) dst(%arg8 : memref<40xi32, #tpu.memory_space<vmem>>)
        tpu.yield
      }) : () -> ()
      %dma_start3A_74 = arith.constant 0 : i32
      %dma_start3A_75 = tpu.memref_slice %arg2[%add3A_73, %dma_start3A_74] : memref<160000x128xf32, #tpu.memory_space<hbm>> -> memref<40x128xf32, #tpu.memory_space<hbm>>
      %dma_start3A_76 = arith.constant 0 : i32
      %dma_start3A_77 = tpu.memref_slice %arg2[%add3A_73, %dma_start3A_76] : memref<160000x128xf32, #tpu.memory_space<hbm>> -> memref<40x128xf32, #tpu.memory_space<hbm>>
      tpu.enqueue_dma source(%dma_start3A_77 : memref<40x128xf32, #tpu.memory_space<hbm>>) target(%arg10 : memref<40x128xf32, #tpu.memory_space<vmem>>) target_semaphore(%arg18 : memref<!tpu.dma_semaphore, #tpu.memory_space<semaphore_mem>>)
      %dma_start3A_78 = arith.constant 0 : i32
      %dma_start3A_79 = tpu.memref_slice %arg3[%add3A_73, %dma_start3A_78] : memref<160000x128xf32, #tpu.memory_space<hbm>> -> memref<40x16xf32, #tpu.memory_space<hbm>>
      %dma_start3A_80 = arith.constant 0 : i32
      %dma_start3A_81 = tpu.memref_slice %arg3[%add3A_73, %dma_start3A_80] : memref<160000x128xf32, #tpu.memory_space<hbm>> -> memref<40x16xf32, #tpu.memory_space<hbm>>
      tpu.enqueue_dma source(%dma_start3A_81 : memref<40x16xf32, #tpu.memory_space<hbm>>) target(%arg12 : memref<40x16xf32, #tpu.memory_space<vmem>>) target_semaphore(%arg18 : memref<!tpu.dma_semaphore, #tpu.memory_space<semaphore_mem>>)
      %mul3A_82 = arith.constant 40 : i32
      %mul3A_83 = arith.muli %mul3A_68, %mul3A_82 : i32
      %add3A_84 = arith.addi %mul3A_11, %mul3A_83 : i32
      %dma_wait3A_85 = arith.constant 0 : i32
      %dma_wait3A_86 = tpu.memref_slice %arg2[%add3A_84, %dma_wait3A_85] : memref<160000x128xf32, #tpu.memory_space<hbm>> -> memref<40x128xf32, #tpu.memory_space<hbm>>
      %dma_wait3A_87 = arith.constant 0 : i32
      %dma_wait3A_88 = tpu.memref_slice %arg2[%add3A_84, %dma_wait3A_87] : memref<160000x128xf32, #tpu.memory_space<hbm>> -> memref<40x128xf32, #tpu.memory_space<hbm>>
      tpu.wait_dma2 semaphore(%arg17 : memref<!tpu.dma_semaphore, #tpu.memory_space<semaphore_mem>>) src(%dma_wait3A_88 : memref<40x128xf32, #tpu.memory_space<hbm>>) dst(%arg9 : memref<40x128xf32, #tpu.memory_space<vmem>>)
      %dma_wait3A_89 = arith.constant 0 : i32
      %dma_wait3A_90 = tpu.memref_slice %arg3[%add3A_84, %dma_wait3A_89] : memref<160000x128xf32, #tpu.memory_space<hbm>> -> memref<40x16xf32, #tpu.memory_space<hbm>>
      %dma_wait3A_91 = arith.constant 0 : i32
      %dma_wait3A_92 = tpu.memref_slice %arg3[%add3A_84, %dma_wait3A_91] : memref<160000x128xf32, #tpu.memory_space<hbm>> -> memref<40x16xf32, #tpu.memory_space<hbm>>
      tpu.wait_dma2 semaphore(%arg17 : memref<!tpu.dma_semaphore, #tpu.memory_space<semaphore_mem>>) src(%dma_wait3A_92 : memref<40x16xf32, #tpu.memory_space<hbm>>) dst(%arg11 : memref<40x16xf32, #tpu.memory_space<vmem>>)
      %dma_start3A_93 = arith.constant 0 : i32
      %dma_start3A_94 = arith.constant 0 : i32
      %dma_start3A_95 = tpu.memref_slice %arg15[%dma_start3A_93, %dma_start3A_94] : memref<10000x128xf32, #tpu.memory_space<vmem_shared>> -> memref<10000x128xf32, #tpu.memory_space<vmem_shared>>
      tpu.enqueue_indirect_dma source(%arg9 : memref<40x128xf32, #tpu.memory_space<vmem>>) target(%dma_start3A_95 : memref<10000x128xf32, #tpu.memory_space<vmem_shared>>) offsets(%arg7 : memref<40xi32, #tpu.memory_space<vmem>>) semaphore(%arg19 : memref<!tpu.dma_semaphore, #tpu.memory_space<semaphore_mem>>) {add = true}
      %dma_start3A_96 = arith.constant 0 : i32
      %dma_start3A_97 = arith.constant 0 : i32
      %dma_start3A_98 = tpu.memref_slice %arg16[%dma_start3A_96, %dma_start3A_97] : memref<10000x16xf32, #tpu.memory_space<vmem_shared>> -> memref<10000x16xf32, #tpu.memory_space<vmem_shared>>
      tpu.enqueue_indirect_dma source(%arg11 : memref<40x16xf32, #tpu.memory_space<vmem>>) target(%dma_start3A_98 : memref<10000x16xf32, #tpu.memory_space<vmem_shared>>) offsets(%arg7 : memref<40xi32, #tpu.memory_space<vmem>>) semaphore(%arg19 : memref<!tpu.dma_semaphore, #tpu.memory_space<semaphore_mem>>) {add = true}
      %dma_wait3A_99 = arith.constant 0 : i32
      %dma_wait3A_100 = arith.constant 0 : i32
      %dma_wait3A_101 = tpu.memref_slice %arg15[%dma_wait3A_99, %dma_wait3A_100] : memref<10000x128xf32, #tpu.memory_space<vmem_shared>> -> memref<10000x128xf32, #tpu.memory_space<vmem_shared>>
      tpu.wait_indirect_dma semaphore(%arg19 : memref<!tpu.dma_semaphore, #tpu.memory_space<semaphore_mem>>) src(%arg9 : memref<40x128xf32, #tpu.memory_space<vmem>>) dst(%dma_wait3A_101 : memref<10000x128xf32, #tpu.memory_space<vmem_shared>>)
      %dma_wait3A_102 = arith.constant 0 : i32
      %dma_wait3A_103 = arith.constant 0 : i32
      %dma_wait3A_104 = tpu.memref_slice %arg16[%dma_wait3A_102, %dma_wait3A_103] : memref<10000x16xf32, #tpu.memory_space<vmem_shared>> -> memref<10000x16xf32, #tpu.memory_space<vmem_shared>>
      tpu.wait_indirect_dma semaphore(%arg19 : memref<!tpu.dma_semaphore, #tpu.memory_space<semaphore_mem>>) src(%arg11 : memref<40x16xf32, #tpu.memory_space<vmem>>) dst(%dma_wait3A_104 : memref<10000x16xf32, #tpu.memory_space<vmem_shared>>)
      %add3A_105 = arith.constant 2 : i32
      %add3A_106 = arith.addi %mul3A_68, %add3A_105 : i32
      %mul3A_107 = arith.constant 40 : i32
      %mul3A_108 = arith.muli %add3A_106, %mul3A_107 : i32
      %add3A_109 = arith.addi %mul3A_11, %mul3A_108 : i32
      "tpu.region"() ({
        %run_scoped3A = tpu.sem_alloc : memref<!tpu.dma_semaphore, #tpu.memory_space<semaphore_mem>>
        %dma_start3A_143 = tpu.memref_slice %arg4[%add3A_109] : memref<160000xi32, #tpu.memory_space<hbm>> -> memref<40xi32, #tpu.memory_space<hbm>>
        %dma_start3A_144 = tpu.memref_slice %arg4[%add3A_109] : memref<160000xi32, #tpu.memory_space<hbm>> -> memref<40xi32, #tpu.memory_space<hbm>>
        tpu.enqueue_dma source(%dma_start3A_144 : memref<40xi32, #tpu.memory_space<hbm>>) target(%arg7 : memref<40xi32, #tpu.memory_space<vmem>>) target_semaphore(%run_scoped3A : memref<!tpu.dma_semaphore, #tpu.memory_space<semaphore_mem>>)
        %dma_wait3A_145 = tpu.memref_slice %arg4[%add3A_109] : memref<160000xi32, #tpu.memory_space<hbm>> -> memref<40xi32, #tpu.memory_space<hbm>>
        %dma_wait3A_146 = tpu.memref_slice %arg4[%add3A_109] : memref<160000xi32, #tpu.memory_space<hbm>> -> memref<40xi32, #tpu.memory_space<hbm>>
        tpu.wait_dma2 semaphore(%run_scoped3A : memref<!tpu.dma_semaphore, #tpu.memory_space<semaphore_mem>>) src(%dma_wait3A_146 : memref<40xi32, #tpu.memory_space<hbm>>) dst(%arg7 : memref<40xi32, #tpu.memory_space<vmem>>)
        tpu.yield
      }) : () -> ()
      %dma_start3A_110 = arith.constant 0 : i32
      %dma_start3A_111 = tpu.memref_slice %arg2[%add3A_109, %dma_start3A_110] : memref<160000x128xf32, #tpu.memory_space<hbm>> -> memref<40x128xf32, #tpu.memory_space<hbm>>
      %dma_start3A_112 = arith.constant 0 : i32
      %dma_start3A_113 = tpu.memref_slice %arg2[%add3A_109, %dma_start3A_112] : memref<160000x128xf32, #tpu.memory_space<hbm>> -> memref<40x128xf32, #tpu.memory_space<hbm>>
      tpu.enqueue_dma source(%dma_start3A_113 : memref<40x128xf32, #tpu.memory_space<hbm>>) target(%arg9 : memref<40x128xf32, #tpu.memory_space<vmem>>) target_semaphore(%arg17 : memref<!tpu.dma_semaphore, #tpu.memory_space<semaphore_mem>>)
      %dma_start3A_114 = arith.constant 0 : i32
      %dma_start3A_115 = tpu.memref_slice %arg3[%add3A_109, %dma_start3A_114] : memref<160000x128xf32, #tpu.memory_space<hbm>> -> memref<40x16xf32, #tpu.memory_space<hbm>>
      %dma_start3A_116 = arith.constant 0 : i32
      %dma_start3A_117 = tpu.memref_slice %arg3[%add3A_109, %dma_start3A_116] : memref<160000x128xf32, #tpu.memory_space<hbm>> -> memref<40x16xf32, #tpu.memory_space<hbm>>
      tpu.enqueue_dma source(%dma_start3A_117 : memref<40x16xf32, #tpu.memory_space<hbm>>) target(%arg11 : memref<40x16xf32, #tpu.memory_space<vmem>>) target_semaphore(%arg17 : memref<!tpu.dma_semaphore, #tpu.memory_space<semaphore_mem>>)
      %add3A_118 = arith.constant 1 : i32
      %add3A_119 = arith.addi %mul3A_68, %add3A_118 : i32
      %mul3A_120 = arith.constant 40 : i32
      %mul3A_121 = arith.muli %add3A_119, %mul3A_120 : i32
      %add3A_122 = arith.addi %mul3A_11, %mul3A_121 : i32
      %dma_wait3A_123 = arith.constant 0 : i32
      %dma_wait3A_124 = tpu.memref_slice %arg2[%add3A_122, %dma_wait3A_123] : memref<160000x128xf32, #tpu.memory_space<hbm>> -> memref<40x128xf32, #tpu.memory_space<hbm>>
      %dma_wait3A_125 = arith.constant 0 : i32
      %dma_wait3A_126 = tpu.memref_slice %arg2[%add3A_122, %dma_wait3A_125] : memref<160000x128xf32, #tpu.memory_space<hbm>> -> memref<40x128xf32, #tpu.memory_space<hbm>>
      tpu.wait_dma2 semaphore(%arg18 : memref<!tpu.dma_semaphore, #tpu.memory_space<semaphore_mem>>) src(%dma_wait3A_126 : memref<40x128xf32, #tpu.memory_space<hbm>>) dst(%arg10 : memref<40x128xf32, #tpu.memory_space<vmem>>)
      %dma_wait3A_127 = arith.constant 0 : i32
      %dma_wait3A_128 = tpu.memref_slice %arg3[%add3A_122, %dma_wait3A_127] : memref<160000x128xf32, #tpu.memory_space<hbm>> -> memref<40x16xf32, #tpu.memory_space<hbm>>
      %dma_wait3A_129 = arith.constant 0 : i32
      %dma_wait3A_130 = tpu.memref_slice %arg3[%add3A_122, %dma_wait3A_129] : memref<160000x128xf32, #tpu.memory_space<hbm>> -> memref<40x16xf32, #tpu.memory_space<hbm>>
      tpu.wait_dma2 semaphore(%arg18 : memref<!tpu.dma_semaphore, #tpu.memory_space<semaphore_mem>>) src(%dma_wait3A_130 : memref<40x16xf32, #tpu.memory_space<hbm>>) dst(%arg12 : memref<40x16xf32, #tpu.memory_space<vmem>>)
      %dma_start3A_131 = arith.constant 0 : i32
      %dma_start3A_132 = arith.constant 0 : i32
      %dma_start3A_133 = tpu.memref_slice %arg15[%dma_start3A_131, %dma_start3A_132] : memref<10000x128xf32, #tpu.memory_space<vmem_shared>> -> memref<10000x128xf32, #tpu.memory_space<vmem_shared>>
      tpu.enqueue_indirect_dma source(%arg10 : memref<40x128xf32, #tpu.memory_space<vmem>>) target(%dma_start3A_133 : memref<10000x128xf32, #tpu.memory_space<vmem_shared>>) offsets(%arg8 : memref<40xi32, #tpu.memory_space<vmem>>) semaphore(%arg20 : memref<!tpu.dma_semaphore, #tpu.memory_space<semaphore_mem>>) {add = true}
      %dma_start3A_134 = arith.constant 0 : i32
      %dma_start3A_135 = arith.constant 0 : i32
      %dma_start3A_136 = tpu.memref_slice %arg16[%dma_start3A_134, %dma_start3A_135] : memref<10000x16xf32, #tpu.memory_space<vmem_shared>> -> memref<10000x16xf32, #tpu.memory_space<vmem_shared>>
      tpu.enqueue_indirect_dma source(%arg12 : memref<40x16xf32, #tpu.memory_space<vmem>>) target(%dma_start3A_136 : memref<10000x16xf32, #tpu.memory_space<vmem_shared>>) offsets(%arg8 : memref<40xi32, #tpu.memory_space<vmem>>) semaphore(%arg20 : memref<!tpu.dma_semaphore, #tpu.memory_space<semaphore_mem>>) {add = true}
      %dma_wait3A_137 = arith.constant 0 : i32
      %dma_wait3A_138 = arith.constant 0 : i32
      %dma_wait3A_139 = tpu.memref_slice %arg15[%dma_wait3A_137, %dma_wait3A_138] : memref<10000x128xf32, #tpu.memory_space<vmem_shared>> -> memref<10000x128xf32, #tpu.memory_space<vmem_shared>>
      tpu.wait_indirect_dma semaphore(%arg20 : memref<!tpu.dma_semaphore, #tpu.memory_space<semaphore_mem>>) src(%arg10 : memref<40x128xf32, #tpu.memory_space<vmem>>) dst(%dma_wait3A_139 : memref<10000x128xf32, #tpu.memory_space<vmem_shared>>)
      %dma_wait3A_140 = arith.constant 0 : i32
      %dma_wait3A_141 = arith.constant 0 : i32
      %dma_wait3A_142 = tpu.memref_slice %arg16[%dma_wait3A_140, %dma_wait3A_141] : memref<10000x16xf32, #tpu.memory_space<vmem_shared>> -> memref<10000x16xf32, #tpu.memory_space<vmem_shared>>
      tpu.wait_indirect_dma semaphore(%arg20 : memref<!tpu.dma_semaphore, #tpu.memory_space<semaphore_mem>>) src(%arg12 : memref<40x16xf32, #tpu.memory_space<vmem>>) dst(%dma_wait3A_142 : memref<10000x16xf32, #tpu.memory_space<vmem_shared>>)
    }
    %scan3A_25 = arith.constant 62 : i32
    %add3A_26 = arith.constant 4960 : i32
    %add3A_27 = arith.addi %mul3A_11, %add3A_26 : i32
    %dma_wait3A = arith.constant 0 : i32
    %dma_wait3A_28 = tpu.memref_slice %arg2[%add3A_27, %dma_wait3A] : memref<160000x128xf32, #tpu.memory_space<hbm>> -> memref<40x128xf32, #tpu.memory_space<hbm>>
    %dma_wait3A_29 = arith.constant 0 : i32
    %dma_wait3A_30 = tpu.memref_slice %arg2[%add3A_27, %dma_wait3A_29] : memref<160000x128xf32, #tpu.memory_space<hbm>> -> memref<40x128xf32, #tpu.memory_space<hbm>>
    tpu.wait_dma2 semaphore(%arg17 : memref<!tpu.dma_semaphore, #tpu.memory_space<semaphore_mem>>) src(%dma_wait3A_30 : memref<40x128xf32, #tpu.memory_space<hbm>>) dst(%arg9 : memref<40x128xf32, #tpu.memory_space<vmem>>)
    %dma_wait3A_31 = arith.constant 0 : i32
    %dma_wait3A_32 = tpu.memref_slice %arg3[%add3A_27, %dma_wait3A_31] : memref<160000x128xf32, #tpu.memory_space<hbm>> -> memref<40x16xf32, #tpu.memory_space<hbm>>
    %dma_wait3A_33 = arith.constant 0 : i32
    %dma_wait3A_34 = tpu.memref_slice %arg3[%add3A_27, %dma_wait3A_33] : memref<160000x128xf32, #tpu.memory_space<hbm>> -> memref<40x16xf32, #tpu.memory_space<hbm>>
    tpu.wait_dma2 semaphore(%arg17 : memref<!tpu.dma_semaphore, #tpu.memory_space<semaphore_mem>>) src(%dma_wait3A_34 : memref<40x16xf32, #tpu.memory_space<hbm>>) dst(%arg11 : memref<40x16xf32, #tpu.memory_space<vmem>>)
    %dma_start3A_35 = arith.constant 0 : i32
    %dma_start3A_36 = arith.constant 0 : i32
    %dma_start3A_37 = tpu.memref_slice %arg15[%dma_start3A_35, %dma_start3A_36] : memref<10000x128xf32, #tpu.memory_space<vmem_shared>> -> memref<10000x128xf32, #tpu.memory_space<vmem_shared>>
    tpu.enqueue_indirect_dma source(%arg9 : memref<40x128xf32, #tpu.memory_space<vmem>>) target(%dma_start3A_37 : memref<10000x128xf32, #tpu.memory_space<vmem_shared>>) offsets(%arg7 : memref<40xi32, #tpu.memory_space<vmem>>) semaphore(%arg19 : memref<!tpu.dma_semaphore, #tpu.memory_space<semaphore_mem>>) {add = true}
    %dma_start3A_38 = arith.constant 0 : i32
    %dma_start3A_39 = arith.constant 0 : i32
    %dma_start3A_40 = tpu.memref_slice %arg16[%dma_start3A_38, %dma_start3A_39] : memref<10000x16xf32, #tpu.memory_space<vmem_shared>> -> memref<10000x16xf32, #tpu.memory_space<vmem_shared>>
    tpu.enqueue_indirect_dma source(%arg11 : memref<40x16xf32, #tpu.memory_space<vmem>>) target(%dma_start3A_40 : memref<10000x16xf32, #tpu.memory_space<vmem_shared>>) offsets(%arg7 : memref<40xi32, #tpu.memory_space<vmem>>) semaphore(%arg19 : memref<!tpu.dma_semaphore, #tpu.memory_space<semaphore_mem>>) {add = true}
    %dma_wait3A_41 = arith.constant 0 : i32
    %dma_wait3A_42 = arith.constant 0 : i32
    %dma_wait3A_43 = tpu.memref_slice %arg15[%dma_wait3A_41, %dma_wait3A_42] : memref<10000x128xf32, #tpu.memory_space<vmem_shared>> -> memref<10000x128xf32, #tpu.memory_space<vmem_shared>>
    tpu.wait_indirect_dma semaphore(%arg19 : memref<!tpu.dma_semaphore, #tpu.memory_space<semaphore_mem>>) src(%arg9 : memref<40x128xf32, #tpu.memory_space<vmem>>) dst(%dma_wait3A_43 : memref<10000x128xf32, #tpu.memory_space<vmem_shared>>)
    %dma_wait3A_44 = arith.constant 0 : i32
    %dma_wait3A_45 = arith.constant 0 : i32
    %dma_wait3A_46 = tpu.memref_slice %arg16[%dma_wait3A_44, %dma_wait3A_45] : memref<10000x16xf32, #tpu.memory_space<vmem_shared>> -> memref<10000x16xf32, #tpu.memory_space<vmem_shared>>
    tpu.wait_indirect_dma semaphore(%arg19 : memref<!tpu.dma_semaphore, #tpu.memory_space<semaphore_mem>>) src(%arg11 : memref<40x16xf32, #tpu.memory_space<vmem>>) dst(%dma_wait3A_46 : memref<10000x16xf32, #tpu.memory_space<vmem_shared>>)
    %barrier3A_47 = arith.constant 0 : index
    tpu.barrier barrier_id(%barrier3A_47)
    %mul3A_48 = arith.constant 625 : i32
    %mul3A_49 = arith.muli %arg1, %mul3A_48 : i32
    %mul3A_50 = arith.constant 10000 : i32
    %mul3A_51 = arith.muli %arg0, %mul3A_50 : i32
    %mul3A_52 = arith.constant 625 : i32
    %mul3A_53 = arith.muli %arg1, %mul3A_52 : i32
    %add3A_54 = arith.addi %mul3A_51, %mul3A_53 : i32
    "tpu.region"() ({
      %run_scoped3A = tpu.sem_alloc : memref<!tpu.dma_semaphore, #tpu.memory_space<semaphore_mem>>
      %dma_start3A_62 = arith.constant 0 : i32
      %dma_start3A_63 = tpu.memref_slice %arg5[%add3A_54, %dma_start3A_62] : memref<20000x128xf32, #tpu.memory_space<hbm>> -> memref<625x128xf32, #tpu.memory_space<hbm>>
      %dma_start3A_64 = arith.constant 0 : i32
      %dma_start3A_65 = tpu.memref_slice %arg15[%mul3A_49, %dma_start3A_64] : memref<10000x128xf32, #tpu.memory_space<vmem_shared>> -> memref<625x128xf32, #tpu.memory_space<vmem_shared>>
      tpu.enqueue_dma source(%dma_start3A_65 : memref<625x128xf32, #tpu.memory_space<vmem_shared>>) target(%dma_start3A_63 : memref<625x128xf32, #tpu.memory_space<hbm>>) target_semaphore(%run_scoped3A : memref<!tpu.dma_semaphore, #tpu.memory_space<semaphore_mem>>)
      %dma_wait3A_66 = arith.constant 0 : i32
      %dma_wait3A_67 = tpu.memref_slice %arg5[%add3A_54, %dma_wait3A_66] : memref<20000x128xf32, #tpu.memory_space<hbm>> -> memref<625x128xf32, #tpu.memory_space<hbm>>
      %dma_wait3A_68 = arith.constant 0 : i32
      %dma_wait3A_69 = tpu.memref_slice %arg15[%mul3A_49, %dma_wait3A_68] : memref<10000x128xf32, #tpu.memory_space<vmem_shared>> -> memref<625x128xf32, #tpu.memory_space<vmem_shared>>
      tpu.wait_dma2 semaphore(%run_scoped3A : memref<!tpu.dma_semaphore, #tpu.memory_space<semaphore_mem>>) src(%dma_wait3A_69 : memref<625x128xf32, #tpu.memory_space<vmem_shared>>) dst(%dma_wait3A_67 : memref<625x128xf32, #tpu.memory_space<hbm>>)
      tpu.yield
    }) : () -> ()
    %mul3A_55 = arith.constant 625 : i32
    %mul3A_56 = arith.muli %arg1, %mul3A_55 : i32
    %mul3A_57 = arith.constant 10000 : i32
    %mul3A_58 = arith.muli %arg0, %mul3A_57 : i32
    %mul3A_59 = arith.constant 625 : i32
    %mul3A_60 = arith.muli %arg1, %mul3A_59 : i32
    %add3A_61 = arith.addi %mul3A_58, %mul3A_60 : i32
    "tpu.region"() ({
      %run_scoped3A = tpu.sem_alloc : memref<!tpu.dma_semaphore, #tpu.memory_space<semaphore_mem>>
      %dma_start3A_62 = arith.constant 0 : i32
      %dma_start3A_63 = tpu.memref_slice %arg6[%add3A_61, %dma_start3A_62] : memref<20000x128xf32, #tpu.memory_space<hbm>> -> memref<625x16xf32, #tpu.memory_space<hbm>>
      %dma_start3A_64 = arith.constant 0 : i32
      %dma_start3A_65 = tpu.memref_slice %arg16[%mul3A_56, %dma_start3A_64] : memref<10000x16xf32, #tpu.memory_space<vmem_shared>> -> memref<625x16xf32, #tpu.memory_space<vmem_shared>>
      tpu.enqueue_dma source(%dma_start3A_65 : memref<625x16xf32, #tpu.memory_space<vmem_shared>>) target(%dma_start3A_63 : memref<625x16xf32, #tpu.memory_space<hbm>>) target_semaphore(%run_scoped3A : memref<!tpu.dma_semaphore, #tpu.memory_space<semaphore_mem>>)
      %dma_wait3A_66 = arith.constant 0 : i32
      %dma_wait3A_67 = tpu.memref_slice %arg6[%add3A_61, %dma_wait3A_66] : memref<20000x128xf32, #tpu.memory_space<hbm>> -> memref<625x16xf32, #tpu.memory_space<hbm>>
      %dma_wait3A_68 = arith.constant 0 : i32
      %dma_wait3A_69 = tpu.memref_slice %arg16[%mul3A_56, %dma_wait3A_68] : memref<10000x16xf32, #tpu.memory_space<vmem_shared>> -> memref<625x16xf32, #tpu.memory_space<vmem_shared>>
      tpu.wait_dma2 semaphore(%run_scoped3A : memref<!tpu.dma_semaphore, #tpu.memory_space<semaphore_mem>>) src(%dma_wait3A_69 : memref<625x16xf32, #tpu.memory_space<vmem_shared>>) dst(%dma_wait3A_67 : memref<625x16xf32, #tpu.memory_space<hbm>>)
      tpu.yield
    }) : () -> ()
    return
  }
}

module attributes {stable_mosaic.version = 14 : i64} {
  func.func @body(%arg0: i32, %arg1: memref<3200x128xf32, #tpu.memory_space<vmem>>, %arg2: memref<3200x128xf32, #tpu.memory_space<vmem>>, %arg3: memref<3200x16xf32, #tpu.memory_space<vmem>>, %arg4: memref<256x256xbf16, #tpu.memory_space<vmem>>, %arg5: memref<1x256xf32, #tpu.memory_space<vmem>>, %arg6: memref<16x256xbf16, #tpu.memory_space<vmem>>, %arg7: memref<1x256xf32, #tpu.memory_space<vmem>>, %arg8: memref<128x128xbf16, #tpu.memory_space<vmem>>, %arg9: memref<1x128xf32, #tpu.memory_space<vmem>>, %arg10: memref<128x128xbf16, #tpu.memory_space<vmem>>, %arg11: memref<1x128xf32, #tpu.memory_space<vmem>>, %arg12: memref<256x2xbf16, #tpu.memory_space<vmem>>, %arg13: memref<1x1xf32, #tpu.memory_space<vmem>>, %arg14: memref<3200x128xf32, #tpu.memory_space<vmem>>, %arg15: memref<3200x128xf32, #tpu.memory_space<vmem>>) attributes {dimension_semantics = [#tpu.dimension_semantics<arbitrary>], iteration_bounds = array<i64: 50>, scalar_prefetch = 0 : i64, scratch_operands = 0 : i64, tpu.core_type = #tpu.core_type<tc>, window_params = [{transform_indices = @transform_0, window_bounds = array<i64: 3200, 128>}, {transform_indices = @transform_1, window_bounds = array<i64: 3200, 128>}, {transform_indices = @transform_2, window_bounds = array<i64: 3200, 16>}, {pipeline_mode = #tpu.pipeline_mode<synchronous>, transform_indices = @transform_3, window_bounds = array<i64: 256, 256>}, {pipeline_mode = #tpu.pipeline_mode<synchronous>, transform_indices = @transform_4, window_bounds = array<i64: 1, 256>}, {pipeline_mode = #tpu.pipeline_mode<synchronous>, transform_indices = @transform_5, window_bounds = array<i64: 16, 256>}, {pipeline_mode = #tpu.pipeline_mode<synchronous>, transform_indices = @transform_6, window_bounds = array<i64: 1, 256>}, {pipeline_mode = #tpu.pipeline_mode<synchronous>, transform_indices = @transform_7, window_bounds = array<i64: 128, 128>}, {pipeline_mode = #tpu.pipeline_mode<synchronous>, transform_indices = @transform_8, window_bounds = array<i64: 1, 128>}, {pipeline_mode = #tpu.pipeline_mode<synchronous>, transform_indices = @transform_9, window_bounds = array<i64: 128, 128>}, {pipeline_mode = #tpu.pipeline_mode<synchronous>, transform_indices = @transform_10, window_bounds = array<i64: 1, 128>}, {pipeline_mode = #tpu.pipeline_mode<synchronous>, transform_indices = @transform_11, window_bounds = array<i64: 256, 2>}, {pipeline_mode = #tpu.pipeline_mode<synchronous>, transform_indices = @transform_12, window_bounds = array<i64: 1, 1>}, {transform_indices = @transform_13, window_bounds = array<i64: 3200, 128>}, {transform_indices = @transform_14, window_bounds = array<i64: 3200, 128>}]} {
    %get3A = arith.constant 0 : index
    %get3A_0 = arith.constant 0 : index
    %get3A_1 = vector.load %arg1[%get3A, %get3A_0] : memref<3200x128xf32, #tpu.memory_space<vmem>>, vector<3200x64xf32>
    %bitcast_convert_type3A = tpu.bitcast %get3A_1 : vector<3200x64xf32> -> vector<3200x64xi32>
    %shift_left3A = arith.constant 16 : i32
    %shift_left3A_2 = vector.broadcast %shift_left3A : i32 to vector<3200x64xi32>
    %shift_left3A_3 = arith.shli %bitcast_convert_type3A, %shift_left3A_2 : vector<3200x64xi32>
    %bitcast_convert_type3A_4 = tpu.bitcast %shift_left3A_3 : vector<3200x64xi32> -> vector<3200x64xf32>
    %shift_right_arithmetic3A = arith.constant 16 : i32
    %shift_right_arithmetic3A_5 = vector.broadcast %shift_right_arithmetic3A : i32 to vector<3200x64xi32>
    %shift_right_arithmetic3A_6 = arith.shrsi %bitcast_convert_type3A, %shift_right_arithmetic3A_5 : vector<3200x64xi32>
    %shift_left3A_7 = arith.constant 16 : i32
    %shift_left3A_8 = vector.broadcast %shift_left3A_7 : i32 to vector<3200x64xi32>
    %shift_left3A_9 = arith.shli %shift_right_arithmetic3A_6, %shift_left3A_8 : vector<3200x64xi32>
    %bitcast_convert_type3A_10 = tpu.bitcast %shift_left3A_9 : vector<3200x64xi32> -> vector<3200x64xf32>
    %convert_element_type3A = arith.truncf %bitcast_convert_type3A_4 : vector<3200x64xf32> to vector<3200x64xbf16>
    %convert_element_type3A_11 = arith.truncf %bitcast_convert_type3A_10 : vector<3200x64xf32> to vector<3200x64xbf16>
    %get3A_12 = arith.constant 0 : index
    %get3A_13 = arith.constant 64 : index
    %get3A_14 = vector.load %arg1[%get3A_12, %get3A_13] : memref<3200x128xf32, #tpu.memory_space<vmem>>, vector<3200x64xf32>
    %bitcast_convert_type3A_15 = tpu.bitcast %get3A_14 : vector<3200x64xf32> -> vector<3200x64xi32>
    %shift_left3A_16 = arith.constant 16 : i32
    %shift_left3A_17 = vector.broadcast %shift_left3A_16 : i32 to vector<3200x64xi32>
    %shift_left3A_18 = arith.shli %bitcast_convert_type3A_15, %shift_left3A_17 : vector<3200x64xi32>
    %bitcast_convert_type3A_19 = tpu.bitcast %shift_left3A_18 : vector<3200x64xi32> -> vector<3200x64xf32>
    %shift_right_arithmetic3A_20 = arith.constant 16 : i32
    %shift_right_arithmetic3A_21 = vector.broadcast %shift_right_arithmetic3A_20 : i32 to vector<3200x64xi32>
    %shift_right_arithmetic3A_22 = arith.shrsi %bitcast_convert_type3A_15, %shift_right_arithmetic3A_21 : vector<3200x64xi32>
    %shift_left3A_23 = arith.constant 16 : i32
    %shift_left3A_24 = vector.broadcast %shift_left3A_23 : i32 to vector<3200x64xi32>
    %shift_left3A_25 = arith.shli %shift_right_arithmetic3A_22, %shift_left3A_24 : vector<3200x64xi32>
    %bitcast_convert_type3A_26 = tpu.bitcast %shift_left3A_25 : vector<3200x64xi32> -> vector<3200x64xf32>
    %convert_element_type3A_27 = arith.truncf %bitcast_convert_type3A_19 : vector<3200x64xf32> to vector<3200x64xbf16>
    %convert_element_type3A_28 = arith.truncf %bitcast_convert_type3A_26 : vector<3200x64xf32> to vector<3200x64xbf16>
    %concatenate3A = tpu.concatenate %convert_element_type3A, %convert_element_type3A_11, %convert_element_type3A_27, %convert_element_type3A_28 in 1 : vector<3200x64xbf16>, vector<3200x64xbf16>, vector<3200x64xbf16>, vector<3200x64xbf16> -> vector<3200x256xbf16>
    %get3A_29 = arith.constant 0 : index
    %get3A_30 = arith.constant 0 : index
    %get3A_31 = vector.load %arg2[%get3A_29, %get3A_30] : memref<3200x128xf32, #tpu.memory_space<vmem>>, vector<3200x128xf32>
    %slice3A = vector.extract_strided_slice %get3A_31 {offsets = [0, 0], sizes = [3200, 1], strides = [1, 1]} : vector<3200x128xf32> to vector<3200x1xf32>
    %slice3A_32 = vector.extract_strided_slice %get3A_31 {offsets = [0, 16], sizes = [3200, 1], strides = [1, 1]} : vector<3200x128xf32> to vector<3200x1xf32>
    %sub3A = arith.subf %slice3A, %slice3A_32 : vector<3200x1xf32>
    %slice3A_33 = vector.extract_strided_slice %get3A_31 {offsets = [0, 1], sizes = [3200, 1], strides = [1, 1]} : vector<3200x128xf32> to vector<3200x1xf32>
    %slice3A_34 = vector.extract_strided_slice %get3A_31 {offsets = [0, 17], sizes = [3200, 1], strides = [1, 1]} : vector<3200x128xf32> to vector<3200x1xf32>
    %sub3A_35 = arith.subf %slice3A_33, %slice3A_34 : vector<3200x1xf32>
    %slice3A_36 = vector.extract_strided_slice %get3A_31 {offsets = [0, 2], sizes = [3200, 1], strides = [1, 1]} : vector<3200x128xf32> to vector<3200x1xf32>
    %slice3A_37 = vector.extract_strided_slice %get3A_31 {offsets = [0, 18], sizes = [3200, 1], strides = [1, 1]} : vector<3200x128xf32> to vector<3200x1xf32>
    %sub3A_38 = arith.subf %slice3A_36, %slice3A_37 : vector<3200x1xf32>
    %mul3A = arith.mulf %sub3A, %sub3A : vector<3200x1xf32>
    %mul3A_39 = arith.mulf %sub3A_35, %sub3A_35 : vector<3200x1xf32>
    %add3A = arith.addf %mul3A, %mul3A_39 : vector<3200x1xf32>
    %mul3A_40 = arith.mulf %sub3A_38, %sub3A_38 : vector<3200x1xf32>
    %add3A_41 = arith.addf %add3A, %mul3A_40 : vector<3200x1xf32>
    %sqrt3A = math.sqrt %add3A_41 : vector<3200x1xf32>
    %concatenate3A_42 = tpu.concatenate %sub3A, %sub3A_35, %sub3A_38 in 1 : vector<3200x1xf32>, vector<3200x1xf32>, vector<3200x1xf32> -> vector<3200x3xf32>
    %add3A_43 = arith.constant 1.000000e+00 : f32
    %add3A_44 = vector.broadcast %add3A_43 : f32 to vector<3200x1xf32>
    %add3A_45 = arith.addf %sqrt3A, %add3A_44 : vector<3200x1xf32>
    %div3A = vector.broadcast %add3A_45 : vector<3200x1xf32> to vector<3200x3xf32>
    %div3A_46 = arith.divf %concatenate3A_42, %div3A : vector<3200x3xf32>
    %get3A_47 = arith.constant 0 : index
    %get3A_48 = arith.constant 0 : index
    %get3A_49 = vector.load %arg3[%get3A_47, %get3A_48] : memref<3200x16xf32, #tpu.memory_space<vmem>>, vector<3200x16xf32>
    %convert_element_type3A_50 = arith.truncf %get3A_49 : vector<3200x16xf32> to vector<3200x16xbf16>
    %get3A_51 = arith.constant 0 : index
    %get3A_52 = arith.constant 0 : index
    %get3A_53 = vector.load %arg4[%get3A_51, %get3A_52] : memref<256x256xbf16, #tpu.memory_space<vmem>>, vector<256x256xbf16>
    %dot_general3A = arith.constant dense<0.000000e+00> : vector<3200x256xf32>
    %dot_general3A_54 = tpu.matmul %concatenate3A, %get3A_53, %dot_general3A {dimension_numbers = #tpu.dot_dimension_numbers<[1], [0], [0], [1], [0, 0, 1, 1], [], []>, transpose_lhs_hint = false} : vector<3200x256xbf16>, vector<256x256xbf16>, vector<3200x256xf32> -> vector<3200x256xf32>
    %get3A_55 = arith.constant 0 : index
    %get3A_56 = arith.constant 0 : index
    %get3A_57 = vector.load %arg6[%get3A_55, %get3A_56] : memref<16x256xbf16, #tpu.memory_space<vmem>>, vector<16x256xbf16>
    %dot_general3A_58 = arith.constant dense<0.000000e+00> : vector<3200x256xf32>
    %dot_general3A_59 = tpu.matmul %convert_element_type3A_50, %get3A_57, %dot_general3A_58 {dimension_numbers = #tpu.dot_dimension_numbers<[1], [0], [0], [1], [0, 0, 1, 1], [], []>, transpose_lhs_hint = false} : vector<3200x16xbf16>, vector<16x256xbf16>, vector<3200x256xf32> -> vector<3200x256xf32>
    %add3A_60 = arith.addf %dot_general3A_54, %dot_general3A_59 : vector<3200x256xf32>
    %get3A_61 = arith.constant 0 : index
    %get3A_62 = arith.constant 0 : index
    %get3A_63 = vector.load %arg5[%get3A_61, %get3A_62] : memref<1x256xf32, #tpu.memory_space<vmem>>, vector<1x256xf32>
    %mul3A_64 = vector.broadcast %sqrt3A : vector<3200x1xf32> to vector<3200x256xf32>
    %mul3A_65 = vector.broadcast %get3A_63 : vector<1x256xf32> to vector<3200x256xf32>
    %mul3A_66 = arith.mulf %mul3A_64, %mul3A_65 : vector<3200x256xf32>
    %add3A_67 = arith.addf %add3A_60, %mul3A_66 : vector<3200x256xf32>
    %get3A_68 = arith.constant 0 : index
    %get3A_69 = arith.constant 0 : index
    %get3A_70 = vector.load %arg7[%get3A_68, %get3A_69] : memref<1x256xf32, #tpu.memory_space<vmem>>, vector<1x256xf32>
    %add3A_71 = vector.broadcast %get3A_70 : vector<1x256xf32> to vector<3200x256xf32>
    %add3A_72 = arith.addf %add3A_67, %add3A_71 : vector<3200x256xf32>
    %logistic3A = arith.negf %add3A_72 : vector<3200x256xf32>
    %logistic3A_73 = math.exp %logistic3A : vector<3200x256xf32>
    %logistic3A_74 = arith.constant 1.000000e+00 : f32
    %logistic3A_75 = vector.broadcast %logistic3A_74 : f32 to vector<3200x256xf32>
    %logistic3A_76 = arith.addf %logistic3A_75, %logistic3A_73 : vector<3200x256xf32>
    %logistic3A_77 = arith.divf %logistic3A_75, %logistic3A_76 : vector<3200x256xf32>
    %mul3A_78 = arith.mulf %add3A_72, %logistic3A_77 : vector<3200x256xf32>
    %slice3A_79 = vector.extract_strided_slice %mul3A_78 {offsets = [0, 0], sizes = [3200, 128], strides = [1, 1]} : vector<3200x256xf32> to vector<3200x128xf32>
    %slice3A_80 = vector.extract_strided_slice %mul3A_78 {offsets = [0, 128], sizes = [3200, 128], strides = [1, 1]} : vector<3200x256xf32> to vector<3200x128xf32>
    %convert_element_type3A_81 = arith.truncf %slice3A_79 : vector<3200x128xf32> to vector<3200x128xbf16>
    %get3A_82 = arith.constant 0 : index
    %get3A_83 = arith.constant 0 : index
    %get3A_84 = vector.load %arg8[%get3A_82, %get3A_83] : memref<128x128xbf16, #tpu.memory_space<vmem>>, vector<128x128xbf16>
    %dot_general3A_85 = arith.constant dense<0.000000e+00> : vector<3200x128xf32>
    %dot_general3A_86 = tpu.matmul %convert_element_type3A_81, %get3A_84, %dot_general3A_85 {dimension_numbers = #tpu.dot_dimension_numbers<[1], [0], [0], [1], [0, 0, 1, 1], [], []>, transpose_lhs_hint = false} : vector<3200x128xbf16>, vector<128x128xbf16>, vector<3200x128xf32> -> vector<3200x128xf32>
    %get3A_87 = arith.constant 0 : index
    %get3A_88 = arith.constant 0 : index
    %get3A_89 = vector.load %arg9[%get3A_87, %get3A_88] : memref<1x128xf32, #tpu.memory_space<vmem>>, vector<1x128xf32>
    %add3A_90 = vector.broadcast %get3A_89 : vector<1x128xf32> to vector<3200x128xf32>
    %add3A_91 = arith.addf %dot_general3A_86, %add3A_90 : vector<3200x128xf32>
    %logistic3A_92 = arith.negf %add3A_91 : vector<3200x128xf32>
    %logistic3A_93 = math.exp %logistic3A_92 : vector<3200x128xf32>
    %logistic3A_94 = arith.constant 1.000000e+00 : f32
    %logistic3A_95 = vector.broadcast %logistic3A_94 : f32 to vector<3200x128xf32>
    %logistic3A_96 = arith.addf %logistic3A_95, %logistic3A_93 : vector<3200x128xf32>
    %logistic3A_97 = arith.divf %logistic3A_95, %logistic3A_96 : vector<3200x128xf32>
    %mul3A_98 = arith.mulf %add3A_91, %logistic3A_97 : vector<3200x128xf32>
    %convert_element_type3A_99 = arith.truncf %slice3A_80 : vector<3200x128xf32> to vector<3200x128xbf16>
    %get3A_100 = arith.constant 0 : index
    %get3A_101 = arith.constant 0 : index
    %get3A_102 = vector.load %arg10[%get3A_100, %get3A_101] : memref<128x128xbf16, #tpu.memory_space<vmem>>, vector<128x128xbf16>
    %dot_general3A_103 = arith.constant dense<0.000000e+00> : vector<3200x128xf32>
    %dot_general3A_104 = tpu.matmul %convert_element_type3A_99, %get3A_102, %dot_general3A_103 {dimension_numbers = #tpu.dot_dimension_numbers<[1], [0], [0], [1], [0, 0, 1, 1], [], []>, transpose_lhs_hint = false} : vector<3200x128xbf16>, vector<128x128xbf16>, vector<3200x128xf32> -> vector<3200x128xf32>
    %get3A_105 = arith.constant 0 : index
    %get3A_106 = arith.constant 0 : index
    %get3A_107 = vector.load %arg11[%get3A_105, %get3A_106] : memref<1x128xf32, #tpu.memory_space<vmem>>, vector<1x128xf32>
    %add3A_108 = vector.broadcast %get3A_107 : vector<1x128xf32> to vector<3200x128xf32>
    %add3A_109 = arith.addf %dot_general3A_104, %add3A_108 : vector<3200x128xf32>
    %logistic3A_110 = arith.negf %add3A_109 : vector<3200x128xf32>
    %logistic3A_111 = math.exp %logistic3A_110 : vector<3200x128xf32>
    %logistic3A_112 = arith.constant 1.000000e+00 : f32
    %logistic3A_113 = vector.broadcast %logistic3A_112 : f32 to vector<3200x128xf32>
    %logistic3A_114 = arith.addf %logistic3A_113, %logistic3A_111 : vector<3200x128xf32>
    %logistic3A_115 = arith.divf %logistic3A_113, %logistic3A_114 : vector<3200x128xf32>
    %mul3A_116 = arith.mulf %add3A_109, %logistic3A_115 : vector<3200x128xf32>
    %concatenate3A_117 = tpu.concatenate %mul3A_98, %mul3A_116 in 1 : vector<3200x128xf32>, vector<3200x128xf32> -> vector<3200x256xf32>
    %convert_element_type3A_118 = arith.truncf %concatenate3A_117 : vector<3200x256xf32> to vector<3200x256xbf16>
    %get3A_119 = arith.constant 0 : index
    %get3A_120 = arith.constant 0 : index
    %get3A_121 = vector.load %arg12[%get3A_119, %get3A_120] : memref<256x2xbf16, #tpu.memory_space<vmem>>, vector<256x2xbf16>
    %dot_general3A_122 = arith.constant dense<0.000000e+00> : vector<3200x2xf32>
    %dot_general3A_123 = tpu.matmul %convert_element_type3A_118, %get3A_121, %dot_general3A_122 {dimension_numbers = #tpu.dot_dimension_numbers<[1], [0], [0], [1], [0, 0, 1, 1], [], []>, transpose_lhs_hint = false} : vector<3200x256xbf16>, vector<256x2xbf16>, vector<3200x2xf32> -> vector<3200x2xf32>
    %slice3A_124 = vector.extract_strided_slice %dot_general3A_123 {offsets = [0, 0], sizes = [3200, 1], strides = [1, 1]} : vector<3200x2xf32> to vector<3200x1xf32>
    %get3A_125 = arith.constant 0 : index
    %get3A_126 = arith.constant 0 : index
    %get3A_127 = vector.load %arg13[%get3A_125, %get3A_126] : memref<1x1xf32, #tpu.memory_space<vmem>>, vector<1x1xf32>
    %add3A_128 = vector.broadcast %get3A_127 : vector<1x1xf32> to vector<3200x1xf32>
    %add3A_129 = arith.addf %slice3A_124, %add3A_128 : vector<3200x1xf32>
    %logistic3A_130 = arith.negf %add3A_129 : vector<3200x1xf32>
    %logistic3A_131 = math.exp %logistic3A_130 : vector<3200x1xf32>
    %logistic3A_132 = arith.constant 1.000000e+00 : f32
    %logistic3A_133 = vector.broadcast %logistic3A_132 : f32 to vector<3200x1xf32>
    %logistic3A_134 = arith.addf %logistic3A_133, %logistic3A_131 : vector<3200x1xf32>
    %logistic3A_135 = arith.divf %logistic3A_133, %logistic3A_134 : vector<3200x1xf32>
    %slice3A_136 = vector.extract_strided_slice %dot_general3A_123 {offsets = [0, 1], sizes = [3200, 1], strides = [1, 1]} : vector<3200x2xf32> to vector<3200x1xf32>
    %mul3A_137 = vector.broadcast %logistic3A_135 : vector<3200x1xf32> to vector<3200x128xf32>
    %mul3A_138 = arith.mulf %mul3A_137, %mul3A_98 : vector<3200x128xf32>
    %swap3A = arith.constant 0 : index
    %swap3A_139 = arith.constant 0 : index
    %swap3A_140 = vector.load %arg14[%swap3A, %swap3A_139] : memref<3200x128xf32, #tpu.memory_space<vmem>>, vector<3200x128xf32>
    tpu.vector_store %arg14[%swap3A, %swap3A_139], %mul3A_138 {strides = array<i32>} : memref<3200x128xf32, #tpu.memory_space<vmem>>, vector<3200x128xf32>,
    %mul3A_141 = vector.broadcast %slice3A_136 : vector<3200x1xf32> to vector<3200x3xf32>
    %mul3A_142 = arith.mulf %mul3A_141, %div3A_46 : vector<3200x3xf32>
    %broadcast_in_dim3A = arith.constant 0.000000e+00 : f32
    %broadcast_in_dim3A_143 = vector.broadcast %broadcast_in_dim3A : f32 to vector<3200x125xf32>
    %concatenate3A_144 = tpu.concatenate %mul3A_142, %broadcast_in_dim3A_143 in 1 : vector<3200x3xf32>, vector<3200x125xf32> -> vector<3200x128xf32>
    %swap3A_145 = arith.constant 0 : index
    %swap3A_146 = arith.constant 0 : index
    %swap3A_147 = vector.load %arg15[%swap3A_145, %swap3A_146] : memref<3200x128xf32, #tpu.memory_space<vmem>>, vector<3200x128xf32>
    tpu.vector_store %arg15[%swap3A_145, %swap3A_146], %concatenate3A_144 {strides = array<i32>} : memref<3200x128xf32, #tpu.memory_space<vmem>>, vector<3200x128xf32>,
    return
  }
  func.func @transform_0(%arg0: i32) -> (i32, i32) {
    %c0_i32 = arith.constant 0 : i32
    %c0_i32_0 = arith.constant 0 : i32
    return %arg0, %c0_i32 : i32, i32
  }
  func.func @transform_1(%arg0: i32) -> (i32, i32) {
    %c0_i32 = arith.constant 0 : i32
    %c0_i32_0 = arith.constant 0 : i32
    return %arg0, %c0_i32 : i32, i32
  }
  func.func @transform_2(%arg0: i32) -> (i32, i32) {
    %add3A = arith.constant 50 : i32
    %add3A_0 = arith.addi %arg0, %add3A : i32
    %c0_i32 = arith.constant 0 : i32
    %c0_i32_1 = arith.constant 0 : i32
    return %add3A_0, %c0_i32 : i32, i32
  }
  func.func @transform_3(%arg0: i32) -> (i32, i32) {
    %c0_i32 = arith.constant 0 : i32
    %c0_i32_0 = arith.constant 0 : i32
    %c0_i32_1 = arith.constant 0 : i32
    return %c0_i32, %c0_i32_0 : i32, i32
  }
  func.func @transform_4(%arg0: i32) -> (i32, i32) {
    %c0_i32 = arith.constant 0 : i32
    %c0_i32_0 = arith.constant 0 : i32
    %c0_i32_1 = arith.constant 0 : i32
    return %c0_i32, %c0_i32_0 : i32, i32
  }
  func.func @transform_5(%arg0: i32) -> (i32, i32) {
    %c0_i32 = arith.constant 0 : i32
    %c0_i32_0 = arith.constant 0 : i32
    %c0_i32_1 = arith.constant 0 : i32
    return %c0_i32, %c0_i32_0 : i32, i32
  }
  func.func @transform_6(%arg0: i32) -> (i32, i32) {
    %c0_i32 = arith.constant 0 : i32
    %c0_i32_0 = arith.constant 0 : i32
    %c0_i32_1 = arith.constant 0 : i32
    return %c0_i32, %c0_i32_0 : i32, i32
  }
  func.func @transform_7(%arg0: i32) -> (i32, i32) {
    %c0_i32 = arith.constant 0 : i32
    %c0_i32_0 = arith.constant 0 : i32
    %c0_i32_1 = arith.constant 0 : i32
    return %c0_i32, %c0_i32_0 : i32, i32
  }
  func.func @transform_8(%arg0: i32) -> (i32, i32) {
    %c0_i32 = arith.constant 0 : i32
    %c0_i32_0 = arith.constant 0 : i32
    %c0_i32_1 = arith.constant 0 : i32
    return %c0_i32, %c0_i32_0 : i32, i32
  }
  func.func @transform_9(%arg0: i32) -> (i32, i32) {
    %c0_i32 = arith.constant 0 : i32
    %c0_i32_0 = arith.constant 0 : i32
    %c0_i32_1 = arith.constant 0 : i32
    return %c0_i32, %c0_i32_0 : i32, i32
  }
  func.func @transform_10(%arg0: i32) -> (i32, i32) {
    %c0_i32 = arith.constant 0 : i32
    %c0_i32_0 = arith.constant 0 : i32
    %c0_i32_1 = arith.constant 0 : i32
    return %c0_i32, %c0_i32_0 : i32, i32
  }
  func.func @transform_11(%arg0: i32) -> (i32, i32) {
    %c0_i32 = arith.constant 0 : i32
    %c0_i32_0 = arith.constant 0 : i32
    %c0_i32_1 = arith.constant 0 : i32
    return %c0_i32, %c0_i32_0 : i32, i32
  }
  func.func @transform_12(%arg0: i32) -> (i32, i32) {
    %c0_i32 = arith.constant 0 : i32
    %c0_i32_0 = arith.constant 0 : i32
    %c0_i32_1 = arith.constant 0 : i32
    return %c0_i32, %c0_i32_0 : i32, i32
  }
  func.func @transform_13(%arg0: i32) -> (i32, i32) {
    %c0_i32 = arith.constant 0 : i32
    %c0_i32_0 = arith.constant 0 : i32
    return %arg0, %c0_i32 : i32, i32
  }
  func.func @transform_14(%arg0: i32) -> (i32, i32) {
    %c0_i32 = arith.constant 0 : i32
    %c0_i32_0 = arith.constant 0 : i32
    return %arg0, %c0_i32 : i32, i32
  }
}

module attributes {stable_mosaic.version = 14 : i64} {
  func.func @body(%arg0: i32, %arg1: memref<3200x128xf32, #tpu.memory_space<vmem>>, %arg2: memref<3200x128xf32, #tpu.memory_space<vmem>>, %arg3: memref<3200x16xf32, #tpu.memory_space<vmem>>, %arg4: memref<256x256xbf16, #tpu.memory_space<vmem>>, %arg5: memref<1x256xf32, #tpu.memory_space<vmem>>, %arg6: memref<16x256xbf16, #tpu.memory_space<vmem>>, %arg7: memref<1x256xf32, #tpu.memory_space<vmem>>, %arg8: memref<128x128xbf16, #tpu.memory_space<vmem>>, %arg9: memref<1x128xf32, #tpu.memory_space<vmem>>, %arg10: memref<128x128xbf16, #tpu.memory_space<vmem>>, %arg11: memref<1x128xf32, #tpu.memory_space<vmem>>, %arg12: memref<256x2xbf16, #tpu.memory_space<vmem>>, %arg13: memref<1x1xf32, #tpu.memory_space<vmem>>, %arg14: memref<3200x128xf32, #tpu.memory_space<vmem>>, %arg15: memref<3200x128xf32, #tpu.memory_space<vmem>>) attributes {dimension_semantics = [#tpu.dimension_semantics<arbitrary>], iteration_bounds = array<i64: 50>, scalar_prefetch = 0 : i64, scratch_operands = 0 : i64, tpu.core_type = #tpu.core_type<tc>, window_params = [{transform_indices = @transform_0, window_bounds = array<i64: 3200, 128>}, {transform_indices = @transform_1, window_bounds = array<i64: 3200, 128>}, {transform_indices = @transform_2, window_bounds = array<i64: 3200, 16>}, {pipeline_mode = #tpu.pipeline_mode<synchronous>, transform_indices = @transform_3, window_bounds = array<i64: 256, 256>}, {pipeline_mode = #tpu.pipeline_mode<synchronous>, transform_indices = @transform_4, window_bounds = array<i64: 1, 256>}, {pipeline_mode = #tpu.pipeline_mode<synchronous>, transform_indices = @transform_5, window_bounds = array<i64: 16, 256>}, {pipeline_mode = #tpu.pipeline_mode<synchronous>, transform_indices = @transform_6, window_bounds = array<i64: 1, 256>}, {pipeline_mode = #tpu.pipeline_mode<synchronous>, transform_indices = @transform_7, window_bounds = array<i64: 128, 128>}, {pipeline_mode = #tpu.pipeline_mode<synchronous>, transform_indices = @transform_8, window_bounds = array<i64: 1, 128>}, {pipeline_mode = #tpu.pipeline_mode<synchronous>, transform_indices = @transform_9, window_bounds = array<i64: 128, 128>}, {pipeline_mode = #tpu.pipeline_mode<synchronous>, transform_indices = @transform_10, window_bounds = array<i64: 1, 128>}, {pipeline_mode = #tpu.pipeline_mode<synchronous>, transform_indices = @transform_11, window_bounds = array<i64: 256, 2>}, {pipeline_mode = #tpu.pipeline_mode<synchronous>, transform_indices = @transform_12, window_bounds = array<i64: 1, 1>}, {transform_indices = @transform_13, window_bounds = array<i64: 3200, 128>}, {transform_indices = @transform_14, window_bounds = array<i64: 3200, 128>}]} {
    %get3A = arith.constant 0 : index
    %get3A_0 = arith.constant 0 : index
    %get3A_1 = vector.load %arg1[%get3A, %get3A_0] : memref<3200x128xf32, #tpu.memory_space<vmem>>, vector<3200x64xf32>
    %bitcast_convert_type3A = tpu.bitcast %get3A_1 : vector<3200x64xf32> -> vector<3200x64xi32>
    %shift_left3A = arith.constant 16 : i32
    %shift_left3A_2 = vector.broadcast %shift_left3A : i32 to vector<3200x64xi32>
    %shift_left3A_3 = arith.shli %bitcast_convert_type3A, %shift_left3A_2 : vector<3200x64xi32>
    %bitcast_convert_type3A_4 = tpu.bitcast %shift_left3A_3 : vector<3200x64xi32> -> vector<3200x64xf32>
    %shift_right_arithmetic3A = arith.constant 16 : i32
    %shift_right_arithmetic3A_5 = vector.broadcast %shift_right_arithmetic3A : i32 to vector<3200x64xi32>
    %shift_right_arithmetic3A_6 = arith.shrsi %bitcast_convert_type3A, %shift_right_arithmetic3A_5 : vector<3200x64xi32>
    %shift_left3A_7 = arith.constant 16 : i32
    %shift_left3A_8 = vector.broadcast %shift_left3A_7 : i32 to vector<3200x64xi32>
    %shift_left3A_9 = arith.shli %shift_right_arithmetic3A_6, %shift_left3A_8 : vector<3200x64xi32>
    %bitcast_convert_type3A_10 = tpu.bitcast %shift_left3A_9 : vector<3200x64xi32> -> vector<3200x64xf32>
    %convert_element_type3A = arith.truncf %bitcast_convert_type3A_4 : vector<3200x64xf32> to vector<3200x64xbf16>
    %convert_element_type3A_11 = arith.truncf %bitcast_convert_type3A_10 : vector<3200x64xf32> to vector<3200x64xbf16>
    %get3A_12 = arith.constant 0 : index
    %get3A_13 = arith.constant 64 : index
    %get3A_14 = vector.load %arg1[%get3A_12, %get3A_13] : memref<3200x128xf32, #tpu.memory_space<vmem>>, vector<3200x64xf32>
    %bitcast_convert_type3A_15 = tpu.bitcast %get3A_14 : vector<3200x64xf32> -> vector<3200x64xi32>
    %shift_left3A_16 = arith.constant 16 : i32
    %shift_left3A_17 = vector.broadcast %shift_left3A_16 : i32 to vector<3200x64xi32>
    %shift_left3A_18 = arith.shli %bitcast_convert_type3A_15, %shift_left3A_17 : vector<3200x64xi32>
    %bitcast_convert_type3A_19 = tpu.bitcast %shift_left3A_18 : vector<3200x64xi32> -> vector<3200x64xf32>
    %shift_right_arithmetic3A_20 = arith.constant 16 : i32
    %shift_right_arithmetic3A_21 = vector.broadcast %shift_right_arithmetic3A_20 : i32 to vector<3200x64xi32>
    %shift_right_arithmetic3A_22 = arith.shrsi %bitcast_convert_type3A_15, %shift_right_arithmetic3A_21 : vector<3200x64xi32>
    %shift_left3A_23 = arith.constant 16 : i32
    %shift_left3A_24 = vector.broadcast %shift_left3A_23 : i32 to vector<3200x64xi32>
    %shift_left3A_25 = arith.shli %shift_right_arithmetic3A_22, %shift_left3A_24 : vector<3200x64xi32>
    %bitcast_convert_type3A_26 = tpu.bitcast %shift_left3A_25 : vector<3200x64xi32> -> vector<3200x64xf32>
    %convert_element_type3A_27 = arith.truncf %bitcast_convert_type3A_19 : vector<3200x64xf32> to vector<3200x64xbf16>
    %convert_element_type3A_28 = arith.truncf %bitcast_convert_type3A_26 : vector<3200x64xf32> to vector<3200x64xbf16>
    %concatenate3A = tpu.concatenate %convert_element_type3A, %convert_element_type3A_11, %convert_element_type3A_27, %convert_element_type3A_28 in 1 : vector<3200x64xbf16>, vector<3200x64xbf16>, vector<3200x64xbf16>, vector<3200x64xbf16> -> vector<3200x256xbf16>
    %get3A_29 = arith.constant 0 : index
    %get3A_30 = arith.constant 0 : index
    %get3A_31 = vector.load %arg2[%get3A_29, %get3A_30] : memref<3200x128xf32, #tpu.memory_space<vmem>>, vector<3200x128xf32>
    %slice3A = vector.extract_strided_slice %get3A_31 {offsets = [0, 0], sizes = [3200, 1], strides = [1, 1]} : vector<3200x128xf32> to vector<3200x1xf32>
    %slice3A_32 = vector.extract_strided_slice %get3A_31 {offsets = [0, 16], sizes = [3200, 1], strides = [1, 1]} : vector<3200x128xf32> to vector<3200x1xf32>
    %sub3A = arith.subf %slice3A, %slice3A_32 : vector<3200x1xf32>
    %slice3A_33 = vector.extract_strided_slice %get3A_31 {offsets = [0, 1], sizes = [3200, 1], strides = [1, 1]} : vector<3200x128xf32> to vector<3200x1xf32>
    %slice3A_34 = vector.extract_strided_slice %get3A_31 {offsets = [0, 17], sizes = [3200, 1], strides = [1, 1]} : vector<3200x128xf32> to vector<3200x1xf32>
    %sub3A_35 = arith.subf %slice3A_33, %slice3A_34 : vector<3200x1xf32>
    %slice3A_36 = vector.extract_strided_slice %get3A_31 {offsets = [0, 2], sizes = [3200, 1], strides = [1, 1]} : vector<3200x128xf32> to vector<3200x1xf32>
    %slice3A_37 = vector.extract_strided_slice %get3A_31 {offsets = [0, 18], sizes = [3200, 1], strides = [1, 1]} : vector<3200x128xf32> to vector<3200x1xf32>
    %sub3A_38 = arith.subf %slice3A_36, %slice3A_37 : vector<3200x1xf32>
    %mul3A = arith.mulf %sub3A, %sub3A : vector<3200x1xf32>
    %mul3A_39 = arith.mulf %sub3A_35, %sub3A_35 : vector<3200x1xf32>
    %add3A = arith.addf %mul3A, %mul3A_39 : vector<3200x1xf32>
    %mul3A_40 = arith.mulf %sub3A_38, %sub3A_38 : vector<3200x1xf32>
    %add3A_41 = arith.addf %add3A, %mul3A_40 : vector<3200x1xf32>
    %sqrt3A = math.sqrt %add3A_41 : vector<3200x1xf32>
    %concatenate3A_42 = tpu.concatenate %sub3A, %sub3A_35, %sub3A_38 in 1 : vector<3200x1xf32>, vector<3200x1xf32>, vector<3200x1xf32> -> vector<3200x3xf32>
    %add3A_43 = arith.constant 1.000000e+00 : f32
    %add3A_44 = vector.broadcast %add3A_43 : f32 to vector<3200x1xf32>
    %add3A_45 = arith.addf %sqrt3A, %add3A_44 : vector<3200x1xf32>
    %div3A = vector.broadcast %add3A_45 : vector<3200x1xf32> to vector<3200x3xf32>
    %div3A_46 = arith.divf %concatenate3A_42, %div3A : vector<3200x3xf32>
    %get3A_47 = arith.constant 0 : index
    %get3A_48 = arith.constant 0 : index
    %get3A_49 = vector.load %arg3[%get3A_47, %get3A_48] : memref<3200x16xf32, #tpu.memory_space<vmem>>, vector<3200x16xf32>
    %convert_element_type3A_50 = arith.truncf %get3A_49 : vector<3200x16xf32> to vector<3200x16xbf16>
    %get3A_51 = arith.constant 0 : index
    %get3A_52 = arith.constant 0 : index
    %get3A_53 = vector.load %arg4[%get3A_51, %get3A_52] : memref<256x256xbf16, #tpu.memory_space<vmem>>, vector<256x256xbf16>
    %dot_general3A = arith.constant dense<0.000000e+00> : vector<3200x256xf32>
    %dot_general3A_54 = tpu.matmul %concatenate3A, %get3A_53, %dot_general3A {dimension_numbers = #tpu.dot_dimension_numbers<[1], [0], [0], [1], [0, 0, 1, 1], [], []>, transpose_lhs_hint = false} : vector<3200x256xbf16>, vector<256x256xbf16>, vector<3200x256xf32> -> vector<3200x256xf32>
    %get3A_55 = arith.constant 0 : index
    %get3A_56 = arith.constant 0 : index
    %get3A_57 = vector.load %arg6[%get3A_55, %get3A_56] : memref<16x256xbf16, #tpu.memory_space<vmem>>, vector<16x256xbf16>
    %dot_general3A_58 = arith.constant dense<0.000000e+00> : vector<3200x256xf32>
    %dot_general3A_59 = tpu.matmul %convert_element_type3A_50, %get3A_57, %dot_general3A_58 {dimension_numbers = #tpu.dot_dimension_numbers<[1], [0], [0], [1], [0, 0, 1, 1], [], []>, transpose_lhs_hint = false} : vector<3200x16xbf16>, vector<16x256xbf16>, vector<3200x256xf32> -> vector<3200x256xf32>
    %add3A_60 = arith.addf %dot_general3A_54, %dot_general3A_59 : vector<3200x256xf32>
    %get3A_61 = arith.constant 0 : index
    %get3A_62 = arith.constant 0 : index
    %get3A_63 = vector.load %arg5[%get3A_61, %get3A_62] : memref<1x256xf32, #tpu.memory_space<vmem>>, vector<1x256xf32>
    %mul3A_64 = vector.broadcast %sqrt3A : vector<3200x1xf32> to vector<3200x256xf32>
    %mul3A_65 = vector.broadcast %get3A_63 : vector<1x256xf32> to vector<3200x256xf32>
    %mul3A_66 = arith.mulf %mul3A_64, %mul3A_65 : vector<3200x256xf32>
    %add3A_67 = arith.addf %add3A_60, %mul3A_66 : vector<3200x256xf32>
    %get3A_68 = arith.constant 0 : index
    %get3A_69 = arith.constant 0 : index
    %get3A_70 = vector.load %arg7[%get3A_68, %get3A_69] : memref<1x256xf32, #tpu.memory_space<vmem>>, vector<1x256xf32>
    %add3A_71 = vector.broadcast %get3A_70 : vector<1x256xf32> to vector<3200x256xf32>
    %add3A_72 = arith.addf %add3A_67, %add3A_71 : vector<3200x256xf32>
    %logistic3A = arith.negf %add3A_72 : vector<3200x256xf32>
    %logistic3A_73 = math.exp %logistic3A : vector<3200x256xf32>
    %logistic3A_74 = arith.constant 1.000000e+00 : f32
    %logistic3A_75 = vector.broadcast %logistic3A_74 : f32 to vector<3200x256xf32>
    %logistic3A_76 = arith.addf %logistic3A_75, %logistic3A_73 : vector<3200x256xf32>
    %logistic3A_77 = arith.divf %logistic3A_75, %logistic3A_76 : vector<3200x256xf32>
    %mul3A_78 = arith.mulf %add3A_72, %logistic3A_77 : vector<3200x256xf32>
    %slice3A_79 = vector.extract_strided_slice %mul3A_78 {offsets = [0, 0], sizes = [3200, 128], strides = [1, 1]} : vector<3200x256xf32> to vector<3200x128xf32>
    %slice3A_80 = vector.extract_strided_slice %mul3A_78 {offsets = [0, 128], sizes = [3200, 128], strides = [1, 1]} : vector<3200x256xf32> to vector<3200x128xf32>
    %convert_element_type3A_81 = arith.truncf %slice3A_79 : vector<3200x128xf32> to vector<3200x128xbf16>
    %get3A_82 = arith.constant 0 : index
    %get3A_83 = arith.constant 0 : index
    %get3A_84 = vector.load %arg8[%get3A_82, %get3A_83] : memref<128x128xbf16, #tpu.memory_space<vmem>>, vector<128x128xbf16>
    %dot_general3A_85 = arith.constant dense<0.000000e+00> : vector<3200x128xf32>
    %dot_general3A_86 = tpu.matmul %convert_element_type3A_81, %get3A_84, %dot_general3A_85 {dimension_numbers = #tpu.dot_dimension_numbers<[1], [0], [0], [1], [0, 0, 1, 1], [], []>, transpose_lhs_hint = false} : vector<3200x128xbf16>, vector<128x128xbf16>, vector<3200x128xf32> -> vector<3200x128xf32>
    %get3A_87 = arith.constant 0 : index
    %get3A_88 = arith.constant 0 : index
    %get3A_89 = vector.load %arg9[%get3A_87, %get3A_88] : memref<1x128xf32, #tpu.memory_space<vmem>>, vector<1x128xf32>
    %add3A_90 = vector.broadcast %get3A_89 : vector<1x128xf32> to vector<3200x128xf32>
    %add3A_91 = arith.addf %dot_general3A_86, %add3A_90 : vector<3200x128xf32>
    %logistic3A_92 = arith.negf %add3A_91 : vector<3200x128xf32>
    %logistic3A_93 = math.exp %logistic3A_92 : vector<3200x128xf32>
    %logistic3A_94 = arith.constant 1.000000e+00 : f32
    %logistic3A_95 = vector.broadcast %logistic3A_94 : f32 to vector<3200x128xf32>
    %logistic3A_96 = arith.addf %logistic3A_95, %logistic3A_93 : vector<3200x128xf32>
    %logistic3A_97 = arith.divf %logistic3A_95, %logistic3A_96 : vector<3200x128xf32>
    %mul3A_98 = arith.mulf %add3A_91, %logistic3A_97 : vector<3200x128xf32>
    %convert_element_type3A_99 = arith.truncf %slice3A_80 : vector<3200x128xf32> to vector<3200x128xbf16>
    %get3A_100 = arith.constant 0 : index
    %get3A_101 = arith.constant 0 : index
    %get3A_102 = vector.load %arg10[%get3A_100, %get3A_101] : memref<128x128xbf16, #tpu.memory_space<vmem>>, vector<128x128xbf16>
    %dot_general3A_103 = arith.constant dense<0.000000e+00> : vector<3200x128xf32>
    %dot_general3A_104 = tpu.matmul %convert_element_type3A_99, %get3A_102, %dot_general3A_103 {dimension_numbers = #tpu.dot_dimension_numbers<[1], [0], [0], [1], [0, 0, 1, 1], [], []>, transpose_lhs_hint = false} : vector<3200x128xbf16>, vector<128x128xbf16>, vector<3200x128xf32> -> vector<3200x128xf32>
    %get3A_105 = arith.constant 0 : index
    %get3A_106 = arith.constant 0 : index
    %get3A_107 = vector.load %arg11[%get3A_105, %get3A_106] : memref<1x128xf32, #tpu.memory_space<vmem>>, vector<1x128xf32>
    %add3A_108 = vector.broadcast %get3A_107 : vector<1x128xf32> to vector<3200x128xf32>
    %add3A_109 = arith.addf %dot_general3A_104, %add3A_108 : vector<3200x128xf32>
    %logistic3A_110 = arith.negf %add3A_109 : vector<3200x128xf32>
    %logistic3A_111 = math.exp %logistic3A_110 : vector<3200x128xf32>
    %logistic3A_112 = arith.constant 1.000000e+00 : f32
    %logistic3A_113 = vector.broadcast %logistic3A_112 : f32 to vector<3200x128xf32>
    %logistic3A_114 = arith.addf %logistic3A_113, %logistic3A_111 : vector<3200x128xf32>
    %logistic3A_115 = arith.divf %logistic3A_113, %logistic3A_114 : vector<3200x128xf32>
    %mul3A_116 = arith.mulf %add3A_109, %logistic3A_115 : vector<3200x128xf32>
    %concatenate3A_117 = tpu.concatenate %mul3A_98, %mul3A_116 in 1 : vector<3200x128xf32>, vector<3200x128xf32> -> vector<3200x256xf32>
    %convert_element_type3A_118 = arith.truncf %concatenate3A_117 : vector<3200x256xf32> to vector<3200x256xbf16>
    %get3A_119 = arith.constant 0 : index
    %get3A_120 = arith.constant 0 : index
    %get3A_121 = vector.load %arg12[%get3A_119, %get3A_120] : memref<256x2xbf16, #tpu.memory_space<vmem>>, vector<256x2xbf16>
    %dot_general3A_122 = arith.constant dense<0.000000e+00> : vector<3200x2xf32>
    %dot_general3A_123 = tpu.matmul %convert_element_type3A_118, %get3A_121, %dot_general3A_122 {dimension_numbers = #tpu.dot_dimension_numbers<[1], [0], [0], [1], [0, 0, 1, 1], [], []>, transpose_lhs_hint = false} : vector<3200x256xbf16>, vector<256x2xbf16>, vector<3200x2xf32> -> vector<3200x2xf32>
    %slice3A_124 = vector.extract_strided_slice %dot_general3A_123 {offsets = [0, 0], sizes = [3200, 1], strides = [1, 1]} : vector<3200x2xf32> to vector<3200x1xf32>
    %get3A_125 = arith.constant 0 : index
    %get3A_126 = arith.constant 0 : index
    %get3A_127 = vector.load %arg13[%get3A_125, %get3A_126] : memref<1x1xf32, #tpu.memory_space<vmem>>, vector<1x1xf32>
    %add3A_128 = vector.broadcast %get3A_127 : vector<1x1xf32> to vector<3200x1xf32>
    %add3A_129 = arith.addf %slice3A_124, %add3A_128 : vector<3200x1xf32>
    %logistic3A_130 = arith.negf %add3A_129 : vector<3200x1xf32>
    %logistic3A_131 = math.exp %logistic3A_130 : vector<3200x1xf32>
    %logistic3A_132 = arith.constant 1.000000e+00 : f32
    %logistic3A_133 = vector.broadcast %logistic3A_132 : f32 to vector<3200x1xf32>
    %logistic3A_134 = arith.addf %logistic3A_133, %logistic3A_131 : vector<3200x1xf32>
    %logistic3A_135 = arith.divf %logistic3A_133, %logistic3A_134 : vector<3200x1xf32>
    %slice3A_136 = vector.extract_strided_slice %dot_general3A_123 {offsets = [0, 1], sizes = [3200, 1], strides = [1, 1]} : vector<3200x2xf32> to vector<3200x1xf32>
    %mul3A_137 = vector.broadcast %logistic3A_135 : vector<3200x1xf32> to vector<3200x128xf32>
    %mul3A_138 = arith.mulf %mul3A_137, %mul3A_98 : vector<3200x128xf32>
    %swap3A = arith.constant 0 : index
    %swap3A_139 = arith.constant 0 : index
    %swap3A_140 = vector.load %arg14[%swap3A, %swap3A_139] : memref<3200x128xf32, #tpu.memory_space<vmem>>, vector<3200x128xf32>
    tpu.vector_store %arg14[%swap3A, %swap3A_139], %mul3A_138 {strides = array<i32>} : memref<3200x128xf32, #tpu.memory_space<vmem>>, vector<3200x128xf32>,
    %mul3A_141 = vector.broadcast %slice3A_136 : vector<3200x1xf32> to vector<3200x3xf32>
    %mul3A_142 = arith.mulf %mul3A_141, %div3A_46 : vector<3200x3xf32>
    %broadcast_in_dim3A = arith.constant 0.000000e+00 : f32
    %broadcast_in_dim3A_143 = vector.broadcast %broadcast_in_dim3A : f32 to vector<3200x125xf32>
    %concatenate3A_144 = tpu.concatenate %mul3A_142, %broadcast_in_dim3A_143 in 1 : vector<3200x3xf32>, vector<3200x125xf32> -> vector<3200x128xf32>
    %swap3A_145 = arith.constant 0 : index
    %swap3A_146 = arith.constant 0 : index
    %swap3A_147 = vector.load %arg15[%swap3A_145, %swap3A_146] : memref<3200x128xf32, #tpu.memory_space<vmem>>, vector<3200x128xf32>
    tpu.vector_store %arg15[%swap3A_145, %swap3A_146], %concatenate3A_144 {strides = array<i32>} : memref<3200x128xf32, #tpu.memory_space<vmem>>, vector<3200x128xf32>,
    return
  }
  func.func @transform_0(%arg0: i32) -> (i32, i32) {
    %c0_i32 = arith.constant 0 : i32
    %c0_i32_0 = arith.constant 0 : i32
    return %arg0, %c0_i32 : i32, i32
  }
  func.func @transform_1(%arg0: i32) -> (i32, i32) {
    %c0_i32 = arith.constant 0 : i32
    %c0_i32_0 = arith.constant 0 : i32
    return %arg0, %c0_i32 : i32, i32
  }
  func.func @transform_2(%arg0: i32) -> (i32, i32) {
    %add3A = arith.constant 0 : i32
    %add3A_0 = arith.addi %arg0, %add3A : i32
    %c0_i32 = arith.constant 0 : i32
    %c0_i32_1 = arith.constant 0 : i32
    return %add3A_0, %c0_i32 : i32, i32
  }
  func.func @transform_3(%arg0: i32) -> (i32, i32) {
    %c0_i32 = arith.constant 0 : i32
    %c0_i32_0 = arith.constant 0 : i32
    %c0_i32_1 = arith.constant 0 : i32
    return %c0_i32, %c0_i32_0 : i32, i32
  }
  func.func @transform_4(%arg0: i32) -> (i32, i32) {
    %c0_i32 = arith.constant 0 : i32
    %c0_i32_0 = arith.constant 0 : i32
    %c0_i32_1 = arith.constant 0 : i32
    return %c0_i32, %c0_i32_0 : i32, i32
  }
  func.func @transform_5(%arg0: i32) -> (i32, i32) {
    %c0_i32 = arith.constant 0 : i32
    %c0_i32_0 = arith.constant 0 : i32
    %c0_i32_1 = arith.constant 0 : i32
    return %c0_i32, %c0_i32_0 : i32, i32
  }
  func.func @transform_6(%arg0: i32) -> (i32, i32) {
    %c0_i32 = arith.constant 0 : i32
    %c0_i32_0 = arith.constant 0 : i32
    %c0_i32_1 = arith.constant 0 : i32
    return %c0_i32, %c0_i32_0 : i32, i32
  }
  func.func @transform_7(%arg0: i32) -> (i32, i32) {
    %c0_i32 = arith.constant 0 : i32
    %c0_i32_0 = arith.constant 0 : i32
    %c0_i32_1 = arith.constant 0 : i32
    return %c0_i32, %c0_i32_0 : i32, i32
  }
  func.func @transform_8(%arg0: i32) -> (i32, i32) {
    %c0_i32 = arith.constant 0 : i32
    %c0_i32_0 = arith.constant 0 : i32
    %c0_i32_1 = arith.constant 0 : i32
    return %c0_i32, %c0_i32_0 : i32, i32
  }
  func.func @transform_9(%arg0: i32) -> (i32, i32) {
    %c0_i32 = arith.constant 0 : i32
    %c0_i32_0 = arith.constant 0 : i32
    %c0_i32_1 = arith.constant 0 : i32
    return %c0_i32, %c0_i32_0 : i32, i32
  }
  func.func @transform_10(%arg0: i32) -> (i32, i32) {
    %c0_i32 = arith.constant 0 : i32
    %c0_i32_0 = arith.constant 0 : i32
    %c0_i32_1 = arith.constant 0 : i32
    return %c0_i32, %c0_i32_0 : i32, i32
  }
  func.func @transform_11(%arg0: i32) -> (i32, i32) {
    %c0_i32 = arith.constant 0 : i32
    %c0_i32_0 = arith.constant 0 : i32
    %c0_i32_1 = arith.constant 0 : i32
    return %c0_i32, %c0_i32_0 : i32, i32
  }
  func.func @transform_12(%arg0: i32) -> (i32, i32) {
    %c0_i32 = arith.constant 0 : i32
    %c0_i32_0 = arith.constant 0 : i32
    %c0_i32_1 = arith.constant 0 : i32
    return %c0_i32, %c0_i32_0 : i32, i32
  }
  func.func @transform_13(%arg0: i32) -> (i32, i32) {
    %c0_i32 = arith.constant 0 : i32
    %c0_i32_0 = arith.constant 0 : i32
    return %arg0, %c0_i32 : i32, i32
  }
  func.func @transform_14(%arg0: i32) -> (i32, i32) {
    %c0_i32 = arith.constant 0 : i32
    %c0_i32_0 = arith.constant 0 : i32
    return %arg0, %c0_i32 : i32, i32
  }
}

module attributes {stable_mosaic.version = 14 : i64} {
  func.func @body(%arg0: i32, %arg1: memref<2000x128xf32, #tpu.memory_space<vmem>>, %arg2: memref<2000x3xf32, #tpu.memory_space<vmem>>, %arg3: memref<2000x128xf32, #tpu.memory_space<vmem>>, %arg4: memref<2000x128xf32, #tpu.memory_space<vmem>>, %arg5: memref<2000x128xf32, #tpu.memory_space<vmem>>, %arg6: memref<2000x128xf32, #tpu.memory_space<vmem>>, %arg7: memref<2000x128xf32, #tpu.memory_space<vmem>>, %arg8: memref<2000x128xf32, #tpu.memory_space<vmem>>, %arg9: memref<2000x128xf32, #tpu.memory_space<vmem>>, %arg10: memref<2000x128xf32, #tpu.memory_space<vmem>>, %arg11: memref<128x128xbf16, #tpu.memory_space<vmem>>, %arg12: memref<128x128xbf16, #tpu.memory_space<vmem>>, %arg13: memref<1x128xf32, #tpu.memory_space<vmem>>, %arg14: memref<128x128xbf16, #tpu.memory_space<vmem>>, %arg15: memref<1x128xf32, #tpu.memory_space<vmem>>, %arg16: memref<2000x128xf32, #tpu.memory_space<vmem>>, %arg17: memref<2000x3xf32, #tpu.memory_space<vmem>>) attributes {dimension_semantics = [#tpu.dimension_semantics<arbitrary>], iteration_bounds = array<i64: 5>, scalar_prefetch = 0 : i64, scratch_operands = 0 : i64, tpu.core_type = #tpu.core_type<tc>, window_params = [{transform_indices = @transform_0, window_bounds = array<i64: 2000, 128>}, {transform_indices = @transform_1, window_bounds = array<i64: 2000, 3>}, {transform_indices = @transform_2, window_bounds = array<i64: 2000, 128>}, {transform_indices = @transform_3, window_bounds = array<i64: 2000, 128>}, {transform_indices = @transform_4, window_bounds = array<i64: 2000, 128>}, {transform_indices = @transform_5, window_bounds = array<i64: 2000, 128>}, {transform_indices = @transform_6, window_bounds = array<i64: 2000, 128>}, {transform_indices = @transform_7, window_bounds = array<i64: 2000, 128>}, {transform_indices = @transform_8, window_bounds = array<i64: 2000, 128>}, {transform_indices = @transform_9, window_bounds = array<i64: 2000, 128>}, {pipeline_mode = #tpu.pipeline_mode<synchronous>, transform_indices = @transform_10, window_bounds = array<i64: 128, 128>}, {pipeline_mode = #tpu.pipeline_mode<synchronous>, transform_indices = @transform_11, window_bounds = array<i64: 128, 128>}, {pipeline_mode = #tpu.pipeline_mode<synchronous>, transform_indices = @transform_12, window_bounds = array<i64: 1, 128>}, {pipeline_mode = #tpu.pipeline_mode<synchronous>, transform_indices = @transform_13, window_bounds = array<i64: 128, 128>}, {pipeline_mode = #tpu.pipeline_mode<synchronous>, transform_indices = @transform_14, window_bounds = array<i64: 1, 128>}, {transform_indices = @transform_15, window_bounds = array<i64: 2000, 128>}, {transform_indices = @transform_16, window_bounds = array<i64: 2000, 3>}]} {
    %get3A = arith.constant 0 : index
    %get3A_0 = arith.constant 0 : index
    %get3A_1 = vector.load %arg3[%get3A, %get3A_0] : memref<2000x128xf32, #tpu.memory_space<vmem>>, vector<2000x128xf32>
    %get3A_2 = arith.constant 0 : index
    %get3A_3 = arith.constant 0 : index
    %get3A_4 = vector.load %arg7[%get3A_2, %get3A_3] : memref<2000x128xf32, #tpu.memory_space<vmem>>, vector<2000x3xf32>
    %get3A_5 = arith.constant 0 : index
    %get3A_6 = arith.constant 0 : index
    %get3A_7 = vector.load %arg4[%get3A_5, %get3A_6] : memref<2000x128xf32, #tpu.memory_space<vmem>>, vector<2000x128xf32>
    %add3A = arith.addf %get3A_1, %get3A_7 : vector<2000x128xf32>
    %get3A_8 = arith.constant 0 : index
    %get3A_9 = arith.constant 0 : index
    %get3A_10 = vector.load %arg8[%get3A_8, %get3A_9] : memref<2000x128xf32, #tpu.memory_space<vmem>>, vector<2000x3xf32>
    %add3A_11 = arith.addf %get3A_4, %get3A_10 : vector<2000x3xf32>
    %get3A_12 = arith.constant 0 : index
    %get3A_13 = arith.constant 0 : index
    %get3A_14 = vector.load %arg5[%get3A_12, %get3A_13] : memref<2000x128xf32, #tpu.memory_space<vmem>>, vector<2000x128xf32>
    %add3A_15 = arith.addf %add3A, %get3A_14 : vector<2000x128xf32>
    %get3A_16 = arith.constant 0 : index
    %get3A_17 = arith.constant 0 : index
    %get3A_18 = vector.load %arg9[%get3A_16, %get3A_17] : memref<2000x128xf32, #tpu.memory_space<vmem>>, vector<2000x3xf32>
    %add3A_19 = arith.addf %add3A_11, %get3A_18 : vector<2000x3xf32>
    %get3A_20 = arith.constant 0 : index
    %get3A_21 = arith.constant 0 : index
    %get3A_22 = vector.load %arg6[%get3A_20, %get3A_21] : memref<2000x128xf32, #tpu.memory_space<vmem>>, vector<2000x128xf32>
    %add3A_23 = arith.addf %add3A_15, %get3A_22 : vector<2000x128xf32>
    %get3A_24 = arith.constant 0 : index
    %get3A_25 = arith.constant 0 : index
    %get3A_26 = vector.load %arg10[%get3A_24, %get3A_25] : memref<2000x128xf32, #tpu.memory_space<vmem>>, vector<2000x3xf32>
    %add3A_27 = arith.addf %add3A_19, %get3A_26 : vector<2000x3xf32>
    %get3A_28 = arith.constant 0 : index
    %get3A_29 = arith.constant 0 : index
    %get3A_30 = vector.load %arg1[%get3A_28, %get3A_29] : memref<2000x128xf32, #tpu.memory_space<vmem>>, vector<2000x128xf32>
    %convert_element_type3A = arith.truncf %get3A_30 : vector<2000x128xf32> to vector<2000x128xbf16>
    %get3A_31 = arith.constant 0 : index
    %get3A_32 = arith.constant 0 : index
    %get3A_33 = vector.load %arg11[%get3A_31, %get3A_32] : memref<128x128xbf16, #tpu.memory_space<vmem>>, vector<128x128xbf16>
    %dot_general3A = arith.constant dense<0.000000e+00> : vector<2000x128xf32>
    %dot_general3A_34 = tpu.matmul %convert_element_type3A, %get3A_33, %dot_general3A {dimension_numbers = #tpu.dot_dimension_numbers<[1], [0], [0], [1], [0, 0, 1, 1], [], []>, transpose_lhs_hint = false} : vector<2000x128xbf16>, vector<128x128xbf16>, vector<2000x128xf32> -> vector<2000x128xf32>
    %convert_element_type3A_35 = arith.truncf %add3A_23 : vector<2000x128xf32> to vector<2000x128xbf16>
    %get3A_36 = arith.constant 0 : index
    %get3A_37 = arith.constant 0 : index
    %get3A_38 = vector.load %arg12[%get3A_36, %get3A_37] : memref<128x128xbf16, #tpu.memory_space<vmem>>, vector<128x128xbf16>
    %dot_general3A_39 = arith.constant dense<0.000000e+00> : vector<2000x128xf32>
    %dot_general3A_40 = tpu.matmul %convert_element_type3A_35, %get3A_38, %dot_general3A_39 {dimension_numbers = #tpu.dot_dimension_numbers<[1], [0], [0], [1], [0, 0, 1, 1], [], []>, transpose_lhs_hint = false} : vector<2000x128xbf16>, vector<128x128xbf16>, vector<2000x128xf32> -> vector<2000x128xf32>
    %add3A_41 = arith.addf %dot_general3A_34, %dot_general3A_40 : vector<2000x128xf32>
    %get3A_42 = arith.constant 0 : index
    %get3A_43 = arith.constant 0 : index
    %get3A_44 = vector.load %arg13[%get3A_42, %get3A_43] : memref<1x128xf32, #tpu.memory_space<vmem>>, vector<1x128xf32>
    %add3A_45 = vector.broadcast %get3A_44 : vector<1x128xf32> to vector<2000x128xf32>
    %add3A_46 = arith.addf %add3A_41, %add3A_45 : vector<2000x128xf32>
    %logistic3A = arith.negf %add3A_46 : vector<2000x128xf32>
    %logistic3A_47 = math.exp %logistic3A : vector<2000x128xf32>
    %logistic3A_48 = arith.constant 1.000000e+00 : f32
    %logistic3A_49 = vector.broadcast %logistic3A_48 : f32 to vector<2000x128xf32>
    %logistic3A_50 = arith.addf %logistic3A_49, %logistic3A_47 : vector<2000x128xf32>
    %logistic3A_51 = arith.divf %logistic3A_49, %logistic3A_50 : vector<2000x128xf32>
    %mul3A = arith.mulf %add3A_46, %logistic3A_51 : vector<2000x128xf32>
    %convert_element_type3A_52 = arith.truncf %mul3A : vector<2000x128xf32> to vector<2000x128xbf16>
    %get3A_53 = arith.constant 0 : index
    %get3A_54 = arith.constant 0 : index
    %get3A_55 = vector.load %arg14[%get3A_53, %get3A_54] : memref<128x128xbf16, #tpu.memory_space<vmem>>, vector<128x128xbf16>
    %dot_general3A_56 = arith.constant dense<0.000000e+00> : vector<2000x128xf32>
    %dot_general3A_57 = tpu.matmul %convert_element_type3A_52, %get3A_55, %dot_general3A_56 {dimension_numbers = #tpu.dot_dimension_numbers<[1], [0], [0], [1], [0, 0, 1, 1], [], []>, transpose_lhs_hint = false} : vector<2000x128xbf16>, vector<128x128xbf16>, vector<2000x128xf32> -> vector<2000x128xf32>
    %get3A_58 = arith.constant 0 : index
    %get3A_59 = arith.constant 0 : index
    %get3A_60 = vector.load %arg15[%get3A_58, %get3A_59] : memref<1x128xf32, #tpu.memory_space<vmem>>, vector<1x128xf32>
    %add3A_61 = vector.broadcast %get3A_60 : vector<1x128xf32> to vector<2000x128xf32>
    %add3A_62 = arith.addf %dot_general3A_57, %add3A_61 : vector<2000x128xf32>
    %add3A_63 = arith.addf %get3A_30, %add3A_62 : vector<2000x128xf32>
    %swap3A = arith.constant 0 : index
    %swap3A_64 = arith.constant 0 : index
    %swap3A_65 = vector.load %arg16[%swap3A, %swap3A_64] : memref<2000x128xf32, #tpu.memory_space<vmem>>, vector<2000x128xf32>
    tpu.vector_store %arg16[%swap3A, %swap3A_64], %add3A_63 {strides = array<i32>} : memref<2000x128xf32, #tpu.memory_space<vmem>>, vector<2000x128xf32>,
    %get3A_66 = arith.constant 0 : index
    %get3A_67 = arith.constant 0 : index
    %get3A_68 = vector.load %arg2[%get3A_66, %get3A_67] : memref<2000x3xf32, #tpu.memory_space<vmem>>, vector<2000x3xf32>
    %add3A_69 = arith.addf %get3A_68, %add3A_27 : vector<2000x3xf32>
    %swap3A_70 = arith.constant 0 : index
    %swap3A_71 = arith.constant 0 : index
    %swap3A_72 = vector.load %arg17[%swap3A_70, %swap3A_71] : memref<2000x3xf32, #tpu.memory_space<vmem>>, vector<2000x3xf32>
    tpu.vector_store %arg17[%swap3A_70, %swap3A_71], %add3A_69 {strides = array<i32>} : memref<2000x3xf32, #tpu.memory_space<vmem>>, vector<2000x3xf32>,
    return
  }
  func.func @transform_0(%arg0: i32) -> (i32, i32) {
    %c0_i32 = arith.constant 0 : i32
    %c0_i32_0 = arith.constant 0 : i32
    return %arg0, %c0_i32 : i32, i32
  }
  func.func @transform_1(%arg0: i32) -> (i32, i32) {
    %c0_i32 = arith.constant 0 : i32
    %c0_i32_0 = arith.constant 0 : i32
    return %arg0, %c0_i32 : i32, i32
  }
  func.func @transform_2(%arg0: i32) -> (i32, i32) {
    %c0_i32 = arith.constant 0 : i32
    %c0_i32_0 = arith.constant 0 : i32
    return %arg0, %c0_i32 : i32, i32
  }
  func.func @transform_3(%arg0: i32) -> (i32, i32) {
    %c0_i32 = arith.constant 0 : i32
    %c0_i32_0 = arith.constant 0 : i32
    return %arg0, %c0_i32 : i32, i32
  }
  func.func @transform_4(%arg0: i32) -> (i32, i32) {
    %c0_i32 = arith.constant 0 : i32
    %c0_i32_0 = arith.constant 0 : i32
    return %arg0, %c0_i32 : i32, i32
  }
  func.func @transform_5(%arg0: i32) -> (i32, i32) {
    %c0_i32 = arith.constant 0 : i32
    %c0_i32_0 = arith.constant 0 : i32
    return %arg0, %c0_i32 : i32, i32
  }
  func.func @transform_6(%arg0: i32) -> (i32, i32) {
    %c0_i32 = arith.constant 0 : i32
    %c0_i32_0 = arith.constant 0 : i32
    return %arg0, %c0_i32 : i32, i32
  }
  func.func @transform_7(%arg0: i32) -> (i32, i32) {
    %c0_i32 = arith.constant 0 : i32
    %c0_i32_0 = arith.constant 0 : i32
    return %arg0, %c0_i32 : i32, i32
  }
  func.func @transform_8(%arg0: i32) -> (i32, i32) {
    %c0_i32 = arith.constant 0 : i32
    %c0_i32_0 = arith.constant 0 : i32
    return %arg0, %c0_i32 : i32, i32
  }
  func.func @transform_9(%arg0: i32) -> (i32, i32) {
    %c0_i32 = arith.constant 0 : i32
    %c0_i32_0 = arith.constant 0 : i32
    return %arg0, %c0_i32 : i32, i32
  }
  func.func @transform_10(%arg0: i32) -> (i32, i32) {
    %c0_i32 = arith.constant 0 : i32
    %c0_i32_0 = arith.constant 0 : i32
    %c0_i32_1 = arith.constant 0 : i32
    return %c0_i32, %c0_i32_0 : i32, i32
  }
  func.func @transform_11(%arg0: i32) -> (i32, i32) {
    %c0_i32 = arith.constant 0 : i32
    %c0_i32_0 = arith.constant 0 : i32
    %c0_i32_1 = arith.constant 0 : i32
    return %c0_i32, %c0_i32_0 : i32, i32
  }
  func.func @transform_12(%arg0: i32) -> (i32, i32) {
    %c0_i32 = arith.constant 0 : i32
    %c0_i32_0 = arith.constant 0 : i32
    %c0_i32_1 = arith.constant 0 : i32
    return %c0_i32, %c0_i32_0 : i32, i32
  }
  func.func @transform_13(%arg0: i32) -> (i32, i32) {
    %c0_i32 = arith.constant 0 : i32
    %c0_i32_0 = arith.constant 0 : i32
    %c0_i32_1 = arith.constant 0 : i32
    return %c0_i32, %c0_i32_0 : i32, i32
  }
  func.func @transform_14(%arg0: i32) -> (i32, i32) {
    %c0_i32 = arith.constant 0 : i32
    %c0_i32_0 = arith.constant 0 : i32
    %c0_i32_1 = arith.constant 0 : i32
    return %c0_i32, %c0_i32_0 : i32, i32
  }
  func.func @transform_15(%arg0: i32) -> (i32, i32) {
    %c0_i32 = arith.constant 0 : i32
    %c0_i32_0 = arith.constant 0 : i32
    return %arg0, %c0_i32 : i32, i32
  }
  func.func @transform_16(%arg0: i32) -> (i32, i32) {
    %c0_i32 = arith.constant 0 : i32
    %c0_i32_0 = arith.constant 0 : i32
    return %arg0, %c0_i32 : i32, i32
  }
}

</mosaic_0001>

<sc_bundles>
// kernel: kernel.12.cloned.1.call-start
scs
__scs_entry_jumppad:
0x0: {  	(pc) =	sbr.rel $0x88, $3  }
0x1: {  	(tag) =	ssettag $0x0;
	lr =	simm.s32 $0x1  }
0x2: {  	[smem:$0x3F8E] =	sst lr;
	_ =	strace $0xD0000000  }
0x3: {  	_ = 	snop  }
0x4: {  	_ = 	snop  }
0x5: {  	_ = 	snop  }
0x6: {  	_ = 	snop  }
0x7: {  	_ = 	snop  }
__scs_overlays_trampoline_lowered:
0x8: {  	[smem:$0x3F9D] =	sst s0  }
0x9: {  	[smem:$0x3F9E] =	sst s1  }
0xa: {  	[smem:$0x3F9F] =	sst s2  }
0xb: {  	[smem:$0x3FA0] =	sst s3  }
0xc: {  	[smem:$0x3FA1] =	sst s4  }
0xd: {  	[smem:$0x3FA2] =	sst s5  }
0xe: {  	[smem:$0x3FA3] =	sst s6  }
0xf: {  	[smem:$0x3FA4] =	sst s7  }
0x10: {  	[smem:$0x3FA5] =	sst s8  }
0x11: {  	[smem:$0x3FA6] =	sst s9;
	s0 =	simm.s32 @!p0 $0x0  }
0x12: {  	s1 =	sld [smem:$0x3F8C];
	s0 =	simm.s32 @p0 $0x1  }
0x13: {  	[smem:$0x3FA7] =	sst s0;
	s0 =	simm.s32 @!p1 $0x0  }
0x14: {  	s2 =	sld [smem:$0x3F8B];
	s0 =	simm.s32 @p1 $0x1  }
0x15: {  	[smem:$0x3FA8] =	sst s0;
	s0 =	simm.s32 @!p2 $0x0  }
0x16: {  	s3 =	sld [smem:$0x3FDB];
	s0 =	simm.s32 @p2 $0x1  }
0x17: {  	s4 =	simm.s32 $0x1BF5;
	[smem:$0x3FAA] =	sst s0  }
0x18: {  	s0 =	sld [smem:$0x3F8D];
	_ =	swait.ge [sflag:s4], $0x0  }
0x19: {  	s7 =	sld [smem:$0x3F8E]  }
0x1a: {  	s8 =	sadd.s32 $0xFFFFE003, lr  }
0x1b: {  	s9 =	sadd.s32 $0xFFFFFEF7, lr;
	s5 =	simm.s32 $0xFFFFFFFF;
	p2 =	slt.u32 s8, $0xFFFFF086  }
0x1c: {  	p1 =	slt.u32 s9, $0xF7A;
	s5 =	simm.s32 @!p2 $0x0  }
0x1d: {  	s5 =	simm.s32 @p1 $0x1;
	p0 =	seq.s32 s7, s2  }
0x1e: {  	s7 =	smul.u32 @!p0 $0xF7A, s2;
	p2 =	seq.s32 @!p0 s5, $0x0  }
0x1f: {  	s9 =	smul.u32 $0xF7A, s1;
	s8 =	simm.s32 @!p0 $0x1BF5;
	p2 =	por !p2, p0  }
0x20: {  	[sflag:s8] =	ssyncset.s32 @!p0 $0xFFFFF086;
	s6 =	sadd.s32 @!p0 s3, s7;
	s7 =	simm.s32 @!p0 $0x108  }
0x21: {  	s3 =	sadd.s32 s3, s9;
	s6 =	sadd.s32 @!p0 $0x88, s6;
	s7 =	simm.s32 @p2 $0x1082  }
0x22: {  	[simem:s7], [sflag:s8] =	dma.local @!p0 [hbm:s6], $0xF7A  }
0x23: {  	s9 =	sor.u32 $0xD0000000, s2;
	s6 =	simm.s32 $0x108;
	_ =	swait.ge @!p0 [sflag:s8], $0x0  }
0x24: {  	s3 =	sadd.s32 $0x88, s3;
	s6 =	simm.s32 @!p1 $0x1082;
	[sflag:s4] =	ssyncset.s32 $0xFFFFF086  }
0x25: {  	[simem:s6], [sflag:s4] =	dma.local [hbm:s3], $0xF7A  }
0x26: {  	[smem:$0x3F8E] =	sst s1;
	(tag) =	ssettag s2;
	_ =	strace s9  }
0x27: {  	s1 =	sld [smem:$0x3F9E]  }
0x28: {  	s2 =	sld [smem:$0x3F9F]  }
0x29: {  	s4 =	sld [smem:$0x3FA1]  }
0x2a: {  	p0 =	seq.s32 s5, $0x0;
	s5 =	sld [smem:$0x3FA2]  }
0x2b: {  	s6 =	sld [smem:$0x3FA3]  }
0x2c: {  	s7 =	sld [smem:$0x3FA4]  }
0x2d: {  	s3 =	simm.s32 $0x108;
	s8 =	sld [smem:$0x3FA5]  }
0x2e: {  	s3 =	simm.s32 @!p0 $0x1082;
	s9 =	sld [smem:$0x3FA6]  }
0x2f: {  	lr =	sadd.s32 s0, s3;
	s0 =	sld [smem:$0x3F9D]  }
0x30: {  	s3 =	sld [smem:$0x3FA0]  }
0x31: {  	[smem:$0x3FA9] =	sst s10  }
0x32: {  	s10 =	sld [smem:$0x3FA7];
	_ =	sdelay $0x3  }
0x33: {  	p0 =	seq.s32 s10, $0x1;
	s10 =	sld [smem:$0x3FA9];
	_ =	sdelay $0x3  }
0x34: {  	[smem:$0x3FA9] =	sst s10  }
0x35: {  	s10 =	sld [smem:$0x3FA8];
	_ =	sdelay $0x3  }
0x36: {  	p1 =	seq.s32 s10, $0x1;
	s10 =	sld [smem:$0x3FA9];
	_ =	sdelay $0x3  }
0x37: {  	[smem:$0x3FA9] =	sst s10  }
0x38: {  	s10 =	sld [smem:$0x3FAA]  }
0x39: {  	_ = 	snop;
	(pc) =	sbr.ind lr, $3  }
0x3a: {  	_ = 	snop  }
0x3b: {  	_ = 	snop  }
0x3c: {  	p2 =	seq.s32 s10, $0x1;
	s10 =	sld [smem:$0x3FA9]  }
0x3d: {  	_ =	shalt  }
0x3e: {  	_ =	shalt  }
0x3f: {  	_ =	shalt  }
0x40: {  	_ =	shalt  }
0x41: {  	_ =	shalt  }
0x42: {  	_ =	shalt  }
0x43: {  	_ =	shalt  }
0x44: {  	_ =	shalt  }
0x45: {  	_ =	shalt  }
0x46: {  	_ =	shalt  }
0x47: {  	_ =	shalt  }
0x48: {  	_ =	shalt  }
0x49: {  	_ =	shalt  }
0x4a: {  	_ =	shalt  }
0x4b: {  	_ =	shalt  }
0x4c: {  	_ =	shalt  }
0x4d: {  	_ =	shalt  }
0x4e: {  	_ =	shalt  }
0x4f: {  	_ =	shalt  }
0x50: {  	_ =	shalt  }
0x51: {  	_ =	shalt  }
0x52: {  	_ =	shalt  }
0x53: {  	_ =	shalt  }
0x54: {  	_ =	shalt  }
0x55: {  	_ =	shalt  }
0x56: {  	_ =	shalt  }
0x57: {  	_ =	shalt  }
0x58: {  	_ =	shalt  }
0x59: {  	_ =	shalt  }
0x5a: {  	_ =	shalt  }
0x5b: {  	_ =	shalt  }
0x5c: {  	_ =	shalt  }
0x5d: {  	_ =	shalt  }
0x5e: {  	_ =	shalt  }
0x5f: {  	_ =	shalt  }
0x60: {  	_ =	shalt  }
0x61: {  	_ =	shalt  }
0x62: {  	_ =	shalt  }
0x63: {  	_ =	shalt  }
0x64: {  	_ =	shalt  }
0x65: {  	_ =	shalt  }
0x66: {  	_ =	shalt  }
0x67: {  	_ =	shalt  }
0x68: {  	_ =	shalt  }
0x69: {  	_ =	shalt  }
0x6a: {  	_ =	shalt  }
0x6b: {  	_ =	shalt  }
0x6c: {  	_ =	shalt  }
0x6d: {  	_ =	shalt  }
0x6e: {  	_ =	shalt  }
0x6f: {  	_ =	shalt  }
0x70: {  	_ =	shalt  }
0x71: {  	_ =	shalt  }
0x72: {  	_ =	shalt  }
0x73: {  	_ =	shalt  }
0x74: {  	_ =	shalt  }
0x75: {  	_ =	shalt  }
0x76: {  	_ =	shalt  }
0x77: {  	_ =	shalt  }
0x78: {  	_ =	shalt  }
0x79: {  	_ =	shalt  }
0x7a: {  	_ =	shalt  }
0x7b: {  	_ =	shalt  }
0x7c: {  	_ =	shalt  }
0x7d: {  	_ =	shalt  }
0x7e: {  	_ =	shalt  }
0x7f: {  	_ =	shalt  }
0x80: {  	_ =	shalt  }
0x81: {  	_ =	shalt  }
0x82: {  	_ =	shalt  }
0x83: {  	_ =	shalt  }
0x84: {  	_ =	shalt  }
0x85: {  	_ =	shalt  }
0x86: {  	_ =	shalt  }
0x87: {  	_ =	shalt  }
.Lfunc_end0:
.L_simem_size_0:
called_computation.1_lowered:
.L_overlay_start_0:
0x88: {  	s2 =	sld [smem:$0x3FD9]  }
0x89: {  	s3 =	sld [smem:$0x3FFE];
	_ =	sdelay $0x1  }
0x8a: {  	s1 =	srdreg.scid  }
0x8b: {  	s0 =	sand.u32 $0x1, s1  }
0x8c: {  	s17 =	sshll.u32 s0, $0xA;
	s2 =	sadd.s32 s3, s2  }
0x8d: {  	s2 =	sadd.s32 s2, s17  }
0x8e: {  	[smem:$0x3FB5] =	sst s2  }
0x8f: {  	_ = 	snop  }
0x90: {  	(tm) =	ssettm $0x1  }
0x91: {  	s18 =	sld [smem:$0x3FFB];
	_ =	sdelay $0x3  }
0x92: {  	_ =	strace s18  }
0x93: {  	s2 =	sld [smem:$0x3FFC];
	_ =	sdelay $0x3  }
0x94: {  	_ =	strace s2  }
0x95: {  	s2 =	sld [smem:$0x3FFD];
	_ =	sdelay $0x3  }
0x96: {  	_ =	strace s2  }
0x97: {  	_ =	strace $0x8FFFFFFF  }
0x98: {  	s19 =	sld [smem:$0x3FDB];
	_ =	sdelay $0x1  }
0x99: {  	s20 =	simm.s32 $_scs_section_size  }
0x9a: {  	s4 =	simm.s32 $_size__tile_overlayer_lowered;
	s5 =	simm.s32 $_tile_overlayer_lowered  }
0x9b: {  	s6 =	simm.s32 $0x1BFF;
	s21 =	sshll.u32 s5, $0x1;
	s3 =	sadd.s32 s20, s19  }
0x9c: {  	s22 =	simm.s32 $0x0;
	s4 =	sshll.u32 s4, $0x1;
	s5 =	sadd.s32 s21, s3  }
0x9d: {  	[timem:s22], [sflag:s6] =	dma.local [hbm:s5], s4  }
0x9e: {  	_ =	swait.ge [sflag:s6], s4  }
0x9f: {  	s4 =	ssub.s32 $0x0, s4;
	[sflag:s6] =	ssyncset.done $0x0  }
0xa0: {  	[sflag:s6] =	ssyncadd.s32 s4;
	_ =	sdelay $0x1  }
0xa1: {  	s23 =	simm.s32 $0x1B8B  }
0xa2: {  	_ =	swait.ge [sflag:s23], $0x1  }
0xa3: {  	[sflag:s23] =	ssyncset.done $0x0  }
0xa4: {  	[sflag:s23] =	ssyncadd.s32 $0xFFFFFFFF  }
0xa5: {  	s4 =	sld [smem:$0x0]  }
0xa6: {  	s5 =	sand.u32 $0xFFFFFFFE, s1  }
0xa7: {  	p0 =	sne.s32 s1, s5  }
0xa8: {  	s5 =	sshll.u32 @p0 s5, $0xE  }
0xa9: {  	s5 =	sadd.s32 @p0 $0x11B8D, s5;
	s6 =	sshll.u32 @p0 s4, $0x11  }
0xaa: {  	s5 =	sor.u32 @p0 s6, s5  }
0xab: {  	[sflag:s5] =	ssyncadd.remote.s32 @p0 $0x1;
	_ =	sdelay $0x1  }
0xac: {  	s5 =	simm.s32 @p0 $0x1B8D  }
0xad: {  	_ =	swait.eq @p0 [sflag:s5], $0x1  }
0xae: {  	[sflag:s5] =	ssyncadd.s32 @p0 $0xFFFFFFFF  }
0xaf: {  	s6 =	sshll.u32 @!p0 s1, $0xE  }
0xb0: {  	s6 =	sor.u32 @!p0 $0x4000, s6;
	s5 =	simm.s32 @!p0 $0x1B8D  }
0xb1: {  	s4 =	sshll.u32 @!p0 s4, $0x11;
	s6 =	sadd.s32 @!p0 $0x11B8D, s6;
	_ =	swait.eq @!p0 [sflag:s5], $0x1  }
0xb2: {  	s4 =	sor.u32 @!p0 s4, s6;
	[sflag:s5] =	ssyncadd.s32 @!p0 $0xFFFFFFFF  }
0xb3: {  	s25 =	simm.s32 $0x1B8E;
	s24 =	sld [smem:$0x3FFE];
	[sflag:s4] =	ssyncadd.remote.s32 @!p0 $0x1  }
0xb4: {  	s26 =	simm.s32 $execute0_lowered;
	[smem:$0x3FD2] =	sst s25  }
0xb5: {  	s5 =	sshll.u32 s26, $0x1;
	_ =	strace $0x8000004F;
	[dreg:$0x1] =	wrdreg $0xFFFFFFFF  }
0xb6: {  	s28 =	simm.s32 $_size_execute0_lowered;
	s3 =	sadd.s32 s3, s5;
	[dreg:$0x0] =	wrdreg $0x0  }
0xb7: {  	s5 =	sshll.u32 s28, $0x1;
	[dreg:$0x2] =	wrdreg s3  }
0xb8: {  	[dreg:$0x3] =	wrdreg s5  }
0xb9: {  	[dreg:$0x4] =	wrdreg $0xC0  }
0xba: {  	_ =	task [dreg:s22], $0x5FFFF  }
0xbb: {  	[dreg:$0x1] =	wrdreg $0xFFFFFFFF  }
0xbc: {  	[dreg:$0x0] =	wrdreg $0x60  }
0xbd: {  	[dreg:$0x2] =	wrdreg s24  }
0xbe: {  	[dreg:$0x3] =	wrdreg $0x3B600  }
0xbf: {  	[dreg:$0x4] =	wrdreg $0x173E00  }
0xc0: {  	[dreg:$0x5] =	wrdreg $0x9  }
0xc1: {  	_ =	task.clear_ibuf [dreg:s22], $0x6FFFF;
	_ =	strace $0x9000004F  }
0xc2: {  	s29 =	simm.s32 $0x9;
	_ =	strace $0x80000051  }
0xc3: {  	_ =	swait.ge [sflag:s29], $0x1  }
0xc4: {  	[sflag:s29] =	ssyncadd.s32 $0xFFFFFFFF  }
0xc5: {  	_ =	strace $0x90000051  }
0xc6: {  	_ =	sfence  }
0xc7: {  	s30 =	sld [smem:$0x0];
	_ =	sdelay $0x2  }
0xc8: {  	s31 =	sshll.u32 s1, $0xD;
	s1 =	sshrl.u32 s1, $0x2  }
0xc9: {  	s4 =	sand.u32 $0x4000, s31;
	s1 =	sadd.s32 s1, s30  }
0xca: {  	s0 =	sor.u32 s4, s0;
	s1 =	sshll.u32 s1, $0x11  }
0xcb: {  	s0 =	sor.u32 s1, s0  }
0xcc: {  	s0 =	sadd.s32 $0x8F2B, s0  }
0xcd: {  	[sflag:s0] =	ssyncadd.remote.s32 $0x1  }
0xce: {  	_ =	sfence.sel $0xFFFF  }
0xcf: {  	[dreg:$0x0] =	wrdreg $0xFFFFFFFF;
	(pc) =	sbr.abs _section_cstart, $3  }
0xd0: {  	[dreg:$0x1] =	wrdreg $0xFFFFFFFF  }
0xd1: {  	_ =	task.clear_ibuf [dreg:s22], $0x2FFFF;
	_ =	strace $0x9FFFFFFF  }
0xd2: {  	(tm) =	ssettm $0x7FFFFFFF  }
0xd3: {  	_ =	shalt  }
tec
execute0_lowered:
.L_overlay_start_1:
0x0: {  	(tag) =	ssettag $0x1  }
0x1: {  	s0 =	rddreg [dreg:$0x0]  }
0x2: {  	s1 =	rddreg [dreg:$0x1];
	s14 =	stileid.u32  }
0x3: {  	s3 =	rddreg [dreg:$0x2];
	s4 =	simm.s32 $0x0;
	s6 =	smul.u32 $0x271, s14  }
0x4: {  	s2 =	srdreg.scid;
	s28 =	simm.s32 $0x1450;
	s12 =	smul.u32 $0x4E200, s14  }
0x5: {  	s29 =	simm.s32 $0x2AD0;
	s30 =	simm.s32 $0x1;
	s13 =	smul.u32 $0x2710, s14  }
0x6: {  	[smem:$0x7FF] =	sst s4;
	s2 =	sand.u32 $0x1, s2;
	s21 =	smul.u32 $0x9C40, s14  }
0x7: {  	s5 =	sshll.u32 s14, $0x1;
	s11 =	sadd.s32 $0x13BC200, s0;
	s7 =	smul.u32 $0x2710, s2  }
0x8: {  	s8 =	sor.u32 s2, s5;
	s10 =	ssub.s32 $0x2, s2;
	s2 =	smul.u32 $0x1388, s2  }
0x9: {  	s31 =	simm.s32 $0x3;
	_ =	strace $0x80000050;
	s16 =	smul.u32 $0x1388, s8  }
0xa: {  	s9 =	sadd.s32 $0xC1600, s0;
	s5 =	sadd.s32 $0x511200, s0;
	s8 =	smul.u32 $0x13880, s8  }
0xb: {  	s17 =	sshrl.u32 s10, $0x1;
	s20 =	sshrl.u32 s12, $0x2;
	s23 =	sshrl.u32 s21, $0x2  }
0xc: {  	s21 =	simm.s32 $0x39D0;
	s6 =	sadd.s32 s6, s7;
	s2 =	sadd.s32 s2, s13  }
0xd: {  	s13 =	sadd.s32 s23, s3;
	s23 =	simm.s32 $0x10;
	s6 =	sshll.u32 s6, $0x4  }
0xe: {  	s7 =	sshrl.u32 s16, $0x3;
	s18 =	sadd.s32 s9, s8;
	s19 =	sadd.s32 s11, s8  }
0xf: {  	s8 =	sadd.s32 $0x50, s2;
	s2 =	sadd.s32 $0x28, s2;
	s0 =	sadd.s32 s6, s0  }
0x10: {  	s6 =	ssub.s32 s10, s17;
	s7 =	sadd.s32 s5, s7;
	[dreg:$0x6] =	wrdreg s18  }
0x11: {  	[dreg:$0x7] =	wrdreg s19;
	s10 =	sadd.s32 s20, s1;
	s24 =	sshll.u32 s8, $0x4  }
0x12: {  	s2 =	sshrl.u32 s2, $0x3;
	[dreg:$0x5] =	wrdreg s7;
	s22 =	sadd.s32 $0x380800, s0  }
0x13: {  	s19 =	simm.s32 $0x2D50;
	s0 =	sadd.s32 $0x332600, s0;
	[dreg:$0x8] =	wrdreg s22  }
0x14: {  	s20 =	simm.s32 $0x5;
	s6 =	smax.u32 s6, $0x1;
	[dreg:$0x9] =	wrdreg s0  }
0x15: {  	s25 =	sadd.s32 s24, s9;
	s15 =	sadd.s32 s24, s11;
	[dreg:$0xa] =	wrdreg s6  }
0x16: {  	s26 =	sshll.u32 s2, $0x7;
	s24 =	simm.s32 $0x80;
	[dreg:$0x4] =	wrdreg s25  }
0x17: {  	s16 =	sadd.s32 s26, s9;
	s17 =	sadd.s32 s26, s11;
	s9 =	sadd.s32 s2, s5  }
0x18: {  	s22 =	simm.s32 $0x50;
	s25 =	simm.s32 $0x2850;
	s26 =	simm.s32 $0x28  }
0x19: {  	v0 =	vimm.f32 $0.0e+00;
	s0 =	simm.s32 $0x2;
	s2 =	simm.s32 $0x4;
	s6 =	simm.s32 $0x0  }
.LBB2_1:
0x1a: {  	s7 =	simm.s32 $0x2D90  }
0x1b: {  	[tilespmem:s7+$0xFFFFFFD0] =	vst v0  }
0x1c: {  	[tilespmem:s7+$0xFFFFFFE0] =	vst v0  }
0x1d: {  	[tilespmem:s7+$0xFFFFFFF0] =	vst v0  }
0x1e: {  	[tilespmem:s7+$0x0] =	vst v0  }
0x1f: {  	[tilespmem:s7+$0x10] =	vst v0  }
0x20: {  	[tilespmem:s7+$0x20] =	vst v0  }
0x21: {  	[tilespmem:s7+$0x30] =	vst v0  }
0x22: {  	s12 =	simm.s32 $0x0;
	s11 =	simm.s32 $0x40;
	[tilespmem:s7+$0xFFFFFFC0] =	vst v0  }
.LBB2_2:
0x23: {  	p0 =	sne.s32 s11, $0x600;
	[tilespmem:s12+$0x39D0] =	vst v0;
	s7 =	sadd.s32 $0x80, s7  }
0x24: {  	[tilespmem:s7+$0xFFFFFFD0] =	vst v0  }
0x25: {  	[tilespmem:s7+$0xFFFFFFE0] =	vst v0  }
0x26: {  	[tilespmem:s7+$0xFFFFFFF0] =	vst v0  }
.Ltmp0:
0x27: {  	[tilespmem:s7+$0x0] =	vst v0;
	(pc) =	sbr.rel @p0 .LBB2_2-.Ltmp0, $4  }
0x28: {  	[tilespmem:s7+$0x10] =	vst v0  }
0x29: {  	[tilespmem:s7+$0x20] =	vst v0  }
0x2a: {  	[tilespmem:s7+$0x30] =	vst v0  }
0x2b: {  	s12 =	sshra.s32 s11, $0x2;
	s11 =	sadd.s32 $0x40, s11;
	[tilespmem:s7+$0xFFFFFFC0] =	vst v0  }
0x2c: {  	[tilespmem:s12+$0x39D0] =	vst v0  }
0x2d: {  	[spmem:s10] =	stream.linear.scatter [tilespmem:s19], [sflag:$0x5], $0xC80, $0x38;
	[tilespmem:$0x19AF0] =	vst v63  }
0x2e: {  	_ =	swait.ge [sflag:s20], $0xC80  }
0x2f: {  	[sflag:s20] =	ssyncset.done $0x0  }
0x30: {  	s7 =	sadd.s32 $0x0, s13;
	[sflag:s20] =	ssyncadd.s32 $0xFFFFF380  }
0x31: {  	[spmem:s7] =	stream.linear.scatter [tilespmem:s21], [sflag:$0x5], $0x190, $0x38;
	[tilespmem:$0x19AF0] =	vst v63  }
0x32: {  	_ =	swait.ge [sflag:s20], $0x190  }
0x33: {  	s11 =	smov.u32 s10;
	s7 =	simm.s32 $0x640;
	[sflag:s20] =	ssyncset.done $0x0  }
.LBB2_4:
0x34: {  	p0 =	sne.s32 s7, $0x9600;
	[sflag:s20] =	ssyncadd.s32 $0xFFFFFE70;
	s11 =	sadd.s32 $0xC80, s11  }
0x35: {  	[spmem:s11] =	stream.linear.scatter [tilespmem:s19], [sflag:$0x5], $0xC80, $0x38;
	[tilespmem:$0x19AF0] =	vst v63  }
0x36: {  	s12 =	smov.u32 s7;
	s7 =	sadd.s32 $0x640, s7;
	_ =	swait.ge [sflag:s20], $0xC80  }
.Ltmp1:
0x37: {  	s12 =	sshra.s32 s12, $0x2;
	[sflag:s20] =	ssyncset.done $0x0;
	(pc) =	sbr.rel @p0 .LBB2_4-.Ltmp1, $4  }
0x38: {  	s12 =	sadd.s32 s12, s13;
	[sflag:s20] =	ssyncadd.s32 $0xFFFFF380  }
0x39: {  	[spmem:s12] =	stream.linear.scatter [tilespmem:s21], [sflag:$0x5], $0x190, $0x38;
	[tilespmem:$0x19AF0] =	vst v63  }
0x3a: {  	_ =	swait.ge [sflag:s20], $0x190  }
0x3b: {  	[sflag:s20] =	ssyncset.done $0x0  }
0x3c: {  	[sflag:s20] =	ssyncadd.s32 $0xFFFFFE70  }
0x3d: {  	[bflag:$0x0] =	sbarrier.arrive $0xFFFF  }
0x3e: {  	s7 =	simm.s32 $0x0;
	s11 =	rddreg [dreg:$0x5]  }
0x3f: {  	[tilespmem:s7], [sflag:$0x5] =	stream.linear.gather [hbm4b:s11+s7], $0x28, $0x38;
	[tilespmem:$0x19AF0] =	vst v63  }
0x40: {  	_ =	swait.ge [sflag:s20], $0x28  }
0x41: {  	[sflag:s20] =	ssyncset.done $0x0  }
0x42: {  	s12 =	rddreg [dreg:$0x6];
	[sflag:s20] =	ssyncadd.s32 $0xFFFFFFD8  }
0x43: {  	[tilespmem:s22], [sflag:$0x1] =	stream.linear.gather [hbm4b:s12+s7], $0x1400, $0x38;
	[tilespmem:$0x19AF0] =	vst v63  }
0x44: {  	s14 =	rddreg [dreg:$0x7]  }
0x45: {  	[tilespmem:s25], [sflag:$0x1] =	stream.strided.gather [hbm4b:s14+s23], $0x280, s24, s23, $0x38;
	[tilespmem:$0x19AF0] =	vst v63  }
0x46: {  	_ = 	snop  }
0x47: {  	[tilespmem:s26], [sflag:$0x5] =	stream.linear.gather [hbm4b:s9+s4], $0x28, $0x38;
	[tilespmem:$0x19AF0] =	vst v63  }
0x48: {  	_ =	swait.ge [sflag:s20], $0x28  }
0x49: {  	[sflag:s20] =	ssyncset.done $0x0  }
0x4a: {  	s18 =	sadd.s32 $0x0, s16;
	[sflag:s20] =	ssyncadd.s32 $0xFFFFFFD8  }
0x4b: {  	[tilespmem:s28], [sflag:$0x2] =	stream.linear.gather [hbm4b:s18+s4], $0x1400, $0x38;
	[tilespmem:$0x19AF0] =	vst v63  }
0x4c: {  	s11 =	sadd.s32 $0x0, s17  }
0x4d: {  	[tilespmem:s29], [sflag:$0x2] =	stream.strided.gather [hbm4b:s11+s23], $0x280, s24, s23, $0x38;
	[tilespmem:$0x19AF0] =	vst v63  }
0x4e: {  	_ =	swait.ge [sflag:s30], $0x1400  }
0x4f: {  	[sflag:s30] =	ssyncset.done $0x0  }
0x50: {  	[sflag:s30] =	ssyncadd.s32 $0xFFFFEC00  }
0x51: {  	_ =	swait.ge [sflag:s30], $0x280  }
0x52: {  	[sflag:s30] =	ssyncset.done $0x0  }
0x53: {  	[sflag:s30] =	ssyncadd.s32 $0xFFFFFD80  }
0x54: {  	[spmem:s1] =	stream.indirect.scatter.add.f32 [tilespmem:s22], [sflag:$0x3], $0x80, s4, s26, $0xb8;
	[tilespmem:$0x19AF0] =	vst v63  }
0x55: {  	_ = 	snop  }
0x56: {  	[spmem:s3] =	stream.indirect.scatter.add.f32 [tilespmem:s25], [sflag:$0x3], $0x10, s4, s26, $0xb8;
	[tilespmem:$0x19AF0] =	vst v63  }
0x57: {  	_ =	swait.ge [sflag:s31], $0x1400  }
0x58: {  	[sflag:s31] =	ssyncset.done $0x0  }
0x59: {  	[sflag:s31] =	ssyncadd.s32 $0xFFFFEC00  }
0x5a: {  	_ =	swait.ge [sflag:s31], $0x280  }
0x5b: {  	s12 =	sshrl.u32 s8, $0x3;
	[sflag:s31] =	ssyncset.done $0x0  }
0x5c: {  	s7 =	sadd.s32 s5, s12;
	[sflag:s31] =	ssyncadd.s32 $0xFFFFFD80  }
0x5d: {  	[tilespmem:s4], [sflag:$0x5] =	stream.linear.gather [hbm4b:s7+s4], $0x28, $0x38;
	[tilespmem:$0x19AF0] =	vst v63  }
0x5e: {  	_ =	swait.ge [sflag:s20], $0x28  }
0x5f: {  	s14 =	rddreg [dreg:$0x4];
	[sflag:s20] =	ssyncset.done $0x0  }
0x60: {  	[sflag:s20] =	ssyncadd.s32 $0xFFFFFFD8;
	s7 =	sadd.s32 $0x0, s14  }
0x61: {  	[tilespmem:s22], [sflag:$0x1] =	stream.linear.gather [hbm4b:s7+s4], $0x1400, $0x38;
	[tilespmem:$0x19AF0] =	vst v63  }
0x62: {  	s18 =	sadd.s32 $0x0, s15  }
0x63: {  	[tilespmem:s25], [sflag:$0x1] =	stream.strided.gather [hbm4b:s18+s23], $0x280, s24, s23, $0x38;
	[tilespmem:$0x19AF0] =	vst v63  }
0x64: {  	_ =	swait.ge [sflag:s0], $0x1400  }
0x65: {  	[sflag:s0] =	ssyncset.done $0x0  }
0x66: {  	[sflag:s0] =	ssyncadd.s32 $0xFFFFEC00  }
0x67: {  	_ =	swait.ge [sflag:s0], $0x280  }
0x68: {  	[sflag:s0] =	ssyncset.done $0x0  }
0x69: {  	[sflag:s0] =	ssyncadd.s32 $0xFFFFFD80  }
0x6a: {  	[spmem:s1] =	stream.indirect.scatter.add.f32 [tilespmem:s28], [sflag:$0x4], $0x80, s26, s26, $0xb8;
	[tilespmem:$0x19AF0] =	vst v63  }
0x6b: {  	_ = 	snop  }
0x6c: {  	[spmem:s3] =	stream.indirect.scatter.add.f32 [tilespmem:s29], [sflag:$0x4], $0x10, s26, s26, $0xb8;
	[tilespmem:$0x19AF0] =	vst v63  }
0x6d: {  	_ =	swait.ge [sflag:s2], $0x1400  }
0x6e: {  	[sflag:s2] =	ssyncset.done $0x0  }
0x6f: {  	[sflag:s2] =	ssyncadd.s32 $0xFFFFEC00  }
0x70: {  	s12 =	smov.u32 s8;
	_ =	swait.ge [sflag:s2], $0x280  }
0x71: {  	s7 =	simm.s32 $0x500;
	s18 =	smov.u32 s9;
	[sflag:s2] =	ssyncset.done $0x0  }
.LBB2_6:
0x72: {  	[sflag:s2] =	ssyncadd.s32 $0xFFFFFD80;
	s18 =	sadd.s32 $0xA, s18  }
0x73: {  	[tilespmem:s26], [sflag:$0x5] =	stream.linear.gather [hbm4b:s18+s4], $0x28, $0x38;
	[tilespmem:$0x19AF0] =	vst v63  }
0x74: {  	_ =	swait.ge [sflag:s20], $0x28  }
0x75: {  	s11 =	smov.u32 s7;
	[sflag:s20] =	ssyncset.done $0x0  }
0x76: {  	s14 =	sadd.s32 s11, s16;
	[sflag:s20] =	ssyncadd.s32 $0xFFFFFFD8  }
0x77: {  	[tilespmem:s28], [sflag:$0x2] =	stream.linear.gather [hbm4b:s14+s4], $0x1400, $0x38;
	[tilespmem:$0x19AF0] =	vst v63  }
0x78: {  	s14 =	sadd.s32 s11, s17  }
0x79: {  	[tilespmem:s29], [sflag:$0x2] =	stream.strided.gather [hbm4b:s14+s23], $0x280, s24, s23, $0x38;
	[tilespmem:$0x19AF0] =	vst v63  }
0x7a: {  	_ =	swait.ge [sflag:s30], $0x1400  }
0x7b: {  	[sflag:s30] =	ssyncset.done $0x0  }
0x7c: {  	[sflag:s30] =	ssyncadd.s32 $0xFFFFEC00  }
0x7d: {  	_ =	swait.ge [sflag:s30], $0x280  }
0x7e: {  	[sflag:s30] =	ssyncset.done $0x0  }
0x7f: {  	[sflag:s30] =	ssyncadd.s32 $0xFFFFFD80  }
0x80: {  	[spmem:s1] =	stream.indirect.scatter.add.f32 [tilespmem:s22], [sflag:$0x3], $0x80, s4, s26, $0xb8;
	[tilespmem:$0x19AF0] =	vst v63  }
0x81: {  	_ = 	snop  }
0x82: {  	[spmem:s3] =	stream.indirect.scatter.add.f32 [tilespmem:s25], [sflag:$0x3], $0x10, s4, s26, $0xb8;
	[tilespmem:$0x19AF0] =	vst v63  }
0x83: {  	_ =	swait.ge [sflag:s31], $0x1400  }
0x84: {  	[sflag:s31] =	ssyncset.done $0x0  }
0x85: {  	[sflag:s31] =	ssyncadd.s32 $0xFFFFEC00  }
0x86: {  	s12 =	sadd.s32 $0x50, s12;
	_ =	swait.ge [sflag:s31], $0x280  }
0x87: {  	s14 =	sshrl.u32 s12, $0x3;
	[sflag:s31] =	ssyncset.done $0x0  }
0x88: {  	s14 =	sadd.s32 s5, s14;
	[sflag:s31] =	ssyncadd.s32 $0xFFFFFD80  }
0x89: {  	[tilespmem:s4], [sflag:$0x5] =	stream.linear.gather [hbm4b:s14+s4], $0x28, $0x38;
	[tilespmem:$0x19AF0] =	vst v63  }
0x8a: {  	_ =	swait.ge [sflag:s20], $0x28  }
0x8b: {  	s14 =	rddreg [dreg:$0x4];
	[sflag:s20] =	ssyncset.done $0x0  }
0x8c: {  	[sflag:s20] =	ssyncadd.s32 $0xFFFFFFD8;
	s14 =	sadd.s32 s11, s14  }
0x8d: {  	[tilespmem:s22], [sflag:$0x1] =	stream.linear.gather [hbm4b:s14+s4], $0x1400, $0x38;
	[tilespmem:$0x19AF0] =	vst v63  }
0x8e: {  	s11 =	sadd.s32 s11, s15  }
0x8f: {  	[tilespmem:s25], [sflag:$0x1] =	stream.strided.gather [hbm4b:s11+s23], $0x280, s24, s23, $0x38;
	[tilespmem:$0x19AF0] =	vst v63  }
0x90: {  	_ =	swait.ge [sflag:s0], $0x1400  }
0x91: {  	[sflag:s0] =	ssyncset.done $0x0  }
0x92: {  	[sflag:s0] =	ssyncadd.s32 $0xFFFFEC00  }
0x93: {  	_ =	swait.ge [sflag:s0], $0x280  }
0x94: {  	[sflag:s0] =	ssyncset.done $0x0  }
0x95: {  	[sflag:s0] =	ssyncadd.s32 $0xFFFFFD80  }
0x96: {  	[spmem:s1] =	stream.indirect.scatter.add.f32 [tilespmem:s28], [sflag:$0x4], $0x80, s26, s26, $0xb8;
	[tilespmem:$0x19AF0] =	vst v63  }
0x97: {  	p0 =	sne.s32 s7, $0x13100  }
0x98: {  	[spmem:s3] =	stream.indirect.scatter.add.f32 [tilespmem:s29], [sflag:$0x4], $0x10, s26, s26, $0xb8;
	[tilespmem:$0x19AF0] =	vst v63  }
.Ltmp2:
0x99: {  	_ =	swait.ge [sflag:s2], $0x1400;
	(pc) =	sbr.rel @p0 .LBB2_6-.Ltmp2, $4  }
0x9a: {  	[sflag:s2] =	ssyncset.done $0x0  }
0x9b: {  	[sflag:s2] =	ssyncadd.s32 $0xFFFFEC00  }
0x9c: {  	_ =	swait.ge [sflag:s2], $0x280  }
0x9d: {  	s7 =	sadd.s32 $0x500, s7;
	[sflag:s2] =	ssyncset.done $0x0  }
0x9e: {  	[sflag:s2] =	ssyncadd.s32 $0xFFFFFD80  }
0x9f: {  	_ =	swait.ge [sflag:s30], $0x1400  }
0xa0: {  	[sflag:s30] =	ssyncset.done $0x0  }
0xa1: {  	[sflag:s30] =	ssyncadd.s32 $0xFFFFEC00  }
0xa2: {  	_ =	swait.ge [sflag:s30], $0x280  }
0xa3: {  	[sflag:s30] =	ssyncset.done $0x0  }
0xa4: {  	[sflag:s30] =	ssyncadd.s32 $0xFFFFFD80  }
0xa5: {  	[spmem:s1] =	stream.indirect.scatter.add.f32 [tilespmem:s22], [sflag:$0x3], $0x80, s4, s26, $0xb8;
	[tilespmem:$0x19AF0] =	vst v63  }
0xa6: {  	_ = 	snop  }
0xa7: {  	[spmem:s3] =	stream.indirect.scatter.add.f32 [tilespmem:s25], [sflag:$0x3], $0x10, s4, s26, $0xb8;
	[tilespmem:$0x19AF0] =	vst v63  }
0xa8: {  	_ =	swait.ge [sflag:s31], $0x1400  }
0xa9: {  	[sflag:s31] =	ssyncset.done $0x0  }
0xaa: {  	[sflag:s31] =	ssyncadd.s32 $0xFFFFEC00  }
0xab: {  	_ =	swait.ge [sflag:s31], $0x280  }
0xac: {  	[sflag:s31] =	ssyncset.done $0x0  }
0xad: {  	s7 =	stileid.u32;
	[sflag:s31] =	ssyncadd.s32 $0xFFFFFD80  }
0xae: {  	s7 =	sshll.u32 s7, $0x6;
	[bflag:$0x0] =	sbarrier.arrive $0xFFFF  }
0xaf: {  	s11 =	sshrl.u32 s10, $0x3;
	s7 =	sor.u32 $0x1C05, s7;
	s12 =	rddreg [dreg:$0x8]  }
0xb0: {  	[hbm:s12], [sflag:s7] =	dma.local [spmem:s11], $0x2710  }
0xb1: {  	_ =	swait.ge [sflag:s20], $0x2710  }
0xb2: {  	[sflag:s20] =	ssyncset.done $0x0  }
0xb3: {  	s12 =	sshrl.u32 s13, $0x3;
	s14 =	rddreg [dreg:$0x9];
	[sflag:s20] =	ssyncadd.s32 $0xFFFFD8F0  }
0xb4: {  	[hbm:s14@s23], [sflag:s7] =	dma.strided [spmem:s12@s0], $0x4E2, s30, $0x2   }
0xb5: {  	_ =	swait.ge [sflag:s20], $0x4E2  }
0xb6: {  	s6 =	sadd.s32 $0x1, s6;
	s18 =	rddreg [dreg:$0xa]  }
0xb7: {  	p0 =	sne.s32 s6, s18  }
.Ltmp3:
0xb8: {  	_ = 	snop;
	(pc) =	sbr.rel @p0 .LBB2_1-.Ltmp3, $3  }
0xb9: {  	_ =	sdelay $0x1  }
0xba: {  	[sflag:s20] =	ssyncset.done $0x0  }
0xbb: {  	[sflag:s20] =	ssyncadd.s32 $0xFFFFFB1E  }
0xbc: {  	_ =	sfence.sel $0x180000  }
0xbd: {  	[bflag:$0x0] =	sbarrier.arrive $0xFFFF  }
0xbe: {  	_ =	strace $0x90000050  }
0xbf: {  	s0 =	stileid.u32;
	[bflag:$0x2] =	sbarrier.arrive $0xFFFF  }
0xc0: {  	p0 =	sne.s32 s0, $0x0;
	s0 =	rddreg [dreg:$0x3]  }
0xc1: {  	s0 =	sadd.s32 @!p0 $0x100000, s0  }
0xc2: {  	[sflag:s0] =	ssyncadd.tile.s32 @!p0 $0x1;
	_ =	shalt  }
.Lfunc_end2:
_tile_overlayer_lowered:
.L_overlay_start_2:
0xc3: {  	(tag) =	ssettag $0x2  }
0xc4: {  	s0 =	rddreg [dreg:$0x0];
	s2 =	stileid.u32  }
0xc5: {  	s1 =	rddreg [dreg:$0x1];
	p0 =	sne.s32 s2, $0x0  }
0xc6: {  	s3 =	rddreg [dreg:$0x2];
	[bflag:$0x3] =	sbarrier.arrive $0xFFFF;
	s2 =	simm.s32 @!p0 $0x1C05  }
0xc7: {  	[timem:s3], [sflag:s2] =	dma.local @!p0 [hbm:s0], s1  }
0xc8: {  	s0 =	simm.s32 @!p0 $0x5  }
0xc9: {  	_ =	swait.ge @!p0 [sflag:s0], s1  }
0xca: {  	s1 =	ssub.s32 @!p0 $0x0, s1;
	[sflag:s0] =	ssyncset.done @!p0 $0x0  }
0xcb: {  	[sflag:s0] =	ssyncadd.s32 @!p0 s1  }
0xcc: {  	[bflag:$0x3] =	sbarrier.arrive $0xFFFF  }
0xcd: {  	_ =	shalt  }

// kernel: kernel.15.cloned.1.call-start
scs
__scs_entry_jumppad:
0x0: {  	(pc) =	sbr.rel $0x88, $3  }
0x1: {  	(tag) =	ssettag $0x0;
	lr =	simm.s32 $0x1  }
0x2: {  	[smem:$0x3F8E] =	sst lr;
	_ =	strace $0xD0000000  }
0x3: {  	_ = 	snop  }
0x4: {  	_ = 	snop  }
0x5: {  	_ = 	snop  }
0x6: {  	_ = 	snop  }
0x7: {  	_ = 	snop  }
__scs_overlays_trampoline_lowered:
0x8: {  	[smem:$0x3F9D] =	sst s0  }
0x9: {  	[smem:$0x3F9E] =	sst s1  }
0xa: {  	[smem:$0x3F9F] =	sst s2  }
0xb: {  	[smem:$0x3FA0] =	sst s3  }
0xc: {  	[smem:$0x3FA1] =	sst s4  }
0xd: {  	[smem:$0x3FA2] =	sst s5  }
0xe: {  	[smem:$0x3FA3] =	sst s6  }
0xf: {  	[smem:$0x3FA4] =	sst s7  }
0x10: {  	[smem:$0x3FA5] =	sst s8  }
0x11: {  	[smem:$0x3FA6] =	sst s9;
	s0 =	simm.s32 @!p0 $0x0  }
0x12: {  	s1 =	sld [smem:$0x3F8C];
	s0 =	simm.s32 @p0 $0x1  }
0x13: {  	[smem:$0x3FA7] =	sst s0;
	s0 =	simm.s32 @!p1 $0x0  }
0x14: {  	s2 =	sld [smem:$0x3F8B];
	s0 =	simm.s32 @p1 $0x1  }
0x15: {  	[smem:$0x3FA8] =	sst s0;
	s0 =	simm.s32 @!p2 $0x0  }
0x16: {  	s3 =	sld [smem:$0x3FDB];
	s0 =	simm.s32 @p2 $0x1  }
0x17: {  	s4 =	simm.s32 $0x1BF5;
	[smem:$0x3FAA] =	sst s0  }
0x18: {  	s0 =	sld [smem:$0x3F8D];
	_ =	swait.ge [sflag:s4], $0x0  }
0x19: {  	s7 =	sld [smem:$0x3F8E]  }
0x1a: {  	s8 =	sadd.s32 $0xFFFFE003, lr  }
0x1b: {  	s9 =	sadd.s32 $0xFFFFFEF7, lr;
	s5 =	simm.s32 $0xFFFFFFFF;
	p2 =	slt.u32 s8, $0xFFFFF086  }
0x1c: {  	p1 =	slt.u32 s9, $0xF7A;
	s5 =	simm.s32 @!p2 $0x0  }
0x1d: {  	s5 =	simm.s32 @p1 $0x1;
	p0 =	seq.s32 s7, s2  }
0x1e: {  	s7 =	smul.u32 @!p0 $0xF7A, s2;
	p2 =	seq.s32 @!p0 s5, $0x0  }
0x1f: {  	s9 =	smul.u32 $0xF7A, s1;
	s8 =	simm.s32 @!p0 $0x1BF5;
	p2 =	por !p2, p0  }
0x20: {  	[sflag:s8] =	ssyncset.s32 @!p0 $0xFFFFF086;
	s6 =	sadd.s32 @!p0 s3, s7;
	s7 =	simm.s32 @!p0 $0x108  }
0x21: {  	s3 =	sadd.s32 s3, s9;
	s6 =	sadd.s32 @!p0 $0x88, s6;
	s7 =	simm.s32 @p2 $0x1082  }
0x22: {  	[simem:s7], [sflag:s8] =	dma.local @!p0 [hbm:s6], $0xF7A  }
0x23: {  	s9 =	sor.u32 $0xD0000000, s2;
	s6 =	simm.s32 $0x108;
	_ =	swait.ge @!p0 [sflag:s8], $0x0  }
0x24: {  	s3 =	sadd.s32 $0x88, s3;
	s6 =	simm.s32 @!p1 $0x1082;
	[sflag:s4] =	ssyncset.s32 $0xFFFFF086  }
0x25: {  	[simem:s6], [sflag:s4] =	dma.local [hbm:s3], $0xF7A  }
0x26: {  	[smem:$0x3F8E] =	sst s1;
	(tag) =	ssettag s2;
	_ =	strace s9  }
0x27: {  	s1 =	sld [smem:$0x3F9E]  }
0x28: {  	s2 =	sld [smem:$0x3F9F]  }
0x29: {  	s4 =	sld [smem:$0x3FA1]  }
0x2a: {  	p0 =	seq.s32 s5, $0x0;
	s5 =	sld [smem:$0x3FA2]  }
0x2b: {  	s6 =	sld [smem:$0x3FA3]  }
0x2c: {  	s7 =	sld [smem:$0x3FA4]  }
0x2d: {  	s3 =	simm.s32 $0x108;
	s8 =	sld [smem:$0x3FA5]  }
0x2e: {  	s3 =	simm.s32 @!p0 $0x1082;
	s9 =	sld [smem:$0x3FA6]  }
0x2f: {  	lr =	sadd.s32 s0, s3;
	s0 =	sld [smem:$0x3F9D]  }
0x30: {  	s3 =	sld [smem:$0x3FA0]  }
0x31: {  	[smem:$0x3FA9] =	sst s10  }
0x32: {  	s10 =	sld [smem:$0x3FA7];
	_ =	sdelay $0x3  }
0x33: {  	p0 =	seq.s32 s10, $0x1;
	s10 =	sld [smem:$0x3FA9];
	_ =	sdelay $0x3  }
0x34: {  	[smem:$0x3FA9] =	sst s10  }
0x35: {  	s10 =	sld [smem:$0x3FA8];
	_ =	sdelay $0x3  }
0x36: {  	p1 =	seq.s32 s10, $0x1;
	s10 =	sld [smem:$0x3FA9];
	_ =	sdelay $0x3  }
0x37: {  	[smem:$0x3FA9] =	sst s10  }
0x38: {  	s10 =	sld [smem:$0x3FAA]  }
0x39: {  	_ = 	snop;
	(pc) =	sbr.ind lr, $3  }
0x3a: {  	_ = 	snop  }
0x3b: {  	_ = 	snop  }
0x3c: {  	p2 =	seq.s32 s10, $0x1;
	s10 =	sld [smem:$0x3FA9]  }
0x3d: {  	_ =	shalt  }
0x3e: {  	_ =	shalt  }
0x3f: {  	_ =	shalt  }
0x40: {  	_ =	shalt  }
0x41: {  	_ =	shalt  }
0x42: {  	_ =	shalt  }
0x43: {  	_ =	shalt  }
0x44: {  	_ =	shalt  }
0x45: {  	_ =	shalt  }
0x46: {  	_ =	shalt  }
0x47: {  	_ =	shalt  }
0x48: {  	_ =	shalt  }
0x49: {  	_ =	shalt  }
0x4a: {  	_ =	shalt  }
0x4b: {  	_ =	shalt  }
0x4c: {  	_ =	shalt  }
0x4d: {  	_ =	shalt  }
0x4e: {  	_ =	shalt  }
0x4f: {  	_ =	shalt  }
0x50: {  	_ =	shalt  }
0x51: {  	_ =	shalt  }
0x52: {  	_ =	shalt  }
0x53: {  	_ =	shalt  }
0x54: {  	_ =	shalt  }
0x55: {  	_ =	shalt  }
0x56: {  	_ =	shalt  }
0x57: {  	_ =	shalt  }
0x58: {  	_ =	shalt  }
0x59: {  	_ =	shalt  }
0x5a: {  	_ =	shalt  }
0x5b: {  	_ =	shalt  }
0x5c: {  	_ =	shalt  }
0x5d: {  	_ =	shalt  }
0x5e: {  	_ =	shalt  }
0x5f: {  	_ =	shalt  }
0x60: {  	_ =	shalt  }
0x61: {  	_ =	shalt  }
0x62: {  	_ =	shalt  }
0x63: {  	_ =	shalt  }
0x64: {  	_ =	shalt  }
0x65: {  	_ =	shalt  }
0x66: {  	_ =	shalt  }
0x67: {  	_ =	shalt  }
0x68: {  	_ =	shalt  }
0x69: {  	_ =	shalt  }
0x6a: {  	_ =	shalt  }
0x6b: {  	_ =	shalt  }
0x6c: {  	_ =	shalt  }
0x6d: {  	_ =	shalt  }
0x6e: {  	_ =	shalt  }
0x6f: {  	_ =	shalt  }
0x70: {  	_ =	shalt  }
0x71: {  	_ =	shalt  }
0x72: {  	_ =	shalt  }
0x73: {  	_ =	shalt  }
0x74: {  	_ =	shalt  }
0x75: {  	_ =	shalt  }
0x76: {  	_ =	shalt  }
0x77: {  	_ =	shalt  }
0x78: {  	_ =	shalt  }
0x79: {  	_ =	shalt  }
0x7a: {  	_ =	shalt  }
0x7b: {  	_ =	shalt  }
0x7c: {  	_ =	shalt  }
0x7d: {  	_ =	shalt  }
0x7e: {  	_ =	shalt  }
0x7f: {  	_ =	shalt  }
0x80: {  	_ =	shalt  }
0x81: {  	_ =	shalt  }
0x82: {  	_ =	shalt  }
0x83: {  	_ =	shalt  }
0x84: {  	_ =	shalt  }
0x85: {  	_ =	shalt  }
0x86: {  	_ =	shalt  }
0x87: {  	_ =	shalt  }
.Lfunc_end0:
.L_simem_size_0:
called_computation.2_lowered:
.L_overlay_start_0:
0x88: {  	s2 =	sld [smem:$0x3FD9]  }
0x89: {  	s3 =	sld [smem:$0x3FFE];
	_ =	sdelay $0x1  }
0x8a: {  	s1 =	srdreg.scid  }
0x8b: {  	s0 =	sand.u32 $0x1, s1  }
0x8c: {  	s16 =	sshll.u32 s0, $0xA;
	s2 =	sadd.s32 s3, s2  }
0x8d: {  	s2 =	sadd.s32 s2, s16  }
0x8e: {  	[smem:$0x3FB5] =	sst s2  }
0x8f: {  	_ = 	snop  }
0x90: {  	(tm) =	ssettm $0x1  }
0x91: {  	s17 =	sld [smem:$0x3FFB];
	_ =	sdelay $0x3  }
0x92: {  	_ =	strace s17  }
0x93: {  	s2 =	sld [smem:$0x3FFC];
	_ =	sdelay $0x3  }
0x94: {  	_ =	strace s2  }
0x95: {  	s2 =	sld [smem:$0x3FFD];
	_ =	sdelay $0x3  }
0x96: {  	_ =	strace s2  }
0x97: {  	_ =	strace $0x8FFFFFFF  }
0x98: {  	s18 =	sld [smem:$0x3FDB];
	_ =	sdelay $0x1  }
0x99: {  	s19 =	simm.s32 $_scs_section_size  }
0x9a: {  	s4 =	simm.s32 $_size__tile_overlayer_lowered;
	s5 =	simm.s32 $_tile_overlayer_lowered  }
0x9b: {  	s22 =	simm.s32 $0x1BFF;
	s21 =	sshll.u32 s5, $0x1;
	s2 =	sadd.s32 s19, s18  }
0x9c: {  	s6 =	simm.s32 $0x0;
	s20 =	sshll.u32 s4, $0x1;
	s4 =	sadd.s32 s21, s2  }
0x9d: {  	[timem:s6], [sflag:s22] =	dma.local [hbm:s4], s20  }
0x9e: {  	_ =	swait.ge [sflag:s22], s20  }
0x9f: {  	s3 =	ssub.s32 $0x0, s20;
	[sflag:s22] =	ssyncset.done $0x0  }
0xa0: {  	[sflag:s22] =	ssyncadd.s32 s3;
	_ =	sdelay $0x1  }
0xa1: {  	s23 =	simm.s32 $0x1B8B  }
0xa2: {  	_ =	swait.ge [sflag:s23], $0x1  }
0xa3: {  	[sflag:s23] =	ssyncset.done $0x0  }
0xa4: {  	s25 =	simm.s32 $0x1B8E;
	s24 =	sld [smem:$0x3FFE];
	[sflag:s23] =	ssyncadd.s32 $0xFFFFFFFF  }
0xa5: {  	s26 =	simm.s32 $execute0_lowered;
	[smem:$0x3FD2] =	sst s25  }
0xa6: {  	s4 =	sshll.u32 s26, $0x1;
	_ =	strace $0x80000046;
	[dreg:$0x1] =	wrdreg $0xFFFFFFFF  }
0xa7: {  	s28 =	simm.s32 $_size_execute0_lowered;
	s2 =	sadd.s32 s2, s4;
	[dreg:$0x0] =	wrdreg $0x0  }
0xa8: {  	s4 =	sshll.u32 s28, $0x1;
	[dreg:$0x2] =	wrdreg s2  }
0xa9: {  	[dreg:$0x3] =	wrdreg s4  }
0xaa: {  	[dreg:$0x4] =	wrdreg $0xC0  }
0xab: {  	_ =	task [dreg:s6], $0x5FFFF  }
0xac: {  	[dreg:$0x1] =	wrdreg $0xFFFFFFFF  }
0xad: {  	[dreg:$0x0] =	wrdreg $0x60  }
0xae: {  	[dreg:$0x2] =	wrdreg s24  }
0xaf: {  	[dreg:$0x3] =	wrdreg $0xA  }
0xb0: {  	_ =	task.clear_ibuf [dreg:s6], $0x4FFFF;
	_ =	strace $0x90000046  }
0xb1: {  	s29 =	simm.s32 $0xA;
	_ =	strace $0x80000048  }
0xb2: {  	_ =	swait.ge [sflag:s29], $0x1  }
0xb3: {  	[sflag:s29] =	ssyncadd.s32 $0xFFFFFFFF  }
0xb4: {  	_ =	strace $0x90000048  }
0xb5: {  	_ =	sfence  }
0xb6: {  	s30 =	sld [smem:$0x0];
	_ =	sdelay $0x2  }
0xb7: {  	s31 =	sshll.u32 s1, $0xD;
	s1 =	sshrl.u32 s1, $0x2  }
0xb8: {  	s3 =	sand.u32 $0x4000, s31;
	s1 =	sadd.s32 s1, s30  }
0xb9: {  	s0 =	sor.u32 s3, s0;
	s1 =	sshll.u32 s1, $0x11  }
0xba: {  	s0 =	sor.u32 s1, s0  }
0xbb: {  	s0 =	sadd.s32 $0x8F2B, s0  }
0xbc: {  	[sflag:s0] =	ssyncadd.remote.s32 $0x1  }
0xbd: {  	_ =	sfence.sel $0xFFFF  }
0xbe: {  	[dreg:$0x0] =	wrdreg $0xFFFFFFFF;
	(pc) =	sbr.abs _section_cstart, $3  }
0xbf: {  	[dreg:$0x1] =	wrdreg $0xFFFFFFFF  }
0xc0: {  	_ =	task.clear_ibuf [dreg:s6], $0x2FFFF;
	_ =	strace $0x9FFFFFFF  }
0xc1: {  	(tm) =	ssettm $0x7FFFFFFF  }
tec
execute0_lowered:
.L_overlay_start_1:
0x0: {  	(tag) =	ssettag $0x1  }
0x1: {  	s0 =	rddreg [dreg:$0x0];
	s2 =	simm.s32 $0x0;
	s1 =	srdreg.scid  }
0x2: {  	s14 =	stileid.u32;
	s28 =	simm.s32 $0xE420;
	s29 =	simm.s32 $0xF0A0  }
0x3: {  	s30 =	simm.s32 $0x1;
	s31 =	simm.s32 $0x40;
	[smem:$0x7FF] =	sst s2  }
0x4: {  	s1 =	sand.u32 $0x1, s1;
	s5 =	sshll.u32 s14, $0x1;
	s15 =	smul.u32 $0x2710, s14  }
0x5: {  	s3 =	sadd.s32 $0x11800, s0;
	s4 =	sadd.s32 $0x7800, s0;
	s17 =	smul.u32 $0x27100, s14  }
0x6: {  	s6 =	sadd.s32 $0x25200, s0;
	s25 =	sadd.s32 $0xC800, s0;
	s13 =	smul.u32 $0x1388, s1  }
0x7: {  	s7 =	sor.u32 s1, s5;
	s10 =	ssub.s32 $0x2, s1;
	s1 =	smul.u32 $0x13880, s1  }
0x8: {  	s9 =	sadd.s32 $0x2A200, s0;
	s0 =	sadd.s32 $0x29B200, s0;
	s8 =	smul.u32 $0x1388, s7  }
0x9: {  	_ =	strace $0x80000047;
	s7 =	smul.u32 $0x9C400, s7;
	s11 =	sshrl.u32 s10, $0x1  }
0xa: {  	s20 =	sadd.s32 s17, s9;
	s10 =	ssub.s32 s10, s11;
	s19 =	sadd.s32 s13, s15  }
0xb: {  	s22 =	sadd.s32 s1, s20;
	s8 =	sshrl.u32 s8, $0x3;
	s7 =	sshrl.u32 s7, $0x3  }
0xc: {  	s18 =	smax.u32 s10, $0x1;
	s10 =	smov.u32 s25;
	s21 =	sadd.s32 $0xC8, s19  }
0xd: {  	s24 =	sadd.s32 $0x190, s19;
	[dreg:$0x3] =	wrdreg s22;
	s26 =	sadd.s32 s6, s8  }
0xe: {  	s8 =	sadd.s32 s25, s8;
	s11 =	sadd.s32 $0x12C00, s7;
	[dreg:$0xa] =	wrdreg s18  }
0xf: {  	s16 =	sadd.s32 s9, s7;
	s7 =	sadd.s32 s0, s7;
	[dreg:$0xb] =	wrdreg s24  }
0x10: {  	s23 =	sshrl.u32 s21, $0x3;
	s18 =	simm.s32 $0xC8;
	[dreg:$0x4] =	wrdreg s26  }
0x11: {  	s24 =	simm.s32 $0x258;
	[dreg:$0x5] =	wrdreg s8;
	s12 =	sadd.s32 s9, s11  }
0x12: {  	s8 =	sadd.s32 s0, s11;
	s7 =	sadd.s32 $0x12C02, s7;
	s0 =	sadd.s32 s17, s0  }
0x13: {  	s25 =	sadd.s32 s23, s10;
	s26 =	sadd.s32 s23, s6;
	[dreg:$0x6] =	wrdreg s12  }
0x14: {  	s17 =	simm.s32 $0x5;
	s23 =	simm.s32 $0x190;
	[dreg:$0x8] =	wrdreg s8  }
0x15: {  	s9 =	simm.s32 $0x4;
	s11 =	simm.s32 $0x0;
	[dreg:$0x9] =	wrdreg s7  }
0x16: {  	s12 =	sadd.s32 $0x12C08, s16;
	s0 =	sadd.s32 s1, s0;
	[dreg:$0xc] =	wrdreg s25  }
0x17: {  	[dreg:$0xd] =	wrdreg s26;
	s25 =	simm.s32 $0x6720;
	s26 =	simm.s32 $0x9920  }
0x18: {  	s1 =	simm.s32 $0x10;
	s7 =	simm.s32 $0x3;
	[dreg:$0x7] =	wrdreg s12  }
0x19: {  	s8 =	simm.s32 $0x2;
	[dreg:$0x2] =	wrdreg s0;
	s0 =	simm.s32 $0x80  }
.LBB2_1:
0x1a: {  	[dreg:$0xe] =	wrdreg s11  }
0x1b: {  	s5 =	rddreg [dreg:$0x4]  }
0x1c: {  	[tilespmem:s2], [sflag:$0x5] =	stream.linear.gather [hbm4b:s5+s2], $0xC8, $0x38;
	[tilespmem:$0xFD20] =	vst v63  }
0x1d: {  	_ =	swait.ge [sflag:s17], $0xC8  }
0x1e: {  	[sflag:s17] =	ssyncset.done $0x0  }
0x1f: {  	s12 =	rddreg [dreg:$0x5];
	[sflag:s17] =	ssyncadd.s32 $0xFFFFFF38  }
0x20: {  	[tilespmem:s18], [sflag:$0x5] =	stream.linear.gather [hbm4b:s12+s2], $0xC8, $0x38;
	[tilespmem:$0xFD20] =	vst v63  }
0x21: {  	_ =	swait.ge [sflag:s17], $0xC8  }
0x22: {  	[sflag:s17] =	ssyncset.done $0x0  }
0x23: {  	s19 =	simm.s32 $0x320;
	[sflag:s17] =	ssyncadd.s32 $0xFFFFFF38  }
0x24: {  	[tilespmem:s19], [sflag:$0x1] =	stream.indirect.gather [hbm4b:s3+s18], $0x40, s2, s18, $0xb8;
	[tilespmem:$0xFD20] =	vst v63  }
0x25: {  	s20 =	simm.s32 $0x3520  }
0x26: {  	[tilespmem:s20], [sflag:$0x1] =	stream.indirect.gather [hbm4b:s3+s18], $0x40, s18, s18, $0xb8;
	[tilespmem:$0xFD20] =	vst v63  }
0x27: {  	s21 =	simm.s32 $0xCB20  }
0x28: {  	[tilespmem:s21], [sflag:$0x1] =	stream.indirect.gather [hbm4b:s4+s18], $0x10, s2, s18, $0xb8;
	[tilespmem:$0xFD20] =	vst v63  }
0x29: {  	s22 =	simm.s32 $0xD7A0  }
0x2a: {  	[tilespmem:s22], [sflag:$0x1] =	stream.indirect.gather [hbm4b:s4+s18], $0x10, s18, s18, $0xb8;
	[tilespmem:$0xFD20] =	vst v63  }
0x2b: {  	s16 =	rddreg [dreg:$0xd]  }
0x2c: {  	[tilespmem:s23], [sflag:$0x5] =	stream.linear.gather [hbm4b:s16+s2], $0xC8, $0x38;
	[tilespmem:$0xFD20] =	vst v63  }
0x2d: {  	_ =	swait.ge [sflag:s17], $0xC8  }
0x2e: {  	[sflag:s17] =	ssyncset.done $0x0  }
0x2f: {  	s15 =	rddreg [dreg:$0xc];
	[sflag:s17] =	ssyncadd.s32 $0xFFFFFF38  }
0x30: {  	[tilespmem:s24], [sflag:$0x5] =	stream.linear.gather [hbm4b:s15+s2], $0xC8, $0x38;
	[tilespmem:$0xFD20] =	vst v63  }
0x31: {  	_ =	swait.ge [sflag:s17], $0xC8  }
0x32: {  	[sflag:s17] =	ssyncset.done $0x0  }
0x33: {  	[sflag:s17] =	ssyncadd.s32 $0xFFFFFF38  }
0x34: {  	[tilespmem:s25], [sflag:$0x2] =	stream.indirect.gather [hbm4b:s3+s18], $0x40, s23, s18, $0xb8;
	[tilespmem:$0xFD20] =	vst v63  }
0x35: {  	_ = 	snop  }
0x36: {  	[tilespmem:s26], [sflag:$0x2] =	stream.indirect.gather [hbm4b:s3+s18], $0x40, s24, s18, $0xb8;
	[tilespmem:$0xFD20] =	vst v63  }
0x37: {  	_ = 	snop  }
0x38: {  	[tilespmem:s28], [sflag:$0x2] =	stream.indirect.gather [hbm4b:s4+s18], $0x10, s23, s18, $0xb8;
	[tilespmem:$0xFD20] =	vst v63  }
0x39: {  	_ = 	snop  }
0x3a: {  	[tilespmem:s29], [sflag:$0x2] =	stream.indirect.gather [hbm4b:s4+s18], $0x10, s24, s18, $0xb8;
	[tilespmem:$0xFD20] =	vst v63  }
0x3b: {  	_ =	swait.ge [sflag:s30], $0x3200  }
0x3c: {  	[sflag:s30] =	ssyncset.done $0x0  }
0x3d: {  	[sflag:s30] =	ssyncadd.s32 $0xFFFFCE00  }
0x3e: {  	_ =	swait.ge [sflag:s30], $0x3200  }
0x3f: {  	[sflag:s30] =	ssyncset.done $0x0  }
0x40: {  	[sflag:s30] =	ssyncadd.s32 $0xFFFFCE00  }
0x41: {  	_ =	swait.ge [sflag:s30], $0xC80  }
0x42: {  	[sflag:s30] =	ssyncset.done $0x0  }
0x43: {  	[sflag:s30] =	ssyncadd.s32 $0xFFFFF380  }
0x44: {  	_ =	swait.ge [sflag:s30], $0xC80  }
0x45: {  	s13 =	rddreg [dreg:$0x3];
	[sflag:s30] =	ssyncset.done $0x0  }
0x46: {  	[sflag:s30] =	ssyncadd.s32 $0xFFFFF380;
	s11 =	sadd.s32 $0x0, s13  }
0x47: {  	[hbm4b:s11+s31] =	stream.strided.scatter [tilespmem:s19], [sflag:$0x3], $0x3200, s0, s31, $0x38;
	[tilespmem:$0xFD20] =	vst v63  }
0x48: {  	s12 =	rddreg [dreg:$0x2];
	s13 =	sadd.s32 $0x8, s11  }
0x49: {  	[hbm4b:s13+s31] =	stream.strided.scatter [tilespmem:s20], [sflag:$0x3], $0x3200, s0, s31, $0x38;
	[tilespmem:$0xFD20] =	vst v63  }
0x4a: {  	s12 =	sadd.s32 $0x0, s12  }
0x4b: {  	[hbm4b:s12+s1] =	stream.strided.scatter [tilespmem:s21], [sflag:$0x3], $0xC80, s0, s1, $0x38;
	[tilespmem:$0xFD20] =	vst v63  }
0x4c: {  	s14 =	sadd.s32 $0x2, s12  }
0x4d: {  	[hbm4b:s14+s1] =	stream.strided.scatter [tilespmem:s22], [sflag:$0x3], $0xC80, s0, s1, $0x38;
	[tilespmem:$0xFD20] =	vst v63  }
0x4e: {  	_ =	swait.ge [sflag:s7], $0x3200  }
0x4f: {  	[sflag:s7] =	ssyncset.done $0x0  }
0x50: {  	[sflag:s7] =	ssyncadd.s32 $0xFFFFCE00  }
0x51: {  	_ =	swait.ge [sflag:s7], $0x3200  }
0x52: {  	[sflag:s7] =	ssyncset.done $0x0  }
0x53: {  	[sflag:s7] =	ssyncadd.s32 $0xFFFFCE00  }
0x54: {  	_ =	swait.ge [sflag:s7], $0xC80  }
0x55: {  	[sflag:s7] =	ssyncset.done $0x0  }
0x56: {  	[sflag:s7] =	ssyncadd.s32 $0xFFFFF380  }
0x57: {  	_ =	swait.ge [sflag:s7], $0xC80  }
0x58: {  	s5 =	rddreg [dreg:$0xb]  }
0x59: {  	[sflag:s7] =	ssyncset.done $0x0;
	s13 =	sshrl.u32 s5, $0x3  }
0x5a: {  	[sflag:s7] =	ssyncadd.s32 $0xFFFFF380;
	s14 =	sadd.s32 s6, s13  }
0x5b: {  	[tilespmem:s2], [sflag:$0x5] =	stream.linear.gather [hbm4b:s14+s2], $0xC8, $0x38;
	[tilespmem:$0xFD20] =	vst v63  }
0x5c: {  	_ =	swait.ge [sflag:s17], $0xC8  }
0x5d: {  	[sflag:s17] =	ssyncset.done $0x0  }
0x5e: {  	s13 =	sadd.s32 s10, s13;
	[sflag:s17] =	ssyncadd.s32 $0xFFFFFF38  }
0x5f: {  	[tilespmem:s18], [sflag:$0x5] =	stream.linear.gather [hbm4b:s13+s2], $0xC8, $0x38;
	[tilespmem:$0xFD20] =	vst v63  }
0x60: {  	_ =	swait.ge [sflag:s17], $0xC8  }
0x61: {  	[sflag:s17] =	ssyncset.done $0x0  }
0x62: {  	[sflag:s17] =	ssyncadd.s32 $0xFFFFFF38  }
0x63: {  	[tilespmem:s19], [sflag:$0x1] =	stream.indirect.gather [hbm4b:s3+s18], $0x40, s2, s18, $0xb8;
	[tilespmem:$0xFD20] =	vst v63  }
0x64: {  	_ = 	snop  }
0x65: {  	[tilespmem:s20], [sflag:$0x1] =	stream.indirect.gather [hbm4b:s3+s18], $0x40, s18, s18, $0xb8;
	[tilespmem:$0xFD20] =	vst v63  }
0x66: {  	_ = 	snop  }
0x67: {  	[tilespmem:s21], [sflag:$0x1] =	stream.indirect.gather [hbm4b:s4+s18], $0x10, s2, s18, $0xb8;
	[tilespmem:$0xFD20] =	vst v63  }
0x68: {  	_ = 	snop  }
0x69: {  	[tilespmem:s22], [sflag:$0x1] =	stream.indirect.gather [hbm4b:s4+s18], $0x10, s18, s18, $0xb8;
	[tilespmem:$0xFD20] =	vst v63  }
0x6a: {  	_ =	swait.ge [sflag:s8], $0x3200  }
0x6b: {  	[sflag:s8] =	ssyncset.done $0x0  }
0x6c: {  	[sflag:s8] =	ssyncadd.s32 $0xFFFFCE00  }
0x6d: {  	_ =	swait.ge [sflag:s8], $0x3200  }
0x6e: {  	[sflag:s8] =	ssyncset.done $0x0  }
0x6f: {  	[sflag:s8] =	ssyncadd.s32 $0xFFFFCE00  }
0x70: {  	_ =	swait.ge [sflag:s8], $0xC80  }
0x71: {  	[sflag:s8] =	ssyncset.done $0x0  }
0x72: {  	[sflag:s8] =	ssyncadd.s32 $0xFFFFF380  }
0x73: {  	_ =	swait.ge [sflag:s8], $0xC80  }
0x74: {  	[sflag:s8] =	ssyncset.done $0x0  }
0x75: {  	s20 =	sadd.s32 $0xC80, s11;
	[sflag:s8] =	ssyncadd.s32 $0xFFFFF380  }
0x76: {  	[hbm4b:s20+s31] =	stream.strided.scatter [tilespmem:s25], [sflag:$0x4], $0x3200, s0, s31, $0x38;
	[tilespmem:$0xFD20] =	vst v63  }
0x77: {  	s11 =	sadd.s32 $0xC88, s11  }
0x78: {  	[hbm4b:s11+s31] =	stream.strided.scatter [tilespmem:s26], [sflag:$0x4], $0x3200, s0, s31, $0x38;
	[tilespmem:$0xFD20] =	vst v63  }
0x79: {  	s21 =	sadd.s32 $0xC80, s12  }
0x7a: {  	[hbm4b:s21+s1] =	stream.strided.scatter [tilespmem:s28], [sflag:$0x4], $0xC80, s0, s1, $0x38;
	[tilespmem:$0xFD20] =	vst v63  }
0x7b: {  	s22 =	sadd.s32 $0xC82, s12  }
0x7c: {  	[hbm4b:s22+s1] =	stream.strided.scatter [tilespmem:s29], [sflag:$0x4], $0xC80, s0, s1, $0x38;
	[tilespmem:$0xFD20] =	vst v63  }
0x7d: {  	_ =	swait.ge [sflag:s9], $0x3200  }
0x7e: {  	[sflag:s9] =	ssyncset.done $0x0  }
0x7f: {  	[sflag:s9] =	ssyncadd.s32 $0xFFFFCE00  }
0x80: {  	_ =	swait.ge [sflag:s9], $0x3200  }
0x81: {  	[sflag:s9] =	ssyncset.done $0x0  }
0x82: {  	[sflag:s9] =	ssyncadd.s32 $0xFFFFCE00  }
0x83: {  	_ =	swait.ge [sflag:s9], $0xC80  }
0x84: {  	[sflag:s9] =	ssyncset.done $0x0  }
0x85: {  	[sflag:s9] =	ssyncadd.s32 $0xFFFFF380  }
0x86: {  	s14 =	smov.u32 s5;
	_ =	swait.ge [sflag:s9], $0xC80  }
0x87: {  	s12 =	sadd.s32 $0x32, s16;
	s11 =	simm.s32 $0x1900;
	[sflag:s9] =	ssyncset.done $0x0  }
.LBB2_2:
0x88: {  	[sflag:s9] =	ssyncadd.s32 $0xFFFFF380  }
0x89: {  	[tilespmem:s23], [sflag:$0x5] =	stream.linear.gather [hbm4b:s12+s2], $0xC8, $0x38;
	[tilespmem:$0xFD20] =	vst v63  }
0x8a: {  	_ =	swait.ge [sflag:s17], $0xC8  }
0x8b: {  	[sflag:s17] =	ssyncset.done $0x0  }
0x8c: {  	s15 =	sadd.s32 $0x32, s15;
	[sflag:s17] =	ssyncadd.s32 $0xFFFFFF38  }
0x8d: {  	[tilespmem:s24], [sflag:$0x5] =	stream.linear.gather [hbm4b:s15+s2], $0xC8, $0x38;
	[tilespmem:$0xFD20] =	vst v63  }
0x8e: {  	_ =	swait.ge [sflag:s17], $0xC8  }
0x8f: {  	[sflag:s17] =	ssyncset.done $0x0  }
0x90: {  	[sflag:s17] =	ssyncadd.s32 $0xFFFFFF38  }
0x91: {  	[tilespmem:s25], [sflag:$0x2] =	stream.indirect.gather [hbm4b:s3+s18], $0x40, s23, s18, $0xb8;
	[tilespmem:$0xFD20] =	vst v63  }
0x92: {  	_ = 	snop  }
0x93: {  	[tilespmem:s26], [sflag:$0x2] =	stream.indirect.gather [hbm4b:s3+s18], $0x40, s24, s18, $0xb8;
	[tilespmem:$0xFD20] =	vst v63  }
0x94: {  	_ = 	snop  }
0x95: {  	[tilespmem:s28], [sflag:$0x2] =	stream.indirect.gather [hbm4b:s4+s18], $0x10, s23, s18, $0xb8;
	[tilespmem:$0xFD20] =	vst v63  }
0x96: {  	_ = 	snop  }
0x97: {  	[tilespmem:s29], [sflag:$0x2] =	stream.indirect.gather [hbm4b:s4+s18], $0x10, s24, s18, $0xb8;
	[tilespmem:$0xFD20] =	vst v63  }
0x98: {  	_ =	swait.ge [sflag:s30], $0x3200  }
0x99: {  	[sflag:s30] =	ssyncset.done $0x0  }
0x9a: {  	[sflag:s30] =	ssyncadd.s32 $0xFFFFCE00  }
0x9b: {  	_ =	swait.ge [sflag:s30], $0x3200  }
0x9c: {  	[sflag:s30] =	ssyncset.done $0x0  }
0x9d: {  	[sflag:s30] =	ssyncadd.s32 $0xFFFFCE00  }
0x9e: {  	_ =	swait.ge [sflag:s30], $0xC80  }
0x9f: {  	[sflag:s30] =	ssyncset.done $0x0  }
0xa0: {  	[sflag:s30] =	ssyncadd.s32 $0xFFFFF380  }
0xa1: {  	_ =	swait.ge [sflag:s30], $0xC80  }
0xa2: {  	s16 =	smov.u32 s11;
	s13 =	rddreg [dreg:$0x3];
	[sflag:s30] =	ssyncset.done $0x0  }
0xa3: {  	s20 =	simm.s32 $0x320;
	[sflag:s30] =	ssyncadd.s32 $0xFFFFF380;
	s13 =	sadd.s32 s16, s13  }
0xa4: {  	[hbm4b:s13+s31] =	stream.strided.scatter [tilespmem:s20], [sflag:$0x3], $0x3200, s0, s31, $0x38;
	[tilespmem:$0xFD20] =	vst v63  }
0xa5: {  	s21 =	simm.s32 $0x3520;
	s25 =	rddreg [dreg:$0x2];
	s5 =	sadd.s32 $0x8, s13  }
0xa6: {  	[hbm4b:s5+s31] =	stream.strided.scatter [tilespmem:s21], [sflag:$0x3], $0x3200, s0, s31, $0x38;
	[tilespmem:$0xFD20] =	vst v63  }
0xa7: {  	s22 =	simm.s32 $0xCB20;
	s16 =	sadd.s32 s16, s25  }
0xa8: {  	[hbm4b:s16+s1] =	stream.strided.scatter [tilespmem:s22], [sflag:$0x3], $0xC80, s0, s1, $0x38;
	[tilespmem:$0xFD20] =	vst v63  }
0xa9: {  	s19 =	smov.u32 s10;
	s25 =	simm.s32 $0xD7A0;
	s10 =	sadd.s32 $0x2, s16  }
0xaa: {  	[hbm4b:s10+s1] =	stream.strided.scatter [tilespmem:s25], [sflag:$0x3], $0xC80, s0, s1, $0x38;
	[tilespmem:$0xFD20] =	vst v63  }
0xab: {  	_ =	swait.ge [sflag:s7], $0x3200  }
0xac: {  	[sflag:s7] =	ssyncset.done $0x0  }
0xad: {  	[sflag:s7] =	ssyncadd.s32 $0xFFFFCE00  }
0xae: {  	_ =	swait.ge [sflag:s7], $0x3200  }
0xaf: {  	[sflag:s7] =	ssyncset.done $0x0  }
0xb0: {  	[sflag:s7] =	ssyncadd.s32 $0xFFFFCE00  }
0xb1: {  	_ =	swait.ge [sflag:s7], $0xC80  }
0xb2: {  	[sflag:s7] =	ssyncset.done $0x0  }
0xb3: {  	[sflag:s7] =	ssyncadd.s32 $0xFFFFF380  }
0xb4: {  	s14 =	sadd.s32 $0x190, s14;
	_ =	swait.ge [sflag:s7], $0xC80  }
0xb5: {  	s5 =	sshrl.u32 s14, $0x3;
	[sflag:s7] =	ssyncset.done $0x0  }
0xb6: {  	s10 =	sadd.s32 s6, s5;
	[sflag:s7] =	ssyncadd.s32 $0xFFFFF380  }
0xb7: {  	[tilespmem:s2], [sflag:$0x5] =	stream.linear.gather [hbm4b:s10+s2], $0xC8, $0x38;
	[tilespmem:$0xFD20] =	vst v63  }
0xb8: {  	_ =	swait.ge [sflag:s17], $0xC8  }
0xb9: {  	[sflag:s17] =	ssyncset.done $0x0  }
0xba: {  	s5 =	sadd.s32 s19, s5;
	[sflag:s17] =	ssyncadd.s32 $0xFFFFFF38  }
0xbb: {  	[tilespmem:s18], [sflag:$0x5] =	stream.linear.gather [hbm4b:s5+s2], $0xC8, $0x38;
	[tilespmem:$0xFD20] =	vst v63  }
0xbc: {  	_ =	swait.ge [sflag:s17], $0xC8  }
0xbd: {  	[sflag:s17] =	ssyncset.done $0x0  }
0xbe: {  	[sflag:s17] =	ssyncadd.s32 $0xFFFFFF38  }
0xbf: {  	[tilespmem:s20], [sflag:$0x1] =	stream.indirect.gather [hbm4b:s3+s18], $0x40, s2, s18, $0xb8;
	[tilespmem:$0xFD20] =	vst v63  }
0xc0: {  	_ = 	snop  }
0xc1: {  	[tilespmem:s21], [sflag:$0x1] =	stream.indirect.gather [hbm4b:s3+s18], $0x40, s18, s18, $0xb8;
	[tilespmem:$0xFD20] =	vst v63  }
0xc2: {  	_ = 	snop  }
0xc3: {  	[tilespmem:s22], [sflag:$0x1] =	stream.indirect.gather [hbm4b:s4+s18], $0x10, s2, s18, $0xb8;
	[tilespmem:$0xFD20] =	vst v63  }
0xc4: {  	_ = 	snop  }
0xc5: {  	[tilespmem:s25], [sflag:$0x1] =	stream.indirect.gather [hbm4b:s4+s18], $0x10, s18, s18, $0xb8;
	[tilespmem:$0xFD20] =	vst v63  }
0xc6: {  	_ =	swait.ge [sflag:s8], $0x3200  }
0xc7: {  	[sflag:s8] =	ssyncset.done $0x0  }
0xc8: {  	[sflag:s8] =	ssyncadd.s32 $0xFFFFCE00  }
0xc9: {  	_ =	swait.ge [sflag:s8], $0x3200  }
0xca: {  	[sflag:s8] =	ssyncset.done $0x0  }
0xcb: {  	[sflag:s8] =	ssyncadd.s32 $0xFFFFCE00  }
0xcc: {  	_ =	swait.ge [sflag:s8], $0xC80  }
0xcd: {  	[sflag:s8] =	ssyncset.done $0x0  }
0xce: {  	[sflag:s8] =	ssyncadd.s32 $0xFFFFF380  }
0xcf: {  	_ =	swait.ge [sflag:s8], $0xC80  }
0xd0: {  	[sflag:s8] =	ssyncset.done $0x0  }
0xd1: {  	s5 =	sadd.s32 $0xC80, s13;
	s25 =	simm.s32 $0x6720;
	[sflag:s8] =	ssyncadd.s32 $0xFFFFF380  }
0xd2: {  	[hbm4b:s5+s31] =	stream.strided.scatter [tilespmem:s25], [sflag:$0x4], $0x3200, s0, s31, $0x38;
	[tilespmem:$0xFD20] =	vst v63  }
0xd3: {  	s13 =	sadd.s32 $0xC88, s13  }
0xd4: {  	[hbm4b:s13+s31] =	stream.strided.scatter [tilespmem:s26], [sflag:$0x4], $0x3200, s0, s31, $0x38;
	[tilespmem:$0xFD20] =	vst v63  }
0xd5: {  	s13 =	sadd.s32 $0xC80, s16  }
0xd6: {  	[hbm4b:s13+s1] =	stream.strided.scatter [tilespmem:s28], [sflag:$0x4], $0xC80, s0, s1, $0x38;
	[tilespmem:$0xFD20] =	vst v63  }
0xd7: {  	s16 =	sadd.s32 $0xC82, s16  }
0xd8: {  	[hbm4b:s16+s1] =	stream.strided.scatter [tilespmem:s29], [sflag:$0x4], $0xC80, s0, s1, $0x38;
	[tilespmem:$0xFD20] =	vst v63  }
0xd9: {  	_ =	swait.ge [sflag:s9], $0x3200  }
0xda: {  	[sflag:s9] =	ssyncset.done $0x0  }
0xdb: {  	[sflag:s9] =	ssyncadd.s32 $0xFFFFCE00  }
0xdc: {  	_ =	swait.ge [sflag:s9], $0x3200  }
0xdd: {  	[sflag:s9] =	ssyncset.done $0x0  }
0xde: {  	p0 =	sne.s32 s11, $0x11300;
	[sflag:s9] =	ssyncadd.s32 $0xFFFFCE00  }
.Ltmp0:
0xdf: {  	_ =	swait.ge [sflag:s9], $0xC80;
	(pc) =	sbr.rel @p0 .LBB2_2-.Ltmp0, $4  }
0xe0: {  	s11 =	sadd.s32 $0x1900, s11;
	[sflag:s9] =	ssyncset.done $0x0  }
0xe1: {  	s12 =	sadd.s32 $0x32, s12;
	s10 =	smov.u32 s19;
	[sflag:s9] =	ssyncadd.s32 $0xFFFFF380  }
0xe2: {  	s19 =	simm.s32 $0x320;
	s20 =	simm.s32 $0x3520;
	_ =	swait.ge [sflag:s9], $0xC80  }
0xe3: {  	s21 =	simm.s32 $0xCB20;
	s22 =	simm.s32 $0xD7A0;
	[sflag:s9] =	ssyncset.done $0x0  }
0xe4: {  	[sflag:s9] =	ssyncadd.s32 $0xFFFFF380  }
0xe5: {  	_ =	swait.ge [sflag:s30], $0x3200  }
0xe6: {  	[sflag:s30] =	ssyncset.done $0x0  }
0xe7: {  	[sflag:s30] =	ssyncadd.s32 $0xFFFFCE00  }
0xe8: {  	_ =	swait.ge [sflag:s30], $0x3200  }
0xe9: {  	[sflag:s30] =	ssyncset.done $0x0  }
0xea: {  	[sflag:s30] =	ssyncadd.s32 $0xFFFFCE00  }
0xeb: {  	_ =	swait.ge [sflag:s30], $0xC80  }
0xec: {  	[sflag:s30] =	ssyncset.done $0x0  }
0xed: {  	[sflag:s30] =	ssyncadd.s32 $0xFFFFF380  }
0xee: {  	_ =	swait.ge [sflag:s30], $0xC80  }
0xef: {  	[sflag:s30] =	ssyncset.done $0x0  }
0xf0: {  	s5 =	rddreg [dreg:$0x6];
	[sflag:s30] =	ssyncadd.s32 $0xFFFFF380  }
0xf1: {  	[hbm4b:s5+s31] =	stream.strided.scatter [tilespmem:s19], [sflag:$0x3], $0x3200, s0, s31, $0x38;
	[tilespmem:$0xFD20] =	vst v63  }
0xf2: {  	s19 =	rddreg [dreg:$0x7]  }
0xf3: {  	[hbm4b:s19+s31] =	stream.strided.scatter [tilespmem:s20], [sflag:$0x3], $0x3200, s0, s31, $0x38;
	[tilespmem:$0xFD20] =	vst v63  }
0xf4: {  	s20 =	rddreg [dreg:$0x8]  }
0xf5: {  	[hbm4b:s20+s1] =	stream.strided.scatter [tilespmem:s21], [sflag:$0x3], $0xC80, s0, s1, $0x38;
	[tilespmem:$0xFD20] =	vst v63  }
0xf6: {  	s21 =	rddreg [dreg:$0x9]  }
0xf7: {  	[hbm4b:s21+s1] =	stream.strided.scatter [tilespmem:s22], [sflag:$0x3], $0xC80, s0, s1, $0x38;
	[tilespmem:$0xFD20] =	vst v63  }
0xf8: {  	_ =	swait.ge [sflag:s7], $0x3200  }
0xf9: {  	[sflag:s7] =	ssyncset.done $0x0  }
0xfa: {  	[sflag:s7] =	ssyncadd.s32 $0xFFFFCE00  }
0xfb: {  	_ =	swait.ge [sflag:s7], $0x3200  }
0xfc: {  	[sflag:s7] =	ssyncset.done $0x0  }
0xfd: {  	[sflag:s7] =	ssyncadd.s32 $0xFFFFCE00  }
0xfe: {  	_ =	swait.ge [sflag:s7], $0xC80  }
0xff: {  	[sflag:s7] =	ssyncset.done $0x0  }
0x100: {  	[sflag:s7] =	ssyncadd.s32 $0xFFFFF380  }
0x101: {  	_ =	swait.ge [sflag:s7], $0xC80  }
0x102: {  	s11 =	rddreg [dreg:$0xe]  }
0x103: {  	s22 =	rddreg [dreg:$0xa];
	s11 =	sadd.s32 $0x1, s11  }
0x104: {  	p0 =	sne.s32 s11, s22  }
.Ltmp1:
0x105: {  	_ = 	snop;
	(pc) =	sbr.rel @p0 .LBB2_1-.Ltmp1, $3  }
0x106: {  	_ =	sdelay $0x1  }
0x107: {  	[sflag:s7] =	ssyncset.done $0x0  }
0x108: {  	[sflag:s7] =	ssyncadd.s32 $0xFFFFF380  }
0x109: {  	_ =	sfence.sel $0x180000  }
0x10a: {  	[bflag:$0x0] =	sbarrier.arrive $0xFFFF  }
0x10b: {  	_ =	strace $0x90000047  }
0x10c: {  	s0 =	stileid.u32;
	[bflag:$0x2] =	sbarrier.arrive $0xFFFF  }
0x10d: {  	p0 =	sne.s32 s0, $0x0;
	s0 =	rddreg [dreg:$0x1]  }
0x10e: {  	s0 =	sadd.s32 @!p0 $0x100000, s0  }
0x10f: {  	[sflag:s0] =	ssyncadd.tile.s32 @!p0 $0x1;
	_ =	shalt  }
.Lfunc_end2:
_tile_overlayer_lowered:
.L_overlay_start_2:
0x110: {  	(tag) =	ssettag $0x2  }
0x111: {  	s0 =	rddreg [dreg:$0x0];
	s2 =	stileid.u32  }
0x112: {  	s1 =	rddreg [dreg:$0x1];
	p0 =	sne.s32 s2, $0x0  }
0x113: {  	s3 =	rddreg [dreg:$0x2];
	[bflag:$0x3] =	sbarrier.arrive $0xFFFF;
	s2 =	simm.s32 @!p0 $0x1C05  }
0x114: {  	[timem:s3], [sflag:s2] =	dma.local @!p0 [hbm:s0], s1  }
0x115: {  	s0 =	simm.s32 @!p0 $0x5  }
0x116: {  	_ =	swait.ge @!p0 [sflag:s0], s1  }
0x117: {  	s1 =	ssub.s32 @!p0 $0x0, s1;
	[sflag:s0] =	ssyncset.done @!p0 $0x0  }
0x118: {  	[sflag:s0] =	ssyncadd.s32 @!p0 s1  }
0x119: {  	[bflag:$0x3] =	sbarrier.arrive $0xFFFF  }
0x11a: {  	_ =	shalt  }

// kernel: kernel.18.cloned.1.call-start
scs
__scs_entry_jumppad:
0x0: {  	(pc) =	sbr.rel $0x88, $3  }
0x1: {  	(tag) =	ssettag $0x0;
	lr =	simm.s32 $0x1  }
0x2: {  	[smem:$0x3F8E] =	sst lr;
	_ =	strace $0xD0000000  }
0x3: {  	_ = 	snop  }
0x4: {  	_ = 	snop  }
0x5: {  	_ = 	snop  }
0x6: {  	_ = 	snop  }
0x7: {  	_ = 	snop  }
__scs_overlays_trampoline_lowered:
0x8: {  	[smem:$0x3F9D] =	sst s0  }
0x9: {  	[smem:$0x3F9E] =	sst s1  }
0xa: {  	[smem:$0x3F9F] =	sst s2  }
0xb: {  	[smem:$0x3FA0] =	sst s3  }
0xc: {  	[smem:$0x3FA1] =	sst s4  }
0xd: {  	[smem:$0x3FA2] =	sst s5  }
0xe: {  	[smem:$0x3FA3] =	sst s6  }
0xf: {  	[smem:$0x3FA4] =	sst s7  }
0x10: {  	[smem:$0x3FA5] =	sst s8  }
0x11: {  	[smem:$0x3FA6] =	sst s9;
	s0 =	simm.s32 @!p0 $0x0  }
0x12: {  	s1 =	sld [smem:$0x3F8C];
	s0 =	simm.s32 @p0 $0x1  }
0x13: {  	[smem:$0x3FA7] =	sst s0;
	s0 =	simm.s32 @!p1 $0x0  }
0x14: {  	s2 =	sld [smem:$0x3F8B];
	s0 =	simm.s32 @p1 $0x1  }
0x15: {  	[smem:$0x3FA8] =	sst s0;
	s0 =	simm.s32 @!p2 $0x0  }
0x16: {  	s3 =	sld [smem:$0x3FDB];
	s0 =	simm.s32 @p2 $0x1  }
0x17: {  	s4 =	simm.s32 $0x1BF5;
	[smem:$0x3FAA] =	sst s0  }
0x18: {  	s0 =	sld [smem:$0x3F8D];
	_ =	swait.ge [sflag:s4], $0x0  }
0x19: {  	s7 =	sld [smem:$0x3F8E]  }
0x1a: {  	s8 =	sadd.s32 $0xFFFFE003, lr  }
0x1b: {  	s9 =	sadd.s32 $0xFFFFFEF7, lr;
	s5 =	simm.s32 $0xFFFFFFFF;
	p2 =	slt.u32 s8, $0xFFFFF086  }
0x1c: {  	p1 =	slt.u32 s9, $0xF7A;
	s5 =	simm.s32 @!p2 $0x0  }
0x1d: {  	s5 =	simm.s32 @p1 $0x1;
	p0 =	seq.s32 s7, s2  }
0x1e: {  	s7 =	smul.u32 @!p0 $0xF7A, s2;
	p2 =	seq.s32 @!p0 s5, $0x0  }
0x1f: {  	s9 =	smul.u32 $0xF7A, s1;
	s8 =	simm.s32 @!p0 $0x1BF5;
	p2 =	por !p2, p0  }
0x20: {  	[sflag:s8] =	ssyncset.s32 @!p0 $0xFFFFF086;
	s6 =	sadd.s32 @!p0 s3, s7;
	s7 =	simm.s32 @!p0 $0x108  }
0x21: {  	s3 =	sadd.s32 s3, s9;
	s6 =	sadd.s32 @!p0 $0x88, s6;
	s7 =	simm.s32 @p2 $0x1082  }
0x22: {  	[simem:s7], [sflag:s8] =	dma.local @!p0 [hbm:s6], $0xF7A  }
0x23: {  	s9 =	sor.u32 $0xD0000000, s2;
	s6 =	simm.s32 $0x108;
	_ =	swait.ge @!p0 [sflag:s8], $0x0  }
0x24: {  	s3 =	sadd.s32 $0x88, s3;
	s6 =	simm.s32 @!p1 $0x1082;
	[sflag:s4] =	ssyncset.s32 $0xFFFFF086  }
0x25: {  	[simem:s6], [sflag:s4] =	dma.local [hbm:s3], $0xF7A  }
0x26: {  	[smem:$0x3F8E] =	sst s1;
	(tag) =	ssettag s2;
	_ =	strace s9  }
0x27: {  	s1 =	sld [smem:$0x3F9E]  }
0x28: {  	s2 =	sld [smem:$0x3F9F]  }
0x29: {  	s4 =	sld [smem:$0x3FA1]  }
0x2a: {  	p0 =	seq.s32 s5, $0x0;
	s5 =	sld [smem:$0x3FA2]  }
0x2b: {  	s6 =	sld [smem:$0x3FA3]  }
0x2c: {  	s7 =	sld [smem:$0x3FA4]  }
0x2d: {  	s3 =	simm.s32 $0x108;
	s8 =	sld [smem:$0x3FA5]  }
0x2e: {  	s3 =	simm.s32 @!p0 $0x1082;
	s9 =	sld [smem:$0x3FA6]  }
0x2f: {  	lr =	sadd.s32 s0, s3;
	s0 =	sld [smem:$0x3F9D]  }
0x30: {  	s3 =	sld [smem:$0x3FA0]  }
0x31: {  	[smem:$0x3FA9] =	sst s10  }
0x32: {  	s10 =	sld [smem:$0x3FA7];
	_ =	sdelay $0x3  }
0x33: {  	p0 =	seq.s32 s10, $0x1;
	s10 =	sld [smem:$0x3FA9];
	_ =	sdelay $0x3  }
0x34: {  	[smem:$0x3FA9] =	sst s10  }
0x35: {  	s10 =	sld [smem:$0x3FA8];
	_ =	sdelay $0x3  }
0x36: {  	p1 =	seq.s32 s10, $0x1;
	s10 =	sld [smem:$0x3FA9];
	_ =	sdelay $0x3  }
0x37: {  	[smem:$0x3FA9] =	sst s10  }
0x38: {  	s10 =	sld [smem:$0x3FAA]  }
0x39: {  	_ = 	snop;
	(pc) =	sbr.ind lr, $3  }
0x3a: {  	_ = 	snop  }
0x3b: {  	_ = 	snop  }
0x3c: {  	p2 =	seq.s32 s10, $0x1;
	s10 =	sld [smem:$0x3FA9]  }
0x3d: {  	_ =	shalt  }
0x3e: {  	_ =	shalt  }
0x3f: {  	_ =	shalt  }
0x40: {  	_ =	shalt  }
0x41: {  	_ =	shalt  }
0x42: {  	_ =	shalt  }
0x43: {  	_ =	shalt  }
0x44: {  	_ =	shalt  }
0x45: {  	_ =	shalt  }
0x46: {  	_ =	shalt  }
0x47: {  	_ =	shalt  }
0x48: {  	_ =	shalt  }
0x49: {  	_ =	shalt  }
0x4a: {  	_ =	shalt  }
0x4b: {  	_ =	shalt  }
0x4c: {  	_ =	shalt  }
0x4d: {  	_ =	shalt  }
0x4e: {  	_ =	shalt  }
0x4f: {  	_ =	shalt  }
0x50: {  	_ =	shalt  }
0x51: {  	_ =	shalt  }
0x52: {  	_ =	shalt  }
0x53: {  	_ =	shalt  }
0x54: {  	_ =	shalt  }
0x55: {  	_ =	shalt  }
0x56: {  	_ =	shalt  }
0x57: {  	_ =	shalt  }
0x58: {  	_ =	shalt  }
0x59: {  	_ =	shalt  }
0x5a: {  	_ =	shalt  }
0x5b: {  	_ =	shalt  }
0x5c: {  	_ =	shalt  }
0x5d: {  	_ =	shalt  }
0x5e: {  	_ =	shalt  }
0x5f: {  	_ =	shalt  }
0x60: {  	_ =	shalt  }
0x61: {  	_ =	shalt  }
0x62: {  	_ =	shalt  }
0x63: {  	_ =	shalt  }
0x64: {  	_ =	shalt  }
0x65: {  	_ =	shalt  }
0x66: {  	_ =	shalt  }
0x67: {  	_ =	shalt  }
0x68: {  	_ =	shalt  }
0x69: {  	_ =	shalt  }
0x6a: {  	_ =	shalt  }
0x6b: {  	_ =	shalt  }
0x6c: {  	_ =	shalt  }
0x6d: {  	_ =	shalt  }
0x6e: {  	_ =	shalt  }
0x6f: {  	_ =	shalt  }
0x70: {  	_ =	shalt  }
0x71: {  	_ =	shalt  }
0x72: {  	_ =	shalt  }
0x73: {  	_ =	shalt  }
0x74: {  	_ =	shalt  }
0x75: {  	_ =	shalt  }
0x76: {  	_ =	shalt  }
0x77: {  	_ =	shalt  }
0x78: {  	_ =	shalt  }
0x79: {  	_ =	shalt  }
0x7a: {  	_ =	shalt  }
0x7b: {  	_ =	shalt  }
0x7c: {  	_ =	shalt  }
0x7d: {  	_ =	shalt  }
0x7e: {  	_ =	shalt  }
0x7f: {  	_ =	shalt  }
0x80: {  	_ =	shalt  }
0x81: {  	_ =	shalt  }
0x82: {  	_ =	shalt  }
0x83: {  	_ =	shalt  }
0x84: {  	_ =	shalt  }
0x85: {  	_ =	shalt  }
0x86: {  	_ =	shalt  }
0x87: {  	_ =	shalt  }
.Lfunc_end0:
.L_simem_size_0:
called_computation.3_lowered:
.L_overlay_start_0:
0x88: {  	s2 =	sld [smem:$0x3FD9]  }
0x89: {  	s3 =	sld [smem:$0x3FFE];
	_ =	sdelay $0x1  }
0x8a: {  	s1 =	srdreg.scid  }
0x8b: {  	s0 =	sand.u32 $0x1, s1  }
0x8c: {  	s17 =	sshll.u32 s0, $0xA;
	s2 =	sadd.s32 s3, s2  }
0x8d: {  	s2 =	sadd.s32 s2, s17  }
0x8e: {  	[smem:$0x3FB5] =	sst s2  }
0x8f: {  	_ = 	snop  }
0x90: {  	(tm) =	ssettm $0x1  }
0x91: {  	s18 =	sld [smem:$0x3FFB];
	_ =	sdelay $0x3  }
0x92: {  	_ =	strace s18  }
0x93: {  	s2 =	sld [smem:$0x3FFC];
	_ =	sdelay $0x3  }
0x94: {  	_ =	strace s2  }
0x95: {  	s2 =	sld [smem:$0x3FFD];
	_ =	sdelay $0x3  }
0x96: {  	_ =	strace s2  }
0x97: {  	_ =	strace $0x8FFFFFFF  }
0x98: {  	s19 =	sld [smem:$0x3FDB];
	_ =	sdelay $0x1  }
0x99: {  	s20 =	simm.s32 $_scs_section_size  }
0x9a: {  	s4 =	simm.s32 $_size__tile_overlayer_lowered;
	s5 =	simm.s32 $_tile_overlayer_lowered  }
0x9b: {  	s6 =	simm.s32 $0x1BFF;
	s21 =	sshll.u32 s5, $0x1;
	s3 =	sadd.s32 s20, s19  }
0x9c: {  	s22 =	simm.s32 $0x0;
	s4 =	sshll.u32 s4, $0x1;
	s5 =	sadd.s32 s21, s3  }
0x9d: {  	[timem:s22], [sflag:s6] =	dma.local [hbm:s5], s4  }
0x9e: {  	_ =	swait.ge [sflag:s6], s4  }
0x9f: {  	s4 =	ssub.s32 $0x0, s4;
	[sflag:s6] =	ssyncset.done $0x0  }
0xa0: {  	[sflag:s6] =	ssyncadd.s32 s4;
	_ =	sdelay $0x1  }
0xa1: {  	s23 =	simm.s32 $0x1B8B  }
0xa2: {  	_ =	swait.ge [sflag:s23], $0x1  }
0xa3: {  	[sflag:s23] =	ssyncset.done $0x0  }
0xa4: {  	[sflag:s23] =	ssyncadd.s32 $0xFFFFFFFF  }
0xa5: {  	s4 =	sld [smem:$0x0]  }
0xa6: {  	s5 =	sand.u32 $0xFFFFFFFE, s1  }
0xa7: {  	p0 =	sne.s32 s1, s5  }
0xa8: {  	s5 =	sshll.u32 @p0 s5, $0xE  }
0xa9: {  	s5 =	sadd.s32 @p0 $0x11B8D, s5;
	s6 =	sshll.u32 @p0 s4, $0x11  }
0xaa: {  	s5 =	sor.u32 @p0 s6, s5  }
0xab: {  	[sflag:s5] =	ssyncadd.remote.s32 @p0 $0x1;
	_ =	sdelay $0x1  }
0xac: {  	s5 =	simm.s32 @p0 $0x1B8D  }
0xad: {  	_ =	swait.eq @p0 [sflag:s5], $0x1  }
0xae: {  	[sflag:s5] =	ssyncadd.s32 @p0 $0xFFFFFFFF  }
0xaf: {  	s6 =	sshll.u32 @!p0 s1, $0xE  }
0xb0: {  	s6 =	sor.u32 @!p0 $0x4000, s6;
	s5 =	simm.s32 @!p0 $0x1B8D  }
0xb1: {  	s4 =	sshll.u32 @!p0 s4, $0x11;
	s6 =	sadd.s32 @!p0 $0x11B8D, s6;
	_ =	swait.eq @!p0 [sflag:s5], $0x1  }
0xb2: {  	s4 =	sor.u32 @!p0 s4, s6;
	[sflag:s5] =	ssyncadd.s32 @!p0 $0xFFFFFFFF  }
0xb3: {  	s25 =	simm.s32 $0x1B8E;
	s24 =	sld [smem:$0x3FFE];
	[sflag:s4] =	ssyncadd.remote.s32 @!p0 $0x1  }
0xb4: {  	s26 =	simm.s32 $execute0_lowered;
	[smem:$0x3FD2] =	sst s25  }
0xb5: {  	s5 =	sshll.u32 s26, $0x1;
	_ =	strace $0x8000004C;
	[dreg:$0x1] =	wrdreg $0xFFFFFFFF  }
0xb6: {  	s28 =	simm.s32 $_size_execute0_lowered;
	s3 =	sadd.s32 s3, s5;
	[dreg:$0x0] =	wrdreg $0x0  }
0xb7: {  	s5 =	sshll.u32 s28, $0x1;
	[dreg:$0x2] =	wrdreg s3  }
0xb8: {  	[dreg:$0x3] =	wrdreg s5  }
0xb9: {  	[dreg:$0x4] =	wrdreg $0xC0  }
0xba: {  	_ =	task [dreg:s22], $0x5FFFF  }
0xbb: {  	[dreg:$0x1] =	wrdreg $0xFFFFFFFF  }
0xbc: {  	[dreg:$0x0] =	wrdreg $0x60  }
0xbd: {  	[dreg:$0x2] =	wrdreg s24  }
0xbe: {  	[dreg:$0x3] =	wrdreg $0x3B600  }
0xbf: {  	[dreg:$0x4] =	wrdreg $0x173E00  }
0xc0: {  	[dreg:$0x5] =	wrdreg $0xA  }
0xc1: {  	_ =	task.clear_ibuf [dreg:s22], $0x6FFFF;
	_ =	strace $0x9000004C  }
0xc2: {  	s29 =	simm.s32 $0xA;
	_ =	strace $0x8000004E  }
0xc3: {  	_ =	swait.ge [sflag:s29], $0x1  }
0xc4: {  	[sflag:s29] =	ssyncadd.s32 $0xFFFFFFFF  }
0xc5: {  	_ =	strace $0x9000004E  }
0xc6: {  	_ =	sfence  }
0xc7: {  	s30 =	sld [smem:$0x0];
	_ =	sdelay $0x2  }
0xc8: {  	s31 =	sshll.u32 s1, $0xD;
	s1 =	sshrl.u32 s1, $0x2  }
0xc9: {  	s4 =	sand.u32 $0x4000, s31;
	s1 =	sadd.s32 s1, s30  }
0xca: {  	s0 =	sor.u32 s4, s0;
	s1 =	sshll.u32 s1, $0x11  }
0xcb: {  	s0 =	sor.u32 s1, s0  }
0xcc: {  	s0 =	sadd.s32 $0x8F2B, s0  }
0xcd: {  	[sflag:s0] =	ssyncadd.remote.s32 $0x1  }
0xce: {  	_ =	sfence.sel $0xFFFF  }
0xcf: {  	[dreg:$0x0] =	wrdreg $0xFFFFFFFF;
	(pc) =	sbr.abs _section_cstart, $3  }
0xd0: {  	[dreg:$0x1] =	wrdreg $0xFFFFFFFF  }
0xd1: {  	_ =	task.clear_ibuf [dreg:s22], $0x2FFFF;
	_ =	strace $0x9FFFFFFF  }
0xd2: {  	(tm) =	ssettm $0x7FFFFFFF  }
0xd3: {  	_ =	shalt  }
tec
execute0_lowered:
.L_overlay_start_1:
0x0: {  	(tag) =	ssettag $0x1  }
0x1: {  	s0 =	rddreg [dreg:$0x0]  }
0x2: {  	s1 =	rddreg [dreg:$0x1];
	s14 =	stileid.u32  }
0x3: {  	s3 =	rddreg [dreg:$0x2];
	s4 =	simm.s32 $0x0;
	s6 =	smul.u32 $0x271, s14  }
0x4: {  	s2 =	srdreg.scid;
	s28 =	simm.s32 $0x1450;
	s12 =	smul.u32 $0x4E200, s14  }
0x5: {  	s29 =	simm.s32 $0x2AD0;
	s30 =	simm.s32 $0x1;
	s13 =	smul.u32 $0x2710, s14  }
0x6: {  	s31 =	simm.s32 $0x3;
	s2 =	sand.u32 $0x1, s2;
	s21 =	smul.u32 $0x9C40, s14  }
0x7: {  	s5 =	sshll.u32 s14, $0x1;
	s9 =	sadd.s32 $0xEDA200, s0;
	s7 =	smul.u32 $0x2710, s2  }
0x8: {  	s8 =	sor.u32 s2, s5;
	s10 =	ssub.s32 $0x2, s2;
	s2 =	smul.u32 $0x1388, s2  }
0x9: {  	[smem:$0x7FF] =	sst s4;
	s11 =	sadd.s32 $0x114B200, s0;
	s16 =	smul.u32 $0x1388, s8  }
0xa: {  	_ =	strace $0x8000004D;
	s5 =	sadd.s32 $0xC800, s0;
	s8 =	smul.u32 $0x13880, s8  }
0xb: {  	s17 =	sshrl.u32 s10, $0x1;
	s20 =	sshrl.u32 s12, $0x2;
	s23 =	sshrl.u32 s21, $0x2  }
0xc: {  	s21 =	simm.s32 $0x39D0;
	s6 =	sadd.s32 s6, s7;
	s2 =	sadd.s32 s2, s13  }
0xd: {  	s13 =	sadd.s32 s23, s3;
	s23 =	simm.s32 $0x10;
	s6 =	sshll.u32 s6, $0x4  }
0xe: {  	s7 =	sshrl.u32 s16, $0x3;
	s18 =	sadd.s32 s9, s8;
	s19 =	sadd.s32 s11, s8  }
0xf: {  	s8 =	sadd.s32 $0x50, s2;
	s2 =	sadd.s32 $0x28, s2;
	s0 =	sadd.s32 s6, s0  }
0x10: {  	s6 =	ssub.s32 s10, s17;
	s7 =	sadd.s32 s5, s7;
	[dreg:$0x6] =	wrdreg s18  }
0x11: {  	[dreg:$0x7] =	wrdreg s19;
	s10 =	sadd.s32 s20, s1;
	s24 =	sshll.u32 s8, $0x4  }
0x12: {  	s2 =	sshrl.u32 s2, $0x3;
	[dreg:$0x5] =	wrdreg s7;
	s22 =	sadd.s32 $0x25200, s0  }
0x13: {  	s19 =	simm.s32 $0x2D50;
	s0 =	sadd.s32 $0x73400, s0;
	[dreg:$0x8] =	wrdreg s22  }
0x14: {  	s20 =	simm.s32 $0x5;
	s6 =	smax.u32 s6, $0x1;
	[dreg:$0x9] =	wrdreg s0  }
0x15: {  	s25 =	sadd.s32 s24, s9;
	s15 =	sadd.s32 s24, s11;
	[dreg:$0xa] =	wrdreg s6  }
0x16: {  	s26 =	sshll.u32 s2, $0x7;
	s24 =	simm.s32 $0x80;
	[dreg:$0x4] =	wrdreg s25  }
0x17: {  	s16 =	sadd.s32 s26, s9;
	s17 =	sadd.s32 s26, s11;
	s9 =	sadd.s32 s2, s5  }
0x18: {  	s22 =	simm.s32 $0x50;
	s25 =	simm.s32 $0x2850;
	s26 =	simm.s32 $0x28  }
0x19: {  	v0 =	vimm.f32 $0.0e+00;
	s0 =	simm.s32 $0x2;
	s2 =	simm.s32 $0x4;
	s6 =	simm.s32 $0x0  }
.LBB2_1:
0x1a: {  	s7 =	simm.s32 $0x2D90  }
0x1b: {  	[tilespmem:s7+$0xFFFFFFD0] =	vst v0  }
0x1c: {  	[tilespmem:s7+$0xFFFFFFE0] =	vst v0  }
0x1d: {  	[tilespmem:s7+$0xFFFFFFF0] =	vst v0  }
0x1e: {  	[tilespmem:s7+$0x0] =	vst v0  }
0x1f: {  	[tilespmem:s7+$0x10] =	vst v0  }
0x20: {  	[tilespmem:s7+$0x20] =	vst v0  }
0x21: {  	[tilespmem:s7+$0x30] =	vst v0  }
0x22: {  	s12 =	simm.s32 $0x0;
	s11 =	simm.s32 $0x40;
	[tilespmem:s7+$0xFFFFFFC0] =	vst v0  }
.LBB2_2:
0x23: {  	p0 =	sne.s32 s11, $0x600;
	[tilespmem:s12+$0x39D0] =	vst v0;
	s7 =	sadd.s32 $0x80, s7  }
0x24: {  	[tilespmem:s7+$0xFFFFFFD0] =	vst v0  }
0x25: {  	[tilespmem:s7+$0xFFFFFFE0] =	vst v0  }
0x26: {  	[tilespmem:s7+$0xFFFFFFF0] =	vst v0  }
.Ltmp0:
0x27: {  	[tilespmem:s7+$0x0] =	vst v0;
	(pc) =	sbr.rel @p0 .LBB2_2-.Ltmp0, $4  }
0x28: {  	[tilespmem:s7+$0x10] =	vst v0  }
0x29: {  	[tilespmem:s7+$0x20] =	vst v0  }
0x2a: {  	[tilespmem:s7+$0x30] =	vst v0  }
0x2b: {  	s12 =	sshra.s32 s11, $0x2;
	s11 =	sadd.s32 $0x40, s11;
	[tilespmem:s7+$0xFFFFFFC0] =	vst v0  }
0x2c: {  	[tilespmem:s12+$0x39D0] =	vst v0  }
0x2d: {  	[spmem:s10] =	stream.linear.scatter [tilespmem:s19], [sflag:$0x5], $0xC80, $0x38;
	[tilespmem:$0x19AF0] =	vst v63  }
0x2e: {  	_ =	swait.ge [sflag:s20], $0xC80  }
0x2f: {  	[sflag:s20] =	ssyncset.done $0x0  }
0x30: {  	s7 =	sadd.s32 $0x0, s13;
	[sflag:s20] =	ssyncadd.s32 $0xFFFFF380  }
0x31: {  	[spmem:s7] =	stream.linear.scatter [tilespmem:s21], [sflag:$0x5], $0x190, $0x38;
	[tilespmem:$0x19AF0] =	vst v63  }
0x32: {  	_ =	swait.ge [sflag:s20], $0x190  }
0x33: {  	s11 =	smov.u32 s10;
	s7 =	simm.s32 $0x640;
	[sflag:s20] =	ssyncset.done $0x0  }
.LBB2_4:
0x34: {  	p0 =	sne.s32 s7, $0x9600;
	[sflag:s20] =	ssyncadd.s32 $0xFFFFFE70;
	s11 =	sadd.s32 $0xC80, s11  }
0x35: {  	[spmem:s11] =	stream.linear.scatter [tilespmem:s19], [sflag:$0x5], $0xC80, $0x38;
	[tilespmem:$0x19AF0] =	vst v63  }
0x36: {  	s12 =	smov.u32 s7;
	s7 =	sadd.s32 $0x640, s7;
	_ =	swait.ge [sflag:s20], $0xC80  }
.Ltmp1:
0x37: {  	s12 =	sshra.s32 s12, $0x2;
	[sflag:s20] =	ssyncset.done $0x0;
	(pc) =	sbr.rel @p0 .LBB2_4-.Ltmp1, $4  }
0x38: {  	s12 =	sadd.s32 s12, s13;
	[sflag:s20] =	ssyncadd.s32 $0xFFFFF380  }
0x39: {  	[spmem:s12] =	stream.linear.scatter [tilespmem:s21], [sflag:$0x5], $0x190, $0x38;
	[tilespmem:$0x19AF0] =	vst v63  }
0x3a: {  	_ =	swait.ge [sflag:s20], $0x190  }
0x3b: {  	[sflag:s20] =	ssyncset.done $0x0  }
0x3c: {  	[sflag:s20] =	ssyncadd.s32 $0xFFFFFE70  }
0x3d: {  	[bflag:$0x0] =	sbarrier.arrive $0xFFFF  }
0x3e: {  	s7 =	simm.s32 $0x0;
	s11 =	rddreg [dreg:$0x5]  }
0x3f: {  	[tilespmem:s7], [sflag:$0x5] =	stream.linear.gather [hbm4b:s11+s7], $0x28, $0x38;
	[tilespmem:$0x19AF0] =	vst v63  }
0x40: {  	_ =	swait.ge [sflag:s20], $0x28  }
0x41: {  	[sflag:s20] =	ssyncset.done $0x0  }
0x42: {  	s12 =	rddreg [dreg:$0x6];
	[sflag:s20] =	ssyncadd.s32 $0xFFFFFFD8  }
0x43: {  	[tilespmem:s22], [sflag:$0x1] =	stream.linear.gather [hbm4b:s12+s7], $0x1400, $0x38;
	[tilespmem:$0x19AF0] =	vst v63  }
0x44: {  	s14 =	rddreg [dreg:$0x7]  }
0x45: {  	[tilespmem:s25], [sflag:$0x1] =	stream.strided.gather [hbm4b:s14+s23], $0x280, s24, s23, $0x38;
	[tilespmem:$0x19AF0] =	vst v63  }
0x46: {  	_ = 	snop  }
0x47: {  	[tilespmem:s26], [sflag:$0x5] =	stream.linear.gather [hbm4b:s9+s4], $0x28, $0x38;
	[tilespmem:$0x19AF0] =	vst v63  }
0x48: {  	_ =	swait.ge [sflag:s20], $0x28  }
0x49: {  	[sflag:s20] =	ssyncset.done $0x0  }
0x4a: {  	s18 =	sadd.s32 $0x0, s16;
	[sflag:s20] =	ssyncadd.s32 $0xFFFFFFD8  }
0x4b: {  	[tilespmem:s28], [sflag:$0x2] =	stream.linear.gather [hbm4b:s18+s4], $0x1400, $0x38;
	[tilespmem:$0x19AF0] =	vst v63  }
0x4c: {  	s11 =	sadd.s32 $0x0, s17  }
0x4d: {  	[tilespmem:s29], [sflag:$0x2] =	stream.strided.gather [hbm4b:s11+s23], $0x280, s24, s23, $0x38;
	[tilespmem:$0x19AF0] =	vst v63  }
0x4e: {  	_ =	swait.ge [sflag:s30], $0x1400  }
0x4f: {  	[sflag:s30] =	ssyncset.done $0x0  }
0x50: {  	[sflag:s30] =	ssyncadd.s32 $0xFFFFEC00  }
0x51: {  	_ =	swait.ge [sflag:s30], $0x280  }
0x52: {  	[sflag:s30] =	ssyncset.done $0x0  }
0x53: {  	[sflag:s30] =	ssyncadd.s32 $0xFFFFFD80  }
0x54: {  	[spmem:s1] =	stream.indirect.scatter.add.f32 [tilespmem:s22], [sflag:$0x3], $0x80, s4, s26, $0xb8;
	[tilespmem:$0x19AF0] =	vst v63  }
0x55: {  	_ = 	snop  }
0x56: {  	[spmem:s3] =	stream.indirect.scatter.add.f32 [tilespmem:s25], [sflag:$0x3], $0x10, s4, s26, $0xb8;
	[tilespmem:$0x19AF0] =	vst v63  }
0x57: {  	_ =	swait.ge [sflag:s31], $0x1400  }
0x58: {  	[sflag:s31] =	ssyncset.done $0x0  }
0x59: {  	[sflag:s31] =	ssyncadd.s32 $0xFFFFEC00  }
0x5a: {  	_ =	swait.ge [sflag:s31], $0x280  }
0x5b: {  	s12 =	sshrl.u32 s8, $0x3;
	[sflag:s31] =	ssyncset.done $0x0  }
0x5c: {  	s7 =	sadd.s32 s5, s12;
	[sflag:s31] =	ssyncadd.s32 $0xFFFFFD80  }
0x5d: {  	[tilespmem:s4], [sflag:$0x5] =	stream.linear.gather [hbm4b:s7+s4], $0x28, $0x38;
	[tilespmem:$0x19AF0] =	vst v63  }
0x5e: {  	_ =	swait.ge [sflag:s20], $0x28  }
0x5f: {  	s14 =	rddreg [dreg:$0x4];
	[sflag:s20] =	ssyncset.done $0x0  }
0x60: {  	[sflag:s20] =	ssyncadd.s32 $0xFFFFFFD8;
	s7 =	sadd.s32 $0x0, s14  }
0x61: {  	[tilespmem:s22], [sflag:$0x1] =	stream.linear.gather [hbm4b:s7+s4], $0x1400, $0x38;
	[tilespmem:$0x19AF0] =	vst v63  }
0x62: {  	s18 =	sadd.s32 $0x0, s15  }
0x63: {  	[tilespmem:s25], [sflag:$0x1] =	stream.strided.gather [hbm4b:s18+s23], $0x280, s24, s23, $0x38;
	[tilespmem:$0x19AF0] =	vst v63  }
0x64: {  	_ =	swait.ge [sflag:s0], $0x1400  }
0x65: {  	[sflag:s0] =	ssyncset.done $0x0  }
0x66: {  	[sflag:s0] =	ssyncadd.s32 $0xFFFFEC00  }
0x67: {  	_ =	swait.ge [sflag:s0], $0x280  }
0x68: {  	[sflag:s0] =	ssyncset.done $0x0  }
0x69: {  	[sflag:s0] =	ssyncadd.s32 $0xFFFFFD80  }
0x6a: {  	[spmem:s1] =	stream.indirect.scatter.add.f32 [tilespmem:s28], [sflag:$0x4], $0x80, s26, s26, $0xb8;
	[tilespmem:$0x19AF0] =	vst v63  }
0x6b: {  	_ = 	snop  }
0x6c: {  	[spmem:s3] =	stream.indirect.scatter.add.f32 [tilespmem:s29], [sflag:$0x4], $0x10, s26, s26, $0xb8;
	[tilespmem:$0x19AF0] =	vst v63  }
0x6d: {  	_ =	swait.ge [sflag:s2], $0x1400  }
0x6e: {  	[sflag:s2] =	ssyncset.done $0x0  }
0x6f: {  	[sflag:s2] =	ssyncadd.s32 $0xFFFFEC00  }
0x70: {  	s12 =	smov.u32 s8;
	_ =	swait.ge [sflag:s2], $0x280  }
0x71: {  	s7 =	simm.s32 $0x500;
	s18 =	smov.u32 s9;
	[sflag:s2] =	ssyncset.done $0x0  }
.LBB2_6:
0x72: {  	[sflag:s2] =	ssyncadd.s32 $0xFFFFFD80;
	s18 =	sadd.s32 $0xA, s18  }
0x73: {  	[tilespmem:s26], [sflag:$0x5] =	stream.linear.gather [hbm4b:s18+s4], $0x28, $0x38;
	[tilespmem:$0x19AF0] =	vst v63  }
0x74: {  	_ =	swait.ge [sflag:s20], $0x28  }
0x75: {  	s11 =	smov.u32 s7;
	[sflag:s20] =	ssyncset.done $0x0  }
0x76: {  	s14 =	sadd.s32 s11, s16;
	[sflag:s20] =	ssyncadd.s32 $0xFFFFFFD8  }
0x77: {  	[tilespmem:s28], [sflag:$0x2] =	stream.linear.gather [hbm4b:s14+s4], $0x1400, $0x38;
	[tilespmem:$0x19AF0] =	vst v63  }
0x78: {  	s14 =	sadd.s32 s11, s17  }
0x79: {  	[tilespmem:s29], [sflag:$0x2] =	stream.strided.gather [hbm4b:s14+s23], $0x280, s24, s23, $0x38;
	[tilespmem:$0x19AF0] =	vst v63  }
0x7a: {  	_ =	swait.ge [sflag:s30], $0x1400  }
0x7b: {  	[sflag:s30] =	ssyncset.done $0x0  }
0x7c: {  	[sflag:s30] =	ssyncadd.s32 $0xFFFFEC00  }
0x7d: {  	_ =	swait.ge [sflag:s30], $0x280  }
0x7e: {  	[sflag:s30] =	ssyncset.done $0x0  }
0x7f: {  	[sflag:s30] =	ssyncadd.s32 $0xFFFFFD80  }
0x80: {  	[spmem:s1] =	stream.indirect.scatter.add.f32 [tilespmem:s22], [sflag:$0x3], $0x80, s4, s26, $0xb8;
	[tilespmem:$0x19AF0] =	vst v63  }
0x81: {  	_ = 	snop  }
0x82: {  	[spmem:s3] =	stream.indirect.scatter.add.f32 [tilespmem:s25], [sflag:$0x3], $0x10, s4, s26, $0xb8;
	[tilespmem:$0x19AF0] =	vst v63  }
0x83: {  	_ =	swait.ge [sflag:s31], $0x1400  }
0x84: {  	[sflag:s31] =	ssyncset.done $0x0  }
0x85: {  	[sflag:s31] =	ssyncadd.s32 $0xFFFFEC00  }
0x86: {  	s12 =	sadd.s32 $0x50, s12;
	_ =	swait.ge [sflag:s31], $0x280  }
0x87: {  	s14 =	sshrl.u32 s12, $0x3;
	[sflag:s31] =	ssyncset.done $0x0  }
0x88: {  	s14 =	sadd.s32 s5, s14;
	[sflag:s31] =	ssyncadd.s32 $0xFFFFFD80  }
0x89: {  	[tilespmem:s4], [sflag:$0x5] =	stream.linear.gather [hbm4b:s14+s4], $0x28, $0x38;
	[tilespmem:$0x19AF0] =	vst v63  }
0x8a: {  	_ =	swait.ge [sflag:s20], $0x28  }
0x8b: {  	s14 =	rddreg [dreg:$0x4];
	[sflag:s20] =	ssyncset.done $0x0  }
0x8c: {  	[sflag:s20] =	ssyncadd.s32 $0xFFFFFFD8;
	s14 =	sadd.s32 s11, s14  }
0x8d: {  	[tilespmem:s22], [sflag:$0x1] =	stream.linear.gather [hbm4b:s14+s4], $0x1400, $0x38;
	[tilespmem:$0x19AF0] =	vst v63  }
0x8e: {  	s11 =	sadd.s32 s11, s15  }
0x8f: {  	[tilespmem:s25], [sflag:$0x1] =	stream.strided.gather [hbm4b:s11+s23], $0x280, s24, s23, $0x38;
	[tilespmem:$0x19AF0] =	vst v63  }
0x90: {  	_ =	swait.ge [sflag:s0], $0x1400  }
0x91: {  	[sflag:s0] =	ssyncset.done $0x0  }
0x92: {  	[sflag:s0] =	ssyncadd.s32 $0xFFFFEC00  }
0x93: {  	_ =	swait.ge [sflag:s0], $0x280  }
0x94: {  	[sflag:s0] =	ssyncset.done $0x0  }
0x95: {  	[sflag:s0] =	ssyncadd.s32 $0xFFFFFD80  }
0x96: {  	[spmem:s1] =	stream.indirect.scatter.add.f32 [tilespmem:s28], [sflag:$0x4], $0x80, s26, s26, $0xb8;
	[tilespmem:$0x19AF0] =	vst v63  }
0x97: {  	p0 =	sne.s32 s7, $0x13100  }
0x98: {  	[spmem:s3] =	stream.indirect.scatter.add.f32 [tilespmem:s29], [sflag:$0x4], $0x10, s26, s26, $0xb8;
	[tilespmem:$0x19AF0] =	vst v63  }
.Ltmp2:
0x99: {  	_ =	swait.ge [sflag:s2], $0x1400;
	(pc) =	sbr.rel @p0 .LBB2_6-.Ltmp2, $4  }
0x9a: {  	[sflag:s2] =	ssyncset.done $0x0  }
0x9b: {  	[sflag:s2] =	ssyncadd.s32 $0xFFFFEC00  }
0x9c: {  	_ =	swait.ge [sflag:s2], $0x280  }
0x9d: {  	s7 =	sadd.s32 $0x500, s7;
	[sflag:s2] =	ssyncset.done $0x0  }
0x9e: {  	[sflag:s2] =	ssyncadd.s32 $0xFFFFFD80  }
0x9f: {  	_ =	swait.ge [sflag:s30], $0x1400  }
0xa0: {  	[sflag:s30] =	ssyncset.done $0x0  }
0xa1: {  	[sflag:s30] =	ssyncadd.s32 $0xFFFFEC00  }
0xa2: {  	_ =	swait.ge [sflag:s30], $0x280  }
0xa3: {  	[sflag:s30] =	ssyncset.done $0x0  }
0xa4: {  	[sflag:s30] =	ssyncadd.s32 $0xFFFFFD80  }
0xa5: {  	[spmem:s1] =	stream.indirect.scatter.add.f32 [tilespmem:s22], [sflag:$0x3], $0x80, s4, s26, $0xb8;
	[tilespmem:$0x19AF0] =	vst v63  }
0xa6: {  	_ = 	snop  }
0xa7: {  	[spmem:s3] =	stream.indirect.scatter.add.f32 [tilespmem:s25], [sflag:$0x3], $0x10, s4, s26, $0xb8;
	[tilespmem:$0x19AF0] =	vst v63  }
0xa8: {  	_ =	swait.ge [sflag:s31], $0x1400  }
0xa9: {  	[sflag:s31] =	ssyncset.done $0x0  }
0xaa: {  	[sflag:s31] =	ssyncadd.s32 $0xFFFFEC00  }
0xab: {  	_ =	swait.ge [sflag:s31], $0x280  }
0xac: {  	[sflag:s31] =	ssyncset.done $0x0  }
0xad: {  	s7 =	stileid.u32;
	[sflag:s31] =	ssyncadd.s32 $0xFFFFFD80  }
0xae: {  	s7 =	sshll.u32 s7, $0x6;
	[bflag:$0x0] =	sbarrier.arrive $0xFFFF  }
0xaf: {  	s11 =	sshrl.u32 s10, $0x3;
	s7 =	sor.u32 $0x1C05, s7;
	s12 =	rddreg [dreg:$0x8]  }
0xb0: {  	[hbm:s12], [sflag:s7] =	dma.local [spmem:s11], $0x2710  }
0xb1: {  	_ =	swait.ge [sflag:s20], $0x2710  }
0xb2: {  	[sflag:s20] =	ssyncset.done $0x0  }
0xb3: {  	s12 =	sshrl.u32 s13, $0x3;
	s14 =	rddreg [dreg:$0x9];
	[sflag:s20] =	ssyncadd.s32 $0xFFFFD8F0  }
0xb4: {  	[hbm:s14@s23], [sflag:s7] =	dma.strided [spmem:s12@s0], $0x4E2, s30, $0x2   }
0xb5: {  	_ =	swait.ge [sflag:s20], $0x4E2  }
0xb6: {  	s6 =	sadd.s32 $0x1, s6;
	s18 =	rddreg [dreg:$0xa]  }
0xb7: {  	p0 =	sne.s32 s6, s18  }
.Ltmp3:
0xb8: {  	_ = 	snop;
	(pc) =	sbr.rel @p0 .LBB2_1-.Ltmp3, $3  }
0xb9: {  	_ =	sdelay $0x1  }
0xba: {  	[sflag:s20] =	ssyncset.done $0x0  }
0xbb: {  	[sflag:s20] =	ssyncadd.s32 $0xFFFFFB1E  }
0xbc: {  	_ =	sfence.sel $0x180000  }
0xbd: {  	[bflag:$0x0] =	sbarrier.arrive $0xFFFF  }
0xbe: {  	_ =	strace $0x9000004D  }
0xbf: {  	s0 =	stileid.u32;
	[bflag:$0x2] =	sbarrier.arrive $0xFFFF  }
0xc0: {  	p0 =	sne.s32 s0, $0x0;
	s0 =	rddreg [dreg:$0x3]  }
0xc1: {  	s0 =	sadd.s32 @!p0 $0x100000, s0  }
0xc2: {  	[sflag:s0] =	ssyncadd.tile.s32 @!p0 $0x1;
	_ =	shalt  }
.Lfunc_end2:
_tile_overlayer_lowered:
.L_overlay_start_2:
0xc3: {  	(tag) =	ssettag $0x2  }
0xc4: {  	s0 =	rddreg [dreg:$0x0];
	s2 =	stileid.u32  }
0xc5: {  	s1 =	rddreg [dreg:$0x1];
	p0 =	sne.s32 s2, $0x0  }
0xc6: {  	s3 =	rddreg [dreg:$0x2];
	[bflag:$0x3] =	sbarrier.arrive $0xFFFF;
	s2 =	simm.s32 @!p0 $0x1C05  }
0xc7: {  	[timem:s3], [sflag:s2] =	dma.local @!p0 [hbm:s0], s1  }
0xc8: {  	s0 =	simm.s32 @!p0 $0x5  }
0xc9: {  	_ =	swait.ge @!p0 [sflag:s0], s1  }
0xca: {  	s1 =	ssub.s32 @!p0 $0x0, s1;
	[sflag:s0] =	ssyncset.done @!p0 $0x0  }
0xcb: {  	[sflag:s0] =	ssyncadd.s32 @!p0 s1  }
0xcc: {  	[bflag:$0x3] =	sbarrier.arrive $0xFFFF  }
0xcd: {  	_ =	shalt  }

// kernel: kernel.9.cloned.1.call-start
scs
__scs_entry_jumppad:
0x0: {  	(pc) =	sbr.rel $0x88, $3  }
0x1: {  	(tag) =	ssettag $0x0;
	lr =	simm.s32 $0x1  }
0x2: {  	[smem:$0x3F8E] =	sst lr;
	_ =	strace $0xD0000000  }
0x3: {  	_ = 	snop  }
0x4: {  	_ = 	snop  }
0x5: {  	_ = 	snop  }
0x6: {  	_ = 	snop  }
0x7: {  	_ = 	snop  }
__scs_overlays_trampoline_lowered:
0x8: {  	[smem:$0x3F9D] =	sst s0  }
0x9: {  	[smem:$0x3F9E] =	sst s1  }
0xa: {  	[smem:$0x3F9F] =	sst s2  }
0xb: {  	[smem:$0x3FA0] =	sst s3  }
0xc: {  	[smem:$0x3FA1] =	sst s4  }
0xd: {  	[smem:$0x3FA2] =	sst s5  }
0xe: {  	[smem:$0x3FA3] =	sst s6  }
0xf: {  	[smem:$0x3FA4] =	sst s7  }
0x10: {  	[smem:$0x3FA5] =	sst s8  }
0x11: {  	[smem:$0x3FA6] =	sst s9;
	s0 =	simm.s32 @!p0 $0x0  }
0x12: {  	s1 =	sld [smem:$0x3F8C];
	s0 =	simm.s32 @p0 $0x1  }
0x13: {  	[smem:$0x3FA7] =	sst s0;
	s0 =	simm.s32 @!p1 $0x0  }
0x14: {  	s2 =	sld [smem:$0x3F8B];
	s0 =	simm.s32 @p1 $0x1  }
0x15: {  	[smem:$0x3FA8] =	sst s0;
	s0 =	simm.s32 @!p2 $0x0  }
0x16: {  	s3 =	sld [smem:$0x3FDB];
	s0 =	simm.s32 @p2 $0x1  }
0x17: {  	s4 =	simm.s32 $0x1BF5;
	[smem:$0x3FAA] =	sst s0  }
0x18: {  	s0 =	sld [smem:$0x3F8D];
	_ =	swait.ge [sflag:s4], $0x0  }
0x19: {  	s7 =	sld [smem:$0x3F8E]  }
0x1a: {  	s8 =	sadd.s32 $0xFFFFE003, lr  }
0x1b: {  	s9 =	sadd.s32 $0xFFFFFEF7, lr;
	s5 =	simm.s32 $0xFFFFFFFF;
	p2 =	slt.u32 s8, $0xFFFFF086  }
0x1c: {  	p1 =	slt.u32 s9, $0xF7A;
	s5 =	simm.s32 @!p2 $0x0  }
0x1d: {  	s5 =	simm.s32 @p1 $0x1;
	p0 =	seq.s32 s7, s2  }
0x1e: {  	s7 =	smul.u32 @!p0 $0xF7A, s2;
	p2 =	seq.s32 @!p0 s5, $0x0  }
0x1f: {  	s9 =	smul.u32 $0xF7A, s1;
	s8 =	simm.s32 @!p0 $0x1BF5;
	p2 =	por !p2, p0  }
0x20: {  	[sflag:s8] =	ssyncset.s32 @!p0 $0xFFFFF086;
	s6 =	sadd.s32 @!p0 s3, s7;
	s7 =	simm.s32 @!p0 $0x108  }
0x21: {  	s3 =	sadd.s32 s3, s9;
	s6 =	sadd.s32 @!p0 $0x88, s6;
	s7 =	simm.s32 @p2 $0x1082  }
0x22: {  	[simem:s7], [sflag:s8] =	dma.local @!p0 [hbm:s6], $0xF7A  }
0x23: {  	s9 =	sor.u32 $0xD0000000, s2;
	s6 =	simm.s32 $0x108;
	_ =	swait.ge @!p0 [sflag:s8], $0x0  }
0x24: {  	s3 =	sadd.s32 $0x88, s3;
	s6 =	simm.s32 @!p1 $0x1082;
	[sflag:s4] =	ssyncset.s32 $0xFFFFF086  }
0x25: {  	[simem:s6], [sflag:s4] =	dma.local [hbm:s3], $0xF7A  }
0x26: {  	[smem:$0x3F8E] =	sst s1;
	(tag) =	ssettag s2;
	_ =	strace s9  }
0x27: {  	s1 =	sld [smem:$0x3F9E]  }
0x28: {  	s2 =	sld [smem:$0x3F9F]  }
0x29: {  	s4 =	sld [smem:$0x3FA1]  }
0x2a: {  	p0 =	seq.s32 s5, $0x0;
	s5 =	sld [smem:$0x3FA2]  }
0x2b: {  	s6 =	sld [smem:$0x3FA3]  }
0x2c: {  	s7 =	sld [smem:$0x3FA4]  }
0x2d: {  	s3 =	simm.s32 $0x108;
	s8 =	sld [smem:$0x3FA5]  }
0x2e: {  	s3 =	simm.s32 @!p0 $0x1082;
	s9 =	sld [smem:$0x3FA6]  }
0x2f: {  	lr =	sadd.s32 s0, s3;
	s0 =	sld [smem:$0x3F9D]  }
0x30: {  	s3 =	sld [smem:$0x3FA0]  }
0x31: {  	[smem:$0x3FA9] =	sst s10  }
0x32: {  	s10 =	sld [smem:$0x3FA7];
	_ =	sdelay $0x3  }
0x33: {  	p0 =	seq.s32 s10, $0x1;
	s10 =	sld [smem:$0x3FA9];
	_ =	sdelay $0x3  }
0x34: {  	[smem:$0x3FA9] =	sst s10  }
0x35: {  	s10 =	sld [smem:$0x3FA8];
	_ =	sdelay $0x3  }
0x36: {  	p1 =	seq.s32 s10, $0x1;
	s10 =	sld [smem:$0x3FA9];
	_ =	sdelay $0x3  }
0x37: {  	[smem:$0x3FA9] =	sst s10  }
0x38: {  	s10 =	sld [smem:$0x3FAA]  }
0x39: {  	_ = 	snop;
	(pc) =	sbr.ind lr, $3  }
0x3a: {  	_ = 	snop  }
0x3b: {  	_ = 	snop  }
0x3c: {  	p2 =	seq.s32 s10, $0x1;
	s10 =	sld [smem:$0x3FA9]  }
0x3d: {  	_ =	shalt  }
0x3e: {  	_ =	shalt  }
0x3f: {  	_ =	shalt  }
0x40: {  	_ =	shalt  }
0x41: {  	_ =	shalt  }
0x42: {  	_ =	shalt  }
0x43: {  	_ =	shalt  }
0x44: {  	_ =	shalt  }
0x45: {  	_ =	shalt  }
0x46: {  	_ =	shalt  }
0x47: {  	_ =	shalt  }
0x48: {  	_ =	shalt  }
0x49: {  	_ =	shalt  }
0x4a: {  	_ =	shalt  }
0x4b: {  	_ =	shalt  }
0x4c: {  	_ =	shalt  }
0x4d: {  	_ =	shalt  }
0x4e: {  	_ =	shalt  }
0x4f: {  	_ =	shalt  }
0x50: {  	_ =	shalt  }
0x51: {  	_ =	shalt  }
0x52: {  	_ =	shalt  }
0x53: {  	_ =	shalt  }
0x54: {  	_ =	shalt  }
0x55: {  	_ =	shalt  }
0x56: {  	_ =	shalt  }
0x57: {  	_ =	shalt  }
0x58: {  	_ =	shalt  }
0x59: {  	_ =	shalt  }
0x5a: {  	_ =	shalt  }
0x5b: {  	_ =	shalt  }
0x5c: {  	_ =	shalt  }
0x5d: {  	_ =	shalt  }
0x5e: {  	_ =	shalt  }
0x5f: {  	_ =	shalt  }
0x60: {  	_ =	shalt  }
0x61: {  	_ =	shalt  }
0x62: {  	_ =	shalt  }
0x63: {  	_ =	shalt  }
0x64: {  	_ =	shalt  }
0x65: {  	_ =	shalt  }
0x66: {  	_ =	shalt  }
0x67: {  	_ =	shalt  }
0x68: {  	_ =	shalt  }
0x69: {  	_ =	shalt  }
0x6a: {  	_ =	shalt  }
0x6b: {  	_ =	shalt  }
0x6c: {  	_ =	shalt  }
0x6d: {  	_ =	shalt  }
0x6e: {  	_ =	shalt  }
0x6f: {  	_ =	shalt  }
0x70: {  	_ =	shalt  }
0x71: {  	_ =	shalt  }
0x72: {  	_ =	shalt  }
0x73: {  	_ =	shalt  }
0x74: {  	_ =	shalt  }
0x75: {  	_ =	shalt  }
0x76: {  	_ =	shalt  }
0x77: {  	_ =	shalt  }
0x78: {  	_ =	shalt  }
0x79: {  	_ =	shalt  }
0x7a: {  	_ =	shalt  }
0x7b: {  	_ =	shalt  }
0x7c: {  	_ =	shalt  }
0x7d: {  	_ =	shalt  }
0x7e: {  	_ =	shalt  }
0x7f: {  	_ =	shalt  }
0x80: {  	_ =	shalt  }
0x81: {  	_ =	shalt  }
0x82: {  	_ =	shalt  }
0x83: {  	_ =	shalt  }
0x84: {  	_ =	shalt  }
0x85: {  	_ =	shalt  }
0x86: {  	_ =	shalt  }
0x87: {  	_ =	shalt  }
.Lfunc_end0:
.L_simem_size_0:
called_computation_lowered:
.L_overlay_start_0:
0x88: {  	s2 =	sld [smem:$0x3FD9]  }
0x89: {  	s3 =	sld [smem:$0x3FFE];
	_ =	sdelay $0x1  }
0x8a: {  	s1 =	srdreg.scid  }
0x8b: {  	s0 =	sand.u32 $0x1, s1  }
0x8c: {  	s17 =	sshll.u32 s0, $0xA;
	s2 =	sadd.s32 s3, s2  }
0x8d: {  	s2 =	sadd.s32 s2, s17  }
0x8e: {  	[smem:$0x3FB5] =	sst s2  }
0x8f: {  	_ = 	snop  }
0x90: {  	(tm) =	ssettm $0x1  }
0x91: {  	s18 =	sld [smem:$0x3FFB];
	_ =	sdelay $0x3  }
0x92: {  	_ =	strace s18  }
0x93: {  	s2 =	sld [smem:$0x3FFC];
	_ =	sdelay $0x3  }
0x94: {  	_ =	strace s2  }
0x95: {  	s2 =	sld [smem:$0x3FFD];
	_ =	sdelay $0x3  }
0x96: {  	_ =	strace s2  }
0x97: {  	_ =	strace $0x8FFFFFFF  }
0x98: {  	s19 =	sld [smem:$0x3FDB];
	_ =	sdelay $0x1  }
0x99: {  	s20 =	simm.s32 $_scs_section_size  }
0x9a: {  	s4 =	simm.s32 $_size__tile_overlayer_lowered;
	s5 =	simm.s32 $_tile_overlayer_lowered  }
0x9b: {  	s6 =	simm.s32 $0x1BFF;
	s21 =	sshll.u32 s5, $0x1;
	s3 =	sadd.s32 s20, s19  }
0x9c: {  	s22 =	simm.s32 $0x0;
	s4 =	sshll.u32 s4, $0x1;
	s5 =	sadd.s32 s21, s3  }
0x9d: {  	[timem:s22], [sflag:s6] =	dma.local [hbm:s5], s4  }
0x9e: {  	_ =	swait.ge [sflag:s6], s4  }
0x9f: {  	s4 =	ssub.s32 $0x0, s4;
	[sflag:s6] =	ssyncset.done $0x0  }
0xa0: {  	[sflag:s6] =	ssyncadd.s32 s4;
	_ =	sdelay $0x1  }
0xa1: {  	s23 =	simm.s32 $0x1B8B  }
0xa2: {  	_ =	swait.ge [sflag:s23], $0x1  }
0xa3: {  	[sflag:s23] =	ssyncset.done $0x0  }
0xa4: {  	[sflag:s23] =	ssyncadd.s32 $0xFFFFFFFF  }
0xa5: {  	s4 =	sld [smem:$0x0]  }
0xa6: {  	s5 =	sand.u32 $0xFFFFFFFE, s1  }
0xa7: {  	p0 =	sne.s32 s1, s5  }
0xa8: {  	s5 =	sshll.u32 @p0 s5, $0xE  }
0xa9: {  	s5 =	sadd.s32 @p0 $0x11B8D, s5;
	s6 =	sshll.u32 @p0 s4, $0x11  }
0xaa: {  	s5 =	sor.u32 @p0 s6, s5  }
0xab: {  	[sflag:s5] =	ssyncadd.remote.s32 @p0 $0x1;
	_ =	sdelay $0x1  }
0xac: {  	s5 =	simm.s32 @p0 $0x1B8D  }
0xad: {  	_ =	swait.eq @p0 [sflag:s5], $0x1  }
0xae: {  	[sflag:s5] =	ssyncadd.s32 @p0 $0xFFFFFFFF  }
0xaf: {  	s6 =	sshll.u32 @!p0 s1, $0xE  }
0xb0: {  	s6 =	sor.u32 @!p0 $0x4000, s6;
	s5 =	simm.s32 @!p0 $0x1B8D  }
0xb1: {  	s4 =	sshll.u32 @!p0 s4, $0x11;
	s6 =	sadd.s32 @!p0 $0x11B8D, s6;
	_ =	swait.eq @!p0 [sflag:s5], $0x1  }
0xb2: {  	s4 =	sor.u32 @!p0 s4, s6;
	[sflag:s5] =	ssyncadd.s32 @!p0 $0xFFFFFFFF  }
0xb3: {  	s25 =	simm.s32 $0x1B8E;
	s24 =	sld [smem:$0x3FFE];
	[sflag:s4] =	ssyncadd.remote.s32 @!p0 $0x1  }
0xb4: {  	s26 =	simm.s32 $execute0_lowered;
	[smem:$0x3FD2] =	sst s25  }
0xb5: {  	s5 =	sshll.u32 s26, $0x1;
	_ =	strace $0x80000049;
	[dreg:$0x1] =	wrdreg $0xFFFFFFFF  }
0xb6: {  	s28 =	simm.s32 $_size_execute0_lowered;
	s3 =	sadd.s32 s3, s5;
	[dreg:$0x0] =	wrdreg $0x0  }
0xb7: {  	s5 =	sshll.u32 s28, $0x1;
	[dreg:$0x2] =	wrdreg s3  }
0xb8: {  	[dreg:$0x3] =	wrdreg s5  }
0xb9: {  	[dreg:$0x4] =	wrdreg $0xC0  }
0xba: {  	_ =	task [dreg:s22], $0x5FFFF  }
0xbb: {  	[dreg:$0x1] =	wrdreg $0xFFFFFFFF  }
0xbc: {  	[dreg:$0x0] =	wrdreg $0x60  }
0xbd: {  	[dreg:$0x2] =	wrdreg s24  }
0xbe: {  	[dreg:$0x3] =	wrdreg $0x9  }
0xbf: {  	_ =	task.clear_ibuf [dreg:s22], $0x4FFFF;
	_ =	strace $0x90000049  }
0xc0: {  	s29 =	simm.s32 $0x9;
	_ =	strace $0x8000004B  }
0xc1: {  	_ =	swait.ge [sflag:s29], $0x1  }
0xc2: {  	[sflag:s29] =	ssyncadd.s32 $0xFFFFFFFF  }
0xc3: {  	_ =	strace $0x9000004B  }
0xc4: {  	_ =	sfence  }
0xc5: {  	s30 =	sld [smem:$0x0];
	_ =	sdelay $0x2  }
0xc6: {  	s31 =	sshll.u32 s1, $0xD;
	s1 =	sshrl.u32 s1, $0x2  }
0xc7: {  	s4 =	sand.u32 $0x4000, s31;
	s1 =	sadd.s32 s1, s30  }
0xc8: {  	s0 =	sor.u32 s4, s0;
	s1 =	sshll.u32 s1, $0x11  }
0xc9: {  	s0 =	sor.u32 s1, s0  }
0xca: {  	s0 =	sadd.s32 $0x8F2B, s0  }
0xcb: {  	[sflag:s0] =	ssyncadd.remote.s32 $0x1  }
0xcc: {  	_ =	sfence.sel $0xFFFF  }
0xcd: {  	[dreg:$0x0] =	wrdreg $0xFFFFFFFF;
	(pc) =	sbr.abs _section_cstart, $3  }
0xce: {  	[dreg:$0x1] =	wrdreg $0xFFFFFFFF  }
0xcf: {  	_ =	task.clear_ibuf [dreg:s22], $0x2FFFF;
	_ =	strace $0x9FFFFFFF  }
0xd0: {  	(tm) =	ssettm $0x7FFFFFFF  }
0xd1: {  	_ =	shalt  }
tec
execute0_lowered:
.L_overlay_start_1:
0x0: {  	(tag) =	ssettag $0x1  }
0x1: {  	s0 =	rddreg [dreg:$0x0];
	s2 =	simm.s32 $0x0;
	s1 =	srdreg.scid  }
0x2: {  	s4 =	stileid.u32;
	s28 =	simm.s32 $0xE420;
	s29 =	simm.s32 $0xF0A0  }
0x3: {  	s30 =	simm.s32 $0x1;
	s31 =	simm.s32 $0x40;
	[smem:$0x7FF] =	sst s2  }
0x4: {  	s1 =	sand.u32 $0x1, s1;
	s6 =	sadd.s32 $0x50C200, s0;
	s25 =	smul.u32 $0x2710, s4  }
0x5: {  	s5 =	sshll.u32 s4, $0x1;
	s14 =	sadd.s32 $0x511200, s0;
	s15 =	smul.u32 $0x27100, s4  }
0x6: {  	s3 =	sadd.s32 $0x11800, s0;
	s9 =	sadd.s32 $0x516200, s0;
	s13 =	smul.u32 $0x1388, s1  }
0x7: {  	s7 =	sor.u32 s1, s5;
	s10 =	ssub.s32 $0x2, s1;
	s1 =	smul.u32 $0x13880, s1  }
0x8: {  	_ =	strace $0x8000004A;
	s5 =	sadd.s32 $0x7800, s0;
	s8 =	smul.u32 $0x1388, s7  }
0x9: {  	s0 =	sadd.s32 $0x787200, s0;
	s7 =	smul.u32 $0x9C400, s7;
	s11 =	sshrl.u32 s10, $0x1  }
0xa: {  	s20 =	sadd.s32 s15, s9;
	s10 =	ssub.s32 s10, s11;
	s19 =	sadd.s32 s13, s25  }
0xb: {  	s22 =	sadd.s32 s1, s20;
	s11 =	simm.s32 $0x0;
	s8 =	sshrl.u32 s8, $0x3  }
0xc: {  	s7 =	sshrl.u32 s7, $0x3;
	s18 =	smax.u32 s10, $0x1;
	s10 =	smov.u32 s14  }
0xd: {  	s21 =	sadd.s32 $0xC8, s19;
	[dreg:$0x3] =	wrdreg s22;
	s23 =	sadd.s32 s6, s8  }
0xe: {  	s8 =	sadd.s32 s14, s8;
	s24 =	sadd.s32 $0x12C00, s7;
	[dreg:$0xa] =	wrdreg s18  }
0xf: {  	s26 =	sadd.s32 s9, s7;
	s7 =	sadd.s32 s0, s7;
	[dreg:$0x4] =	wrdreg s23  }
0x10: {  	s18 =	simm.s32 $0xC8;
	[dreg:$0x5] =	wrdreg s8;
	s12 =	sadd.s32 s9, s24  }
0x11: {  	s16 =	sadd.s32 s0, s24;
	s17 =	sadd.s32 $0x12C02, s7;
	[dreg:$0x6] =	wrdreg s12  }
0x12: {  	s0 =	sadd.s32 s15, s0;
	s23 =	sshrl.u32 s21, $0x3;
	[dreg:$0x8] =	wrdreg s16  }
0x13: {  	s24 =	sadd.s32 $0x190, s19;
	s7 =	simm.s32 $0x3;
	[dreg:$0x9] =	wrdreg s17  }
0x14: {  	s8 =	simm.s32 $0x2;
	s12 =	sadd.s32 $0x12C08, s26;
	[dreg:$0xb] =	wrdreg s24  }
0x15: {  	s9 =	simm.s32 $0x4;
	s0 =	sadd.s32 s1, s0;
	[dreg:$0x7] =	wrdreg s12  }
0x16: {  	s25 =	sadd.s32 s23, s14;
	s26 =	sadd.s32 s23, s6;
	[dreg:$0x2] =	wrdreg s0  }
0x17: {  	s17 =	simm.s32 $0x5;
	s23 =	simm.s32 $0x190;
	[dreg:$0xc] =	wrdreg s25  }
0x18: {  	s24 =	simm.s32 $0x258;
	s1 =	simm.s32 $0x10;
	[dreg:$0xd] =	wrdreg s26  }
0x19: {  	s25 =	simm.s32 $0x6720;
	s26 =	simm.s32 $0x9920;
	s0 =	simm.s32 $0x80  }
.LBB2_1:
0x1a: {  	[dreg:$0xe] =	wrdreg s11  }
0x1b: {  	s4 =	rddreg [dreg:$0x4]  }
0x1c: {  	[tilespmem:s2], [sflag:$0x5] =	stream.linear.gather [hbm4b:s4+s2], $0xC8, $0x38;
	[tilespmem:$0xFD20] =	vst v63  }
0x1d: {  	_ =	swait.ge [sflag:s17], $0xC8  }
0x1e: {  	[sflag:s17] =	ssyncset.done $0x0  }
0x1f: {  	s12 =	rddreg [dreg:$0x5];
	[sflag:s17] =	ssyncadd.s32 $0xFFFFFF38  }
0x20: {  	[tilespmem:s18], [sflag:$0x5] =	stream.linear.gather [hbm4b:s12+s2], $0xC8, $0x38;
	[tilespmem:$0xFD20] =	vst v63  }
0x21: {  	_ =	swait.ge [sflag:s17], $0xC8  }
0x22: {  	[sflag:s17] =	ssyncset.done $0x0  }
0x23: {  	s19 =	simm.s32 $0x320;
	[sflag:s17] =	ssyncadd.s32 $0xFFFFFF38  }
0x24: {  	[tilespmem:s19], [sflag:$0x1] =	stream.indirect.gather [hbm4b:s3+s18], $0x40, s2, s18, $0xb8;
	[tilespmem:$0xFD20] =	vst v63  }
0x25: {  	s20 =	simm.s32 $0x3520  }
0x26: {  	[tilespmem:s20], [sflag:$0x1] =	stream.indirect.gather [hbm4b:s3+s18], $0x40, s18, s18, $0xb8;
	[tilespmem:$0xFD20] =	vst v63  }
0x27: {  	s21 =	simm.s32 $0xCB20  }
0x28: {  	[tilespmem:s21], [sflag:$0x1] =	stream.indirect.gather [hbm4b:s5+s18], $0x10, s2, s18, $0xb8;
	[tilespmem:$0xFD20] =	vst v63  }
0x29: {  	s22 =	simm.s32 $0xD7A0  }
0x2a: {  	[tilespmem:s22], [sflag:$0x1] =	stream.indirect.gather [hbm4b:s5+s18], $0x10, s18, s18, $0xb8;
	[tilespmem:$0xFD20] =	vst v63  }
0x2b: {  	s16 =	rddreg [dreg:$0xd]  }
0x2c: {  	[tilespmem:s23], [sflag:$0x5] =	stream.linear.gather [hbm4b:s16+s2], $0xC8, $0x38;
	[tilespmem:$0xFD20] =	vst v63  }
0x2d: {  	_ =	swait.ge [sflag:s17], $0xC8  }
0x2e: {  	[sflag:s17] =	ssyncset.done $0x0  }
0x2f: {  	s15 =	rddreg [dreg:$0xc];
	[sflag:s17] =	ssyncadd.s32 $0xFFFFFF38  }
0x30: {  	[tilespmem:s24], [sflag:$0x5] =	stream.linear.gather [hbm4b:s15+s2], $0xC8, $0x38;
	[tilespmem:$0xFD20] =	vst v63  }
0x31: {  	_ =	swait.ge [sflag:s17], $0xC8  }
0x32: {  	[sflag:s17] =	ssyncset.done $0x0  }
0x33: {  	[sflag:s17] =	ssyncadd.s32 $0xFFFFFF38  }
0x34: {  	[tilespmem:s25], [sflag:$0x2] =	stream.indirect.gather [hbm4b:s3+s18], $0x40, s23, s18, $0xb8;
	[tilespmem:$0xFD20] =	vst v63  }
0x35: {  	_ = 	snop  }
0x36: {  	[tilespmem:s26], [sflag:$0x2] =	stream.indirect.gather [hbm4b:s3+s18], $0x40, s24, s18, $0xb8;
	[tilespmem:$0xFD20] =	vst v63  }
0x37: {  	_ = 	snop  }
0x38: {  	[tilespmem:s28], [sflag:$0x2] =	stream.indirect.gather [hbm4b:s5+s18], $0x10, s23, s18, $0xb8;
	[tilespmem:$0xFD20] =	vst v63  }
0x39: {  	_ = 	snop  }
0x3a: {  	[tilespmem:s29], [sflag:$0x2] =	stream.indirect.gather [hbm4b:s5+s18], $0x10, s24, s18, $0xb8;
	[tilespmem:$0xFD20] =	vst v63  }
0x3b: {  	_ =	swait.ge [sflag:s30], $0x3200  }
0x3c: {  	[sflag:s30] =	ssyncset.done $0x0  }
0x3d: {  	[sflag:s30] =	ssyncadd.s32 $0xFFFFCE00  }
0x3e: {  	_ =	swait.ge [sflag:s30], $0x3200  }
0x3f: {  	[sflag:s30] =	ssyncset.done $0x0  }
0x40: {  	[sflag:s30] =	ssyncadd.s32 $0xFFFFCE00  }
0x41: {  	_ =	swait.ge [sflag:s30], $0xC80  }
0x42: {  	[sflag:s30] =	ssyncset.done $0x0  }
0x43: {  	[sflag:s30] =	ssyncadd.s32 $0xFFFFF380  }
0x44: {  	_ =	swait.ge [sflag:s30], $0xC80  }
0x45: {  	s13 =	rddreg [dreg:$0x3];
	[sflag:s30] =	ssyncset.done $0x0  }
0x46: {  	[sflag:s30] =	ssyncadd.s32 $0xFFFFF380;
	s11 =	sadd.s32 $0x0, s13  }
0x47: {  	[hbm4b:s11+s31] =	stream.strided.scatter [tilespmem:s19], [sflag:$0x3], $0x3200, s0, s31, $0x38;
	[tilespmem:$0xFD20] =	vst v63  }
0x48: {  	s12 =	rddreg [dreg:$0x2];
	s13 =	sadd.s32 $0x8, s11  }
0x49: {  	[hbm4b:s13+s31] =	stream.strided.scatter [tilespmem:s20], [sflag:$0x3], $0x3200, s0, s31, $0x38;
	[tilespmem:$0xFD20] =	vst v63  }
0x4a: {  	s12 =	sadd.s32 $0x0, s12  }
0x4b: {  	[hbm4b:s12+s1] =	stream.strided.scatter [tilespmem:s21], [sflag:$0x3], $0xC80, s0, s1, $0x38;
	[tilespmem:$0xFD20] =	vst v63  }
0x4c: {  	s14 =	sadd.s32 $0x2, s12  }
0x4d: {  	[hbm4b:s14+s1] =	stream.strided.scatter [tilespmem:s22], [sflag:$0x3], $0xC80, s0, s1, $0x38;
	[tilespmem:$0xFD20] =	vst v63  }
0x4e: {  	_ =	swait.ge [sflag:s7], $0x3200  }
0x4f: {  	[sflag:s7] =	ssyncset.done $0x0  }
0x50: {  	[sflag:s7] =	ssyncadd.s32 $0xFFFFCE00  }
0x51: {  	_ =	swait.ge [sflag:s7], $0x3200  }
0x52: {  	[sflag:s7] =	ssyncset.done $0x0  }
0x53: {  	[sflag:s7] =	ssyncadd.s32 $0xFFFFCE00  }
0x54: {  	_ =	swait.ge [sflag:s7], $0xC80  }
0x55: {  	[sflag:s7] =	ssyncset.done $0x0  }
0x56: {  	[sflag:s7] =	ssyncadd.s32 $0xFFFFF380  }
0x57: {  	_ =	swait.ge [sflag:s7], $0xC80  }
0x58: {  	s4 =	rddreg [dreg:$0xb]  }
0x59: {  	[sflag:s7] =	ssyncset.done $0x0;
	s13 =	sshrl.u32 s4, $0x3  }
0x5a: {  	[sflag:s7] =	ssyncadd.s32 $0xFFFFF380;
	s14 =	sadd.s32 s6, s13  }
0x5b: {  	[tilespmem:s2], [sflag:$0x5] =	stream.linear.gather [hbm4b:s14+s2], $0xC8, $0x38;
	[tilespmem:$0xFD20] =	vst v63  }
0x5c: {  	_ =	swait.ge [sflag:s17], $0xC8  }
0x5d: {  	[sflag:s17] =	ssyncset.done $0x0  }
0x5e: {  	s13 =	sadd.s32 s10, s13;
	[sflag:s17] =	ssyncadd.s32 $0xFFFFFF38  }
0x5f: {  	[tilespmem:s18], [sflag:$0x5] =	stream.linear.gather [hbm4b:s13+s2], $0xC8, $0x38;
	[tilespmem:$0xFD20] =	vst v63  }
0x60: {  	_ =	swait.ge [sflag:s17], $0xC8  }
0x61: {  	[sflag:s17] =	ssyncset.done $0x0  }
0x62: {  	[sflag:s17] =	ssyncadd.s32 $0xFFFFFF38  }
0x63: {  	[tilespmem:s19], [sflag:$0x1] =	stream.indirect.gather [hbm4b:s3+s18], $0x40, s2, s18, $0xb8;
	[tilespmem:$0xFD20] =	vst v63  }
0x64: {  	_ = 	snop  }
0x65: {  	[tilespmem:s20], [sflag:$0x1] =	stream.indirect.gather [hbm4b:s3+s18], $0x40, s18, s18, $0xb8;
	[tilespmem:$0xFD20] =	vst v63  }
0x66: {  	_ = 	snop  }
0x67: {  	[tilespmem:s21], [sflag:$0x1] =	stream.indirect.gather [hbm4b:s5+s18], $0x10, s2, s18, $0xb8;
	[tilespmem:$0xFD20] =	vst v63  }
0x68: {  	_ = 	snop  }
0x69: {  	[tilespmem:s22], [sflag:$0x1] =	stream.indirect.gather [hbm4b:s5+s18], $0x10, s18, s18, $0xb8;
	[tilespmem:$0xFD20] =	vst v63  }
0x6a: {  	_ =	swait.ge [sflag:s8], $0x3200  }
0x6b: {  	[sflag:s8] =	ssyncset.done $0x0  }
0x6c: {  	[sflag:s8] =	ssyncadd.s32 $0xFFFFCE00  }
0x6d: {  	_ =	swait.ge [sflag:s8], $0x3200  }
0x6e: {  	[sflag:s8] =	ssyncset.done $0x0  }
0x6f: {  	[sflag:s8] =	ssyncadd.s32 $0xFFFFCE00  }
0x70: {  	_ =	swait.ge [sflag:s8], $0xC80  }
0x71: {  	[sflag:s8] =	ssyncset.done $0x0  }
0x72: {  	[sflag:s8] =	ssyncadd.s32 $0xFFFFF380  }
0x73: {  	_ =	swait.ge [sflag:s8], $0xC80  }
0x74: {  	[sflag:s8] =	ssyncset.done $0x0  }
0x75: {  	s20 =	sadd.s32 $0xC80, s11;
	[sflag:s8] =	ssyncadd.s32 $0xFFFFF380  }
0x76: {  	[hbm4b:s20+s31] =	stream.strided.scatter [tilespmem:s25], [sflag:$0x4], $0x3200, s0, s31, $0x38;
	[tilespmem:$0xFD20] =	vst v63  }
0x77: {  	s11 =	sadd.s32 $0xC88, s11  }
0x78: {  	[hbm4b:s11+s31] =	stream.strided.scatter [tilespmem:s26], [sflag:$0x4], $0x3200, s0, s31, $0x38;
	[tilespmem:$0xFD20] =	vst v63  }
0x79: {  	s21 =	sadd.s32 $0xC80, s12  }
0x7a: {  	[hbm4b:s21+s1] =	stream.strided.scatter [tilespmem:s28], [sflag:$0x4], $0xC80, s0, s1, $0x38;
	[tilespmem:$0xFD20] =	vst v63  }
0x7b: {  	s22 =	sadd.s32 $0xC82, s12  }
0x7c: {  	[hbm4b:s22+s1] =	stream.strided.scatter [tilespmem:s29], [sflag:$0x4], $0xC80, s0, s1, $0x38;
	[tilespmem:$0xFD20] =	vst v63  }
0x7d: {  	_ =	swait.ge [sflag:s9], $0x3200  }
0x7e: {  	[sflag:s9] =	ssyncset.done $0x0  }
0x7f: {  	[sflag:s9] =	ssyncadd.s32 $0xFFFFCE00  }
0x80: {  	_ =	swait.ge [sflag:s9], $0x3200  }
0x81: {  	[sflag:s9] =	ssyncset.done $0x0  }
0x82: {  	[sflag:s9] =	ssyncadd.s32 $0xFFFFCE00  }
0x83: {  	_ =	swait.ge [sflag:s9], $0xC80  }
0x84: {  	[sflag:s9] =	ssyncset.done $0x0  }
0x85: {  	[sflag:s9] =	ssyncadd.s32 $0xFFFFF380  }
0x86: {  	s14 =	smov.u32 s4;
	_ =	swait.ge [sflag:s9], $0xC80  }
0x87: {  	s12 =	sadd.s32 $0x32, s16;
	s11 =	simm.s32 $0x1900;
	[sflag:s9] =	ssyncset.done $0x0  }
.LBB2_2:
0x88: {  	[sflag:s9] =	ssyncadd.s32 $0xFFFFF380  }
0x89: {  	[tilespmem:s23], [sflag:$0x5] =	stream.linear.gather [hbm4b:s12+s2], $0xC8, $0x38;
	[tilespmem:$0xFD20] =	vst v63  }
0x8a: {  	_ =	swait.ge [sflag:s17], $0xC8  }
0x8b: {  	[sflag:s17] =	ssyncset.done $0x0  }
0x8c: {  	s15 =	sadd.s32 $0x32, s15;
	[sflag:s17] =	ssyncadd.s32 $0xFFFFFF38  }
0x8d: {  	[tilespmem:s24], [sflag:$0x5] =	stream.linear.gather [hbm4b:s15+s2], $0xC8, $0x38;
	[tilespmem:$0xFD20] =	vst v63  }
0x8e: {  	_ =	swait.ge [sflag:s17], $0xC8  }
0x8f: {  	[sflag:s17] =	ssyncset.done $0x0  }
0x90: {  	[sflag:s17] =	ssyncadd.s32 $0xFFFFFF38  }
0x91: {  	[tilespmem:s25], [sflag:$0x2] =	stream.indirect.gather [hbm4b:s3+s18], $0x40, s23, s18, $0xb8;
	[tilespmem:$0xFD20] =	vst v63  }
0x92: {  	_ = 	snop  }
0x93: {  	[tilespmem:s26], [sflag:$0x2] =	stream.indirect.gather [hbm4b:s3+s18], $0x40, s24, s18, $0xb8;
	[tilespmem:$0xFD20] =	vst v63  }
0x94: {  	_ = 	snop  }
0x95: {  	[tilespmem:s28], [sflag:$0x2] =	stream.indirect.gather [hbm4b:s5+s18], $0x10, s23, s18, $0xb8;
	[tilespmem:$0xFD20] =	vst v63  }
0x96: {  	_ = 	snop  }
0x97: {  	[tilespmem:s29], [sflag:$0x2] =	stream.indirect.gather [hbm4b:s5+s18], $0x10, s24, s18, $0xb8;
	[tilespmem:$0xFD20] =	vst v63  }
0x98: {  	_ =	swait.ge [sflag:s30], $0x3200  }
0x99: {  	[sflag:s30] =	ssyncset.done $0x0  }
0x9a: {  	[sflag:s30] =	ssyncadd.s32 $0xFFFFCE00  }
0x9b: {  	_ =	swait.ge [sflag:s30], $0x3200  }
0x9c: {  	[sflag:s30] =	ssyncset.done $0x0  }
0x9d: {  	[sflag:s30] =	ssyncadd.s32 $0xFFFFCE00  }
0x9e: {  	_ =	swait.ge [sflag:s30], $0xC80  }
0x9f: {  	[sflag:s30] =	ssyncset.done $0x0  }
0xa0: {  	[sflag:s30] =	ssyncadd.s32 $0xFFFFF380  }
0xa1: {  	_ =	swait.ge [sflag:s30], $0xC80  }
0xa2: {  	s16 =	smov.u32 s11;
	s13 =	rddreg [dreg:$0x3];
	[sflag:s30] =	ssyncset.done $0x0  }
0xa3: {  	s20 =	simm.s32 $0x320;
	[sflag:s30] =	ssyncadd.s32 $0xFFFFF380;
	s13 =	sadd.s32 s16, s13  }
0xa4: {  	[hbm4b:s13+s31] =	stream.strided.scatter [tilespmem:s20], [sflag:$0x3], $0x3200, s0, s31, $0x38;
	[tilespmem:$0xFD20] =	vst v63  }
0xa5: {  	s21 =	simm.s32 $0x3520;
	s25 =	rddreg [dreg:$0x2];
	s4 =	sadd.s32 $0x8, s13  }
0xa6: {  	[hbm4b:s4+s31] =	stream.strided.scatter [tilespmem:s21], [sflag:$0x3], $0x3200, s0, s31, $0x38;
	[tilespmem:$0xFD20] =	vst v63  }
0xa7: {  	s22 =	simm.s32 $0xCB20;
	s16 =	sadd.s32 s16, s25  }
0xa8: {  	[hbm4b:s16+s1] =	stream.strided.scatter [tilespmem:s22], [sflag:$0x3], $0xC80, s0, s1, $0x38;
	[tilespmem:$0xFD20] =	vst v63  }
0xa9: {  	s19 =	smov.u32 s10;
	s25 =	simm.s32 $0xD7A0;
	s10 =	sadd.s32 $0x2, s16  }
0xaa: {  	[hbm4b:s10+s1] =	stream.strided.scatter [tilespmem:s25], [sflag:$0x3], $0xC80, s0, s1, $0x38;
	[tilespmem:$0xFD20] =	vst v63  }
0xab: {  	_ =	swait.ge [sflag:s7], $0x3200  }
0xac: {  	[sflag:s7] =	ssyncset.done $0x0  }
0xad: {  	[sflag:s7] =	ssyncadd.s32 $0xFFFFCE00  }
0xae: {  	_ =	swait.ge [sflag:s7], $0x3200  }
0xaf: {  	[sflag:s7] =	ssyncset.done $0x0  }
0xb0: {  	[sflag:s7] =	ssyncadd.s32 $0xFFFFCE00  }
0xb1: {  	_ =	swait.ge [sflag:s7], $0xC80  }
0xb2: {  	[sflag:s7] =	ssyncset.done $0x0  }
0xb3: {  	[sflag:s7] =	ssyncadd.s32 $0xFFFFF380  }
0xb4: {  	s14 =	sadd.s32 $0x190, s14;
	_ =	swait.ge [sflag:s7], $0xC80  }
0xb5: {  	s4 =	sshrl.u32 s14, $0x3;
	[sflag:s7] =	ssyncset.done $0x0  }
0xb6: {  	s10 =	sadd.s32 s6, s4;
	[sflag:s7] =	ssyncadd.s32 $0xFFFFF380  }
0xb7: {  	[tilespmem:s2], [sflag:$0x5] =	stream.linear.gather [hbm4b:s10+s2], $0xC8, $0x38;
	[tilespmem:$0xFD20] =	vst v63  }
0xb8: {  	_ =	swait.ge [sflag:s17], $0xC8  }
0xb9: {  	[sflag:s17] =	ssyncset.done $0x0  }
0xba: {  	s4 =	sadd.s32 s19, s4;
	[sflag:s17] =	ssyncadd.s32 $0xFFFFFF38  }
0xbb: {  	[tilespmem:s18], [sflag:$0x5] =	stream.linear.gather [hbm4b:s4+s2], $0xC8, $0x38;
	[tilespmem:$0xFD20] =	vst v63  }
0xbc: {  	_ =	swait.ge [sflag:s17], $0xC8  }
0xbd: {  	[sflag:s17] =	ssyncset.done $0x0  }
0xbe: {  	[sflag:s17] =	ssyncadd.s32 $0xFFFFFF38  }
0xbf: {  	[tilespmem:s20], [sflag:$0x1] =	stream.indirect.gather [hbm4b:s3+s18], $0x40, s2, s18, $0xb8;
	[tilespmem:$0xFD20] =	vst v63  }
0xc0: {  	_ = 	snop  }
0xc1: {  	[tilespmem:s21], [sflag:$0x1] =	stream.indirect.gather [hbm4b:s3+s18], $0x40, s18, s18, $0xb8;
	[tilespmem:$0xFD20] =	vst v63  }
0xc2: {  	_ = 	snop  }
0xc3: {  	[tilespmem:s22], [sflag:$0x1] =	stream.indirect.gather [hbm4b:s5+s18], $0x10, s2, s18, $0xb8;
	[tilespmem:$0xFD20] =	vst v63  }
0xc4: {  	_ = 	snop  }
0xc5: {  	[tilespmem:s25], [sflag:$0x1] =	stream.indirect.gather [hbm4b:s5+s18], $0x10, s18, s18, $0xb8;
	[tilespmem:$0xFD20] =	vst v63  }
0xc6: {  	_ =	swait.ge [sflag:s8], $0x3200  }
0xc7: {  	[sflag:s8] =	ssyncset.done $0x0  }
0xc8: {  	[sflag:s8] =	ssyncadd.s32 $0xFFFFCE00  }
0xc9: {  	_ =	swait.ge [sflag:s8], $0x3200  }
0xca: {  	[sflag:s8] =	ssyncset.done $0x0  }
0xcb: {  	[sflag:s8] =	ssyncadd.s32 $0xFFFFCE00  }
0xcc: {  	_ =	swait.ge [sflag:s8], $0xC80  }
0xcd: {  	[sflag:s8] =	ssyncset.done $0x0  }
0xce: {  	[sflag:s8] =	ssyncadd.s32 $0xFFFFF380  }
0xcf: {  	_ =	swait.ge [sflag:s8], $0xC80  }
0xd0: {  	[sflag:s8] =	ssyncset.done $0x0  }
0xd1: {  	s4 =	sadd.s32 $0xC80, s13;
	s25 =	simm.s32 $0x6720;
	[sflag:s8] =	ssyncadd.s32 $0xFFFFF380  }
0xd2: {  	[hbm4b:s4+s31] =	stream.strided.scatter [tilespmem:s25], [sflag:$0x4], $0x3200, s0, s31, $0x38;
	[tilespmem:$0xFD20] =	vst v63  }
0xd3: {  	s13 =	sadd.s32 $0xC88, s13  }
0xd4: {  	[hbm4b:s13+s31] =	stream.strided.scatter [tilespmem:s26], [sflag:$0x4], $0x3200, s0, s31, $0x38;
	[tilespmem:$0xFD20] =	vst v63  }
0xd5: {  	s13 =	sadd.s32 $0xC80, s16  }
0xd6: {  	[hbm4b:s13+s1] =	stream.strided.scatter [tilespmem:s28], [sflag:$0x4], $0xC80, s0, s1, $0x38;
	[tilespmem:$0xFD20] =	vst v63  }
0xd7: {  	s16 =	sadd.s32 $0xC82, s16  }
0xd8: {  	[hbm4b:s16+s1] =	stream.strided.scatter [tilespmem:s29], [sflag:$0x4], $0xC80, s0, s1, $0x38;
	[tilespmem:$0xFD20] =	vst v63  }
0xd9: {  	_ =	swait.ge [sflag:s9], $0x3200  }
0xda: {  	[sflag:s9] =	ssyncset.done $0x0  }
0xdb: {  	[sflag:s9] =	ssyncadd.s32 $0xFFFFCE00  }
0xdc: {  	_ =	swait.ge [sflag:s9], $0x3200  }
0xdd: {  	[sflag:s9] =	ssyncset.done $0x0  }
0xde: {  	p0 =	sne.s32 s11, $0x11300;
	[sflag:s9] =	ssyncadd.s32 $0xFFFFCE00  }
.Ltmp0:
0xdf: {  	_ =	swait.ge [sflag:s9], $0xC80;
	(pc) =	sbr.rel @p0 .LBB2_2-.Ltmp0, $4  }
0xe0: {  	s11 =	sadd.s32 $0x1900, s11;
	[sflag:s9] =	ssyncset.done $0x0  }
0xe1: {  	s12 =	sadd.s32 $0x32, s12;
	s10 =	smov.u32 s19;
	[sflag:s9] =	ssyncadd.s32 $0xFFFFF380  }
0xe2: {  	s19 =	simm.s32 $0x320;
	s20 =	simm.s32 $0x3520;
	_ =	swait.ge [sflag:s9], $0xC80  }
0xe3: {  	s21 =	simm.s32 $0xCB20;
	s22 =	simm.s32 $0xD7A0;
	[sflag:s9] =	ssyncset.done $0x0  }
0xe4: {  	[sflag:s9] =	ssyncadd.s32 $0xFFFFF380  }
0xe5: {  	_ =	swait.ge [sflag:s30], $0x3200  }
0xe6: {  	[sflag:s30] =	ssyncset.done $0x0  }
0xe7: {  	[sflag:s30] =	ssyncadd.s32 $0xFFFFCE00  }
0xe8: {  	_ =	swait.ge [sflag:s30], $0x3200  }
0xe9: {  	[sflag:s30] =	ssyncset.done $0x0  }
0xea: {  	[sflag:s30] =	ssyncadd.s32 $0xFFFFCE00  }
0xeb: {  	_ =	swait.ge [sflag:s30], $0xC80  }
0xec: {  	[sflag:s30] =	ssyncset.done $0x0  }
0xed: {  	[sflag:s30] =	ssyncadd.s32 $0xFFFFF380  }
0xee: {  	_ =	swait.ge [sflag:s30], $0xC80  }
0xef: {  	[sflag:s30] =	ssyncset.done $0x0  }
0xf0: {  	s4 =	rddreg [dreg:$0x6];
	[sflag:s30] =	ssyncadd.s32 $0xFFFFF380  }
0xf1: {  	[hbm4b:s4+s31] =	stream.strided.scatter [tilespmem:s19], [sflag:$0x3], $0x3200, s0, s31, $0x38;
	[tilespmem:$0xFD20] =	vst v63  }
0xf2: {  	s19 =	rddreg [dreg:$0x7]  }
0xf3: {  	[hbm4b:s19+s31] =	stream.strided.scatter [tilespmem:s20], [sflag:$0x3], $0x3200, s0, s31, $0x38;
	[tilespmem:$0xFD20] =	vst v63  }
0xf4: {  	s20 =	rddreg [dreg:$0x8]  }
0xf5: {  	[hbm4b:s20+s1] =	stream.strided.scatter [tilespmem:s21], [sflag:$0x3], $0xC80, s0, s1, $0x38;
	[tilespmem:$0xFD20] =	vst v63  }
0xf6: {  	s21 =	rddreg [dreg:$0x9]  }
0xf7: {  	[hbm4b:s21+s1] =	stream.strided.scatter [tilespmem:s22], [sflag:$0x3], $0xC80, s0, s1, $0x38;
	[tilespmem:$0xFD20] =	vst v63  }
0xf8: {  	_ =	swait.ge [sflag:s7], $0x3200  }
0xf9: {  	[sflag:s7] =	ssyncset.done $0x0  }
0xfa: {  	[sflag:s7] =	ssyncadd.s32 $0xFFFFCE00  }
0xfb: {  	_ =	swait.ge [sflag:s7], $0x3200  }
0xfc: {  	[sflag:s7] =	ssyncset.done $0x0  }
0xfd: {  	[sflag:s7] =	ssyncadd.s32 $0xFFFFCE00  }
0xfe: {  	_ =	swait.ge [sflag:s7], $0xC80  }
0xff: {  	[sflag:s7] =	ssyncset.done $0x0  }
0x100: {  	[sflag:s7] =	ssyncadd.s32 $0xFFFFF380  }
0x101: {  	_ =	swait.ge [sflag:s7], $0xC80  }
0x102: {  	s11 =	rddreg [dreg:$0xe]  }
0x103: {  	s22 =	rddreg [dreg:$0xa];
	s11 =	sadd.s32 $0x1, s11  }
0x104: {  	p0 =	sne.s32 s11, s22  }
.Ltmp1:
0x105: {  	_ = 	snop;
	(pc) =	sbr.rel @p0 .LBB2_1-.Ltmp1, $3  }
0x106: {  	_ =	sdelay $0x1  }
0x107: {  	[sflag:s7] =	ssyncset.done $0x0  }
0x108: {  	[sflag:s7] =	ssyncadd.s32 $0xFFFFF380  }
0x109: {  	_ =	sfence.sel $0x180000  }
0x10a: {  	[bflag:$0x0] =	sbarrier.arrive $0xFFFF  }
0x10b: {  	_ =	strace $0x9000004A  }
0x10c: {  	s0 =	stileid.u32;
	[bflag:$0x2] =	sbarrier.arrive $0xFFFF  }
0x10d: {  	p0 =	sne.s32 s0, $0x0;
	s0 =	rddreg [dreg:$0x1]  }
0x10e: {  	s0 =	sadd.s32 @!p0 $0x100000, s0  }
0x10f: {  	[sflag:s0] =	ssyncadd.tile.s32 @!p0 $0x1;
	_ =	shalt  }
.Lfunc_end2:
_tile_overlayer_lowered:
.L_overlay_start_2:
0x110: {  	(tag) =	ssettag $0x2  }
0x111: {  	s0 =	rddreg [dreg:$0x0];
	s2 =	stileid.u32  }
0x112: {  	s1 =	rddreg [dreg:$0x1];
	p0 =	sne.s32 s2, $0x0  }
0x113: {  	s3 =	rddreg [dreg:$0x2];
	[bflag:$0x3] =	sbarrier.arrive $0xFFFF;
	s2 =	simm.s32 @!p0 $0x1C05  }
0x114: {  	[timem:s3], [sflag:s2] =	dma.local @!p0 [hbm:s0], s1  }
0x115: {  	s0 =	simm.s32 @!p0 $0x5  }
0x116: {  	_ =	swait.ge @!p0 [sflag:s0], s1  }
0x117: {  	s1 =	ssub.s32 @!p0 $0x0, s1;
	[sflag:s0] =	ssyncset.done @!p0 $0x0  }
0x118: {  	[sflag:s0] =	ssyncadd.s32 @!p0 s1  }
0x119: {  	[bflag:$0x3] =	sbarrier.arrive $0xFFFF  }
0x11a: {  	_ =	shalt  }

</sc_bundles>
